<compile_context>
chip_gen: v7x
topology: tpu7x:2x2x1
jax: 0.10.2.dev20260603
libtpu: 0.0.44.dev20260713+nightly
codegen_flags: <defaults>
</compile_context>

<pallas_src>
import functools

import jax
import jax.numpy as jnp
from jax import lax
from jax.experimental import pallas as pl
from jax.experimental.pallas import tpu as pltpu
from jax.experimental.pallas import tpu_sc as plsc

N_NODES = 10000
N_EDGES = 320000
D = 128

NC = 2
NS = 16
NW = NC * NS

N_PAD = 10240
ROWS_PER_TILE = N_PAD // NS

E_PER_TILE = N_EDGES // NW
CHUNK = 80
N_CHUNKS = E_PER_TILE // CHUNK

DEG_BLOCK = 8
ROWS_TOTAL = N_EDGES // CHUNK
ROWS_TOTAL_PAD = 4096
DEG_ROWS_PER_TILE = ROWS_TOTAL_PAD // NW
DEG_NBLOCKS = DEG_ROWS_PER_TILE // DEG_BLOCK

_MESH = plsc.VectorSubcoreMesh(core_axis_name="c", subcore_axis_name="s")


def _degree_body(src_hbm, dst_hbm, out_hbm, sbidx, dbidx, ones_v, stage_v,
                 acc_src, acc_dst, semi, sems):
    c = lax.axis_index("c")
    s = lax.axis_index("s")
    wid = c * NS + s

    z = jnp.zeros((16,), jnp.float32)
    for j in range(CHUNK // 16):
        ones_v[pl.ds(j * 16, 16)] = jnp.ones((16,), jnp.float32)
    for j in range(ROWS_PER_TILE // 16):
        stage_v[pl.ds(j * 16, 16)] = z

    r0 = s * ROWS_PER_TILE
    pltpu.sync_copy(stage_v, acc_src.at[pl.ds(r0, ROWS_PER_TILE)])
    pltpu.sync_copy(stage_v, acc_dst.at[pl.ds(r0, ROWS_PER_TILE)])
    plsc.subcore_barrier()

    row_base = wid * DEG_ROWS_PER_TILE

    def body(b, carry):
        rb = row_base + b * DEG_BLOCK
        li = pltpu.async_copy(src_hbm.at[pl.ds(rb, DEG_BLOCK)], sbidx, semi)
        lj = pltpu.async_copy(dst_hbm.at[pl.ds(rb, DEG_BLOCK)], dbidx, semi)
        li.wait()
        lj.wait()
        for j in range(DEG_BLOCK):
            pltpu.async_copy(ones_v, acc_src.at[sbidx.at[j]], sems, add=True)
            pltpu.async_copy(ones_v, acc_dst.at[dbidx.at[j]], sems, add=True)
        for j in range(DEG_BLOCK):
            pltpu.make_async_copy(ones_v, acc_src.at[sbidx.at[j]], sems).wait()
            pltpu.make_async_copy(ones_v, acc_dst.at[dbidx.at[j]], sems).wait()
        return carry

    lax.fori_loop(0, DEG_NBLOCKS, body, 0)
    plsc.subcore_barrier()

    pltpu.sync_copy(acc_src.at[pl.ds(r0, ROWS_PER_TILE)],
                    out_hbm.at[c, 0, pl.ds(r0, ROWS_PER_TILE)])
    pltpu.sync_copy(acc_dst.at[pl.ds(r0, ROWS_PER_TILE)],
                    out_hbm.at[c, 1, pl.ds(r0, ROWS_PER_TILE)])


_degree_call = functools.partial(
    pl.kernel,
    mesh=_MESH,
    out_type=jax.ShapeDtypeStruct((NC, 2, N_PAD), jnp.float32),
    scratch_types=[
        pltpu.VMEM((DEG_BLOCK, CHUNK), jnp.int32),
        pltpu.VMEM((DEG_BLOCK, CHUNK), jnp.int32),
        pltpu.VMEM((CHUNK,), jnp.float32),
        pltpu.VMEM((ROWS_PER_TILE,), jnp.float32),
        pltpu.VMEM_SHARED((N_PAD,), jnp.float32),
        pltpu.VMEM_SHARED((N_PAD,), jnp.float32),
        pltpu.SemaphoreType.DMA,
        pltpu.SemaphoreType.DMA,
    ],
)(_degree_body)


E_PAD_TILE = 10080
AC = 80
N_CHUNKS_P = E_PAD_TILE // AC
NBUF = 3
NIDX = 6
N_GROUPS = N_CHUNKS_P // NIDX


def _agg_body(y_hbm, src_hbm, dst_hbm, out_hbm, *scr):
    c = lax.axis_index("c")
    s = lax.axis_index("s")
    wid = c * NS + s
    sbufs = list(scr[:NIDX])
    dtab = scr[NIDX]
    rbufs = list(scr[NIDX + 1:NIDX + 1 + NBUF])
    acc = scr[NIDX + 1 + NBUF]
    sems = list(scr[NIDX + 1 + NBUF + 1:])
    isems = sems[:NIDX]
    dsem = sems[NIDX]
    gsems = sems[NIDX + 1:NIDX + 1 + NBUF]
    ssems = sems[NIDX + 1 + NBUF:]
    rb0 = rbufs[0]
    base = wid * E_PAD_TILE

    dl = pltpu.async_copy(dst_hbm.at[pl.ds(base, E_PAD_TILE)], dtab, dsem)

    z = jnp.zeros((16,), jnp.float32)

    def zbody(i, carry):
        for j in range(D // 16):
            rb0[i, pl.ds(j * 16, 16)] = z
        return carry

    lax.fori_loop(0, AC, zbody, 0)
    r0 = s * ROWS_PER_TILE
    for j in range(ROWS_PER_TILE // AC):
        pltpu.sync_copy(rb0, acc.at[pl.ds(r0 + j * AC, AC)])
    plsc.subcore_barrier()

    def sidx_load(i, b):
        pltpu.async_copy(src_hbm.at[pl.ds(base + i * AC, AC)],
                         sbufs[b], isems[b])

    def wait_sidx(b):
        pltpu.make_async_copy(src_hbm.at[pl.ds(base, AC)],
                              sbufs[b], isems[b]).wait()

    def gather(b, rb):
        pltpu.async_copy(y_hbm.at[sbufs[b]], rbufs[rb], gsems[rb])

    def wait_gather(b, rb):
        pltpu.make_async_copy(y_hbm.at[sbufs[b]], rbufs[rb],
                              gsems[rb]).wait()

    def scatter(i, rb):
        pltpu.async_copy(rbufs[rb], acc.at[dtab.at[pl.ds(i * AC, AC)]],
                         ssems[rb], add=True)

    def wait_scatter(i, rb):
        pltpu.make_async_copy(rbufs[rb], acc.at[dtab.at[pl.ds(i * AC, AC)]],
                              ssems[rb]).wait()

    for j in range(NIDX):
        sidx_load(j, j)
    dl.wait()
    wait_sidx(0)
    gather(0, 0)
    wait_sidx(1)
    gather(1, 1)

    def group(k, carry):
        for j in range(NIDX):
            i = k * NIDX + j
            rb = j % NBUF
            wait_gather(j, rb)

            @pl.when(i + NIDX < N_CHUNKS_P)
            def _():
                sidx_load(i + NIDX, j)

            scatter(i, rb)

            @pl.when(i >= 1)
            def _():
                wait_scatter(i - 1, (j - 1) % NBUF)

            @pl.when(i + 2 < N_CHUNKS_P)
            def _():
                wait_sidx((j + 2) % NIDX)
                gather((j + 2) % NIDX, (j + 2) % NBUF)
        return carry

    lax.fori_loop(0, N_GROUPS, group, 0)
    wait_scatter(N_CHUNKS_P - 1, (N_CHUNKS_P - 1) % NBUF)
    plsc.subcore_barrier()

    pltpu.sync_copy(acc.at[pl.ds(r0, ROWS_PER_TILE)],
                    out_hbm.at[c, pl.ds(r0, ROWS_PER_TILE)])


_agg_call = functools.partial(
    pl.kernel,
    mesh=_MESH,
    out_type=jax.ShapeDtypeStruct((NC, N_PAD, D), jnp.float32),
    scratch_types=(
        [pltpu.VMEM((AC,), jnp.int32) for _ in range(NIDX)]
        + [pltpu.VMEM((E_PAD_TILE,), jnp.int32)]
        + [pltpu.VMEM((AC, D), jnp.float32) for _ in range(NBUF)]
        + [pltpu.VMEM_SHARED((N_PAD, D), jnp.float32)]
        + [pltpu.SemaphoreType.DMA for _ in range(NIDX + 1 + 2 * NBUF)]
    ),
)(_agg_body)


def _mm_body(x_ref, w_ref, y_ref):
    y_ref[...] = jnp.dot(x_ref[...], w_ref[...],
                         preferred_element_type=jnp.float32)


def _mm_call(x, w):
    return pl.pallas_call(
        _mm_body,
        out_shape=jax.ShapeDtypeStruct((N_PAD, D), jnp.float32),
    )(x, w)


def _t1_body(y_ref, dc_ref, y_out, so_ref, si_ref):
    cs = dc_ref[0, 0] + dc_ref[1, 0]
    cd = dc_ref[0, 1] + dc_ref[1, 1]
    so = lax.rsqrt(jnp.maximum(cs, 1.0))
    si = lax.rsqrt(jnp.maximum(cd, 1.0))
    y_out[...] = y_ref[...] * so
    so_ref[...] = so
    si_ref[...] = si


def _t1_call(y, dcnt):
    return pl.pallas_call(
        _t1_body,
        out_shape=(
            jax.ShapeDtypeStruct((N_PAD, D), jnp.float32),
            jax.ShapeDtypeStruct((N_PAD, 1), jnp.float32),
            jax.ShapeDtypeStruct((N_PAD, 1), jnp.float32),
        ),
    )(y, dcnt)


def _tmid_body(p_ref, si_ref, so_ref, b_ref, w_ref, y_ref):
    h = (p_ref[0] + p_ref[1]) * si_ref[...] + b_ref[...]
    h = jnp.maximum(h, 0.0)
    y = jnp.dot(h, w_ref[...], preferred_element_type=jnp.float32)
    y_ref[...] = y * so_ref[...]


def _tmid_call(p, si, so, b, w):
    return pl.pallas_call(
        _tmid_body,
        out_shape=jax.ShapeDtypeStruct((N_PAD, D), jnp.float32),
    )(p, si, so, b, w)


def _t4_body(p_ref, si_ref, b_ref, o_ref):
    o_ref[...] = (p_ref[0] + p_ref[1]) * si_ref[...] + b_ref[...]


def _t4_call(p, si, b):
    return pl.pallas_call(
        _t4_body,
        out_shape=jax.ShapeDtypeStruct((N_PAD, D), jnp.float32),
    )(p, si, b)


def kernel(features, edge_index, W1, b1, W2, b2, W3, b3):
    src = edge_index[0].astype(jnp.int32)
    dst = edge_index[1].astype(jnp.int32)
    n_pad_e = E_PAD_TILE - E_PER_TILE
    epad = (N_NODES + jnp.arange(NW * n_pad_e, dtype=jnp.int32)
            % (N_PAD - N_NODES)).reshape(NW, n_pad_e)
    src_w = jnp.concatenate([src.reshape(NW, E_PER_TILE), epad], axis=1)
    dst_w = jnp.concatenate([dst.reshape(NW, E_PER_TILE), epad], axis=1)
    src_flat = src_w.reshape(-1)
    dst_flat = dst_w.reshape(-1)
    n_pad_rows = ROWS_TOTAL_PAD - ROWS_TOTAL
    pad_idx = (N_NODES + jnp.arange(n_pad_rows * CHUNK, dtype=jnp.int32)
               % (N_PAD - N_NODES)).reshape(n_pad_rows, CHUNK)
    src2d = jnp.concatenate([src.reshape(ROWS_TOTAL, CHUNK), pad_idx], 0)
    dst2d = jnp.concatenate([dst.reshape(ROWS_TOTAL, CHUNK), pad_idx], 0)
    x = jnp.pad(features, ((0, N_PAD - N_NODES), (0, 0)))

    dcnt = _degree_call(src2d, dst2d)
    dcnt = dcnt.reshape(NC, 2, N_PAD, 1)

    y1u = _mm_call(x, W1)
    y1, so, si = _t1_call(y1u, dcnt)
    p1 = _agg_call(y1, src_flat, dst_flat)
    y2 = _tmid_call(p1, si, so, b1.reshape(1, D), W2)
    p2 = _agg_call(y2, src_flat, dst_flat)
    y3 = _tmid_call(p2, si, so, b2.reshape(1, D), W3)
    p3 = _agg_call(y3, src_flat, dst_flat)
    out = _t4_call(p3, si, b3.reshape(1, D))
    return out[:N_NODES]

# --- scband reference (transcript-rebuilt; emitter-appended) ---
"""Pipeline reference for scband-gcn-27393301414235 (READ-ONLY COPY).

The authoritative reference and input builder live on the scoring server;
editing this copy changes nothing except your own understanding.
"""

import jax, jax.numpy as jnp
import numpy as np

N_NODES = 10000
N_EDGES = 320000
D_IN = 128
D_HID = 128
D_OUT = 128


def setup_inputs(seed: int = 0) -> dict:
    key = jax.random.key(seed)
    ks = jax.random.split(key, 9)
    features = jax.random.normal(ks[0], (N_NODES, D_IN), dtype=jnp.float32)
    edge_index = jax.random.randint(ks[1], (2, N_EDGES), 0, N_NODES, dtype=jnp.int64)
    # GraphConv weights (xavier-ish scale) and zero biases, DGL default has bias=True
    W1 = jax.random.normal(ks[2], (D_IN, D_HID), dtype=jnp.float32) * (1.0 / np.sqrt(D_IN))
    b1 = jnp.zeros((D_HID,), dtype=jnp.float32)
    W2 = jax.random.normal(ks[3], (D_HID, D_HID), dtype=jnp.float32) * (1.0 / np.sqrt(D_HID))
    b2 = jnp.zeros((D_HID,), dtype=jnp.float32)
    W3 = jax.random.normal(ks[4], (D_HID, D_OUT), dtype=jnp.float32) * (1.0 / np.sqrt(D_HID))
    b3 = jnp.zeros((D_OUT,), dtype=jnp.float32)
    return {"features": features, "edge_index": edge_index,
            "W1": W1, "b1": b1, "W2": W2, "b2": b2, "W3": W3, "b3": b3}


def _graph_conv(x, src, dst, deg_out_inv_sqrt, deg_in_inv_sqrt, W, b):
    # DGL GraphConv with norm='both':
    # h = D_in^{-1/2} * A * (D_out^{-1/2} * x) * W + b
    h = x * deg_out_inv_sqrt[:, None]
    h = h @ W
    msgs = jnp.take(h, src, axis=0)
    agg = jax.ops.segment_sum(msgs, dst, num_segments=N_NODES)
    h = agg * deg_in_inv_sqrt[:, None]
    return h + b


def reference(features, edge_index, W1, b1, W2, b2, W3, b3):
    src = edge_index[0]
    dst = edge_index[1]
    deg_out = jnp.bincount(src, length=N_NODES).astype(jnp.float32)
    deg_in = jnp.bincount(dst, length=N_NODES).astype(jnp.float32)
    deg_out = jnp.clip(deg_out, 1.0, None)
    deg_in = jnp.clip(deg_in, 1.0, None)
    deg_out_inv_sqrt = jax.lax.rsqrt(deg_out)
    deg_in_inv_sqrt = jax.lax.rsqrt(deg_in)

    h = features
    # layer 1 + relu (norm=False, dropout=0.0 -> identity)
    h = _graph_conv(h, src, dst, deg_out_inv_sqrt, deg_in_inv_sqrt, W1, b1)
    h = jax.nn.relu(h)
    # layer 2 + relu
    h = _graph_conv(h, src, dst, deg_out_inv_sqrt, deg_in_inv_sqrt, W2, b2)
    h = jax.nn.relu(h)
    # layer 3 (output, no activation)
    h = _graph_conv(h, src, dst, deg_out_inv_sqrt, deg_in_inv_sqrt, W3, b3)
    return h

if __name__ == "__main__":
    import jax
    _d = setup_inputs()
    print(jax.jit(kernel)(*tuple(_d.values())))

</pallas_src>

<mosaic_0001>
#map = affine_map<(d0, d1) -> (0, 0)>
#map1 = affine_map<(d0, d1) -> (0)>
#map2 = affine_map<(d0, d1) -> (0, 0, 0)>
module attributes {stable_mosaic.version = 14 : i64} {
  func.func @_agg_body(%arg0: i32, %arg1: i32, %arg2: memref<10240x128xf32, #tpu.memory_space<hbm>>, %arg3: memref<322560xi32, #tpu.memory_space<hbm>>, %arg4: memref<322560xi32, #tpu.memory_space<hbm>>, %arg5: memref<2x10240x128xf32, #tpu.memory_space<hbm>>, %arg6: memref<80xi32, #tpu.memory_space<vmem>>, %arg7: memref<80xi32, #tpu.memory_space<vmem>>, %arg8: memref<80xi32, #tpu.memory_space<vmem>>, %arg9: memref<80xi32, #tpu.memory_space<vmem>>, %arg10: memref<80xi32, #tpu.memory_space<vmem>>, %arg11: memref<80xi32, #tpu.memory_space<vmem>>, %arg12: memref<10080xi32, #tpu.memory_space<vmem>>, %arg13: memref<80x128xf32, #tpu.memory_space<vmem>>, %arg14: memref<80x128xf32, #tpu.memory_space<vmem>>, %arg15: memref<80x128xf32, #tpu.memory_space<vmem>>, %arg16: memref<10240x128xf32, #tpu.memory_space<vmem_shared>>, %arg17: memref<!tpu.dma_semaphore, #tpu.memory_space<semaphore_mem>>, %arg18: memref<!tpu.dma_semaphore, #tpu.memory_space<semaphore_mem>>, %arg19: memref<!tpu.dma_semaphore, #tpu.memory_space<semaphore_mem>>, %arg20: memref<!tpu.dma_semaphore, #tpu.memory_space<semaphore_mem>>, %arg21: memref<!tpu.dma_semaphore, #tpu.memory_space<semaphore_mem>>, %arg22: memref<!tpu.dma_semaphore, #tpu.memory_space<semaphore_mem>>, %arg23: memref<!tpu.dma_semaphore, #tpu.memory_space<semaphore_mem>>, %arg24: memref<!tpu.dma_semaphore, #tpu.memory_space<semaphore_mem>>, %arg25: memref<!tpu.dma_semaphore, #tpu.memory_space<semaphore_mem>>, %arg26: memref<!tpu.dma_semaphore, #tpu.memory_space<semaphore_mem>>, %arg27: memref<!tpu.dma_semaphore, #tpu.memory_space<semaphore_mem>>, %arg28: memref<!tpu.dma_semaphore, #tpu.memory_space<semaphore_mem>>, %arg29: memref<!tpu.dma_semaphore, #tpu.memory_space<semaphore_mem>>) attributes {dimension_semantics = [#tpu.dimension_semantics<core_parallel>, #tpu.dimension_semantics<subcore_parallel>], iteration_bounds = array<i64: 2, 16>, scalar_prefetch = 0 : i64, scratch_operands = 24 : i64, tpu.core_type = #tpu.core_type<sc_vector_subcore>, window_params = [{transform_indices = #map}, {transform_indices = #map1}, {transform_indices = #map1}, {transform_indices = #map2}]} {
    %mul3A = arith.constant 16 : i32
    %mul3A_0 = arith.muli %arg0, %mul3A : i32
    %add3A = arith.addi %mul3A_0, %arg1 : i32
    %mul3A_1 = arith.constant 10080 : i32
    %mul3A_2 = arith.muli %add3A, %mul3A_1 : i32
    %dma_start3A = tpu.memref_slice %arg4[%mul3A_2] : memref<322560xi32, #tpu.memory_space<hbm>> -> memref<10080xi32, #tpu.memory_space<hbm>>
    %dma_start3A_3 = tpu.memref_slice %arg4[%mul3A_2] : memref<322560xi32, #tpu.memory_space<hbm>> -> memref<10080xi32, #tpu.memory_space<hbm>>
    tpu.enqueue_dma source(%dma_start3A_3 : memref<10080xi32, #tpu.memory_space<hbm>>) target(%arg12 : memref<10080xi32, #tpu.memory_space<vmem>>) target_semaphore(%arg23 : memref<!tpu.dma_semaphore, #tpu.memory_space<semaphore_mem>>)
    %broadcast_in_dim3A = arith.constant 0.000000e+00 : f32
    %broadcast_in_dim3A_4 = vector.broadcast %broadcast_in_dim3A : f32 to vector<16xf32>
    %scan3A = arith.constant 0 : i32
    %scan3A_5 = arith.constant 0 : i32
    %scan3A_6 = arith.constant 80 : i32
    %scan3A_7 = arith.addi %scan3A_5, %scan3A_6 : i32
    %scan3A_8 = arith.constant 1 : i32
    scf.for %scan3A_75 = %scan3A_5 to %scan3A_7 step %scan3A_8  : i32 {
      %swap3A = arith.index_cast %scan3A_75 : i32 to index
      %swap3A_76 = arith.constant 0 : index
      %swap3A_77 = tpu.vector_load %arg13[%swap3A, %swap3A_76] {strides = array<i32>} : memref<80x128xf32, #tpu.memory_space<vmem>>, vector<1x16xf32>,
      %swap3A_78 = vector.shape_cast %swap3A_77 : vector<1x16xf32> to vector<16xf32>
      %swap3A_79 = vector.shape_cast %broadcast_in_dim3A_4 : vector<16xf32> to vector<1x16xf32>
      tpu.vector_store %arg13[%swap3A, %swap3A_76], %swap3A_79 {strides = array<i32>} : memref<80x128xf32, #tpu.memory_space<vmem>>, vector<1x16xf32>,
      %swap3A_80 = arith.index_cast %scan3A_75 : i32 to index
      %swap3A_81 = arith.constant 16 : index
      %swap3A_82 = tpu.vector_load %arg13[%swap3A_80, %swap3A_81] {strides = array<i32>} : memref<80x128xf32, #tpu.memory_space<vmem>>, vector<1x16xf32>,
      %swap3A_83 = vector.shape_cast %swap3A_82 : vector<1x16xf32> to vector<16xf32>
      %swap3A_84 = vector.shape_cast %broadcast_in_dim3A_4 : vector<16xf32> to vector<1x16xf32>
      tpu.vector_store %arg13[%swap3A_80, %swap3A_81], %swap3A_84 {strides = array<i32>} : memref<80x128xf32, #tpu.memory_space<vmem>>, vector<1x16xf32>,
      %swap3A_85 = arith.index_cast %scan3A_75 : i32 to index
      %swap3A_86 = arith.constant 32 : index
      %swap3A_87 = tpu.vector_load %arg13[%swap3A_85, %swap3A_86] {strides = array<i32>} : memref<80x128xf32, #tpu.memory_space<vmem>>, vector<1x16xf32>,
      %swap3A_88 = vector.shape_cast %swap3A_87 : vector<1x16xf32> to vector<16xf32>
      %swap3A_89 = vector.shape_cast %broadcast_in_dim3A_4 : vector<16xf32> to vector<1x16xf32>
      tpu.vector_store %arg13[%swap3A_85, %swap3A_86], %swap3A_89 {strides = array<i32>} : memref<80x128xf32, #tpu.memory_space<vmem>>, vector<1x16xf32>,
      %swap3A_90 = arith.index_cast %scan3A_75 : i32 to index
      %swap3A_91 = arith.constant 48 : index
      %swap3A_92 = tpu.vector_load %arg13[%swap3A_90, %swap3A_91] {strides = array<i32>} : memref<80x128xf32, #tpu.memory_space<vmem>>, vector<1x16xf32>,
      %swap3A_93 = vector.shape_cast %swap3A_92 : vector<1x16xf32> to vector<16xf32>
      %swap3A_94 = vector.shape_cast %broadcast_in_dim3A_4 : vector<16xf32> to vector<1x16xf32>
      tpu.vector_store %arg13[%swap3A_90, %swap3A_91], %swap3A_94 {strides = array<i32>} : memref<80x128xf32, #tpu.memory_space<vmem>>, vector<1x16xf32>,
      %swap3A_95 = arith.index_cast %scan3A_75 : i32 to index
      %swap3A_96 = arith.constant 64 : index
      %swap3A_97 = tpu.vector_load %arg13[%swap3A_95, %swap3A_96] {strides = array<i32>} : memref<80x128xf32, #tpu.memory_space<vmem>>, vector<1x16xf32>,
      %swap3A_98 = vector.shape_cast %swap3A_97 : vector<1x16xf32> to vector<16xf32>
      %swap3A_99 = vector.shape_cast %broadcast_in_dim3A_4 : vector<16xf32> to vector<1x16xf32>
      tpu.vector_store %arg13[%swap3A_95, %swap3A_96], %swap3A_99 {strides = array<i32>} : memref<80x128xf32, #tpu.memory_space<vmem>>, vector<1x16xf32>,
      %swap3A_100 = arith.index_cast %scan3A_75 : i32 to index
      %swap3A_101 = arith.constant 80 : index
      %swap3A_102 = tpu.vector_load %arg13[%swap3A_100, %swap3A_101] {strides = array<i32>} : memref<80x128xf32, #tpu.memory_space<vmem>>, vector<1x16xf32>,
      %swap3A_103 = vector.shape_cast %swap3A_102 : vector<1x16xf32> to vector<16xf32>
      %swap3A_104 = vector.shape_cast %broadcast_in_dim3A_4 : vector<16xf32> to vector<1x16xf32>
      tpu.vector_store %arg13[%swap3A_100, %swap3A_101], %swap3A_104 {strides = array<i32>} : memref<80x128xf32, #tpu.memory_space<vmem>>, vector<1x16xf32>,
      %swap3A_105 = arith.index_cast %scan3A_75 : i32 to index
      %swap3A_106 = arith.constant 96 : index
      %swap3A_107 = tpu.vector_load %arg13[%swap3A_105, %swap3A_106] {strides = array<i32>} : memref<80x128xf32, #tpu.memory_space<vmem>>, vector<1x16xf32>,
      %swap3A_108 = vector.shape_cast %swap3A_107 : vector<1x16xf32> to vector<16xf32>
      %swap3A_109 = vector.shape_cast %broadcast_in_dim3A_4 : vector<16xf32> to vector<1x16xf32>
      tpu.vector_store %arg13[%swap3A_105, %swap3A_106], %swap3A_109 {strides = array<i32>} : memref<80x128xf32, #tpu.memory_space<vmem>>, vector<1x16xf32>,
      %swap3A_110 = arith.index_cast %scan3A_75 : i32 to index
      %swap3A_111 = arith.constant 112 : index
      %swap3A_112 = tpu.vector_load %arg13[%swap3A_110, %swap3A_111] {strides = array<i32>} : memref<80x128xf32, #tpu.memory_space<vmem>>, vector<1x16xf32>,
      %swap3A_113 = vector.shape_cast %swap3A_112 : vector<1x16xf32> to vector<16xf32>
      %swap3A_114 = vector.shape_cast %broadcast_in_dim3A_4 : vector<16xf32> to vector<1x16xf32>
      tpu.vector_store %arg13[%swap3A_110, %swap3A_111], %swap3A_114 {strides = array<i32>} : memref<80x128xf32, #tpu.memory_space<vmem>>, vector<1x16xf32>,
    }
    %scan3A_9 = arith.constant 80 : i32
    %mul3A_10 = arith.constant 640 : i32
    %mul3A_11 = arith.muli %arg1, %mul3A_10 : i32
    %add3A_12 = arith.constant 0 : i32
    %add3A_13 = arith.addi %mul3A_11, %add3A_12 : i32
    "tpu.region"() ({
      %run_scoped3A = tpu.sem_alloc : memref<!tpu.dma_semaphore, #tpu.memory_space<semaphore_mem>>
      %dma_start3A_75 = arith.constant 0 : i32
      %dma_start3A_76 = tpu.memref_slice %arg16[%add3A_13, %dma_start3A_75] : memref<10240x128xf32, #tpu.memory_space<vmem_shared>> -> memref<80x128xf32, #tpu.memory_space<vmem_shared>>
      %dma_start3A_77 = arith.constant 0 : i32
      %dma_start3A_78 = tpu.memref_slice %arg16[%add3A_13, %dma_start3A_77] : memref<10240x128xf32, #tpu.memory_space<vmem_shared>> -> memref<80x128xf32, #tpu.memory_space<vmem_shared>>
      tpu.enqueue_dma source(%arg13 : memref<80x128xf32, #tpu.memory_space<vmem>>) target(%dma_start3A_78 : memref<80x128xf32, #tpu.memory_space<vmem_shared>>) target_semaphore(%run_scoped3A : memref<!tpu.dma_semaphore, #tpu.memory_space<semaphore_mem>>)
      %dma_wait3A_79 = arith.constant 0 : i32
      %dma_wait3A_80 = tpu.memref_slice %arg16[%add3A_13, %dma_wait3A_79] : memref<10240x128xf32, #tpu.memory_space<vmem_shared>> -> memref<80x128xf32, #tpu.memory_space<vmem_shared>>
      %dma_wait3A_81 = arith.constant 0 : i32
      %dma_wait3A_82 = tpu.memref_slice %arg16[%add3A_13, %dma_wait3A_81] : memref<10240x128xf32, #tpu.memory_space<vmem_shared>> -> memref<80x128xf32, #tpu.memory_space<vmem_shared>>
      tpu.wait_dma2 semaphore(%run_scoped3A : memref<!tpu.dma_semaphore, #tpu.memory_space<semaphore_mem>>) src(%arg13 : memref<80x128xf32, #tpu.memory_space<vmem>>) dst(%dma_wait3A_82 : memref<80x128xf32, #tpu.memory_space<vmem_shared>>)
      tpu.yield
    }) : () -> ()
    %add3A_14 = arith.constant 80 : i32
    %add3A_15 = arith.addi %mul3A_11, %add3A_14 : i32
    "tpu.region"() ({
      %run_scoped3A = tpu.sem_alloc : memref<!tpu.dma_semaphore, #tpu.memory_space<semaphore_mem>>
      %dma_start3A_75 = arith.constant 0 : i32
      %dma_start3A_76 = tpu.memref_slice %arg16[%add3A_15, %dma_start3A_75] : memref<10240x128xf32, #tpu.memory_space<vmem_shared>> -> memref<80x128xf32, #tpu.memory_space<vmem_shared>>
      %dma_start3A_77 = arith.constant 0 : i32
      %dma_start3A_78 = tpu.memref_slice %arg16[%add3A_15, %dma_start3A_77] : memref<10240x128xf32, #tpu.memory_space<vmem_shared>> -> memref<80x128xf32, #tpu.memory_space<vmem_shared>>
      tpu.enqueue_dma source(%arg13 : memref<80x128xf32, #tpu.memory_space<vmem>>) target(%dma_start3A_78 : memref<80x128xf32, #tpu.memory_space<vmem_shared>>) target_semaphore(%run_scoped3A : memref<!tpu.dma_semaphore, #tpu.memory_space<semaphore_mem>>)
      %dma_wait3A_79 = arith.constant 0 : i32
      %dma_wait3A_80 = tpu.memref_slice %arg16[%add3A_15, %dma_wait3A_79] : memref<10240x128xf32, #tpu.memory_space<vmem_shared>> -> memref<80x128xf32, #tpu.memory_space<vmem_shared>>
      %dma_wait3A_81 = arith.constant 0 : i32
      %dma_wait3A_82 = tpu.memref_slice %arg16[%add3A_15, %dma_wait3A_81] : memref<10240x128xf32, #tpu.memory_space<vmem_shared>> -> memref<80x128xf32, #tpu.memory_space<vmem_shared>>
      tpu.wait_dma2 semaphore(%run_scoped3A : memref<!tpu.dma_semaphore, #tpu.memory_space<semaphore_mem>>) src(%arg13 : memref<80x128xf32, #tpu.memory_space<vmem>>) dst(%dma_wait3A_82 : memref<80x128xf32, #tpu.memory_space<vmem_shared>>)
      tpu.yield
    }) : () -> ()
    %add3A_16 = arith.constant 160 : i32
    %add3A_17 = arith.addi %mul3A_11, %add3A_16 : i32
    "tpu.region"() ({
      %run_scoped3A = tpu.sem_alloc : memref<!tpu.dma_semaphore, #tpu.memory_space<semaphore_mem>>
      %dma_start3A_75 = arith.constant 0 : i32
      %dma_start3A_76 = tpu.memref_slice %arg16[%add3A_17, %dma_start3A_75] : memref<10240x128xf32, #tpu.memory_space<vmem_shared>> -> memref<80x128xf32, #tpu.memory_space<vmem_shared>>
      %dma_start3A_77 = arith.constant 0 : i32
      %dma_start3A_78 = tpu.memref_slice %arg16[%add3A_17, %dma_start3A_77] : memref<10240x128xf32, #tpu.memory_space<vmem_shared>> -> memref<80x128xf32, #tpu.memory_space<vmem_shared>>
      tpu.enqueue_dma source(%arg13 : memref<80x128xf32, #tpu.memory_space<vmem>>) target(%dma_start3A_78 : memref<80x128xf32, #tpu.memory_space<vmem_shared>>) target_semaphore(%run_scoped3A : memref<!tpu.dma_semaphore, #tpu.memory_space<semaphore_mem>>)
      %dma_wait3A_79 = arith.constant 0 : i32
      %dma_wait3A_80 = tpu.memref_slice %arg16[%add3A_17, %dma_wait3A_79] : memref<10240x128xf32, #tpu.memory_space<vmem_shared>> -> memref<80x128xf32, #tpu.memory_space<vmem_shared>>
      %dma_wait3A_81 = arith.constant 0 : i32
      %dma_wait3A_82 = tpu.memref_slice %arg16[%add3A_17, %dma_wait3A_81] : memref<10240x128xf32, #tpu.memory_space<vmem_shared>> -> memref<80x128xf32, #tpu.memory_space<vmem_shared>>
      tpu.wait_dma2 semaphore(%run_scoped3A : memref<!tpu.dma_semaphore, #tpu.memory_space<semaphore_mem>>) src(%arg13 : memref<80x128xf32, #tpu.memory_space<vmem>>) dst(%dma_wait3A_82 : memref<80x128xf32, #tpu.memory_space<vmem_shared>>)
      tpu.yield
    }) : () -> ()
    %add3A_18 = arith.constant 240 : i32
    %add3A_19 = arith.addi %mul3A_11, %add3A_18 : i32
    "tpu.region"() ({
      %run_scoped3A = tpu.sem_alloc : memref<!tpu.dma_semaphore, #tpu.memory_space<semaphore_mem>>
      %dma_start3A_75 = arith.constant 0 : i32
      %dma_start3A_76 = tpu.memref_slice %arg16[%add3A_19, %dma_start3A_75] : memref<10240x128xf32, #tpu.memory_space<vmem_shared>> -> memref<80x128xf32, #tpu.memory_space<vmem_shared>>
      %dma_start3A_77 = arith.constant 0 : i32
      %dma_start3A_78 = tpu.memref_slice %arg16[%add3A_19, %dma_start3A_77] : memref<10240x128xf32, #tpu.memory_space<vmem_shared>> -> memref<80x128xf32, #tpu.memory_space<vmem_shared>>
      tpu.enqueue_dma source(%arg13 : memref<80x128xf32, #tpu.memory_space<vmem>>) target(%dma_start3A_78 : memref<80x128xf32, #tpu.memory_space<vmem_shared>>) target_semaphore(%run_scoped3A : memref<!tpu.dma_semaphore, #tpu.memory_space<semaphore_mem>>)
      %dma_wait3A_79 = arith.constant 0 : i32
      %dma_wait3A_80 = tpu.memref_slice %arg16[%add3A_19, %dma_wait3A_79] : memref<10240x128xf32, #tpu.memory_space<vmem_shared>> -> memref<80x128xf32, #tpu.memory_space<vmem_shared>>
      %dma_wait3A_81 = arith.constant 0 : i32
      %dma_wait3A_82 = tpu.memref_slice %arg16[%add3A_19, %dma_wait3A_81] : memref<10240x128xf32, #tpu.memory_space<vmem_shared>> -> memref<80x128xf32, #tpu.memory_space<vmem_shared>>
      tpu.wait_dma2 semaphore(%run_scoped3A : memref<!tpu.dma_semaphore, #tpu.memory_space<semaphore_mem>>) src(%arg13 : memref<80x128xf32, #tpu.memory_space<vmem>>) dst(%dma_wait3A_82 : memref<80x128xf32, #tpu.memory_space<vmem_shared>>)
      tpu.yield
    }) : () -> ()
    %add3A_20 = arith.constant 320 : i32
    %add3A_21 = arith.addi %mul3A_11, %add3A_20 : i32
    "tpu.region"() ({
      %run_scoped3A = tpu.sem_alloc : memref<!tpu.dma_semaphore, #tpu.memory_space<semaphore_mem>>
      %dma_start3A_75 = arith.constant 0 : i32
      %dma_start3A_76 = tpu.memref_slice %arg16[%add3A_21, %dma_start3A_75] : memref<10240x128xf32, #tpu.memory_space<vmem_shared>> -> memref<80x128xf32, #tpu.memory_space<vmem_shared>>
      %dma_start3A_77 = arith.constant 0 : i32
      %dma_start3A_78 = tpu.memref_slice %arg16[%add3A_21, %dma_start3A_77] : memref<10240x128xf32, #tpu.memory_space<vmem_shared>> -> memref<80x128xf32, #tpu.memory_space<vmem_shared>>
      tpu.enqueue_dma source(%arg13 : memref<80x128xf32, #tpu.memory_space<vmem>>) target(%dma_start3A_78 : memref<80x128xf32, #tpu.memory_space<vmem_shared>>) target_semaphore(%run_scoped3A : memref<!tpu.dma_semaphore, #tpu.memory_space<semaphore_mem>>)
      %dma_wait3A_79 = arith.constant 0 : i32
      %dma_wait3A_80 = tpu.memref_slice %arg16[%add3A_21, %dma_wait3A_79] : memref<10240x128xf32, #tpu.memory_space<vmem_shared>> -> memref<80x128xf32, #tpu.memory_space<vmem_shared>>
      %dma_wait3A_81 = arith.constant 0 : i32
      %dma_wait3A_82 = tpu.memref_slice %arg16[%add3A_21, %dma_wait3A_81] : memref<10240x128xf32, #tpu.memory_space<vmem_shared>> -> memref<80x128xf32, #tpu.memory_space<vmem_shared>>
      tpu.wait_dma2 semaphore(%run_scoped3A : memref<!tpu.dma_semaphore, #tpu.memory_space<semaphore_mem>>) src(%arg13 : memref<80x128xf32, #tpu.memory_space<vmem>>) dst(%dma_wait3A_82 : memref<80x128xf32, #tpu.memory_space<vmem_shared>>)
      tpu.yield
    }) : () -> ()
    %add3A_22 = arith.constant 400 : i32
    %add3A_23 = arith.addi %mul3A_11, %add3A_22 : i32
    "tpu.region"() ({
      %run_scoped3A = tpu.sem_alloc : memref<!tpu.dma_semaphore, #tpu.memory_space<semaphore_mem>>
      %dma_start3A_75 = arith.constant 0 : i32
      %dma_start3A_76 = tpu.memref_slice %arg16[%add3A_23, %dma_start3A_75] : memref<10240x128xf32, #tpu.memory_space<vmem_shared>> -> memref<80x128xf32, #tpu.memory_space<vmem_shared>>
      %dma_start3A_77 = arith.constant 0 : i32
      %dma_start3A_78 = tpu.memref_slice %arg16[%add3A_23, %dma_start3A_77] : memref<10240x128xf32, #tpu.memory_space<vmem_shared>> -> memref<80x128xf32, #tpu.memory_space<vmem_shared>>
      tpu.enqueue_dma source(%arg13 : memref<80x128xf32, #tpu.memory_space<vmem>>) target(%dma_start3A_78 : memref<80x128xf32, #tpu.memory_space<vmem_shared>>) target_semaphore(%run_scoped3A : memref<!tpu.dma_semaphore, #tpu.memory_space<semaphore_mem>>)
      %dma_wait3A_79 = arith.constant 0 : i32
      %dma_wait3A_80 = tpu.memref_slice %arg16[%add3A_23, %dma_wait3A_79] : memref<10240x128xf32, #tpu.memory_space<vmem_shared>> -> memref<80x128xf32, #tpu.memory_space<vmem_shared>>
      %dma_wait3A_81 = arith.constant 0 : i32
      %dma_wait3A_82 = tpu.memref_slice %arg16[%add3A_23, %dma_wait3A_81] : memref<10240x128xf32, #tpu.memory_space<vmem_shared>> -> memref<80x128xf32, #tpu.memory_space<vmem_shared>>
      tpu.wait_dma2 semaphore(%run_scoped3A : memref<!tpu.dma_semaphore, #tpu.memory_space<semaphore_mem>>) src(%arg13 : memref<80x128xf32, #tpu.memory_space<vmem>>) dst(%dma_wait3A_82 : memref<80x128xf32, #tpu.memory_space<vmem_shared>>)
      tpu.yield
    }) : () -> ()
    %add3A_24 = arith.constant 480 : i32
    %add3A_25 = arith.addi %mul3A_11, %add3A_24 : i32
    "tpu.region"() ({
      %run_scoped3A = tpu.sem_alloc : memref<!tpu.dma_semaphore, #tpu.memory_space<semaphore_mem>>
      %dma_start3A_75 = arith.constant 0 : i32
      %dma_start3A_76 = tpu.memref_slice %arg16[%add3A_25, %dma_start3A_75] : memref<10240x128xf32, #tpu.memory_space<vmem_shared>> -> memref<80x128xf32, #tpu.memory_space<vmem_shared>>
      %dma_start3A_77 = arith.constant 0 : i32
      %dma_start3A_78 = tpu.memref_slice %arg16[%add3A_25, %dma_start3A_77] : memref<10240x128xf32, #tpu.memory_space<vmem_shared>> -> memref<80x128xf32, #tpu.memory_space<vmem_shared>>
      tpu.enqueue_dma source(%arg13 : memref<80x128xf32, #tpu.memory_space<vmem>>) target(%dma_start3A_78 : memref<80x128xf32, #tpu.memory_space<vmem_shared>>) target_semaphore(%run_scoped3A : memref<!tpu.dma_semaphore, #tpu.memory_space<semaphore_mem>>)
      %dma_wait3A_79 = arith.constant 0 : i32
      %dma_wait3A_80 = tpu.memref_slice %arg16[%add3A_25, %dma_wait3A_79] : memref<10240x128xf32, #tpu.memory_space<vmem_shared>> -> memref<80x128xf32, #tpu.memory_space<vmem_shared>>
      %dma_wait3A_81 = arith.constant 0 : i32
      %dma_wait3A_82 = tpu.memref_slice %arg16[%add3A_25, %dma_wait3A_81] : memref<10240x128xf32, #tpu.memory_space<vmem_shared>> -> memref<80x128xf32, #tpu.memory_space<vmem_shared>>
      tpu.wait_dma2 semaphore(%run_scoped3A : memref<!tpu.dma_semaphore, #tpu.memory_space<semaphore_mem>>) src(%arg13 : memref<80x128xf32, #tpu.memory_space<vmem>>) dst(%dma_wait3A_82 : memref<80x128xf32, #tpu.memory_space<vmem_shared>>)
      tpu.yield
    }) : () -> ()
    %add3A_26 = arith.constant 560 : i32
    %add3A_27 = arith.addi %mul3A_11, %add3A_26 : i32
    "tpu.region"() ({
      %run_scoped3A = tpu.sem_alloc : memref<!tpu.dma_semaphore, #tpu.memory_space<semaphore_mem>>
      %dma_start3A_75 = arith.constant 0 : i32
      %dma_start3A_76 = tpu.memref_slice %arg16[%add3A_27, %dma_start3A_75] : memref<10240x128xf32, #tpu.memory_space<vmem_shared>> -> memref<80x128xf32, #tpu.memory_space<vmem_shared>>
      %dma_start3A_77 = arith.constant 0 : i32
      %dma_start3A_78 = tpu.memref_slice %arg16[%add3A_27, %dma_start3A_77] : memref<10240x128xf32, #tpu.memory_space<vmem_shared>> -> memref<80x128xf32, #tpu.memory_space<vmem_shared>>
      tpu.enqueue_dma source(%arg13 : memref<80x128xf32, #tpu.memory_space<vmem>>) target(%dma_start3A_78 : memref<80x128xf32, #tpu.memory_space<vmem_shared>>) target_semaphore(%run_scoped3A : memref<!tpu.dma_semaphore, #tpu.memory_space<semaphore_mem>>)
      %dma_wait3A_79 = arith.constant 0 : i32
      %dma_wait3A_80 = tpu.memref_slice %arg16[%add3A_27, %dma_wait3A_79] : memref<10240x128xf32, #tpu.memory_space<vmem_shared>> -> memref<80x128xf32, #tpu.memory_space<vmem_shared>>
      %dma_wait3A_81 = arith.constant 0 : i32
      %dma_wait3A_82 = tpu.memref_slice %arg16[%add3A_27, %dma_wait3A_81] : memref<10240x128xf32, #tpu.memory_space<vmem_shared>> -> memref<80x128xf32, #tpu.memory_space<vmem_shared>>
      tpu.wait_dma2 semaphore(%run_scoped3A : memref<!tpu.dma_semaphore, #tpu.memory_space<semaphore_mem>>) src(%arg13 : memref<80x128xf32, #tpu.memory_space<vmem>>) dst(%dma_wait3A_82 : memref<80x128xf32, #tpu.memory_space<vmem_shared>>)
      tpu.yield
    }) : () -> ()
    %barrier3A = arith.constant 0 : index
    tpu.barrier barrier_id(%barrier3A)
    %add3A_28 = arith.constant 0 : i32
    %add3A_29 = arith.addi %mul3A_2, %add3A_28 : i32
    %dma_start3A_30 = tpu.memref_slice %arg3[%add3A_29] : memref<322560xi32, #tpu.memory_space<hbm>> -> memref<80xi32, #tpu.memory_space<hbm>>
    %dma_start3A_31 = tpu.memref_slice %arg3[%add3A_29] : memref<322560xi32, #tpu.memory_space<hbm>> -> memref<80xi32, #tpu.memory_space<hbm>>
    tpu.enqueue_dma source(%dma_start3A_31 : memref<80xi32, #tpu.memory_space<hbm>>) target(%arg6 : memref<80xi32, #tpu.memory_space<vmem>>) target_semaphore(%arg17 : memref<!tpu.dma_semaphore, #tpu.memory_space<semaphore_mem>>)
    %add3A_32 = arith.constant 80 : i32
    %add3A_33 = arith.addi %mul3A_2, %add3A_32 : i32
    %dma_start3A_34 = tpu.memref_slice %arg3[%add3A_33] : memref<322560xi32, #tpu.memory_space<hbm>> -> memref<80xi32, #tpu.memory_space<hbm>>
    %dma_start3A_35 = tpu.memref_slice %arg3[%add3A_33] : memref<322560xi32, #tpu.memory_space<hbm>> -> memref<80xi32, #tpu.memory_space<hbm>>
    tpu.enqueue_dma source(%dma_start3A_35 : memref<80xi32, #tpu.memory_space<hbm>>) target(%arg7 : memref<80xi32, #tpu.memory_space<vmem>>) target_semaphore(%arg18 : memref<!tpu.dma_semaphore, #tpu.memory_space<semaphore_mem>>)
    %add3A_36 = arith.constant 160 : i32
    %add3A_37 = arith.addi %mul3A_2, %add3A_36 : i32
    %dma_start3A_38 = tpu.memref_slice %arg3[%add3A_37] : memref<322560xi32, #tpu.memory_space<hbm>> -> memref<80xi32, #tpu.memory_space<hbm>>
    %dma_start3A_39 = tpu.memref_slice %arg3[%add3A_37] : memref<322560xi32, #tpu.memory_space<hbm>> -> memref<80xi32, #tpu.memory_space<hbm>>
    tpu.enqueue_dma source(%dma_start3A_39 : memref<80xi32, #tpu.memory_space<hbm>>) target(%arg8 : memref<80xi32, #tpu.memory_space<vmem>>) target_semaphore(%arg19 : memref<!tpu.dma_semaphore, #tpu.memory_space<semaphore_mem>>)
    %add3A_40 = arith.constant 240 : i32
    %add3A_41 = arith.addi %mul3A_2, %add3A_40 : i32
    %dma_start3A_42 = tpu.memref_slice %arg3[%add3A_41] : memref<322560xi32, #tpu.memory_space<hbm>> -> memref<80xi32, #tpu.memory_space<hbm>>
    %dma_start3A_43 = tpu.memref_slice %arg3[%add3A_41] : memref<322560xi32, #tpu.memory_space<hbm>> -> memref<80xi32, #tpu.memory_space<hbm>>
    tpu.enqueue_dma source(%dma_start3A_43 : memref<80xi32, #tpu.memory_space<hbm>>) target(%arg9 : memref<80xi32, #tpu.memory_space<vmem>>) target_semaphore(%arg20 : memref<!tpu.dma_semaphore, #tpu.memory_space<semaphore_mem>>)
    %add3A_44 = arith.constant 320 : i32
    %add3A_45 = arith.addi %mul3A_2, %add3A_44 : i32
    %dma_start3A_46 = tpu.memref_slice %arg3[%add3A_45] : memref<322560xi32, #tpu.memory_space<hbm>> -> memref<80xi32, #tpu.memory_space<hbm>>
    %dma_start3A_47 = tpu.memref_slice %arg3[%add3A_45] : memref<322560xi32, #tpu.memory_space<hbm>> -> memref<80xi32, #tpu.memory_space<hbm>>
    tpu.enqueue_dma source(%dma_start3A_47 : memref<80xi32, #tpu.memory_space<hbm>>) target(%arg10 : memref<80xi32, #tpu.memory_space<vmem>>) target_semaphore(%arg21 : memref<!tpu.dma_semaphore, #tpu.memory_space<semaphore_mem>>)
    %add3A_48 = arith.constant 400 : i32
    %add3A_49 = arith.addi %mul3A_2, %add3A_48 : i32
    %dma_start3A_50 = tpu.memref_slice %arg3[%add3A_49] : memref<322560xi32, #tpu.memory_space<hbm>> -> memref<80xi32, #tpu.memory_space<hbm>>
    %dma_start3A_51 = tpu.memref_slice %arg3[%add3A_49] : memref<322560xi32, #tpu.memory_space<hbm>> -> memref<80xi32, #tpu.memory_space<hbm>>
    tpu.enqueue_dma source(%dma_start3A_51 : memref<80xi32, #tpu.memory_space<hbm>>) target(%arg11 : memref<80xi32, #tpu.memory_space<vmem>>) target_semaphore(%arg22 : memref<!tpu.dma_semaphore, #tpu.memory_space<semaphore_mem>>)
    %dma_wait3A = tpu.memref_slice %arg4[%mul3A_2] : memref<322560xi32, #tpu.memory_space<hbm>> -> memref<10080xi32, #tpu.memory_space<hbm>>
    %dma_wait3A_52 = tpu.memref_slice %arg4[%mul3A_2] : memref<322560xi32, #tpu.memory_space<hbm>> -> memref<10080xi32, #tpu.memory_space<hbm>>
    tpu.wait_dma2 semaphore(%arg23 : memref<!tpu.dma_semaphore, #tpu.memory_space<semaphore_mem>>) src(%dma_wait3A_52 : memref<10080xi32, #tpu.memory_space<hbm>>) dst(%arg12 : memref<10080xi32, #tpu.memory_space<vmem>>)
    %dma_wait3A_53 = tpu.memref_slice %arg3[%mul3A_2] : memref<322560xi32, #tpu.memory_space<hbm>> -> memref<80xi32, #tpu.memory_space<hbm>>
    %dma_wait3A_54 = tpu.memref_slice %arg3[%mul3A_2] : memref<322560xi32, #tpu.memory_space<hbm>> -> memref<80xi32, #tpu.memory_space<hbm>>
    tpu.wait_dma2 semaphore(%arg17 : memref<!tpu.dma_semaphore, #tpu.memory_space<semaphore_mem>>) src(%dma_wait3A_54 : memref<80xi32, #tpu.memory_space<hbm>>) dst(%arg6 : memref<80xi32, #tpu.memory_space<vmem>>)
    %dma_start3A_55 = arith.constant 0 : i32
    %dma_start3A_56 = arith.constant 0 : i32
    %dma_start3A_57 = tpu.memref_slice %arg2[%dma_start3A_55, %dma_start3A_56] : memref<10240x128xf32, #tpu.memory_space<hbm>> -> memref<10240x128xf32, #tpu.memory_space<hbm>>
    tpu.enqueue_indirect_dma source(%dma_start3A_57 : memref<10240x128xf32, #tpu.memory_space<hbm>>) target(%arg13 : memref<80x128xf32, #tpu.memory_space<vmem>>) offsets(%arg6 : memref<80xi32, #tpu.memory_space<vmem>>) semaphore(%arg24 : memref<!tpu.dma_semaphore, #tpu.memory_space<semaphore_mem>>)
    %dma_wait3A_58 = tpu.memref_slice %arg3[%mul3A_2] : memref<322560xi32, #tpu.memory_space<hbm>> -> memref<80xi32, #tpu.memory_space<hbm>>
    %dma_wait3A_59 = tpu.memref_slice %arg3[%mul3A_2] : memref<322560xi32, #tpu.memory_space<hbm>> -> memref<80xi32, #tpu.memory_space<hbm>>
    tpu.wait_dma2 semaphore(%arg18 : memref<!tpu.dma_semaphore, #tpu.memory_space<semaphore_mem>>) src(%dma_wait3A_59 : memref<80xi32, #tpu.memory_space<hbm>>) dst(%arg7 : memref<80xi32, #tpu.memory_space<vmem>>)
    %dma_start3A_60 = arith.constant 0 : i32
    %dma_start3A_61 = arith.constant 0 : i32
    %dma_start3A_62 = tpu.memref_slice %arg2[%dma_start3A_60, %dma_start3A_61] : memref<10240x128xf32, #tpu.memory_space<hbm>> -> memref<10240x128xf32, #tpu.memory_space<hbm>>
    tpu.enqueue_indirect_dma source(%dma_start3A_62 : memref<10240x128xf32, #tpu.memory_space<hbm>>) target(%arg14 : memref<80x128xf32, #tpu.memory_space<vmem>>) offsets(%arg7 : memref<80xi32, #tpu.memory_space<vmem>>) semaphore(%arg25 : memref<!tpu.dma_semaphore, #tpu.memory_space<semaphore_mem>>)
    %scan3A_63 = arith.constant 0 : i32
    %scan3A_64 = arith.constant 0 : i32
    %scan3A_65 = arith.constant 21 : i32
    %scan3A_66 = arith.addi %scan3A_64, %scan3A_65 : i32
    %scan3A_67 = arith.constant 1 : i32
    scf.for %scan3A_75 = %scan3A_64 to %scan3A_66 step %scan3A_67  : i32 {
      %mul3A_76 = arith.constant 6 : i32
      %mul3A_77 = arith.muli %scan3A_75, %mul3A_76 : i32
      %add3A_78 = arith.constant 0 : i32
      %add3A_79 = arith.addi %mul3A_77, %add3A_78 : i32
      %dma_wait3A_80 = arith.constant 0 : i32
      %dma_wait3A_81 = arith.constant 0 : i32
      %dma_wait3A_82 = tpu.memref_slice %arg2[%dma_wait3A_80, %dma_wait3A_81] : memref<10240x128xf32, #tpu.memory_space<hbm>> -> memref<10240x128xf32, #tpu.memory_space<hbm>>
      tpu.wait_indirect_dma semaphore(%arg24 : memref<!tpu.dma_semaphore, #tpu.memory_space<semaphore_mem>>) src(%dma_wait3A_82 : memref<10240x128xf32, #tpu.memory_space<hbm>>) dst(%arg13 : memref<80x128xf32, #tpu.memory_space<vmem>>)
      %add3A_83 = arith.constant 6 : i32
      %add3A_84 = arith.addi %add3A_79, %add3A_83 : i32
      %lt3A = arith.constant 126 : i32
      %lt3A_85 = arith.cmpi slt, %add3A_84, %lt3A : i32
      %convert_element_type3A = arith.extui %lt3A_85 : i1 to i32
      %cond3A = arith.constant 0 : i32
      %cond3A_86 = arith.cmpi ne, %convert_element_type3A, %cond3A : i32
      scf.if %cond3A_86 {
        %add3A_264 = arith.constant 6 : i32
        %add3A_265 = arith.addi %add3A_79, %add3A_264 : i32
        %mul3A_266 = arith.constant 80 : i32
        %mul3A_267 = arith.muli %add3A_265, %mul3A_266 : i32
        %add3A_268 = arith.addi %mul3A_2, %mul3A_267 : i32
        %dma_start3A_269 = tpu.memref_slice %arg3[%add3A_268] : memref<322560xi32, #tpu.memory_space<hbm>> -> memref<80xi32, #tpu.memory_space<hbm>>
        %dma_start3A_270 = tpu.memref_slice %arg3[%add3A_268] : memref<322560xi32, #tpu.memory_space<hbm>> -> memref<80xi32, #tpu.memory_space<hbm>>
        tpu.enqueue_dma source(%dma_start3A_270 : memref<80xi32, #tpu.memory_space<hbm>>) target(%arg6 : memref<80xi32, #tpu.memory_space<vmem>>) target_semaphore(%arg17 : memref<!tpu.dma_semaphore, #tpu.memory_space<semaphore_mem>>)
      } else {
      }
      %mul3A_87 = arith.constant 80 : i32
      %mul3A_88 = arith.muli %add3A_79, %mul3A_87 : i32
      %dma_start3A_89 = tpu.memref_slice %arg12[%mul3A_88] : memref<10080xi32, #tpu.memory_space<vmem>> -> memref<80xi32, #tpu.memory_space<vmem>>
      %dma_start3A_90 = arith.constant 0 : i32
      %dma_start3A_91 = arith.constant 0 : i32
      %dma_start3A_92 = tpu.memref_slice %arg16[%dma_start3A_90, %dma_start3A_91] : memref<10240x128xf32, #tpu.memory_space<vmem_shared>> -> memref<10240x128xf32, #tpu.memory_space<vmem_shared>>
      tpu.enqueue_indirect_dma source(%arg13 : memref<80x128xf32, #tpu.memory_space<vmem>>) target(%dma_start3A_92 : memref<10240x128xf32, #tpu.memory_space<vmem_shared>>) offsets(%dma_start3A_89 : memref<80xi32, #tpu.memory_space<vmem>>) semaphore(%arg27 : memref<!tpu.dma_semaphore, #tpu.memory_space<semaphore_mem>>) {add = true}
      %ge3A = arith.constant 1 : i32
      %ge3A_93 = arith.cmpi sge, %add3A_79, %ge3A : i32
      %convert_element_type3A_94 = arith.extui %ge3A_93 : i1 to i32
      %cond3A_95 = arith.constant 0 : i32
      %cond3A_96 = arith.cmpi ne, %convert_element_type3A_94, %cond3A_95 : i32
      scf.if %cond3A_96 {
        %sub3A = arith.constant 1 : i32
        %sub3A_264 = arith.subi %add3A_79, %sub3A : i32
        %mul3A_265 = arith.constant 80 : i32
        %mul3A_266 = arith.muli %sub3A_264, %mul3A_265 : i32
        %dma_wait3A_267 = tpu.memref_slice %arg12[%mul3A_266] : memref<10080xi32, #tpu.memory_space<vmem>> -> memref<80xi32, #tpu.memory_space<vmem>>
        %dma_wait3A_268 = arith.constant 0 : i32
        %dma_wait3A_269 = arith.constant 0 : i32
        %dma_wait3A_270 = tpu.memref_slice %arg16[%dma_wait3A_268, %dma_wait3A_269] : memref<10240x128xf32, #tpu.memory_space<vmem_shared>> -> memref<10240x128xf32, #tpu.memory_space<vmem_shared>>
        tpu.wait_indirect_dma semaphore(%arg29 : memref<!tpu.dma_semaphore, #tpu.memory_space<semaphore_mem>>) src(%arg15 : memref<80x128xf32, #tpu.memory_space<vmem>>) dst(%dma_wait3A_270 : memref<10240x128xf32, #tpu.memory_space<vmem_shared>>)
      } else {
      }
      %add3A_97 = arith.constant 2 : i32
      %add3A_98 = arith.addi %add3A_79, %add3A_97 : i32
      %lt3A_99 = arith.constant 126 : i32
      %lt3A_100 = arith.cmpi slt, %add3A_98, %lt3A_99 : i32
      %convert_element_type3A_101 = arith.extui %lt3A_100 : i1 to i32
      %cond3A_102 = arith.constant 0 : i32
      %cond3A_103 = arith.cmpi ne, %convert_element_type3A_101, %cond3A_102 : i32
      scf.if %cond3A_103 {
        %dma_wait3A_264 = tpu.memref_slice %arg3[%mul3A_2] : memref<322560xi32, #tpu.memory_space<hbm>> -> memref<80xi32, #tpu.memory_space<hbm>>
        %dma_wait3A_265 = tpu.memref_slice %arg3[%mul3A_2] : memref<322560xi32, #tpu.memory_space<hbm>> -> memref<80xi32, #tpu.memory_space<hbm>>
        tpu.wait_dma2 semaphore(%arg19 : memref<!tpu.dma_semaphore, #tpu.memory_space<semaphore_mem>>) src(%dma_wait3A_265 : memref<80xi32, #tpu.memory_space<hbm>>) dst(%arg8 : memref<80xi32, #tpu.memory_space<vmem>>)
        %dma_start3A_266 = arith.constant 0 : i32
        %dma_start3A_267 = arith.constant 0 : i32
        %dma_start3A_268 = tpu.memref_slice %arg2[%dma_start3A_266, %dma_start3A_267] : memref<10240x128xf32, #tpu.memory_space<hbm>> -> memref<10240x128xf32, #tpu.memory_space<hbm>>
        tpu.enqueue_indirect_dma source(%dma_start3A_268 : memref<10240x128xf32, #tpu.memory_space<hbm>>) target(%arg15 : memref<80x128xf32, #tpu.memory_space<vmem>>) offsets(%arg8 : memref<80xi32, #tpu.memory_space<vmem>>) semaphore(%arg26 : memref<!tpu.dma_semaphore, #tpu.memory_space<semaphore_mem>>)
      } else {
      }
      %mul3A_104 = arith.constant 6 : i32
      %mul3A_105 = arith.muli %scan3A_75, %mul3A_104 : i32
      %add3A_106 = arith.constant 1 : i32
      %add3A_107 = arith.addi %mul3A_105, %add3A_106 : i32
      %dma_wait3A_108 = arith.constant 0 : i32
      %dma_wait3A_109 = arith.constant 0 : i32
      %dma_wait3A_110 = tpu.memref_slice %arg2[%dma_wait3A_108, %dma_wait3A_109] : memref<10240x128xf32, #tpu.memory_space<hbm>> -> memref<10240x128xf32, #tpu.memory_space<hbm>>
      tpu.wait_indirect_dma semaphore(%arg25 : memref<!tpu.dma_semaphore, #tpu.memory_space<semaphore_mem>>) src(%dma_wait3A_110 : memref<10240x128xf32, #tpu.memory_space<hbm>>) dst(%arg14 : memref<80x128xf32, #tpu.memory_space<vmem>>)
      %add3A_111 = arith.constant 6 : i32
      %add3A_112 = arith.addi %add3A_107, %add3A_111 : i32
      %lt3A_113 = arith.constant 126 : i32
      %lt3A_114 = arith.cmpi slt, %add3A_112, %lt3A_113 : i32
      %convert_element_type3A_115 = arith.extui %lt3A_114 : i1 to i32
      %cond3A_116 = arith.constant 0 : i32
      %cond3A_117 = arith.cmpi ne, %convert_element_type3A_115, %cond3A_116 : i32
      scf.if %cond3A_117 {
        %add3A_264 = arith.constant 6 : i32
        %add3A_265 = arith.addi %add3A_107, %add3A_264 : i32
        %mul3A_266 = arith.constant 80 : i32
        %mul3A_267 = arith.muli %add3A_265, %mul3A_266 : i32
        %add3A_268 = arith.addi %mul3A_2, %mul3A_267 : i32
        %dma_start3A_269 = tpu.memref_slice %arg3[%add3A_268] : memref<322560xi32, #tpu.memory_space<hbm>> -> memref<80xi32, #tpu.memory_space<hbm>>
        %dma_start3A_270 = tpu.memref_slice %arg3[%add3A_268] : memref<322560xi32, #tpu.memory_space<hbm>> -> memref<80xi32, #tpu.memory_space<hbm>>
        tpu.enqueue_dma source(%dma_start3A_270 : memref<80xi32, #tpu.memory_space<hbm>>) target(%arg7 : memref<80xi32, #tpu.memory_space<vmem>>) target_semaphore(%arg18 : memref<!tpu.dma_semaphore, #tpu.memory_space<semaphore_mem>>)
      } else {
      }
      %mul3A_118 = arith.constant 80 : i32
      %mul3A_119 = arith.muli %add3A_107, %mul3A_118 : i32
      %dma_start3A_120 = tpu.memref_slice %arg12[%mul3A_119] : memref<10080xi32, #tpu.memory_space<vmem>> -> memref<80xi32, #tpu.memory_space<vmem>>
      %dma_start3A_121 = arith.constant 0 : i32
      %dma_start3A_122 = arith.constant 0 : i32
      %dma_start3A_123 = tpu.memref_slice %arg16[%dma_start3A_121, %dma_start3A_122] : memref<10240x128xf32, #tpu.memory_space<vmem_shared>> -> memref<10240x128xf32, #tpu.memory_space<vmem_shared>>
      tpu.enqueue_indirect_dma source(%arg14 : memref<80x128xf32, #tpu.memory_space<vmem>>) target(%dma_start3A_123 : memref<10240x128xf32, #tpu.memory_space<vmem_shared>>) offsets(%dma_start3A_120 : memref<80xi32, #tpu.memory_space<vmem>>) semaphore(%arg28 : memref<!tpu.dma_semaphore, #tpu.memory_space<semaphore_mem>>) {add = true}
      %ge3A_124 = arith.constant 1 : i32
      %ge3A_125 = arith.cmpi sge, %add3A_107, %ge3A_124 : i32
      %convert_element_type3A_126 = arith.extui %ge3A_125 : i1 to i32
      %cond3A_127 = arith.constant 0 : i32
      %cond3A_128 = arith.cmpi ne, %convert_element_type3A_126, %cond3A_127 : i32
      scf.if %cond3A_128 {
        %sub3A = arith.constant 1 : i32
        %sub3A_264 = arith.subi %add3A_107, %sub3A : i32
        %mul3A_265 = arith.constant 80 : i32
        %mul3A_266 = arith.muli %sub3A_264, %mul3A_265 : i32
        %dma_wait3A_267 = tpu.memref_slice %arg12[%mul3A_266] : memref<10080xi32, #tpu.memory_space<vmem>> -> memref<80xi32, #tpu.memory_space<vmem>>
        %dma_wait3A_268 = arith.constant 0 : i32
        %dma_wait3A_269 = arith.constant 0 : i32
        %dma_wait3A_270 = tpu.memref_slice %arg16[%dma_wait3A_268, %dma_wait3A_269] : memref<10240x128xf32, #tpu.memory_space<vmem_shared>> -> memref<10240x128xf32, #tpu.memory_space<vmem_shared>>
        tpu.wait_indirect_dma semaphore(%arg27 : memref<!tpu.dma_semaphore, #tpu.memory_space<semaphore_mem>>) src(%arg13 : memref<80x128xf32, #tpu.memory_space<vmem>>) dst(%dma_wait3A_270 : memref<10240x128xf32, #tpu.memory_space<vmem_shared>>)
      } else {
      }
      %add3A_129 = arith.constant 2 : i32
      %add3A_130 = arith.addi %add3A_107, %add3A_129 : i32
      %lt3A_131 = arith.constant 126 : i32
      %lt3A_132 = arith.cmpi slt, %add3A_130, %lt3A_131 : i32
      %convert_element_type3A_133 = arith.extui %lt3A_132 : i1 to i32
      %cond3A_134 = arith.constant 0 : i32
      %cond3A_135 = arith.cmpi ne, %convert_element_type3A_133, %cond3A_134 : i32
      scf.if %cond3A_135 {
        %dma_wait3A_264 = tpu.memref_slice %arg3[%mul3A_2] : memref<322560xi32, #tpu.memory_space<hbm>> -> memref<80xi32, #tpu.memory_space<hbm>>
        %dma_wait3A_265 = tpu.memref_slice %arg3[%mul3A_2] : memref<322560xi32, #tpu.memory_space<hbm>> -> memref<80xi32, #tpu.memory_space<hbm>>
        tpu.wait_dma2 semaphore(%arg20 : memref<!tpu.dma_semaphore, #tpu.memory_space<semaphore_mem>>) src(%dma_wait3A_265 : memref<80xi32, #tpu.memory_space<hbm>>) dst(%arg9 : memref<80xi32, #tpu.memory_space<vmem>>)
        %dma_start3A_266 = arith.constant 0 : i32
        %dma_start3A_267 = arith.constant 0 : i32
        %dma_start3A_268 = tpu.memref_slice %arg2[%dma_start3A_266, %dma_start3A_267] : memref<10240x128xf32, #tpu.memory_space<hbm>> -> memref<10240x128xf32, #tpu.memory_space<hbm>>
        tpu.enqueue_indirect_dma source(%dma_start3A_268 : memref<10240x128xf32, #tpu.memory_space<hbm>>) target(%arg13 : memref<80x128xf32, #tpu.memory_space<vmem>>) offsets(%arg9 : memref<80xi32, #tpu.memory_space<vmem>>) semaphore(%arg24 : memref<!tpu.dma_semaphore, #tpu.memory_space<semaphore_mem>>)
      } else {
      }
      %mul3A_136 = arith.constant 6 : i32
      %mul3A_137 = arith.muli %scan3A_75, %mul3A_136 : i32
      %add3A_138 = arith.constant 2 : i32
      %add3A_139 = arith.addi %mul3A_137, %add3A_138 : i32
      %dma_wait3A_140 = arith.constant 0 : i32
      %dma_wait3A_141 = arith.constant 0 : i32
      %dma_wait3A_142 = tpu.memref_slice %arg2[%dma_wait3A_140, %dma_wait3A_141] : memref<10240x128xf32, #tpu.memory_space<hbm>> -> memref<10240x128xf32, #tpu.memory_space<hbm>>
      tpu.wait_indirect_dma semaphore(%arg26 : memref<!tpu.dma_semaphore, #tpu.memory_space<semaphore_mem>>) src(%dma_wait3A_142 : memref<10240x128xf32, #tpu.memory_space<hbm>>) dst(%arg15 : memref<80x128xf32, #tpu.memory_space<vmem>>)
      %add3A_143 = arith.constant 6 : i32
      %add3A_144 = arith.addi %add3A_139, %add3A_143 : i32
      %lt3A_145 = arith.constant 126 : i32
      %lt3A_146 = arith.cmpi slt, %add3A_144, %lt3A_145 : i32
      %convert_element_type3A_147 = arith.extui %lt3A_146 : i1 to i32
      %cond3A_148 = arith.constant 0 : i32
      %cond3A_149 = arith.cmpi ne, %convert_element_type3A_147, %cond3A_148 : i32
      scf.if %cond3A_149 {
        %add3A_264 = arith.constant 6 : i32
        %add3A_265 = arith.addi %add3A_139, %add3A_264 : i32
        %mul3A_266 = arith.constant 80 : i32
        %mul3A_267 = arith.muli %add3A_265, %mul3A_266 : i32
        %add3A_268 = arith.addi %mul3A_2, %mul3A_267 : i32
        %dma_start3A_269 = tpu.memref_slice %arg3[%add3A_268] : memref<322560xi32, #tpu.memory_space<hbm>> -> memref<80xi32, #tpu.memory_space<hbm>>
        %dma_start3A_270 = tpu.memref_slice %arg3[%add3A_268] : memref<322560xi32, #tpu.memory_space<hbm>> -> memref<80xi32, #tpu.memory_space<hbm>>
        tpu.enqueue_dma source(%dma_start3A_270 : memref<80xi32, #tpu.memory_space<hbm>>) target(%arg8 : memref<80xi32, #tpu.memory_space<vmem>>) target_semaphore(%arg19 : memref<!tpu.dma_semaphore, #tpu.memory_space<semaphore_mem>>)
      } else {
      }
      %mul3A_150 = arith.constant 80 : i32
      %mul3A_151 = arith.muli %add3A_139, %mul3A_150 : i32
      %dma_start3A_152 = tpu.memref_slice %arg12[%mul3A_151] : memref<10080xi32, #tpu.memory_space<vmem>> -> memref<80xi32, #tpu.memory_space<vmem>>
      %dma_start3A_153 = arith.constant 0 : i32
      %dma_start3A_154 = arith.constant 0 : i32
      %dma_start3A_155 = tpu.memref_slice %arg16[%dma_start3A_153, %dma_start3A_154] : memref<10240x128xf32, #tpu.memory_space<vmem_shared>> -> memref<10240x128xf32, #tpu.memory_space<vmem_shared>>
      tpu.enqueue_indirect_dma source(%arg15 : memref<80x128xf32, #tpu.memory_space<vmem>>) target(%dma_start3A_155 : memref<10240x128xf32, #tpu.memory_space<vmem_shared>>) offsets(%dma_start3A_152 : memref<80xi32, #tpu.memory_space<vmem>>) semaphore(%arg29 : memref<!tpu.dma_semaphore, #tpu.memory_space<semaphore_mem>>) {add = true}
      %ge3A_156 = arith.constant 1 : i32
      %ge3A_157 = arith.cmpi sge, %add3A_139, %ge3A_156 : i32
      %convert_element_type3A_158 = arith.extui %ge3A_157 : i1 to i32
      %cond3A_159 = arith.constant 0 : i32
      %cond3A_160 = arith.cmpi ne, %convert_element_type3A_158, %cond3A_159 : i32
      scf.if %cond3A_160 {
        %sub3A = arith.constant 1 : i32
        %sub3A_264 = arith.subi %add3A_139, %sub3A : i32
        %mul3A_265 = arith.constant 80 : i32
        %mul3A_266 = arith.muli %sub3A_264, %mul3A_265 : i32
        %dma_wait3A_267 = tpu.memref_slice %arg12[%mul3A_266] : memref<10080xi32, #tpu.memory_space<vmem>> -> memref<80xi32, #tpu.memory_space<vmem>>
        %dma_wait3A_268 = arith.constant 0 : i32
        %dma_wait3A_269 = arith.constant 0 : i32
        %dma_wait3A_270 = tpu.memref_slice %arg16[%dma_wait3A_268, %dma_wait3A_269] : memref<10240x128xf32, #tpu.memory_space<vmem_shared>> -> memref<10240x128xf32, #tpu.memory_space<vmem_shared>>
        tpu.wait_indirect_dma semaphore(%arg28 : memref<!tpu.dma_semaphore, #tpu.memory_space<semaphore_mem>>) src(%arg14 : memref<80x128xf32, #tpu.memory_space<vmem>>) dst(%dma_wait3A_270 : memref<10240x128xf32, #tpu.memory_space<vmem_shared>>)
      } else {
      }
      %add3A_161 = arith.constant 2 : i32
      %add3A_162 = arith.addi %add3A_139, %add3A_161 : i32
      %lt3A_163 = arith.constant 126 : i32
      %lt3A_164 = arith.cmpi slt, %add3A_162, %lt3A_163 : i32
      %convert_element_type3A_165 = arith.extui %lt3A_164 : i1 to i32
      %cond3A_166 = arith.constant 0 : i32
      %cond3A_167 = arith.cmpi ne, %convert_element_type3A_165, %cond3A_166 : i32
      scf.if %cond3A_167 {
        %dma_wait3A_264 = tpu.memref_slice %arg3[%mul3A_2] : memref<322560xi32, #tpu.memory_space<hbm>> -> memref<80xi32, #tpu.memory_space<hbm>>
        %dma_wait3A_265 = tpu.memref_slice %arg3[%mul3A_2] : memref<322560xi32, #tpu.memory_space<hbm>> -> memref<80xi32, #tpu.memory_space<hbm>>
        tpu.wait_dma2 semaphore(%arg21 : memref<!tpu.dma_semaphore, #tpu.memory_space<semaphore_mem>>) src(%dma_wait3A_265 : memref<80xi32, #tpu.memory_space<hbm>>) dst(%arg10 : memref<80xi32, #tpu.memory_space<vmem>>)
        %dma_start3A_266 = arith.constant 0 : i32
        %dma_start3A_267 = arith.constant 0 : i32
        %dma_start3A_268 = tpu.memref_slice %arg2[%dma_start3A_266, %dma_start3A_267] : memref<10240x128xf32, #tpu.memory_space<hbm>> -> memref<10240x128xf32, #tpu.memory_space<hbm>>
        tpu.enqueue_indirect_dma source(%dma_start3A_268 : memref<10240x128xf32, #tpu.memory_space<hbm>>) target(%arg14 : memref<80x128xf32, #tpu.memory_space<vmem>>) offsets(%arg10 : memref<80xi32, #tpu.memory_space<vmem>>) semaphore(%arg25 : memref<!tpu.dma_semaphore, #tpu.memory_space<semaphore_mem>>)
      } else {
      }
      %mul3A_168 = arith.constant 6 : i32
      %mul3A_169 = arith.muli %scan3A_75, %mul3A_168 : i32
      %add3A_170 = arith.constant 3 : i32
      %add3A_171 = arith.addi %mul3A_169, %add3A_170 : i32
      %dma_wait3A_172 = arith.constant 0 : i32
      %dma_wait3A_173 = arith.constant 0 : i32
      %dma_wait3A_174 = tpu.memref_slice %arg2[%dma_wait3A_172, %dma_wait3A_173] : memref<10240x128xf32, #tpu.memory_space<hbm>> -> memref<10240x128xf32, #tpu.memory_space<hbm>>
      tpu.wait_indirect_dma semaphore(%arg24 : memref<!tpu.dma_semaphore, #tpu.memory_space<semaphore_mem>>) src(%dma_wait3A_174 : memref<10240x128xf32, #tpu.memory_space<hbm>>) dst(%arg13 : memref<80x128xf32, #tpu.memory_space<vmem>>)
      %add3A_175 = arith.constant 6 : i32
      %add3A_176 = arith.addi %add3A_171, %add3A_175 : i32
      %lt3A_177 = arith.constant 126 : i32
      %lt3A_178 = arith.cmpi slt, %add3A_176, %lt3A_177 : i32
      %convert_element_type3A_179 = arith.extui %lt3A_178 : i1 to i32
      %cond3A_180 = arith.constant 0 : i32
      %cond3A_181 = arith.cmpi ne, %convert_element_type3A_179, %cond3A_180 : i32
      scf.if %cond3A_181 {
        %add3A_264 = arith.constant 6 : i32
        %add3A_265 = arith.addi %add3A_171, %add3A_264 : i32
        %mul3A_266 = arith.constant 80 : i32
        %mul3A_267 = arith.muli %add3A_265, %mul3A_266 : i32
        %add3A_268 = arith.addi %mul3A_2, %mul3A_267 : i32
        %dma_start3A_269 = tpu.memref_slice %arg3[%add3A_268] : memref<322560xi32, #tpu.memory_space<hbm>> -> memref<80xi32, #tpu.memory_space<hbm>>
        %dma_start3A_270 = tpu.memref_slice %arg3[%add3A_268] : memref<322560xi32, #tpu.memory_space<hbm>> -> memref<80xi32, #tpu.memory_space<hbm>>
        tpu.enqueue_dma source(%dma_start3A_270 : memref<80xi32, #tpu.memory_space<hbm>>) target(%arg9 : memref<80xi32, #tpu.memory_space<vmem>>) target_semaphore(%arg20 : memref<!tpu.dma_semaphore, #tpu.memory_space<semaphore_mem>>)
      } else {
      }
      %mul3A_182 = arith.constant 80 : i32
      %mul3A_183 = arith.muli %add3A_171, %mul3A_182 : i32
      %dma_start3A_184 = tpu.memref_slice %arg12[%mul3A_183] : memref<10080xi32, #tpu.memory_space<vmem>> -> memref<80xi32, #tpu.memory_space<vmem>>
      %dma_start3A_185 = arith.constant 0 : i32
      %dma_start3A_186 = arith.constant 0 : i32
      %dma_start3A_187 = tpu.memref_slice %arg16[%dma_start3A_185, %dma_start3A_186] : memref<10240x128xf32, #tpu.memory_space<vmem_shared>> -> memref<10240x128xf32, #tpu.memory_space<vmem_shared>>
      tpu.enqueue_indirect_dma source(%arg13 : memref<80x128xf32, #tpu.memory_space<vmem>>) target(%dma_start3A_187 : memref<10240x128xf32, #tpu.memory_space<vmem_shared>>) offsets(%dma_start3A_184 : memref<80xi32, #tpu.memory_space<vmem>>) semaphore(%arg27 : memref<!tpu.dma_semaphore, #tpu.memory_space<semaphore_mem>>) {add = true}
      %ge3A_188 = arith.constant 1 : i32
      %ge3A_189 = arith.cmpi sge, %add3A_171, %ge3A_188 : i32
      %convert_element_type3A_190 = arith.extui %ge3A_189 : i1 to i32
      %cond3A_191 = arith.constant 0 : i32
      %cond3A_192 = arith.cmpi ne, %convert_element_type3A_190, %cond3A_191 : i32
      scf.if %cond3A_192 {
        %sub3A = arith.constant 1 : i32
        %sub3A_264 = arith.subi %add3A_171, %sub3A : i32
        %mul3A_265 = arith.constant 80 : i32
        %mul3A_266 = arith.muli %sub3A_264, %mul3A_265 : i32
        %dma_wait3A_267 = tpu.memref_slice %arg12[%mul3A_266] : memref<10080xi32, #tpu.memory_space<vmem>> -> memref<80xi32, #tpu.memory_space<vmem>>
        %dma_wait3A_268 = arith.constant 0 : i32
        %dma_wait3A_269 = arith.constant 0 : i32
        %dma_wait3A_270 = tpu.memref_slice %arg16[%dma_wait3A_268, %dma_wait3A_269] : memref<10240x128xf32, #tpu.memory_space<vmem_shared>> -> memref<10240x128xf32, #tpu.memory_space<vmem_shared>>
        tpu.wait_indirect_dma semaphore(%arg29 : memref<!tpu.dma_semaphore, #tpu.memory_space<semaphore_mem>>) src(%arg15 : memref<80x128xf32, #tpu.memory_space<vmem>>) dst(%dma_wait3A_270 : memref<10240x128xf32, #tpu.memory_space<vmem_shared>>)
      } else {
      }
      %add3A_193 = arith.constant 2 : i32
      %add3A_194 = arith.addi %add3A_171, %add3A_193 : i32
      %lt3A_195 = arith.constant 126 : i32
      %lt3A_196 = arith.cmpi slt, %add3A_194, %lt3A_195 : i32
      %convert_element_type3A_197 = arith.extui %lt3A_196 : i1 to i32
      %cond3A_198 = arith.constant 0 : i32
      %cond3A_199 = arith.cmpi ne, %convert_element_type3A_197, %cond3A_198 : i32
      scf.if %cond3A_199 {
        %dma_wait3A_264 = tpu.memref_slice %arg3[%mul3A_2] : memref<322560xi32, #tpu.memory_space<hbm>> -> memref<80xi32, #tpu.memory_space<hbm>>
        %dma_wait3A_265 = tpu.memref_slice %arg3[%mul3A_2] : memref<322560xi32, #tpu.memory_space<hbm>> -> memref<80xi32, #tpu.memory_space<hbm>>
        tpu.wait_dma2 semaphore(%arg22 : memref<!tpu.dma_semaphore, #tpu.memory_space<semaphore_mem>>) src(%dma_wait3A_265 : memref<80xi32, #tpu.memory_space<hbm>>) dst(%arg11 : memref<80xi32, #tpu.memory_space<vmem>>)
        %dma_start3A_266 = arith.constant 0 : i32
        %dma_start3A_267 = arith.constant 0 : i32
        %dma_start3A_268 = tpu.memref_slice %arg2[%dma_start3A_266, %dma_start3A_267] : memref<10240x128xf32, #tpu.memory_space<hbm>> -> memref<10240x128xf32, #tpu.memory_space<hbm>>
        tpu.enqueue_indirect_dma source(%dma_start3A_268 : memref<10240x128xf32, #tpu.memory_space<hbm>>) target(%arg15 : memref<80x128xf32, #tpu.memory_space<vmem>>) offsets(%arg11 : memref<80xi32, #tpu.memory_space<vmem>>) semaphore(%arg26 : memref<!tpu.dma_semaphore, #tpu.memory_space<semaphore_mem>>)
      } else {
      }
      %mul3A_200 = arith.constant 6 : i32
      %mul3A_201 = arith.muli %scan3A_75, %mul3A_200 : i32
      %add3A_202 = arith.constant 4 : i32
      %add3A_203 = arith.addi %mul3A_201, %add3A_202 : i32
      %dma_wait3A_204 = arith.constant 0 : i32
      %dma_wait3A_205 = arith.constant 0 : i32
      %dma_wait3A_206 = tpu.memref_slice %arg2[%dma_wait3A_204, %dma_wait3A_205] : memref<10240x128xf32, #tpu.memory_space<hbm>> -> memref<10240x128xf32, #tpu.memory_space<hbm>>
      tpu.wait_indirect_dma semaphore(%arg25 : memref<!tpu.dma_semaphore, #tpu.memory_space<semaphore_mem>>) src(%dma_wait3A_206 : memref<10240x128xf32, #tpu.memory_space<hbm>>) dst(%arg14 : memref<80x128xf32, #tpu.memory_space<vmem>>)
      %add3A_207 = arith.constant 6 : i32
      %add3A_208 = arith.addi %add3A_203, %add3A_207 : i32
      %lt3A_209 = arith.constant 126 : i32
      %lt3A_210 = arith.cmpi slt, %add3A_208, %lt3A_209 : i32
      %convert_element_type3A_211 = arith.extui %lt3A_210 : i1 to i32
      %cond3A_212 = arith.constant 0 : i32
      %cond3A_213 = arith.cmpi ne, %convert_element_type3A_211, %cond3A_212 : i32
      scf.if %cond3A_213 {
        %add3A_264 = arith.constant 6 : i32
        %add3A_265 = arith.addi %add3A_203, %add3A_264 : i32
        %mul3A_266 = arith.constant 80 : i32
        %mul3A_267 = arith.muli %add3A_265, %mul3A_266 : i32
        %add3A_268 = arith.addi %mul3A_2, %mul3A_267 : i32
        %dma_start3A_269 = tpu.memref_slice %arg3[%add3A_268] : memref<322560xi32, #tpu.memory_space<hbm>> -> memref<80xi32, #tpu.memory_space<hbm>>
        %dma_start3A_270 = tpu.memref_slice %arg3[%add3A_268] : memref<322560xi32, #tpu.memory_space<hbm>> -> memref<80xi32, #tpu.memory_space<hbm>>
        tpu.enqueue_dma source(%dma_start3A_270 : memref<80xi32, #tpu.memory_space<hbm>>) target(%arg10 : memref<80xi32, #tpu.memory_space<vmem>>) target_semaphore(%arg21 : memref<!tpu.dma_semaphore, #tpu.memory_space<semaphore_mem>>)
      } else {
      }
      %mul3A_214 = arith.constant 80 : i32
      %mul3A_215 = arith.muli %add3A_203, %mul3A_214 : i32
      %dma_start3A_216 = tpu.memref_slice %arg12[%mul3A_215] : memref<10080xi32, #tpu.memory_space<vmem>> -> memref<80xi32, #tpu.memory_space<vmem>>
      %dma_start3A_217 = arith.constant 0 : i32
      %dma_start3A_218 = arith.constant 0 : i32
      %dma_start3A_219 = tpu.memref_slice %arg16[%dma_start3A_217, %dma_start3A_218] : memref<10240x128xf32, #tpu.memory_space<vmem_shared>> -> memref<10240x128xf32, #tpu.memory_space<vmem_shared>>
      tpu.enqueue_indirect_dma source(%arg14 : memref<80x128xf32, #tpu.memory_space<vmem>>) target(%dma_start3A_219 : memref<10240x128xf32, #tpu.memory_space<vmem_shared>>) offsets(%dma_start3A_216 : memref<80xi32, #tpu.memory_space<vmem>>) semaphore(%arg28 : memref<!tpu.dma_semaphore, #tpu.memory_space<semaphore_mem>>) {add = true}
      %ge3A_220 = arith.constant 1 : i32
      %ge3A_221 = arith.cmpi sge, %add3A_203, %ge3A_220 : i32
      %convert_element_type3A_222 = arith.extui %ge3A_221 : i1 to i32
      %cond3A_223 = arith.constant 0 : i32
      %cond3A_224 = arith.cmpi ne, %convert_element_type3A_222, %cond3A_223 : i32
      scf.if %cond3A_224 {
        %sub3A = arith.constant 1 : i32
        %sub3A_264 = arith.subi %add3A_203, %sub3A : i32
        %mul3A_265 = arith.constant 80 : i32
        %mul3A_266 = arith.muli %sub3A_264, %mul3A_265 : i32
        %dma_wait3A_267 = tpu.memref_slice %arg12[%mul3A_266] : memref<10080xi32, #tpu.memory_space<vmem>> -> memref<80xi32, #tpu.memory_space<vmem>>
        %dma_wait3A_268 = arith.constant 0 : i32
        %dma_wait3A_269 = arith.constant 0 : i32
        %dma_wait3A_270 = tpu.memref_slice %arg16[%dma_wait3A_268, %dma_wait3A_269] : memref<10240x128xf32, #tpu.memory_space<vmem_shared>> -> memref<10240x128xf32, #tpu.memory_space<vmem_shared>>
        tpu.wait_indirect_dma semaphore(%arg27 : memref<!tpu.dma_semaphore, #tpu.memory_space<semaphore_mem>>) src(%arg13 : memref<80x128xf32, #tpu.memory_space<vmem>>) dst(%dma_wait3A_270 : memref<10240x128xf32, #tpu.memory_space<vmem_shared>>)
      } else {
      }
      %add3A_225 = arith.constant 2 : i32
      %add3A_226 = arith.addi %add3A_203, %add3A_225 : i32
      %lt3A_227 = arith.constant 126 : i32
      %lt3A_228 = arith.cmpi slt, %add3A_226, %lt3A_227 : i32
      %convert_element_type3A_229 = arith.extui %lt3A_228 : i1 to i32
      %cond3A_230 = arith.constant 0 : i32
      %cond3A_231 = arith.cmpi ne, %convert_element_type3A_229, %cond3A_230 : i32
      scf.if %cond3A_231 {
        %dma_wait3A_264 = tpu.memref_slice %arg3[%mul3A_2] : memref<322560xi32, #tpu.memory_space<hbm>> -> memref<80xi32, #tpu.memory_space<hbm>>
        %dma_wait3A_265 = tpu.memref_slice %arg3[%mul3A_2] : memref<322560xi32, #tpu.memory_space<hbm>> -> memref<80xi32, #tpu.memory_space<hbm>>
        tpu.wait_dma2 semaphore(%arg17 : memref<!tpu.dma_semaphore, #tpu.memory_space<semaphore_mem>>) src(%dma_wait3A_265 : memref<80xi32, #tpu.memory_space<hbm>>) dst(%arg6 : memref<80xi32, #tpu.memory_space<vmem>>)
        %dma_start3A_266 = arith.constant 0 : i32
        %dma_start3A_267 = arith.constant 0 : i32
        %dma_start3A_268 = tpu.memref_slice %arg2[%dma_start3A_266, %dma_start3A_267] : memref<10240x128xf32, #tpu.memory_space<hbm>> -> memref<10240x128xf32, #tpu.memory_space<hbm>>
        tpu.enqueue_indirect_dma source(%dma_start3A_268 : memref<10240x128xf32, #tpu.memory_space<hbm>>) target(%arg13 : memref<80x128xf32, #tpu.memory_space<vmem>>) offsets(%arg6 : memref<80xi32, #tpu.memory_space<vmem>>) semaphore(%arg24 : memref<!tpu.dma_semaphore, #tpu.memory_space<semaphore_mem>>)
      } else {
      }
      %mul3A_232 = arith.constant 6 : i32
      %mul3A_233 = arith.muli %scan3A_75, %mul3A_232 : i32
      %add3A_234 = arith.constant 5 : i32
      %add3A_235 = arith.addi %mul3A_233, %add3A_234 : i32
      %dma_wait3A_236 = arith.constant 0 : i32
      %dma_wait3A_237 = arith.constant 0 : i32
      %dma_wait3A_238 = tpu.memref_slice %arg2[%dma_wait3A_236, %dma_wait3A_237] : memref<10240x128xf32, #tpu.memory_space<hbm>> -> memref<10240x128xf32, #tpu.memory_space<hbm>>
      tpu.wait_indirect_dma semaphore(%arg26 : memref<!tpu.dma_semaphore, #tpu.memory_space<semaphore_mem>>) src(%dma_wait3A_238 : memref<10240x128xf32, #tpu.memory_space<hbm>>) dst(%arg15 : memref<80x128xf32, #tpu.memory_space<vmem>>)
      %add3A_239 = arith.constant 6 : i32
      %add3A_240 = arith.addi %add3A_235, %add3A_239 : i32
      %lt3A_241 = arith.constant 126 : i32
      %lt3A_242 = arith.cmpi slt, %add3A_240, %lt3A_241 : i32
      %convert_element_type3A_243 = arith.extui %lt3A_242 : i1 to i32
      %cond3A_244 = arith.constant 0 : i32
      %cond3A_245 = arith.cmpi ne, %convert_element_type3A_243, %cond3A_244 : i32
      scf.if %cond3A_245 {
        %add3A_264 = arith.constant 6 : i32
        %add3A_265 = arith.addi %add3A_235, %add3A_264 : i32
        %mul3A_266 = arith.constant 80 : i32
        %mul3A_267 = arith.muli %add3A_265, %mul3A_266 : i32
        %add3A_268 = arith.addi %mul3A_2, %mul3A_267 : i32
        %dma_start3A_269 = tpu.memref_slice %arg3[%add3A_268] : memref<322560xi32, #tpu.memory_space<hbm>> -> memref<80xi32, #tpu.memory_space<hbm>>
        %dma_start3A_270 = tpu.memref_slice %arg3[%add3A_268] : memref<322560xi32, #tpu.memory_space<hbm>> -> memref<80xi32, #tpu.memory_space<hbm>>
        tpu.enqueue_dma source(%dma_start3A_270 : memref<80xi32, #tpu.memory_space<hbm>>) target(%arg11 : memref<80xi32, #tpu.memory_space<vmem>>) target_semaphore(%arg22 : memref<!tpu.dma_semaphore, #tpu.memory_space<semaphore_mem>>)
      } else {
      }
      %mul3A_246 = arith.constant 80 : i32
      %mul3A_247 = arith.muli %add3A_235, %mul3A_246 : i32
      %dma_start3A_248 = tpu.memref_slice %arg12[%mul3A_247] : memref<10080xi32, #tpu.memory_space<vmem>> -> memref<80xi32, #tpu.memory_space<vmem>>
      %dma_start3A_249 = arith.constant 0 : i32
      %dma_start3A_250 = arith.constant 0 : i32
      %dma_start3A_251 = tpu.memref_slice %arg16[%dma_start3A_249, %dma_start3A_250] : memref<10240x128xf32, #tpu.memory_space<vmem_shared>> -> memref<10240x128xf32, #tpu.memory_space<vmem_shared>>
      tpu.enqueue_indirect_dma source(%arg15 : memref<80x128xf32, #tpu.memory_space<vmem>>) target(%dma_start3A_251 : memref<10240x128xf32, #tpu.memory_space<vmem_shared>>) offsets(%dma_start3A_248 : memref<80xi32, #tpu.memory_space<vmem>>) semaphore(%arg29 : memref<!tpu.dma_semaphore, #tpu.memory_space<semaphore_mem>>) {add = true}
      %ge3A_252 = arith.constant 1 : i32
      %ge3A_253 = arith.cmpi sge, %add3A_235, %ge3A_252 : i32
      %convert_element_type3A_254 = arith.extui %ge3A_253 : i1 to i32
      %cond3A_255 = arith.constant 0 : i32
      %cond3A_256 = arith.cmpi ne, %convert_element_type3A_254, %cond3A_255 : i32
      scf.if %cond3A_256 {
        %sub3A = arith.constant 1 : i32
        %sub3A_264 = arith.subi %add3A_235, %sub3A : i32
        %mul3A_265 = arith.constant 80 : i32
        %mul3A_266 = arith.muli %sub3A_264, %mul3A_265 : i32
        %dma_wait3A_267 = tpu.memref_slice %arg12[%mul3A_266] : memref<10080xi32, #tpu.memory_space<vmem>> -> memref<80xi32, #tpu.memory_space<vmem>>
        %dma_wait3A_268 = arith.constant 0 : i32
        %dma_wait3A_269 = arith.constant 0 : i32
        %dma_wait3A_270 = tpu.memref_slice %arg16[%dma_wait3A_268, %dma_wait3A_269] : memref<10240x128xf32, #tpu.memory_space<vmem_shared>> -> memref<10240x128xf32, #tpu.memory_space<vmem_shared>>
        tpu.wait_indirect_dma semaphore(%arg28 : memref<!tpu.dma_semaphore, #tpu.memory_space<semaphore_mem>>) src(%arg14 : memref<80x128xf32, #tpu.memory_space<vmem>>) dst(%dma_wait3A_270 : memref<10240x128xf32, #tpu.memory_space<vmem_shared>>)
      } else {
      }
      %add3A_257 = arith.constant 2 : i32
      %add3A_258 = arith.addi %add3A_235, %add3A_257 : i32
      %lt3A_259 = arith.constant 126 : i32
      %lt3A_260 = arith.cmpi slt, %add3A_258, %lt3A_259 : i32
      %convert_element_type3A_261 = arith.extui %lt3A_260 : i1 to i32
      %cond3A_262 = arith.constant 0 : i32
      %cond3A_263 = arith.cmpi ne, %convert_element_type3A_261, %cond3A_262 : i32
      scf.if %cond3A_263 {
        %dma_wait3A_264 = tpu.memref_slice %arg3[%mul3A_2] : memref<322560xi32, #tpu.memory_space<hbm>> -> memref<80xi32, #tpu.memory_space<hbm>>
        %dma_wait3A_265 = tpu.memref_slice %arg3[%mul3A_2] : memref<322560xi32, #tpu.memory_space<hbm>> -> memref<80xi32, #tpu.memory_space<hbm>>
        tpu.wait_dma2 semaphore(%arg18 : memref<!tpu.dma_semaphore, #tpu.memory_space<semaphore_mem>>) src(%dma_wait3A_265 : memref<80xi32, #tpu.memory_space<hbm>>) dst(%arg7 : memref<80xi32, #tpu.memory_space<vmem>>)
        %dma_start3A_266 = arith.constant 0 : i32
        %dma_start3A_267 = arith.constant 0 : i32
        %dma_start3A_268 = tpu.memref_slice %arg2[%dma_start3A_266, %dma_start3A_267] : memref<10240x128xf32, #tpu.memory_space<hbm>> -> memref<10240x128xf32, #tpu.memory_space<hbm>>
        tpu.enqueue_indirect_dma source(%dma_start3A_268 : memref<10240x128xf32, #tpu.memory_space<hbm>>) target(%arg14 : memref<80x128xf32, #tpu.memory_space<vmem>>) offsets(%arg7 : memref<80xi32, #tpu.memory_space<vmem>>) semaphore(%arg25 : memref<!tpu.dma_semaphore, #tpu.memory_space<semaphore_mem>>)
      } else {
      }
    }
    %scan3A_68 = arith.constant 21 : i32
    %dma_wait3A_69 = arith.constant 10000 : i32
    %dma_wait3A_70 = tpu.memref_slice %arg12[%dma_wait3A_69] : memref<10080xi32, #tpu.memory_space<vmem>> -> memref<80xi32, #tpu.memory_space<vmem>>
    %dma_wait3A_71 = arith.constant 0 : i32
    %dma_wait3A_72 = arith.constant 0 : i32
    %dma_wait3A_73 = tpu.memref_slice %arg16[%dma_wait3A_71, %dma_wait3A_72] : memref<10240x128xf32, #tpu.memory_space<vmem_shared>> -> memref<10240x128xf32, #tpu.memory_space<vmem_shared>>
    tpu.wait_indirect_dma semaphore(%arg29 : memref<!tpu.dma_semaphore, #tpu.memory_space<semaphore_mem>>) src(%arg15 : memref<80x128xf32, #tpu.memory_space<vmem>>) dst(%dma_wait3A_73 : memref<10240x128xf32, #tpu.memory_space<vmem_shared>>)
    %barrier3A_74 = arith.constant 0 : index
    tpu.barrier barrier_id(%barrier3A_74)
    "tpu.region"() ({
      %run_scoped3A = tpu.sem_alloc : memref<!tpu.dma_semaphore, #tpu.memory_space<semaphore_mem>>
      %dma_start3A_75 = arith.constant 0 : i32
      %dma_start3A_76 = tpu.memref_slice %arg5[%arg0, %mul3A_11, %dma_start3A_75] : memref<2x10240x128xf32, #tpu.memory_space<hbm>> -> memref<1x640x128xf32, #tpu.memory_space<hbm>>
      %dma_start3A_77 = tpu.memref_squeeze %dma_start3A_76 : memref<1x640x128xf32, #tpu.memory_space<hbm>> -> memref<640x128xf32, #tpu.memory_space<hbm>>
      %dma_start3A_78 = arith.constant 0 : i32
      %dma_start3A_79 = tpu.memref_slice %arg16[%mul3A_11, %dma_start3A_78] : memref<10240x128xf32, #tpu.memory_space<vmem_shared>> -> memref<640x128xf32, #tpu.memory_space<vmem_shared>>
      tpu.enqueue_dma source(%dma_start3A_79 : memref<640x128xf32, #tpu.memory_space<vmem_shared>>) target(%dma_start3A_77 : memref<640x128xf32, #tpu.memory_space<hbm>>) target_semaphore(%run_scoped3A : memref<!tpu.dma_semaphore, #tpu.memory_space<semaphore_mem>>)
      %dma_wait3A_80 = arith.constant 0 : i32
      %dma_wait3A_81 = tpu.memref_slice %arg5[%arg0, %mul3A_11, %dma_wait3A_80] : memref<2x10240x128xf32, #tpu.memory_space<hbm>> -> memref<1x640x128xf32, #tpu.memory_space<hbm>>
      %dma_wait3A_82 = tpu.memref_squeeze %dma_wait3A_81 : memref<1x640x128xf32, #tpu.memory_space<hbm>> -> memref<640x128xf32, #tpu.memory_space<hbm>>
      %dma_wait3A_83 = arith.constant 0 : i32
      %dma_wait3A_84 = tpu.memref_slice %arg16[%mul3A_11, %dma_wait3A_83] : memref<10240x128xf32, #tpu.memory_space<vmem_shared>> -> memref<640x128xf32, #tpu.memory_space<vmem_shared>>
      tpu.wait_dma2 semaphore(%run_scoped3A : memref<!tpu.dma_semaphore, #tpu.memory_space<semaphore_mem>>) src(%dma_wait3A_84 : memref<640x128xf32, #tpu.memory_space<vmem_shared>>) dst(%dma_wait3A_82 : memref<640x128xf32, #tpu.memory_space<hbm>>)
      tpu.yield
    }) : () -> ()
    return
  }
}

#map = affine_map<(d0, d1) -> (0, 0)>
#map1 = affine_map<(d0, d1) -> (0, 0, 0)>
module attributes {stable_mosaic.version = 14 : i64} {
  func.func @_degree_body(%arg0: i32, %arg1: i32, %arg2: memref<4096x80xi32, #tpu.memory_space<hbm>>, %arg3: memref<4096x80xi32, #tpu.memory_space<hbm>>, %arg4: memref<2x2x10240xf32, #tpu.memory_space<hbm>>, %arg5: memref<8x80xi32, #tpu.memory_space<vmem>>, %arg6: memref<8x80xi32, #tpu.memory_space<vmem>>, %arg7: memref<80xf32, #tpu.memory_space<vmem>>, %arg8: memref<640xf32, #tpu.memory_space<vmem>>, %arg9: memref<10240xf32, #tpu.memory_space<vmem_shared>>, %arg10: memref<10240xf32, #tpu.memory_space<vmem_shared>>, %arg11: memref<!tpu.dma_semaphore, #tpu.memory_space<semaphore_mem>>, %arg12: memref<!tpu.dma_semaphore, #tpu.memory_space<semaphore_mem>>) attributes {dimension_semantics = [#tpu.dimension_semantics<core_parallel>, #tpu.dimension_semantics<subcore_parallel>], iteration_bounds = array<i64: 2, 16>, scalar_prefetch = 0 : i64, scratch_operands = 8 : i64, tpu.core_type = #tpu.core_type<sc_vector_subcore>, window_params = [{transform_indices = #map}, {transform_indices = #map}, {transform_indices = #map1}]} {
    %mul3A = arith.constant 16 : i32
    %mul3A_0 = arith.muli %arg0, %mul3A : i32
    %add3A = arith.addi %mul3A_0, %arg1 : i32
    %broadcast_in_dim3A = arith.constant 0.000000e+00 : f32
    %broadcast_in_dim3A_1 = vector.broadcast %broadcast_in_dim3A : f32 to vector<16xf32>
    %broadcast_in_dim3A_2 = arith.constant 1.000000e+00 : f32
    %broadcast_in_dim3A_3 = vector.broadcast %broadcast_in_dim3A_2 : f32 to vector<16xf32>
    %swap3A = arith.constant 0 : index
    %swap3A_4 = tpu.vector_load %arg7[%swap3A] {strides = array<i32>} : memref<80xf32, #tpu.memory_space<vmem>>, vector<16xf32>,
    %swap3A_5 = vector.shape_cast %swap3A_4 : vector<16xf32> to vector<16xf32>
    %swap3A_6 = vector.shape_cast %broadcast_in_dim3A_3 : vector<16xf32> to vector<16xf32>
    tpu.vector_store %arg7[%swap3A], %swap3A_6 {strides = array<i32>} : memref<80xf32, #tpu.memory_space<vmem>>, vector<16xf32>,
    %broadcast_in_dim3A_7 = arith.constant 1.000000e+00 : f32
    %broadcast_in_dim3A_8 = vector.broadcast %broadcast_in_dim3A_7 : f32 to vector<16xf32>
    %swap3A_9 = arith.constant 16 : index
    %swap3A_10 = tpu.vector_load %arg7[%swap3A_9] {strides = array<i32>} : memref<80xf32, #tpu.memory_space<vmem>>, vector<16xf32>,
    %swap3A_11 = vector.shape_cast %swap3A_10 : vector<16xf32> to vector<16xf32>
    %swap3A_12 = vector.shape_cast %broadcast_in_dim3A_8 : vector<16xf32> to vector<16xf32>
    tpu.vector_store %arg7[%swap3A_9], %swap3A_12 {strides = array<i32>} : memref<80xf32, #tpu.memory_space<vmem>>, vector<16xf32>,
    %broadcast_in_dim3A_13 = arith.constant 1.000000e+00 : f32
    %broadcast_in_dim3A_14 = vector.broadcast %broadcast_in_dim3A_13 : f32 to vector<16xf32>
    %swap3A_15 = arith.constant 32 : index
    %swap3A_16 = tpu.vector_load %arg7[%swap3A_15] {strides = array<i32>} : memref<80xf32, #tpu.memory_space<vmem>>, vector<16xf32>,
    %swap3A_17 = vector.shape_cast %swap3A_16 : vector<16xf32> to vector<16xf32>
    %swap3A_18 = vector.shape_cast %broadcast_in_dim3A_14 : vector<16xf32> to vector<16xf32>
    tpu.vector_store %arg7[%swap3A_15], %swap3A_18 {strides = array<i32>} : memref<80xf32, #tpu.memory_space<vmem>>, vector<16xf32>,
    %broadcast_in_dim3A_19 = arith.constant 1.000000e+00 : f32
    %broadcast_in_dim3A_20 = vector.broadcast %broadcast_in_dim3A_19 : f32 to vector<16xf32>
    %swap3A_21 = arith.constant 48 : index
    %swap3A_22 = tpu.vector_load %arg7[%swap3A_21] {strides = array<i32>} : memref<80xf32, #tpu.memory_space<vmem>>, vector<16xf32>,
    %swap3A_23 = vector.shape_cast %swap3A_22 : vector<16xf32> to vector<16xf32>
    %swap3A_24 = vector.shape_cast %broadcast_in_dim3A_20 : vector<16xf32> to vector<16xf32>
    tpu.vector_store %arg7[%swap3A_21], %swap3A_24 {strides = array<i32>} : memref<80xf32, #tpu.memory_space<vmem>>, vector<16xf32>,
    %broadcast_in_dim3A_25 = arith.constant 1.000000e+00 : f32
    %broadcast_in_dim3A_26 = vector.broadcast %broadcast_in_dim3A_25 : f32 to vector<16xf32>
    %swap3A_27 = arith.constant 64 : index
    %swap3A_28 = tpu.vector_load %arg7[%swap3A_27] {strides = array<i32>} : memref<80xf32, #tpu.memory_space<vmem>>, vector<16xf32>,
    %swap3A_29 = vector.shape_cast %swap3A_28 : vector<16xf32> to vector<16xf32>
    %swap3A_30 = vector.shape_cast %broadcast_in_dim3A_26 : vector<16xf32> to vector<16xf32>
    tpu.vector_store %arg7[%swap3A_27], %swap3A_30 {strides = array<i32>} : memref<80xf32, #tpu.memory_space<vmem>>, vector<16xf32>,
    %swap3A_31 = arith.constant 0 : index
    %swap3A_32 = tpu.vector_load %arg8[%swap3A_31] {strides = array<i32>} : memref<640xf32, #tpu.memory_space<vmem>>, vector<16xf32>,
    %swap3A_33 = vector.shape_cast %swap3A_32 : vector<16xf32> to vector<16xf32>
    %swap3A_34 = vector.shape_cast %broadcast_in_dim3A_1 : vector<16xf32> to vector<16xf32>
    tpu.vector_store %arg8[%swap3A_31], %swap3A_34 {strides = array<i32>} : memref<640xf32, #tpu.memory_space<vmem>>, vector<16xf32>,
    %swap3A_35 = arith.constant 16 : index
    %swap3A_36 = tpu.vector_load %arg8[%swap3A_35] {strides = array<i32>} : memref<640xf32, #tpu.memory_space<vmem>>, vector<16xf32>,
    %swap3A_37 = vector.shape_cast %swap3A_36 : vector<16xf32> to vector<16xf32>
    %swap3A_38 = vector.shape_cast %broadcast_in_dim3A_1 : vector<16xf32> to vector<16xf32>
    tpu.vector_store %arg8[%swap3A_35], %swap3A_38 {strides = array<i32>} : memref<640xf32, #tpu.memory_space<vmem>>, vector<16xf32>,
    %swap3A_39 = arith.constant 32 : index
    %swap3A_40 = tpu.vector_load %arg8[%swap3A_39] {strides = array<i32>} : memref<640xf32, #tpu.memory_space<vmem>>, vector<16xf32>,
    %swap3A_41 = vector.shape_cast %swap3A_40 : vector<16xf32> to vector<16xf32>
    %swap3A_42 = vector.shape_cast %broadcast_in_dim3A_1 : vector<16xf32> to vector<16xf32>
    tpu.vector_store %arg8[%swap3A_39], %swap3A_42 {strides = array<i32>} : memref<640xf32, #tpu.memory_space<vmem>>, vector<16xf32>,
    %swap3A_43 = arith.constant 48 : index
    %swap3A_44 = tpu.vector_load %arg8[%swap3A_43] {strides = array<i32>} : memref<640xf32, #tpu.memory_space<vmem>>, vector<16xf32>,
    %swap3A_45 = vector.shape_cast %swap3A_44 : vector<16xf32> to vector<16xf32>
    %swap3A_46 = vector.shape_cast %broadcast_in_dim3A_1 : vector<16xf32> to vector<16xf32>
    tpu.vector_store %arg8[%swap3A_43], %swap3A_46 {strides = array<i32>} : memref<640xf32, #tpu.memory_space<vmem>>, vector<16xf32>,
    %swap3A_47 = arith.constant 64 : index
    %swap3A_48 = tpu.vector_load %arg8[%swap3A_47] {strides = array<i32>} : memref<640xf32, #tpu.memory_space<vmem>>, vector<16xf32>,
    %swap3A_49 = vector.shape_cast %swap3A_48 : vector<16xf32> to vector<16xf32>
    %swap3A_50 = vector.shape_cast %broadcast_in_dim3A_1 : vector<16xf32> to vector<16xf32>
    tpu.vector_store %arg8[%swap3A_47], %swap3A_50 {strides = array<i32>} : memref<640xf32, #tpu.memory_space<vmem>>, vector<16xf32>,
    %swap3A_51 = arith.constant 80 : index
    %swap3A_52 = tpu.vector_load %arg8[%swap3A_51] {strides = array<i32>} : memref<640xf32, #tpu.memory_space<vmem>>, vector<16xf32>,
    %swap3A_53 = vector.shape_cast %swap3A_52 : vector<16xf32> to vector<16xf32>
    %swap3A_54 = vector.shape_cast %broadcast_in_dim3A_1 : vector<16xf32> to vector<16xf32>
    tpu.vector_store %arg8[%swap3A_51], %swap3A_54 {strides = array<i32>} : memref<640xf32, #tpu.memory_space<vmem>>, vector<16xf32>,
    %swap3A_55 = arith.constant 96 : index
    %swap3A_56 = tpu.vector_load %arg8[%swap3A_55] {strides = array<i32>} : memref<640xf32, #tpu.memory_space<vmem>>, vector<16xf32>,
    %swap3A_57 = vector.shape_cast %swap3A_56 : vector<16xf32> to vector<16xf32>
    %swap3A_58 = vector.shape_cast %broadcast_in_dim3A_1 : vector<16xf32> to vector<16xf32>
    tpu.vector_store %arg8[%swap3A_55], %swap3A_58 {strides = array<i32>} : memref<640xf32, #tpu.memory_space<vmem>>, vector<16xf32>,
    %swap3A_59 = arith.constant 112 : index
    %swap3A_60 = tpu.vector_load %arg8[%swap3A_59] {strides = array<i32>} : memref<640xf32, #tpu.memory_space<vmem>>, vector<16xf32>,
    %swap3A_61 = vector.shape_cast %swap3A_60 : vector<16xf32> to vector<16xf32>
    %swap3A_62 = vector.shape_cast %broadcast_in_dim3A_1 : vector<16xf32> to vector<16xf32>
    tpu.vector_store %arg8[%swap3A_59], %swap3A_62 {strides = array<i32>} : memref<640xf32, #tpu.memory_space<vmem>>, vector<16xf32>,
    %swap3A_63 = arith.constant 128 : index
    %swap3A_64 = tpu.vector_load %arg8[%swap3A_63] {strides = array<i32>} : memref<640xf32, #tpu.memory_space<vmem>>, vector<16xf32>,
    %swap3A_65 = vector.shape_cast %swap3A_64 : vector<16xf32> to vector<16xf32>
    %swap3A_66 = vector.shape_cast %broadcast_in_dim3A_1 : vector<16xf32> to vector<16xf32>
    tpu.vector_store %arg8[%swap3A_63], %swap3A_66 {strides = array<i32>} : memref<640xf32, #tpu.memory_space<vmem>>, vector<16xf32>,
    %swap3A_67 = arith.constant 144 : index
    %swap3A_68 = tpu.vector_load %arg8[%swap3A_67] {strides = array<i32>} : memref<640xf32, #tpu.memory_space<vmem>>, vector<16xf32>,
    %swap3A_69 = vector.shape_cast %swap3A_68 : vector<16xf32> to vector<16xf32>
    %swap3A_70 = vector.shape_cast %broadcast_in_dim3A_1 : vector<16xf32> to vector<16xf32>
    tpu.vector_store %arg8[%swap3A_67], %swap3A_70 {strides = array<i32>} : memref<640xf32, #tpu.memory_space<vmem>>, vector<16xf32>,
    %swap3A_71 = arith.constant 160 : index
    %swap3A_72 = tpu.vector_load %arg8[%swap3A_71] {strides = array<i32>} : memref<640xf32, #tpu.memory_space<vmem>>, vector<16xf32>,
    %swap3A_73 = vector.shape_cast %swap3A_72 : vector<16xf32> to vector<16xf32>
    %swap3A_74 = vector.shape_cast %broadcast_in_dim3A_1 : vector<16xf32> to vector<16xf32>
    tpu.vector_store %arg8[%swap3A_71], %swap3A_74 {strides = array<i32>} : memref<640xf32, #tpu.memory_space<vmem>>, vector<16xf32>,
    %swap3A_75 = arith.constant 176 : index
    %swap3A_76 = tpu.vector_load %arg8[%swap3A_75] {strides = array<i32>} : memref<640xf32, #tpu.memory_space<vmem>>, vector<16xf32>,
    %swap3A_77 = vector.shape_cast %swap3A_76 : vector<16xf32> to vector<16xf32>
    %swap3A_78 = vector.shape_cast %broadcast_in_dim3A_1 : vector<16xf32> to vector<16xf32>
    tpu.vector_store %arg8[%swap3A_75], %swap3A_78 {strides = array<i32>} : memref<640xf32, #tpu.memory_space<vmem>>, vector<16xf32>,
    %swap3A_79 = arith.constant 192 : index
    %swap3A_80 = tpu.vector_load %arg8[%swap3A_79] {strides = array<i32>} : memref<640xf32, #tpu.memory_space<vmem>>, vector<16xf32>,
    %swap3A_81 = vector.shape_cast %swap3A_80 : vector<16xf32> to vector<16xf32>
    %swap3A_82 = vector.shape_cast %broadcast_in_dim3A_1 : vector<16xf32> to vector<16xf32>
    tpu.vector_store %arg8[%swap3A_79], %swap3A_82 {strides = array<i32>} : memref<640xf32, #tpu.memory_space<vmem>>, vector<16xf32>,
    %swap3A_83 = arith.constant 208 : index
    %swap3A_84 = tpu.vector_load %arg8[%swap3A_83] {strides = array<i32>} : memref<640xf32, #tpu.memory_space<vmem>>, vector<16xf32>,
    %swap3A_85 = vector.shape_cast %swap3A_84 : vector<16xf32> to vector<16xf32>
    %swap3A_86 = vector.shape_cast %broadcast_in_dim3A_1 : vector<16xf32> to vector<16xf32>
    tpu.vector_store %arg8[%swap3A_83], %swap3A_86 {strides = array<i32>} : memref<640xf32, #tpu.memory_space<vmem>>, vector<16xf32>,
    %swap3A_87 = arith.constant 224 : index
    %swap3A_88 = tpu.vector_load %arg8[%swap3A_87] {strides = array<i32>} : memref<640xf32, #tpu.memory_space<vmem>>, vector<16xf32>,
    %swap3A_89 = vector.shape_cast %swap3A_88 : vector<16xf32> to vector<16xf32>
    %swap3A_90 = vector.shape_cast %broadcast_in_dim3A_1 : vector<16xf32> to vector<16xf32>
    tpu.vector_store %arg8[%swap3A_87], %swap3A_90 {strides = array<i32>} : memref<640xf32, #tpu.memory_space<vmem>>, vector<16xf32>,
    %swap3A_91 = arith.constant 240 : index
    %swap3A_92 = tpu.vector_load %arg8[%swap3A_91] {strides = array<i32>} : memref<640xf32, #tpu.memory_space<vmem>>, vector<16xf32>,
    %swap3A_93 = vector.shape_cast %swap3A_92 : vector<16xf32> to vector<16xf32>
    %swap3A_94 = vector.shape_cast %broadcast_in_dim3A_1 : vector<16xf32> to vector<16xf32>
    tpu.vector_store %arg8[%swap3A_91], %swap3A_94 {strides = array<i32>} : memref<640xf32, #tpu.memory_space<vmem>>, vector<16xf32>,
    %swap3A_95 = arith.constant 256 : index
    %swap3A_96 = tpu.vector_load %arg8[%swap3A_95] {strides = array<i32>} : memref<640xf32, #tpu.memory_space<vmem>>, vector<16xf32>,
    %swap3A_97 = vector.shape_cast %swap3A_96 : vector<16xf32> to vector<16xf32>
    %swap3A_98 = vector.shape_cast %broadcast_in_dim3A_1 : vector<16xf32> to vector<16xf32>
    tpu.vector_store %arg8[%swap3A_95], %swap3A_98 {strides = array<i32>} : memref<640xf32, #tpu.memory_space<vmem>>, vector<16xf32>,
    %swap3A_99 = arith.constant 272 : index
    %swap3A_100 = tpu.vector_load %arg8[%swap3A_99] {strides = array<i32>} : memref<640xf32, #tpu.memory_space<vmem>>, vector<16xf32>,
    %swap3A_101 = vector.shape_cast %swap3A_100 : vector<16xf32> to vector<16xf32>
    %swap3A_102 = vector.shape_cast %broadcast_in_dim3A_1 : vector<16xf32> to vector<16xf32>
    tpu.vector_store %arg8[%swap3A_99], %swap3A_102 {strides = array<i32>} : memref<640xf32, #tpu.memory_space<vmem>>, vector<16xf32>,
    %swap3A_103 = arith.constant 288 : index
    %swap3A_104 = tpu.vector_load %arg8[%swap3A_103] {strides = array<i32>} : memref<640xf32, #tpu.memory_space<vmem>>, vector<16xf32>,
    %swap3A_105 = vector.shape_cast %swap3A_104 : vector<16xf32> to vector<16xf32>
    %swap3A_106 = vector.shape_cast %broadcast_in_dim3A_1 : vector<16xf32> to vector<16xf32>
    tpu.vector_store %arg8[%swap3A_103], %swap3A_106 {strides = array<i32>} : memref<640xf32, #tpu.memory_space<vmem>>, vector<16xf32>,
    %swap3A_107 = arith.constant 304 : index
    %swap3A_108 = tpu.vector_load %arg8[%swap3A_107] {strides = array<i32>} : memref<640xf32, #tpu.memory_space<vmem>>, vector<16xf32>,
    %swap3A_109 = vector.shape_cast %swap3A_108 : vector<16xf32> to vector<16xf32>
    %swap3A_110 = vector.shape_cast %broadcast_in_dim3A_1 : vector<16xf32> to vector<16xf32>
    tpu.vector_store %arg8[%swap3A_107], %swap3A_110 {strides = array<i32>} : memref<640xf32, #tpu.memory_space<vmem>>, vector<16xf32>,
    %swap3A_111 = arith.constant 320 : index
    %swap3A_112 = tpu.vector_load %arg8[%swap3A_111] {strides = array<i32>} : memref<640xf32, #tpu.memory_space<vmem>>, vector<16xf32>,
    %swap3A_113 = vector.shape_cast %swap3A_112 : vector<16xf32> to vector<16xf32>
    %swap3A_114 = vector.shape_cast %broadcast_in_dim3A_1 : vector<16xf32> to vector<16xf32>
    tpu.vector_store %arg8[%swap3A_111], %swap3A_114 {strides = array<i32>} : memref<640xf32, #tpu.memory_space<vmem>>, vector<16xf32>,
    %swap3A_115 = arith.constant 336 : index
    %swap3A_116 = tpu.vector_load %arg8[%swap3A_115] {strides = array<i32>} : memref<640xf32, #tpu.memory_space<vmem>>, vector<16xf32>,
    %swap3A_117 = vector.shape_cast %swap3A_116 : vector<16xf32> to vector<16xf32>
    %swap3A_118 = vector.shape_cast %broadcast_in_dim3A_1 : vector<16xf32> to vector<16xf32>
    tpu.vector_store %arg8[%swap3A_115], %swap3A_118 {strides = array<i32>} : memref<640xf32, #tpu.memory_space<vmem>>, vector<16xf32>,
    %swap3A_119 = arith.constant 352 : index
    %swap3A_120 = tpu.vector_load %arg8[%swap3A_119] {strides = array<i32>} : memref<640xf32, #tpu.memory_space<vmem>>, vector<16xf32>,
    %swap3A_121 = vector.shape_cast %swap3A_120 : vector<16xf32> to vector<16xf32>
    %swap3A_122 = vector.shape_cast %broadcast_in_dim3A_1 : vector<16xf32> to vector<16xf32>
    tpu.vector_store %arg8[%swap3A_119], %swap3A_122 {strides = array<i32>} : memref<640xf32, #tpu.memory_space<vmem>>, vector<16xf32>,
    %swap3A_123 = arith.constant 368 : index
    %swap3A_124 = tpu.vector_load %arg8[%swap3A_123] {strides = array<i32>} : memref<640xf32, #tpu.memory_space<vmem>>, vector<16xf32>,
    %swap3A_125 = vector.shape_cast %swap3A_124 : vector<16xf32> to vector<16xf32>
    %swap3A_126 = vector.shape_cast %broadcast_in_dim3A_1 : vector<16xf32> to vector<16xf32>
    tpu.vector_store %arg8[%swap3A_123], %swap3A_126 {strides = array<i32>} : memref<640xf32, #tpu.memory_space<vmem>>, vector<16xf32>,
    %swap3A_127 = arith.constant 384 : index
    %swap3A_128 = tpu.vector_load %arg8[%swap3A_127] {strides = array<i32>} : memref<640xf32, #tpu.memory_space<vmem>>, vector<16xf32>,
    %swap3A_129 = vector.shape_cast %swap3A_128 : vector<16xf32> to vector<16xf32>
    %swap3A_130 = vector.shape_cast %broadcast_in_dim3A_1 : vector<16xf32> to vector<16xf32>
    tpu.vector_store %arg8[%swap3A_127], %swap3A_130 {strides = array<i32>} : memref<640xf32, #tpu.memory_space<vmem>>, vector<16xf32>,
    %swap3A_131 = arith.constant 400 : index
    %swap3A_132 = tpu.vector_load %arg8[%swap3A_131] {strides = array<i32>} : memref<640xf32, #tpu.memory_space<vmem>>, vector<16xf32>,
    %swap3A_133 = vector.shape_cast %swap3A_132 : vector<16xf32> to vector<16xf32>
    %swap3A_134 = vector.shape_cast %broadcast_in_dim3A_1 : vector<16xf32> to vector<16xf32>
    tpu.vector_store %arg8[%swap3A_131], %swap3A_134 {strides = array<i32>} : memref<640xf32, #tpu.memory_space<vmem>>, vector<16xf32>,
    %swap3A_135 = arith.constant 416 : index
    %swap3A_136 = tpu.vector_load %arg8[%swap3A_135] {strides = array<i32>} : memref<640xf32, #tpu.memory_space<vmem>>, vector<16xf32>,
    %swap3A_137 = vector.shape_cast %swap3A_136 : vector<16xf32> to vector<16xf32>
    %swap3A_138 = vector.shape_cast %broadcast_in_dim3A_1 : vector<16xf32> to vector<16xf32>
    tpu.vector_store %arg8[%swap3A_135], %swap3A_138 {strides = array<i32>} : memref<640xf32, #tpu.memory_space<vmem>>, vector<16xf32>,
    %swap3A_139 = arith.constant 432 : index
    %swap3A_140 = tpu.vector_load %arg8[%swap3A_139] {strides = array<i32>} : memref<640xf32, #tpu.memory_space<vmem>>, vector<16xf32>,
    %swap3A_141 = vector.shape_cast %swap3A_140 : vector<16xf32> to vector<16xf32>
    %swap3A_142 = vector.shape_cast %broadcast_in_dim3A_1 : vector<16xf32> to vector<16xf32>
    tpu.vector_store %arg8[%swap3A_139], %swap3A_142 {strides = array<i32>} : memref<640xf32, #tpu.memory_space<vmem>>, vector<16xf32>,
    %swap3A_143 = arith.constant 448 : index
    %swap3A_144 = tpu.vector_load %arg8[%swap3A_143] {strides = array<i32>} : memref<640xf32, #tpu.memory_space<vmem>>, vector<16xf32>,
    %swap3A_145 = vector.shape_cast %swap3A_144 : vector<16xf32> to vector<16xf32>
    %swap3A_146 = vector.shape_cast %broadcast_in_dim3A_1 : vector<16xf32> to vector<16xf32>
    tpu.vector_store %arg8[%swap3A_143], %swap3A_146 {strides = array<i32>} : memref<640xf32, #tpu.memory_space<vmem>>, vector<16xf32>,
    %swap3A_147 = arith.constant 464 : index
    %swap3A_148 = tpu.vector_load %arg8[%swap3A_147] {strides = array<i32>} : memref<640xf32, #tpu.memory_space<vmem>>, vector<16xf32>,
    %swap3A_149 = vector.shape_cast %swap3A_148 : vector<16xf32> to vector<16xf32>
    %swap3A_150 = vector.shape_cast %broadcast_in_dim3A_1 : vector<16xf32> to vector<16xf32>
    tpu.vector_store %arg8[%swap3A_147], %swap3A_150 {strides = array<i32>} : memref<640xf32, #tpu.memory_space<vmem>>, vector<16xf32>,
    %swap3A_151 = arith.constant 480 : index
    %swap3A_152 = tpu.vector_load %arg8[%swap3A_151] {strides = array<i32>} : memref<640xf32, #tpu.memory_space<vmem>>, vector<16xf32>,
    %swap3A_153 = vector.shape_cast %swap3A_152 : vector<16xf32> to vector<16xf32>
    %swap3A_154 = vector.shape_cast %broadcast_in_dim3A_1 : vector<16xf32> to vector<16xf32>
    tpu.vector_store %arg8[%swap3A_151], %swap3A_154 {strides = array<i32>} : memref<640xf32, #tpu.memory_space<vmem>>, vector<16xf32>,
    %swap3A_155 = arith.constant 496 : index
    %swap3A_156 = tpu.vector_load %arg8[%swap3A_155] {strides = array<i32>} : memref<640xf32, #tpu.memory_space<vmem>>, vector<16xf32>,
    %swap3A_157 = vector.shape_cast %swap3A_156 : vector<16xf32> to vector<16xf32>
    %swap3A_158 = vector.shape_cast %broadcast_in_dim3A_1 : vector<16xf32> to vector<16xf32>
    tpu.vector_store %arg8[%swap3A_155], %swap3A_158 {strides = array<i32>} : memref<640xf32, #tpu.memory_space<vmem>>, vector<16xf32>,
    %swap3A_159 = arith.constant 512 : index
    %swap3A_160 = tpu.vector_load %arg8[%swap3A_159] {strides = array<i32>} : memref<640xf32, #tpu.memory_space<vmem>>, vector<16xf32>,
    %swap3A_161 = vector.shape_cast %swap3A_160 : vector<16xf32> to vector<16xf32>
    %swap3A_162 = vector.shape_cast %broadcast_in_dim3A_1 : vector<16xf32> to vector<16xf32>
    tpu.vector_store %arg8[%swap3A_159], %swap3A_162 {strides = array<i32>} : memref<640xf32, #tpu.memory_space<vmem>>, vector<16xf32>,
    %swap3A_163 = arith.constant 528 : index
    %swap3A_164 = tpu.vector_load %arg8[%swap3A_163] {strides = array<i32>} : memref<640xf32, #tpu.memory_space<vmem>>, vector<16xf32>,
    %swap3A_165 = vector.shape_cast %swap3A_164 : vector<16xf32> to vector<16xf32>
    %swap3A_166 = vector.shape_cast %broadcast_in_dim3A_1 : vector<16xf32> to vector<16xf32>
    tpu.vector_store %arg8[%swap3A_163], %swap3A_166 {strides = array<i32>} : memref<640xf32, #tpu.memory_space<vmem>>, vector<16xf32>,
    %swap3A_167 = arith.constant 544 : index
    %swap3A_168 = tpu.vector_load %arg8[%swap3A_167] {strides = array<i32>} : memref<640xf32, #tpu.memory_space<vmem>>, vector<16xf32>,
    %swap3A_169 = vector.shape_cast %swap3A_168 : vector<16xf32> to vector<16xf32>
    %swap3A_170 = vector.shape_cast %broadcast_in_dim3A_1 : vector<16xf32> to vector<16xf32>
    tpu.vector_store %arg8[%swap3A_167], %swap3A_170 {strides = array<i32>} : memref<640xf32, #tpu.memory_space<vmem>>, vector<16xf32>,
    %swap3A_171 = arith.constant 560 : index
    %swap3A_172 = tpu.vector_load %arg8[%swap3A_171] {strides = array<i32>} : memref<640xf32, #tpu.memory_space<vmem>>, vector<16xf32>,
    %swap3A_173 = vector.shape_cast %swap3A_172 : vector<16xf32> to vector<16xf32>
    %swap3A_174 = vector.shape_cast %broadcast_in_dim3A_1 : vector<16xf32> to vector<16xf32>
    tpu.vector_store %arg8[%swap3A_171], %swap3A_174 {strides = array<i32>} : memref<640xf32, #tpu.memory_space<vmem>>, vector<16xf32>,
    %swap3A_175 = arith.constant 576 : index
    %swap3A_176 = tpu.vector_load %arg8[%swap3A_175] {strides = array<i32>} : memref<640xf32, #tpu.memory_space<vmem>>, vector<16xf32>,
    %swap3A_177 = vector.shape_cast %swap3A_176 : vector<16xf32> to vector<16xf32>
    %swap3A_178 = vector.shape_cast %broadcast_in_dim3A_1 : vector<16xf32> to vector<16xf32>
    tpu.vector_store %arg8[%swap3A_175], %swap3A_178 {strides = array<i32>} : memref<640xf32, #tpu.memory_space<vmem>>, vector<16xf32>,
    %swap3A_179 = arith.constant 592 : index
    %swap3A_180 = tpu.vector_load %arg8[%swap3A_179] {strides = array<i32>} : memref<640xf32, #tpu.memory_space<vmem>>, vector<16xf32>,
    %swap3A_181 = vector.shape_cast %swap3A_180 : vector<16xf32> to vector<16xf32>
    %swap3A_182 = vector.shape_cast %broadcast_in_dim3A_1 : vector<16xf32> to vector<16xf32>
    tpu.vector_store %arg8[%swap3A_179], %swap3A_182 {strides = array<i32>} : memref<640xf32, #tpu.memory_space<vmem>>, vector<16xf32>,
    %swap3A_183 = arith.constant 608 : index
    %swap3A_184 = tpu.vector_load %arg8[%swap3A_183] {strides = array<i32>} : memref<640xf32, #tpu.memory_space<vmem>>, vector<16xf32>,
    %swap3A_185 = vector.shape_cast %swap3A_184 : vector<16xf32> to vector<16xf32>
    %swap3A_186 = vector.shape_cast %broadcast_in_dim3A_1 : vector<16xf32> to vector<16xf32>
    tpu.vector_store %arg8[%swap3A_183], %swap3A_186 {strides = array<i32>} : memref<640xf32, #tpu.memory_space<vmem>>, vector<16xf32>,
    %swap3A_187 = arith.constant 624 : index
    %swap3A_188 = tpu.vector_load %arg8[%swap3A_187] {strides = array<i32>} : memref<640xf32, #tpu.memory_space<vmem>>, vector<16xf32>,
    %swap3A_189 = vector.shape_cast %swap3A_188 : vector<16xf32> to vector<16xf32>
    %swap3A_190 = vector.shape_cast %broadcast_in_dim3A_1 : vector<16xf32> to vector<16xf32>
    tpu.vector_store %arg8[%swap3A_187], %swap3A_190 {strides = array<i32>} : memref<640xf32, #tpu.memory_space<vmem>>, vector<16xf32>,
    %mul3A_191 = arith.constant 640 : i32
    %mul3A_192 = arith.muli %arg1, %mul3A_191 : i32
    "tpu.region"() ({
      %run_scoped3A_202 = tpu.sem_alloc : memref<!tpu.dma_semaphore, #tpu.memory_space<semaphore_mem>>
      %dma_start3A = tpu.memref_slice %arg9[%mul3A_192] : memref<10240xf32, #tpu.memory_space<vmem_shared>> -> memref<640xf32, #tpu.memory_space<vmem_shared>>
      %dma_start3A_203 = tpu.memref_slice %arg9[%mul3A_192] : memref<10240xf32, #tpu.memory_space<vmem_shared>> -> memref<640xf32, #tpu.memory_space<vmem_shared>>
      tpu.enqueue_dma source(%arg8 : memref<640xf32, #tpu.memory_space<vmem>>) target(%dma_start3A_203 : memref<640xf32, #tpu.memory_space<vmem_shared>>) target_semaphore(%run_scoped3A_202 : memref<!tpu.dma_semaphore, #tpu.memory_space<semaphore_mem>>)
      %dma_wait3A = tpu.memref_slice %arg9[%mul3A_192] : memref<10240xf32, #tpu.memory_space<vmem_shared>> -> memref<640xf32, #tpu.memory_space<vmem_shared>>
      %dma_wait3A_204 = tpu.memref_slice %arg9[%mul3A_192] : memref<10240xf32, #tpu.memory_space<vmem_shared>> -> memref<640xf32, #tpu.memory_space<vmem_shared>>
      tpu.wait_dma2 semaphore(%run_scoped3A_202 : memref<!tpu.dma_semaphore, #tpu.memory_space<semaphore_mem>>) src(%arg8 : memref<640xf32, #tpu.memory_space<vmem>>) dst(%dma_wait3A_204 : memref<640xf32, #tpu.memory_space<vmem_shared>>)
      tpu.yield
    }) : () -> ()
    "tpu.region"() ({
      %run_scoped3A_202 = tpu.sem_alloc : memref<!tpu.dma_semaphore, #tpu.memory_space<semaphore_mem>>
      %dma_start3A = tpu.memref_slice %arg10[%mul3A_192] : memref<10240xf32, #tpu.memory_space<vmem_shared>> -> memref<640xf32, #tpu.memory_space<vmem_shared>>
      %dma_start3A_203 = tpu.memref_slice %arg10[%mul3A_192] : memref<10240xf32, #tpu.memory_space<vmem_shared>> -> memref<640xf32, #tpu.memory_space<vmem_shared>>
      tpu.enqueue_dma source(%arg8 : memref<640xf32, #tpu.memory_space<vmem>>) target(%dma_start3A_203 : memref<640xf32, #tpu.memory_space<vmem_shared>>) target_semaphore(%run_scoped3A_202 : memref<!tpu.dma_semaphore, #tpu.memory_space<semaphore_mem>>)
      %dma_wait3A = tpu.memref_slice %arg10[%mul3A_192] : memref<10240xf32, #tpu.memory_space<vmem_shared>> -> memref<640xf32, #tpu.memory_space<vmem_shared>>
      %dma_wait3A_204 = tpu.memref_slice %arg10[%mul3A_192] : memref<10240xf32, #tpu.memory_space<vmem_shared>> -> memref<640xf32, #tpu.memory_space<vmem_shared>>
      tpu.wait_dma2 semaphore(%run_scoped3A_202 : memref<!tpu.dma_semaphore, #tpu.memory_space<semaphore_mem>>) src(%arg8 : memref<640xf32, #tpu.memory_space<vmem>>) dst(%dma_wait3A_204 : memref<640xf32, #tpu.memory_space<vmem_shared>>)
      tpu.yield
    }) : () -> ()
    %barrier3A = arith.constant 0 : index
    tpu.barrier barrier_id(%barrier3A)
    %mul3A_193 = arith.constant 128 : i32
    %mul3A_194 = arith.muli %add3A, %mul3A_193 : i32
    %scan3A = arith.constant 0 : i32
    %scan3A_195 = arith.constant 0 : i32
    %scan3A_196 = arith.constant 16 : i32
    %scan3A_197 = arith.addi %scan3A_195, %scan3A_196 : i32
    %scan3A_198 = arith.constant 1 : i32
    scf.for %scan3A_202 = %scan3A_195 to %scan3A_197 step %scan3A_198  : i32 {
      %mul3A_203 = arith.constant 8 : i32
      %mul3A_204 = arith.muli %scan3A_202, %mul3A_203 : i32
      %add3A_205 = arith.addi %mul3A_194, %mul3A_204 : i32
      %dma_start3A = arith.constant 0 : i32
      %dma_start3A_206 = tpu.memref_slice %arg2[%add3A_205, %dma_start3A] : memref<4096x80xi32, #tpu.memory_space<hbm>> -> memref<8x80xi32, #tpu.memory_space<hbm>>
      %dma_start3A_207 = arith.constant 0 : i32
      %dma_start3A_208 = tpu.memref_slice %arg2[%add3A_205, %dma_start3A_207] : memref<4096x80xi32, #tpu.memory_space<hbm>> -> memref<8x80xi32, #tpu.memory_space<hbm>>
      tpu.enqueue_dma source(%dma_start3A_208 : memref<8x80xi32, #tpu.memory_space<hbm>>) target(%arg5 : memref<8x80xi32, #tpu.memory_space<vmem>>) target_semaphore(%arg11 : memref<!tpu.dma_semaphore, #tpu.memory_space<semaphore_mem>>)
      %dma_start3A_209 = arith.constant 0 : i32
      %dma_start3A_210 = tpu.memref_slice %arg3[%add3A_205, %dma_start3A_209] : memref<4096x80xi32, #tpu.memory_space<hbm>> -> memref<8x80xi32, #tpu.memory_space<hbm>>
      %dma_start3A_211 = arith.constant 0 : i32
      %dma_start3A_212 = tpu.memref_slice %arg3[%add3A_205, %dma_start3A_211] : memref<4096x80xi32, #tpu.memory_space<hbm>> -> memref<8x80xi32, #tpu.memory_space<hbm>>
      tpu.enqueue_dma source(%dma_start3A_212 : memref<8x80xi32, #tpu.memory_space<hbm>>) target(%arg6 : memref<8x80xi32, #tpu.memory_space<vmem>>) target_semaphore(%arg11 : memref<!tpu.dma_semaphore, #tpu.memory_space<semaphore_mem>>)
      %dma_wait3A = arith.constant 0 : i32
      %dma_wait3A_213 = tpu.memref_slice %arg2[%add3A_205, %dma_wait3A] : memref<4096x80xi32, #tpu.memory_space<hbm>> -> memref<8x80xi32, #tpu.memory_space<hbm>>
      %dma_wait3A_214 = arith.constant 0 : i32
      %dma_wait3A_215 = tpu.memref_slice %arg2[%add3A_205, %dma_wait3A_214] : memref<4096x80xi32, #tpu.memory_space<hbm>> -> memref<8x80xi32, #tpu.memory_space<hbm>>
      tpu.wait_dma2 semaphore(%arg11 : memref<!tpu.dma_semaphore, #tpu.memory_space<semaphore_mem>>) src(%dma_wait3A_215 : memref<8x80xi32, #tpu.memory_space<hbm>>) dst(%arg5 : memref<8x80xi32, #tpu.memory_space<vmem>>)
      %dma_wait3A_216 = arith.constant 0 : i32
      %dma_wait3A_217 = tpu.memref_slice %arg3[%add3A_205, %dma_wait3A_216] : memref<4096x80xi32, #tpu.memory_space<hbm>> -> memref<8x80xi32, #tpu.memory_space<hbm>>
      %dma_wait3A_218 = arith.constant 0 : i32
      %dma_wait3A_219 = tpu.memref_slice %arg3[%add3A_205, %dma_wait3A_218] : memref<4096x80xi32, #tpu.memory_space<hbm>> -> memref<8x80xi32, #tpu.memory_space<hbm>>
      tpu.wait_dma2 semaphore(%arg11 : memref<!tpu.dma_semaphore, #tpu.memory_space<semaphore_mem>>) src(%dma_wait3A_219 : memref<8x80xi32, #tpu.memory_space<hbm>>) dst(%arg6 : memref<8x80xi32, #tpu.memory_space<vmem>>)
      %dma_start3A_220 = arith.constant 0 : i32
      %dma_start3A_221 = arith.constant 0 : i32
      %dma_start3A_222 = tpu.memref_slice %arg5[%dma_start3A_220, %dma_start3A_221] : memref<8x80xi32, #tpu.memory_space<vmem>> -> memref<1x80xi32, #tpu.memory_space<vmem>>
      %dma_start3A_223 = tpu.memref_squeeze %dma_start3A_222 : memref<1x80xi32, #tpu.memory_space<vmem>> -> memref<80xi32, #tpu.memory_space<vmem>>
      %dma_start3A_224 = arith.constant 0 : i32
      %dma_start3A_225 = tpu.memref_slice %arg9[%dma_start3A_224] : memref<10240xf32, #tpu.memory_space<vmem_shared>> -> memref<10240xf32, #tpu.memory_space<vmem_shared>>
      tpu.enqueue_indirect_dma source(%arg7 : memref<80xf32, #tpu.memory_space<vmem>>) target(%dma_start3A_225 : memref<10240xf32, #tpu.memory_space<vmem_shared>>) offsets(%dma_start3A_223 : memref<80xi32, #tpu.memory_space<vmem>>) semaphore(%arg12 : memref<!tpu.dma_semaphore, #tpu.memory_space<semaphore_mem>>) {add = true}
      %dma_start3A_226 = arith.constant 0 : i32
      %dma_start3A_227 = arith.constant 0 : i32
      %dma_start3A_228 = tpu.memref_slice %arg6[%dma_start3A_226, %dma_start3A_227] : memref<8x80xi32, #tpu.memory_space<vmem>> -> memref<1x80xi32, #tpu.memory_space<vmem>>
      %dma_start3A_229 = tpu.memref_squeeze %dma_start3A_228 : memref<1x80xi32, #tpu.memory_space<vmem>> -> memref<80xi32, #tpu.memory_space<vmem>>
      %dma_start3A_230 = arith.constant 0 : i32
      %dma_start3A_231 = tpu.memref_slice %arg10[%dma_start3A_230] : memref<10240xf32, #tpu.memory_space<vmem_shared>> -> memref<10240xf32, #tpu.memory_space<vmem_shared>>
      tpu.enqueue_indirect_dma source(%arg7 : memref<80xf32, #tpu.memory_space<vmem>>) target(%dma_start3A_231 : memref<10240xf32, #tpu.memory_space<vmem_shared>>) offsets(%dma_start3A_229 : memref<80xi32, #tpu.memory_space<vmem>>) semaphore(%arg12 : memref<!tpu.dma_semaphore, #tpu.memory_space<semaphore_mem>>) {add = true}
      %dma_start3A_232 = arith.constant 1 : i32
      %dma_start3A_233 = arith.constant 0 : i32
      %dma_start3A_234 = tpu.memref_slice %arg5[%dma_start3A_232, %dma_start3A_233] : memref<8x80xi32, #tpu.memory_space<vmem>> -> memref<1x80xi32, #tpu.memory_space<vmem>>
      %dma_start3A_235 = tpu.memref_squeeze %dma_start3A_234 : memref<1x80xi32, #tpu.memory_space<vmem>> -> memref<80xi32, #tpu.memory_space<vmem>>
      %dma_start3A_236 = arith.constant 0 : i32
      %dma_start3A_237 = tpu.memref_slice %arg9[%dma_start3A_236] : memref<10240xf32, #tpu.memory_space<vmem_shared>> -> memref<10240xf32, #tpu.memory_space<vmem_shared>>
      tpu.enqueue_indirect_dma source(%arg7 : memref<80xf32, #tpu.memory_space<vmem>>) target(%dma_start3A_237 : memref<10240xf32, #tpu.memory_space<vmem_shared>>) offsets(%dma_start3A_235 : memref<80xi32, #tpu.memory_space<vmem>>) semaphore(%arg12 : memref<!tpu.dma_semaphore, #tpu.memory_space<semaphore_mem>>) {add = true}
      %dma_start3A_238 = arith.constant 1 : i32
      %dma_start3A_239 = arith.constant 0 : i32
      %dma_start3A_240 = tpu.memref_slice %arg6[%dma_start3A_238, %dma_start3A_239] : memref<8x80xi32, #tpu.memory_space<vmem>> -> memref<1x80xi32, #tpu.memory_space<vmem>>
      %dma_start3A_241 = tpu.memref_squeeze %dma_start3A_240 : memref<1x80xi32, #tpu.memory_space<vmem>> -> memref<80xi32, #tpu.memory_space<vmem>>
      %dma_start3A_242 = arith.constant 0 : i32
      %dma_start3A_243 = tpu.memref_slice %arg10[%dma_start3A_242] : memref<10240xf32, #tpu.memory_space<vmem_shared>> -> memref<10240xf32, #tpu.memory_space<vmem_shared>>
      tpu.enqueue_indirect_dma source(%arg7 : memref<80xf32, #tpu.memory_space<vmem>>) target(%dma_start3A_243 : memref<10240xf32, #tpu.memory_space<vmem_shared>>) offsets(%dma_start3A_241 : memref<80xi32, #tpu.memory_space<vmem>>) semaphore(%arg12 : memref<!tpu.dma_semaphore, #tpu.memory_space<semaphore_mem>>) {add = true}
      %dma_start3A_244 = arith.constant 2 : i32
      %dma_start3A_245 = arith.constant 0 : i32
      %dma_start3A_246 = tpu.memref_slice %arg5[%dma_start3A_244, %dma_start3A_245] : memref<8x80xi32, #tpu.memory_space<vmem>> -> memref<1x80xi32, #tpu.memory_space<vmem>>
      %dma_start3A_247 = tpu.memref_squeeze %dma_start3A_246 : memref<1x80xi32, #tpu.memory_space<vmem>> -> memref<80xi32, #tpu.memory_space<vmem>>
      %dma_start3A_248 = arith.constant 0 : i32
      %dma_start3A_249 = tpu.memref_slice %arg9[%dma_start3A_248] : memref<10240xf32, #tpu.memory_space<vmem_shared>> -> memref<10240xf32, #tpu.memory_space<vmem_shared>>
      tpu.enqueue_indirect_dma source(%arg7 : memref<80xf32, #tpu.memory_space<vmem>>) target(%dma_start3A_249 : memref<10240xf32, #tpu.memory_space<vmem_shared>>) offsets(%dma_start3A_247 : memref<80xi32, #tpu.memory_space<vmem>>) semaphore(%arg12 : memref<!tpu.dma_semaphore, #tpu.memory_space<semaphore_mem>>) {add = true}
      %dma_start3A_250 = arith.constant 2 : i32
      %dma_start3A_251 = arith.constant 0 : i32
      %dma_start3A_252 = tpu.memref_slice %arg6[%dma_start3A_250, %dma_start3A_251] : memref<8x80xi32, #tpu.memory_space<vmem>> -> memref<1x80xi32, #tpu.memory_space<vmem>>
      %dma_start3A_253 = tpu.memref_squeeze %dma_start3A_252 : memref<1x80xi32, #tpu.memory_space<vmem>> -> memref<80xi32, #tpu.memory_space<vmem>>
      %dma_start3A_254 = arith.constant 0 : i32
      %dma_start3A_255 = tpu.memref_slice %arg10[%dma_start3A_254] : memref<10240xf32, #tpu.memory_space<vmem_shared>> -> memref<10240xf32, #tpu.memory_space<vmem_shared>>
      tpu.enqueue_indirect_dma source(%arg7 : memref<80xf32, #tpu.memory_space<vmem>>) target(%dma_start3A_255 : memref<10240xf32, #tpu.memory_space<vmem_shared>>) offsets(%dma_start3A_253 : memref<80xi32, #tpu.memory_space<vmem>>) semaphore(%arg12 : memref<!tpu.dma_semaphore, #tpu.memory_space<semaphore_mem>>) {add = true}
      %dma_start3A_256 = arith.constant 3 : i32
      %dma_start3A_257 = arith.constant 0 : i32
      %dma_start3A_258 = tpu.memref_slice %arg5[%dma_start3A_256, %dma_start3A_257] : memref<8x80xi32, #tpu.memory_space<vmem>> -> memref<1x80xi32, #tpu.memory_space<vmem>>
      %dma_start3A_259 = tpu.memref_squeeze %dma_start3A_258 : memref<1x80xi32, #tpu.memory_space<vmem>> -> memref<80xi32, #tpu.memory_space<vmem>>
      %dma_start3A_260 = arith.constant 0 : i32
      %dma_start3A_261 = tpu.memref_slice %arg9[%dma_start3A_260] : memref<10240xf32, #tpu.memory_space<vmem_shared>> -> memref<10240xf32, #tpu.memory_space<vmem_shared>>
      tpu.enqueue_indirect_dma source(%arg7 : memref<80xf32, #tpu.memory_space<vmem>>) target(%dma_start3A_261 : memref<10240xf32, #tpu.memory_space<vmem_shared>>) offsets(%dma_start3A_259 : memref<80xi32, #tpu.memory_space<vmem>>) semaphore(%arg12 : memref<!tpu.dma_semaphore, #tpu.memory_space<semaphore_mem>>) {add = true}
      %dma_start3A_262 = arith.constant 3 : i32
      %dma_start3A_263 = arith.constant 0 : i32
      %dma_start3A_264 = tpu.memref_slice %arg6[%dma_start3A_262, %dma_start3A_263] : memref<8x80xi32, #tpu.memory_space<vmem>> -> memref<1x80xi32, #tpu.memory_space<vmem>>
      %dma_start3A_265 = tpu.memref_squeeze %dma_start3A_264 : memref<1x80xi32, #tpu.memory_space<vmem>> -> memref<80xi32, #tpu.memory_space<vmem>>
      %dma_start3A_266 = arith.constant 0 : i32
      %dma_start3A_267 = tpu.memref_slice %arg10[%dma_start3A_266] : memref<10240xf32, #tpu.memory_space<vmem_shared>> -> memref<10240xf32, #tpu.memory_space<vmem_shared>>
      tpu.enqueue_indirect_dma source(%arg7 : memref<80xf32, #tpu.memory_space<vmem>>) target(%dma_start3A_267 : memref<10240xf32, #tpu.memory_space<vmem_shared>>) offsets(%dma_start3A_265 : memref<80xi32, #tpu.memory_space<vmem>>) semaphore(%arg12 : memref<!tpu.dma_semaphore, #tpu.memory_space<semaphore_mem>>) {add = true}
      %dma_start3A_268 = arith.constant 4 : i32
      %dma_start3A_269 = arith.constant 0 : i32
      %dma_start3A_270 = tpu.memref_slice %arg5[%dma_start3A_268, %dma_start3A_269] : memref<8x80xi32, #tpu.memory_space<vmem>> -> memref<1x80xi32, #tpu.memory_space<vmem>>
      %dma_start3A_271 = tpu.memref_squeeze %dma_start3A_270 : memref<1x80xi32, #tpu.memory_space<vmem>> -> memref<80xi32, #tpu.memory_space<vmem>>
      %dma_start3A_272 = arith.constant 0 : i32
      %dma_start3A_273 = tpu.memref_slice %arg9[%dma_start3A_272] : memref<10240xf32, #tpu.memory_space<vmem_shared>> -> memref<10240xf32, #tpu.memory_space<vmem_shared>>
      tpu.enqueue_indirect_dma source(%arg7 : memref<80xf32, #tpu.memory_space<vmem>>) target(%dma_start3A_273 : memref<10240xf32, #tpu.memory_space<vmem_shared>>) offsets(%dma_start3A_271 : memref<80xi32, #tpu.memory_space<vmem>>) semaphore(%arg12 : memref<!tpu.dma_semaphore, #tpu.memory_space<semaphore_mem>>) {add = true}
      %dma_start3A_274 = arith.constant 4 : i32
      %dma_start3A_275 = arith.constant 0 : i32
      %dma_start3A_276 = tpu.memref_slice %arg6[%dma_start3A_274, %dma_start3A_275] : memref<8x80xi32, #tpu.memory_space<vmem>> -> memref<1x80xi32, #tpu.memory_space<vmem>>
      %dma_start3A_277 = tpu.memref_squeeze %dma_start3A_276 : memref<1x80xi32, #tpu.memory_space<vmem>> -> memref<80xi32, #tpu.memory_space<vmem>>
      %dma_start3A_278 = arith.constant 0 : i32
      %dma_start3A_279 = tpu.memref_slice %arg10[%dma_start3A_278] : memref<10240xf32, #tpu.memory_space<vmem_shared>> -> memref<10240xf32, #tpu.memory_space<vmem_shared>>
      tpu.enqueue_indirect_dma source(%arg7 : memref<80xf32, #tpu.memory_space<vmem>>) target(%dma_start3A_279 : memref<10240xf32, #tpu.memory_space<vmem_shared>>) offsets(%dma_start3A_277 : memref<80xi32, #tpu.memory_space<vmem>>) semaphore(%arg12 : memref<!tpu.dma_semaphore, #tpu.memory_space<semaphore_mem>>) {add = true}
      %dma_start3A_280 = arith.constant 5 : i32
      %dma_start3A_281 = arith.constant 0 : i32
      %dma_start3A_282 = tpu.memref_slice %arg5[%dma_start3A_280, %dma_start3A_281] : memref<8x80xi32, #tpu.memory_space<vmem>> -> memref<1x80xi32, #tpu.memory_space<vmem>>
      %dma_start3A_283 = tpu.memref_squeeze %dma_start3A_282 : memref<1x80xi32, #tpu.memory_space<vmem>> -> memref<80xi32, #tpu.memory_space<vmem>>
      %dma_start3A_284 = arith.constant 0 : i32
      %dma_start3A_285 = tpu.memref_slice %arg9[%dma_start3A_284] : memref<10240xf32, #tpu.memory_space<vmem_shared>> -> memref<10240xf32, #tpu.memory_space<vmem_shared>>
      tpu.enqueue_indirect_dma source(%arg7 : memref<80xf32, #tpu.memory_space<vmem>>) target(%dma_start3A_285 : memref<10240xf32, #tpu.memory_space<vmem_shared>>) offsets(%dma_start3A_283 : memref<80xi32, #tpu.memory_space<vmem>>) semaphore(%arg12 : memref<!tpu.dma_semaphore, #tpu.memory_space<semaphore_mem>>) {add = true}
      %dma_start3A_286 = arith.constant 5 : i32
      %dma_start3A_287 = arith.constant 0 : i32
      %dma_start3A_288 = tpu.memref_slice %arg6[%dma_start3A_286, %dma_start3A_287] : memref<8x80xi32, #tpu.memory_space<vmem>> -> memref<1x80xi32, #tpu.memory_space<vmem>>
      %dma_start3A_289 = tpu.memref_squeeze %dma_start3A_288 : memref<1x80xi32, #tpu.memory_space<vmem>> -> memref<80xi32, #tpu.memory_space<vmem>>
      %dma_start3A_290 = arith.constant 0 : i32
      %dma_start3A_291 = tpu.memref_slice %arg10[%dma_start3A_290] : memref<10240xf32, #tpu.memory_space<vmem_shared>> -> memref<10240xf32, #tpu.memory_space<vmem_shared>>
      tpu.enqueue_indirect_dma source(%arg7 : memref<80xf32, #tpu.memory_space<vmem>>) target(%dma_start3A_291 : memref<10240xf32, #tpu.memory_space<vmem_shared>>) offsets(%dma_start3A_289 : memref<80xi32, #tpu.memory_space<vmem>>) semaphore(%arg12 : memref<!tpu.dma_semaphore, #tpu.memory_space<semaphore_mem>>) {add = true}
      %dma_start3A_292 = arith.constant 6 : i32
      %dma_start3A_293 = arith.constant 0 : i32
      %dma_start3A_294 = tpu.memref_slice %arg5[%dma_start3A_292, %dma_start3A_293] : memref<8x80xi32, #tpu.memory_space<vmem>> -> memref<1x80xi32, #tpu.memory_space<vmem>>
      %dma_start3A_295 = tpu.memref_squeeze %dma_start3A_294 : memref<1x80xi32, #tpu.memory_space<vmem>> -> memref<80xi32, #tpu.memory_space<vmem>>
      %dma_start3A_296 = arith.constant 0 : i32
      %dma_start3A_297 = tpu.memref_slice %arg9[%dma_start3A_296] : memref<10240xf32, #tpu.memory_space<vmem_shared>> -> memref<10240xf32, #tpu.memory_space<vmem_shared>>
      tpu.enqueue_indirect_dma source(%arg7 : memref<80xf32, #tpu.memory_space<vmem>>) target(%dma_start3A_297 : memref<10240xf32, #tpu.memory_space<vmem_shared>>) offsets(%dma_start3A_295 : memref<80xi32, #tpu.memory_space<vmem>>) semaphore(%arg12 : memref<!tpu.dma_semaphore, #tpu.memory_space<semaphore_mem>>) {add = true}
      %dma_start3A_298 = arith.constant 6 : i32
      %dma_start3A_299 = arith.constant 0 : i32
      %dma_start3A_300 = tpu.memref_slice %arg6[%dma_start3A_298, %dma_start3A_299] : memref<8x80xi32, #tpu.memory_space<vmem>> -> memref<1x80xi32, #tpu.memory_space<vmem>>
      %dma_start3A_301 = tpu.memref_squeeze %dma_start3A_300 : memref<1x80xi32, #tpu.memory_space<vmem>> -> memref<80xi32, #tpu.memory_space<vmem>>
      %dma_start3A_302 = arith.constant 0 : i32
      %dma_start3A_303 = tpu.memref_slice %arg10[%dma_start3A_302] : memref<10240xf32, #tpu.memory_space<vmem_shared>> -> memref<10240xf32, #tpu.memory_space<vmem_shared>>
      tpu.enqueue_indirect_dma source(%arg7 : memref<80xf32, #tpu.memory_space<vmem>>) target(%dma_start3A_303 : memref<10240xf32, #tpu.memory_space<vmem_shared>>) offsets(%dma_start3A_301 : memref<80xi32, #tpu.memory_space<vmem>>) semaphore(%arg12 : memref<!tpu.dma_semaphore, #tpu.memory_space<semaphore_mem>>) {add = true}
      %dma_start3A_304 = arith.constant 7 : i32
      %dma_start3A_305 = arith.constant 0 : i32
      %dma_start3A_306 = tpu.memref_slice %arg5[%dma_start3A_304, %dma_start3A_305] : memref<8x80xi32, #tpu.memory_space<vmem>> -> memref<1x80xi32, #tpu.memory_space<vmem>>
      %dma_start3A_307 = tpu.memref_squeeze %dma_start3A_306 : memref<1x80xi32, #tpu.memory_space<vmem>> -> memref<80xi32, #tpu.memory_space<vmem>>
      %dma_start3A_308 = arith.constant 0 : i32
      %dma_start3A_309 = tpu.memref_slice %arg9[%dma_start3A_308] : memref<10240xf32, #tpu.memory_space<vmem_shared>> -> memref<10240xf32, #tpu.memory_space<vmem_shared>>
      tpu.enqueue_indirect_dma source(%arg7 : memref<80xf32, #tpu.memory_space<vmem>>) target(%dma_start3A_309 : memref<10240xf32, #tpu.memory_space<vmem_shared>>) offsets(%dma_start3A_307 : memref<80xi32, #tpu.memory_space<vmem>>) semaphore(%arg12 : memref<!tpu.dma_semaphore, #tpu.memory_space<semaphore_mem>>) {add = true}
      %dma_start3A_310 = arith.constant 7 : i32
      %dma_start3A_311 = arith.constant 0 : i32
      %dma_start3A_312 = tpu.memref_slice %arg6[%dma_start3A_310, %dma_start3A_311] : memref<8x80xi32, #tpu.memory_space<vmem>> -> memref<1x80xi32, #tpu.memory_space<vmem>>
      %dma_start3A_313 = tpu.memref_squeeze %dma_start3A_312 : memref<1x80xi32, #tpu.memory_space<vmem>> -> memref<80xi32, #tpu.memory_space<vmem>>
      %dma_start3A_314 = arith.constant 0 : i32
      %dma_start3A_315 = tpu.memref_slice %arg10[%dma_start3A_314] : memref<10240xf32, #tpu.memory_space<vmem_shared>> -> memref<10240xf32, #tpu.memory_space<vmem_shared>>
      tpu.enqueue_indirect_dma source(%arg7 : memref<80xf32, #tpu.memory_space<vmem>>) target(%dma_start3A_315 : memref<10240xf32, #tpu.memory_space<vmem_shared>>) offsets(%dma_start3A_313 : memref<80xi32, #tpu.memory_space<vmem>>) semaphore(%arg12 : memref<!tpu.dma_semaphore, #tpu.memory_space<semaphore_mem>>) {add = true}
      %dma_wait3A_316 = arith.constant 0 : i32
      %dma_wait3A_317 = arith.constant 0 : i32
      %dma_wait3A_318 = tpu.memref_slice %arg5[%dma_wait3A_316, %dma_wait3A_317] : memref<8x80xi32, #tpu.memory_space<vmem>> -> memref<1x80xi32, #tpu.memory_space<vmem>>
      %dma_wait3A_319 = tpu.memref_squeeze %dma_wait3A_318 : memref<1x80xi32, #tpu.memory_space<vmem>> -> memref<80xi32, #tpu.memory_space<vmem>>
      %dma_wait3A_320 = arith.constant 0 : i32
      %dma_wait3A_321 = tpu.memref_slice %arg9[%dma_wait3A_320] : memref<10240xf32, #tpu.memory_space<vmem_shared>> -> memref<10240xf32, #tpu.memory_space<vmem_shared>>
      tpu.wait_indirect_dma semaphore(%arg12 : memref<!tpu.dma_semaphore, #tpu.memory_space<semaphore_mem>>) src(%arg7 : memref<80xf32, #tpu.memory_space<vmem>>) dst(%dma_wait3A_321 : memref<10240xf32, #tpu.memory_space<vmem_shared>>)
      %dma_wait3A_322 = arith.constant 0 : i32
      %dma_wait3A_323 = arith.constant 0 : i32
      %dma_wait3A_324 = tpu.memref_slice %arg6[%dma_wait3A_322, %dma_wait3A_323] : memref<8x80xi32, #tpu.memory_space<vmem>> -> memref<1x80xi32, #tpu.memory_space<vmem>>
      %dma_wait3A_325 = tpu.memref_squeeze %dma_wait3A_324 : memref<1x80xi32, #tpu.memory_space<vmem>> -> memref<80xi32, #tpu.memory_space<vmem>>
      %dma_wait3A_326 = arith.constant 0 : i32
      %dma_wait3A_327 = tpu.memref_slice %arg10[%dma_wait3A_326] : memref<10240xf32, #tpu.memory_space<vmem_shared>> -> memref<10240xf32, #tpu.memory_space<vmem_shared>>
      tpu.wait_indirect_dma semaphore(%arg12 : memref<!tpu.dma_semaphore, #tpu.memory_space<semaphore_mem>>) src(%arg7 : memref<80xf32, #tpu.memory_space<vmem>>) dst(%dma_wait3A_327 : memref<10240xf32, #tpu.memory_space<vmem_shared>>)
      %dma_wait3A_328 = arith.constant 1 : i32
      %dma_wait3A_329 = arith.constant 0 : i32
      %dma_wait3A_330 = tpu.memref_slice %arg5[%dma_wait3A_328, %dma_wait3A_329] : memref<8x80xi32, #tpu.memory_space<vmem>> -> memref<1x80xi32, #tpu.memory_space<vmem>>
      %dma_wait3A_331 = tpu.memref_squeeze %dma_wait3A_330 : memref<1x80xi32, #tpu.memory_space<vmem>> -> memref<80xi32, #tpu.memory_space<vmem>>
      %dma_wait3A_332 = arith.constant 0 : i32
      %dma_wait3A_333 = tpu.memref_slice %arg9[%dma_wait3A_332] : memref<10240xf32, #tpu.memory_space<vmem_shared>> -> memref<10240xf32, #tpu.memory_space<vmem_shared>>
      tpu.wait_indirect_dma semaphore(%arg12 : memref<!tpu.dma_semaphore, #tpu.memory_space<semaphore_mem>>) src(%arg7 : memref<80xf32, #tpu.memory_space<vmem>>) dst(%dma_wait3A_333 : memref<10240xf32, #tpu.memory_space<vmem_shared>>)
      %dma_wait3A_334 = arith.constant 1 : i32
      %dma_wait3A_335 = arith.constant 0 : i32
      %dma_wait3A_336 = tpu.memref_slice %arg6[%dma_wait3A_334, %dma_wait3A_335] : memref<8x80xi32, #tpu.memory_space<vmem>> -> memref<1x80xi32, #tpu.memory_space<vmem>>
      %dma_wait3A_337 = tpu.memref_squeeze %dma_wait3A_336 : memref<1x80xi32, #tpu.memory_space<vmem>> -> memref<80xi32, #tpu.memory_space<vmem>>
      %dma_wait3A_338 = arith.constant 0 : i32
      %dma_wait3A_339 = tpu.memref_slice %arg10[%dma_wait3A_338] : memref<10240xf32, #tpu.memory_space<vmem_shared>> -> memref<10240xf32, #tpu.memory_space<vmem_shared>>
      tpu.wait_indirect_dma semaphore(%arg12 : memref<!tpu.dma_semaphore, #tpu.memory_space<semaphore_mem>>) src(%arg7 : memref<80xf32, #tpu.memory_space<vmem>>) dst(%dma_wait3A_339 : memref<10240xf32, #tpu.memory_space<vmem_shared>>)
      %dma_wait3A_340 = arith.constant 2 : i32
      %dma_wait3A_341 = arith.constant 0 : i32
      %dma_wait3A_342 = tpu.memref_slice %arg5[%dma_wait3A_340, %dma_wait3A_341] : memref<8x80xi32, #tpu.memory_space<vmem>> -> memref<1x80xi32, #tpu.memory_space<vmem>>
      %dma_wait3A_343 = tpu.memref_squeeze %dma_wait3A_342 : memref<1x80xi32, #tpu.memory_space<vmem>> -> memref<80xi32, #tpu.memory_space<vmem>>
      %dma_wait3A_344 = arith.constant 0 : i32
      %dma_wait3A_345 = tpu.memref_slice %arg9[%dma_wait3A_344] : memref<10240xf32, #tpu.memory_space<vmem_shared>> -> memref<10240xf32, #tpu.memory_space<vmem_shared>>
      tpu.wait_indirect_dma semaphore(%arg12 : memref<!tpu.dma_semaphore, #tpu.memory_space<semaphore_mem>>) src(%arg7 : memref<80xf32, #tpu.memory_space<vmem>>) dst(%dma_wait3A_345 : memref<10240xf32, #tpu.memory_space<vmem_shared>>)
      %dma_wait3A_346 = arith.constant 2 : i32
      %dma_wait3A_347 = arith.constant 0 : i32
      %dma_wait3A_348 = tpu.memref_slice %arg6[%dma_wait3A_346, %dma_wait3A_347] : memref<8x80xi32, #tpu.memory_space<vmem>> -> memref<1x80xi32, #tpu.memory_space<vmem>>
      %dma_wait3A_349 = tpu.memref_squeeze %dma_wait3A_348 : memref<1x80xi32, #tpu.memory_space<vmem>> -> memref<80xi32, #tpu.memory_space<vmem>>
      %dma_wait3A_350 = arith.constant 0 : i32
      %dma_wait3A_351 = tpu.memref_slice %arg10[%dma_wait3A_350] : memref<10240xf32, #tpu.memory_space<vmem_shared>> -> memref<10240xf32, #tpu.memory_space<vmem_shared>>
      tpu.wait_indirect_dma semaphore(%arg12 : memref<!tpu.dma_semaphore, #tpu.memory_space<semaphore_mem>>) src(%arg7 : memref<80xf32, #tpu.memory_space<vmem>>) dst(%dma_wait3A_351 : memref<10240xf32, #tpu.memory_space<vmem_shared>>)
      %dma_wait3A_352 = arith.constant 3 : i32
      %dma_wait3A_353 = arith.constant 0 : i32
      %dma_wait3A_354 = tpu.memref_slice %arg5[%dma_wait3A_352, %dma_wait3A_353] : memref<8x80xi32, #tpu.memory_space<vmem>> -> memref<1x80xi32, #tpu.memory_space<vmem>>
      %dma_wait3A_355 = tpu.memref_squeeze %dma_wait3A_354 : memref<1x80xi32, #tpu.memory_space<vmem>> -> memref<80xi32, #tpu.memory_space<vmem>>
      %dma_wait3A_356 = arith.constant 0 : i32
      %dma_wait3A_357 = tpu.memref_slice %arg9[%dma_wait3A_356] : memref<10240xf32, #tpu.memory_space<vmem_shared>> -> memref<10240xf32, #tpu.memory_space<vmem_shared>>
      tpu.wait_indirect_dma semaphore(%arg12 : memref<!tpu.dma_semaphore, #tpu.memory_space<semaphore_mem>>) src(%arg7 : memref<80xf32, #tpu.memory_space<vmem>>) dst(%dma_wait3A_357 : memref<10240xf32, #tpu.memory_space<vmem_shared>>)
      %dma_wait3A_358 = arith.constant 3 : i32
      %dma_wait3A_359 = arith.constant 0 : i32
      %dma_wait3A_360 = tpu.memref_slice %arg6[%dma_wait3A_358, %dma_wait3A_359] : memref<8x80xi32, #tpu.memory_space<vmem>> -> memref<1x80xi32, #tpu.memory_space<vmem>>
      %dma_wait3A_361 = tpu.memref_squeeze %dma_wait3A_360 : memref<1x80xi32, #tpu.memory_space<vmem>> -> memref<80xi32, #tpu.memory_space<vmem>>
      %dma_wait3A_362 = arith.constant 0 : i32
      %dma_wait3A_363 = tpu.memref_slice %arg10[%dma_wait3A_362] : memref<10240xf32, #tpu.memory_space<vmem_shared>> -> memref<10240xf32, #tpu.memory_space<vmem_shared>>
      tpu.wait_indirect_dma semaphore(%arg12 : memref<!tpu.dma_semaphore, #tpu.memory_space<semaphore_mem>>) src(%arg7 : memref<80xf32, #tpu.memory_space<vmem>>) dst(%dma_wait3A_363 : memref<10240xf32, #tpu.memory_space<vmem_shared>>)
      %dma_wait3A_364 = arith.constant 4 : i32
      %dma_wait3A_365 = arith.constant 0 : i32
      %dma_wait3A_366 = tpu.memref_slice %arg5[%dma_wait3A_364, %dma_wait3A_365] : memref<8x80xi32, #tpu.memory_space<vmem>> -> memref<1x80xi32, #tpu.memory_space<vmem>>
      %dma_wait3A_367 = tpu.memref_squeeze %dma_wait3A_366 : memref<1x80xi32, #tpu.memory_space<vmem>> -> memref<80xi32, #tpu.memory_space<vmem>>
      %dma_wait3A_368 = arith.constant 0 : i32
      %dma_wait3A_369 = tpu.memref_slice %arg9[%dma_wait3A_368] : memref<10240xf32, #tpu.memory_space<vmem_shared>> -> memref<10240xf32, #tpu.memory_space<vmem_shared>>
      tpu.wait_indirect_dma semaphore(%arg12 : memref<!tpu.dma_semaphore, #tpu.memory_space<semaphore_mem>>) src(%arg7 : memref<80xf32, #tpu.memory_space<vmem>>) dst(%dma_wait3A_369 : memref<10240xf32, #tpu.memory_space<vmem_shared>>)
      %dma_wait3A_370 = arith.constant 4 : i32
      %dma_wait3A_371 = arith.constant 0 : i32
      %dma_wait3A_372 = tpu.memref_slice %arg6[%dma_wait3A_370, %dma_wait3A_371] : memref<8x80xi32, #tpu.memory_space<vmem>> -> memref<1x80xi32, #tpu.memory_space<vmem>>
      %dma_wait3A_373 = tpu.memref_squeeze %dma_wait3A_372 : memref<1x80xi32, #tpu.memory_space<vmem>> -> memref<80xi32, #tpu.memory_space<vmem>>
      %dma_wait3A_374 = arith.constant 0 : i32
      %dma_wait3A_375 = tpu.memref_slice %arg10[%dma_wait3A_374] : memref<10240xf32, #tpu.memory_space<vmem_shared>> -> memref<10240xf32, #tpu.memory_space<vmem_shared>>
      tpu.wait_indirect_dma semaphore(%arg12 : memref<!tpu.dma_semaphore, #tpu.memory_space<semaphore_mem>>) src(%arg7 : memref<80xf32, #tpu.memory_space<vmem>>) dst(%dma_wait3A_375 : memref<10240xf32, #tpu.memory_space<vmem_shared>>)
      %dma_wait3A_376 = arith.constant 5 : i32
      %dma_wait3A_377 = arith.constant 0 : i32
      %dma_wait3A_378 = tpu.memref_slice %arg5[%dma_wait3A_376, %dma_wait3A_377] : memref<8x80xi32, #tpu.memory_space<vmem>> -> memref<1x80xi32, #tpu.memory_space<vmem>>
      %dma_wait3A_379 = tpu.memref_squeeze %dma_wait3A_378 : memref<1x80xi32, #tpu.memory_space<vmem>> -> memref<80xi32, #tpu.memory_space<vmem>>
      %dma_wait3A_380 = arith.constant 0 : i32
      %dma_wait3A_381 = tpu.memref_slice %arg9[%dma_wait3A_380] : memref<10240xf32, #tpu.memory_space<vmem_shared>> -> memref<10240xf32, #tpu.memory_space<vmem_shared>>
      tpu.wait_indirect_dma semaphore(%arg12 : memref<!tpu.dma_semaphore, #tpu.memory_space<semaphore_mem>>) src(%arg7 : memref<80xf32, #tpu.memory_space<vmem>>) dst(%dma_wait3A_381 : memref<10240xf32, #tpu.memory_space<vmem_shared>>)
      %dma_wait3A_382 = arith.constant 5 : i32
      %dma_wait3A_383 = arith.constant 0 : i32
      %dma_wait3A_384 = tpu.memref_slice %arg6[%dma_wait3A_382, %dma_wait3A_383] : memref<8x80xi32, #tpu.memory_space<vmem>> -> memref<1x80xi32, #tpu.memory_space<vmem>>
      %dma_wait3A_385 = tpu.memref_squeeze %dma_wait3A_384 : memref<1x80xi32, #tpu.memory_space<vmem>> -> memref<80xi32, #tpu.memory_space<vmem>>
      %dma_wait3A_386 = arith.constant 0 : i32
      %dma_wait3A_387 = tpu.memref_slice %arg10[%dma_wait3A_386] : memref<10240xf32, #tpu.memory_space<vmem_shared>> -> memref<10240xf32, #tpu.memory_space<vmem_shared>>
      tpu.wait_indirect_dma semaphore(%arg12 : memref<!tpu.dma_semaphore, #tpu.memory_space<semaphore_mem>>) src(%arg7 : memref<80xf32, #tpu.memory_space<vmem>>) dst(%dma_wait3A_387 : memref<10240xf32, #tpu.memory_space<vmem_shared>>)
      %dma_wait3A_388 = arith.constant 6 : i32
      %dma_wait3A_389 = arith.constant 0 : i32
      %dma_wait3A_390 = tpu.memref_slice %arg5[%dma_wait3A_388, %dma_wait3A_389] : memref<8x80xi32, #tpu.memory_space<vmem>> -> memref<1x80xi32, #tpu.memory_space<vmem>>
      %dma_wait3A_391 = tpu.memref_squeeze %dma_wait3A_390 : memref<1x80xi32, #tpu.memory_space<vmem>> -> memref<80xi32, #tpu.memory_space<vmem>>
      %dma_wait3A_392 = arith.constant 0 : i32
      %dma_wait3A_393 = tpu.memref_slice %arg9[%dma_wait3A_392] : memref<10240xf32, #tpu.memory_space<vmem_shared>> -> memref<10240xf32, #tpu.memory_space<vmem_shared>>
      tpu.wait_indirect_dma semaphore(%arg12 : memref<!tpu.dma_semaphore, #tpu.memory_space<semaphore_mem>>) src(%arg7 : memref<80xf32, #tpu.memory_space<vmem>>) dst(%dma_wait3A_393 : memref<10240xf32, #tpu.memory_space<vmem_shared>>)
      %dma_wait3A_394 = arith.constant 6 : i32
      %dma_wait3A_395 = arith.constant 0 : i32
      %dma_wait3A_396 = tpu.memref_slice %arg6[%dma_wait3A_394, %dma_wait3A_395] : memref<8x80xi32, #tpu.memory_space<vmem>> -> memref<1x80xi32, #tpu.memory_space<vmem>>
      %dma_wait3A_397 = tpu.memref_squeeze %dma_wait3A_396 : memref<1x80xi32, #tpu.memory_space<vmem>> -> memref<80xi32, #tpu.memory_space<vmem>>
      %dma_wait3A_398 = arith.constant 0 : i32
      %dma_wait3A_399 = tpu.memref_slice %arg10[%dma_wait3A_398] : memref<10240xf32, #tpu.memory_space<vmem_shared>> -> memref<10240xf32, #tpu.memory_space<vmem_shared>>
      tpu.wait_indirect_dma semaphore(%arg12 : memref<!tpu.dma_semaphore, #tpu.memory_space<semaphore_mem>>) src(%arg7 : memref<80xf32, #tpu.memory_space<vmem>>) dst(%dma_wait3A_399 : memref<10240xf32, #tpu.memory_space<vmem_shared>>)
      %dma_wait3A_400 = arith.constant 7 : i32
      %dma_wait3A_401 = arith.constant 0 : i32
      %dma_wait3A_402 = tpu.memref_slice %arg5[%dma_wait3A_400, %dma_wait3A_401] : memref<8x80xi32, #tpu.memory_space<vmem>> -> memref<1x80xi32, #tpu.memory_space<vmem>>
      %dma_wait3A_403 = tpu.memref_squeeze %dma_wait3A_402 : memref<1x80xi32, #tpu.memory_space<vmem>> -> memref<80xi32, #tpu.memory_space<vmem>>
      %dma_wait3A_404 = arith.constant 0 : i32
      %dma_wait3A_405 = tpu.memref_slice %arg9[%dma_wait3A_404] : memref<10240xf32, #tpu.memory_space<vmem_shared>> -> memref<10240xf32, #tpu.memory_space<vmem_shared>>
      tpu.wait_indirect_dma semaphore(%arg12 : memref<!tpu.dma_semaphore, #tpu.memory_space<semaphore_mem>>) src(%arg7 : memref<80xf32, #tpu.memory_space<vmem>>) dst(%dma_wait3A_405 : memref<10240xf32, #tpu.memory_space<vmem_shared>>)
      %dma_wait3A_406 = arith.constant 7 : i32
      %dma_wait3A_407 = arith.constant 0 : i32
      %dma_wait3A_408 = tpu.memref_slice %arg6[%dma_wait3A_406, %dma_wait3A_407] : memref<8x80xi32, #tpu.memory_space<vmem>> -> memref<1x80xi32, #tpu.memory_space<vmem>>
      %dma_wait3A_409 = tpu.memref_squeeze %dma_wait3A_408 : memref<1x80xi32, #tpu.memory_space<vmem>> -> memref<80xi32, #tpu.memory_space<vmem>>
      %dma_wait3A_410 = arith.constant 0 : i32
      %dma_wait3A_411 = tpu.memref_slice %arg10[%dma_wait3A_410] : memref<10240xf32, #tpu.memory_space<vmem_shared>> -> memref<10240xf32, #tpu.memory_space<vmem_shared>>
      tpu.wait_indirect_dma semaphore(%arg12 : memref<!tpu.dma_semaphore, #tpu.memory_space<semaphore_mem>>) src(%arg7 : memref<80xf32, #tpu.memory_space<vmem>>) dst(%dma_wait3A_411 : memref<10240xf32, #tpu.memory_space<vmem_shared>>)
    }
    %scan3A_199 = arith.constant 16 : i32
    %barrier3A_200 = arith.constant 0 : index
    tpu.barrier barrier_id(%barrier3A_200)
    %run_scoped3A = arith.constant 0 : i32
    "tpu.region"() ({
      %run_scoped3A_202 = tpu.sem_alloc : memref<!tpu.dma_semaphore, #tpu.memory_space<semaphore_mem>>
      %dma_start3A = tpu.memref_slice %arg4[%arg0, %run_scoped3A, %mul3A_192] : memref<2x2x10240xf32, #tpu.memory_space<hbm>> -> memref<1x1x640xf32, #tpu.memory_space<hbm>>
      %dma_start3A_203 = tpu.memref_squeeze %dma_start3A : memref<1x1x640xf32, #tpu.memory_space<hbm>> -> memref<640xf32, #tpu.memory_space<hbm>>
      %dma_start3A_204 = tpu.memref_slice %arg9[%mul3A_192] : memref<10240xf32, #tpu.memory_space<vmem_shared>> -> memref<640xf32, #tpu.memory_space<vmem_shared>>
      tpu.enqueue_dma source(%dma_start3A_204 : memref<640xf32, #tpu.memory_space<vmem_shared>>) target(%dma_start3A_203 : memref<640xf32, #tpu.memory_space<hbm>>) target_semaphore(%run_scoped3A_202 : memref<!tpu.dma_semaphore, #tpu.memory_space<semaphore_mem>>)
      %dma_wait3A = tpu.memref_slice %arg4[%arg0, %run_scoped3A, %mul3A_192] : memref<2x2x10240xf32, #tpu.memory_space<hbm>> -> memref<1x1x640xf32, #tpu.memory_space<hbm>>
      %dma_wait3A_205 = tpu.memref_squeeze %dma_wait3A : memref<1x1x640xf32, #tpu.memory_space<hbm>> -> memref<640xf32, #tpu.memory_space<hbm>>
      %dma_wait3A_206 = tpu.memref_slice %arg9[%mul3A_192] : memref<10240xf32, #tpu.memory_space<vmem_shared>> -> memref<640xf32, #tpu.memory_space<vmem_shared>>
      tpu.wait_dma2 semaphore(%run_scoped3A_202 : memref<!tpu.dma_semaphore, #tpu.memory_space<semaphore_mem>>) src(%dma_wait3A_206 : memref<640xf32, #tpu.memory_space<vmem_shared>>) dst(%dma_wait3A_205 : memref<640xf32, #tpu.memory_space<hbm>>)
      tpu.yield
    }) : () -> ()
    %run_scoped3A_201 = arith.constant 1 : i32
    "tpu.region"() ({
      %run_scoped3A_202 = tpu.sem_alloc : memref<!tpu.dma_semaphore, #tpu.memory_space<semaphore_mem>>
      %dma_start3A = tpu.memref_slice %arg4[%arg0, %run_scoped3A_201, %mul3A_192] : memref<2x2x10240xf32, #tpu.memory_space<hbm>> -> memref<1x1x640xf32, #tpu.memory_space<hbm>>
      %dma_start3A_203 = tpu.memref_squeeze %dma_start3A : memref<1x1x640xf32, #tpu.memory_space<hbm>> -> memref<640xf32, #tpu.memory_space<hbm>>
      %dma_start3A_204 = tpu.memref_slice %arg10[%mul3A_192] : memref<10240xf32, #tpu.memory_space<vmem_shared>> -> memref<640xf32, #tpu.memory_space<vmem_shared>>
      tpu.enqueue_dma source(%dma_start3A_204 : memref<640xf32, #tpu.memory_space<vmem_shared>>) target(%dma_start3A_203 : memref<640xf32, #tpu.memory_space<hbm>>) target_semaphore(%run_scoped3A_202 : memref<!tpu.dma_semaphore, #tpu.memory_space<semaphore_mem>>)
      %dma_wait3A = tpu.memref_slice %arg4[%arg0, %run_scoped3A_201, %mul3A_192] : memref<2x2x10240xf32, #tpu.memory_space<hbm>> -> memref<1x1x640xf32, #tpu.memory_space<hbm>>
      %dma_wait3A_205 = tpu.memref_squeeze %dma_wait3A : memref<1x1x640xf32, #tpu.memory_space<hbm>> -> memref<640xf32, #tpu.memory_space<hbm>>
      %dma_wait3A_206 = tpu.memref_slice %arg10[%mul3A_192] : memref<10240xf32, #tpu.memory_space<vmem_shared>> -> memref<640xf32, #tpu.memory_space<vmem_shared>>
      tpu.wait_dma2 semaphore(%run_scoped3A_202 : memref<!tpu.dma_semaphore, #tpu.memory_space<semaphore_mem>>) src(%dma_wait3A_206 : memref<640xf32, #tpu.memory_space<vmem_shared>>) dst(%dma_wait3A_205 : memref<640xf32, #tpu.memory_space<hbm>>)
      tpu.yield
    }) : () -> ()
    return
  }
}

#map = affine_map<(d0, d1) -> (0, 0)>
#map1 = affine_map<(d0, d1) -> (0)>
#map2 = affine_map<(d0, d1) -> (0, 0, 0)>
module attributes {stable_mosaic.version = 14 : i64} {
  func.func @_agg_body(%arg0: i32, %arg1: i32, %arg2: memref<10240x128xf32, #tpu.memory_space<hbm>>, %arg3: memref<322560xi32, #tpu.memory_space<hbm>>, %arg4: memref<322560xi32, #tpu.memory_space<hbm>>, %arg5: memref<2x10240x128xf32, #tpu.memory_space<hbm>>, %arg6: memref<80xi32, #tpu.memory_space<vmem>>, %arg7: memref<80xi32, #tpu.memory_space<vmem>>, %arg8: memref<80xi32, #tpu.memory_space<vmem>>, %arg9: memref<80xi32, #tpu.memory_space<vmem>>, %arg10: memref<80xi32, #tpu.memory_space<vmem>>, %arg11: memref<80xi32, #tpu.memory_space<vmem>>, %arg12: memref<10080xi32, #tpu.memory_space<vmem>>, %arg13: memref<80x128xf32, #tpu.memory_space<vmem>>, %arg14: memref<80x128xf32, #tpu.memory_space<vmem>>, %arg15: memref<80x128xf32, #tpu.memory_space<vmem>>, %arg16: memref<10240x128xf32, #tpu.memory_space<vmem_shared>>, %arg17: memref<!tpu.dma_semaphore, #tpu.memory_space<semaphore_mem>>, %arg18: memref<!tpu.dma_semaphore, #tpu.memory_space<semaphore_mem>>, %arg19: memref<!tpu.dma_semaphore, #tpu.memory_space<semaphore_mem>>, %arg20: memref<!tpu.dma_semaphore, #tpu.memory_space<semaphore_mem>>, %arg21: memref<!tpu.dma_semaphore, #tpu.memory_space<semaphore_mem>>, %arg22: memref<!tpu.dma_semaphore, #tpu.memory_space<semaphore_mem>>, %arg23: memref<!tpu.dma_semaphore, #tpu.memory_space<semaphore_mem>>, %arg24: memref<!tpu.dma_semaphore, #tpu.memory_space<semaphore_mem>>, %arg25: memref<!tpu.dma_semaphore, #tpu.memory_space<semaphore_mem>>, %arg26: memref<!tpu.dma_semaphore, #tpu.memory_space<semaphore_mem>>, %arg27: memref<!tpu.dma_semaphore, #tpu.memory_space<semaphore_mem>>, %arg28: memref<!tpu.dma_semaphore, #tpu.memory_space<semaphore_mem>>, %arg29: memref<!tpu.dma_semaphore, #tpu.memory_space<semaphore_mem>>) attributes {dimension_semantics = [#tpu.dimension_semantics<core_parallel>, #tpu.dimension_semantics<subcore_parallel>], iteration_bounds = array<i64: 2, 16>, scalar_prefetch = 0 : i64, scratch_operands = 24 : i64, tpu.core_type = #tpu.core_type<sc_vector_subcore>, window_params = [{transform_indices = #map}, {transform_indices = #map1}, {transform_indices = #map1}, {transform_indices = #map2}]} {
    %mul3A = arith.constant 16 : i32
    %mul3A_0 = arith.muli %arg0, %mul3A : i32
    %add3A = arith.addi %mul3A_0, %arg1 : i32
    %mul3A_1 = arith.constant 10080 : i32
    %mul3A_2 = arith.muli %add3A, %mul3A_1 : i32
    %dma_start3A = tpu.memref_slice %arg4[%mul3A_2] : memref<322560xi32, #tpu.memory_space<hbm>> -> memref<10080xi32, #tpu.memory_space<hbm>>
    %dma_start3A_3 = tpu.memref_slice %arg4[%mul3A_2] : memref<322560xi32, #tpu.memory_space<hbm>> -> memref<10080xi32, #tpu.memory_space<hbm>>
    tpu.enqueue_dma source(%dma_start3A_3 : memref<10080xi32, #tpu.memory_space<hbm>>) target(%arg12 : memref<10080xi32, #tpu.memory_space<vmem>>) target_semaphore(%arg23 : memref<!tpu.dma_semaphore, #tpu.memory_space<semaphore_mem>>)
    %broadcast_in_dim3A = arith.constant 0.000000e+00 : f32
    %broadcast_in_dim3A_4 = vector.broadcast %broadcast_in_dim3A : f32 to vector<16xf32>
    %scan3A = arith.constant 0 : i32
    %scan3A_5 = arith.constant 0 : i32
    %scan3A_6 = arith.constant 80 : i32
    %scan3A_7 = arith.addi %scan3A_5, %scan3A_6 : i32
    %scan3A_8 = arith.constant 1 : i32
    scf.for %scan3A_75 = %scan3A_5 to %scan3A_7 step %scan3A_8  : i32 {
      %swap3A = arith.index_cast %scan3A_75 : i32 to index
      %swap3A_76 = arith.constant 0 : index
      %swap3A_77 = tpu.vector_load %arg13[%swap3A, %swap3A_76] {strides = array<i32>} : memref<80x128xf32, #tpu.memory_space<vmem>>, vector<1x16xf32>,
      %swap3A_78 = vector.shape_cast %swap3A_77 : vector<1x16xf32> to vector<16xf32>
      %swap3A_79 = vector.shape_cast %broadcast_in_dim3A_4 : vector<16xf32> to vector<1x16xf32>
      tpu.vector_store %arg13[%swap3A, %swap3A_76], %swap3A_79 {strides = array<i32>} : memref<80x128xf32, #tpu.memory_space<vmem>>, vector<1x16xf32>,
      %swap3A_80 = arith.index_cast %scan3A_75 : i32 to index
      %swap3A_81 = arith.constant 16 : index
      %swap3A_82 = tpu.vector_load %arg13[%swap3A_80, %swap3A_81] {strides = array<i32>} : memref<80x128xf32, #tpu.memory_space<vmem>>, vector<1x16xf32>,
      %swap3A_83 = vector.shape_cast %swap3A_82 : vector<1x16xf32> to vector<16xf32>
      %swap3A_84 = vector.shape_cast %broadcast_in_dim3A_4 : vector<16xf32> to vector<1x16xf32>
      tpu.vector_store %arg13[%swap3A_80, %swap3A_81], %swap3A_84 {strides = array<i32>} : memref<80x128xf32, #tpu.memory_space<vmem>>, vector<1x16xf32>,
      %swap3A_85 = arith.index_cast %scan3A_75 : i32 to index
      %swap3A_86 = arith.constant 32 : index
      %swap3A_87 = tpu.vector_load %arg13[%swap3A_85, %swap3A_86] {strides = array<i32>} : memref<80x128xf32, #tpu.memory_space<vmem>>, vector<1x16xf32>,
      %swap3A_88 = vector.shape_cast %swap3A_87 : vector<1x16xf32> to vector<16xf32>
      %swap3A_89 = vector.shape_cast %broadcast_in_dim3A_4 : vector<16xf32> to vector<1x16xf32>
      tpu.vector_store %arg13[%swap3A_85, %swap3A_86], %swap3A_89 {strides = array<i32>} : memref<80x128xf32, #tpu.memory_space<vmem>>, vector<1x16xf32>,
      %swap3A_90 = arith.index_cast %scan3A_75 : i32 to index
      %swap3A_91 = arith.constant 48 : index
      %swap3A_92 = tpu.vector_load %arg13[%swap3A_90, %swap3A_91] {strides = array<i32>} : memref<80x128xf32, #tpu.memory_space<vmem>>, vector<1x16xf32>,
      %swap3A_93 = vector.shape_cast %swap3A_92 : vector<1x16xf32> to vector<16xf32>
      %swap3A_94 = vector.shape_cast %broadcast_in_dim3A_4 : vector<16xf32> to vector<1x16xf32>
      tpu.vector_store %arg13[%swap3A_90, %swap3A_91], %swap3A_94 {strides = array<i32>} : memref<80x128xf32, #tpu.memory_space<vmem>>, vector<1x16xf32>,
      %swap3A_95 = arith.index_cast %scan3A_75 : i32 to index
      %swap3A_96 = arith.constant 64 : index
      %swap3A_97 = tpu.vector_load %arg13[%swap3A_95, %swap3A_96] {strides = array<i32>} : memref<80x128xf32, #tpu.memory_space<vmem>>, vector<1x16xf32>,
      %swap3A_98 = vector.shape_cast %swap3A_97 : vector<1x16xf32> to vector<16xf32>
      %swap3A_99 = vector.shape_cast %broadcast_in_dim3A_4 : vector<16xf32> to vector<1x16xf32>
      tpu.vector_store %arg13[%swap3A_95, %swap3A_96], %swap3A_99 {strides = array<i32>} : memref<80x128xf32, #tpu.memory_space<vmem>>, vector<1x16xf32>,
      %swap3A_100 = arith.index_cast %scan3A_75 : i32 to index
      %swap3A_101 = arith.constant 80 : index
      %swap3A_102 = tpu.vector_load %arg13[%swap3A_100, %swap3A_101] {strides = array<i32>} : memref<80x128xf32, #tpu.memory_space<vmem>>, vector<1x16xf32>,
      %swap3A_103 = vector.shape_cast %swap3A_102 : vector<1x16xf32> to vector<16xf32>
      %swap3A_104 = vector.shape_cast %broadcast_in_dim3A_4 : vector<16xf32> to vector<1x16xf32>
      tpu.vector_store %arg13[%swap3A_100, %swap3A_101], %swap3A_104 {strides = array<i32>} : memref<80x128xf32, #tpu.memory_space<vmem>>, vector<1x16xf32>,
      %swap3A_105 = arith.index_cast %scan3A_75 : i32 to index
      %swap3A_106 = arith.constant 96 : index
      %swap3A_107 = tpu.vector_load %arg13[%swap3A_105, %swap3A_106] {strides = array<i32>} : memref<80x128xf32, #tpu.memory_space<vmem>>, vector<1x16xf32>,
      %swap3A_108 = vector.shape_cast %swap3A_107 : vector<1x16xf32> to vector<16xf32>
      %swap3A_109 = vector.shape_cast %broadcast_in_dim3A_4 : vector<16xf32> to vector<1x16xf32>
      tpu.vector_store %arg13[%swap3A_105, %swap3A_106], %swap3A_109 {strides = array<i32>} : memref<80x128xf32, #tpu.memory_space<vmem>>, vector<1x16xf32>,
      %swap3A_110 = arith.index_cast %scan3A_75 : i32 to index
      %swap3A_111 = arith.constant 112 : index
      %swap3A_112 = tpu.vector_load %arg13[%swap3A_110, %swap3A_111] {strides = array<i32>} : memref<80x128xf32, #tpu.memory_space<vmem>>, vector<1x16xf32>,
      %swap3A_113 = vector.shape_cast %swap3A_112 : vector<1x16xf32> to vector<16xf32>
      %swap3A_114 = vector.shape_cast %broadcast_in_dim3A_4 : vector<16xf32> to vector<1x16xf32>
      tpu.vector_store %arg13[%swap3A_110, %swap3A_111], %swap3A_114 {strides = array<i32>} : memref<80x128xf32, #tpu.memory_space<vmem>>, vector<1x16xf32>,
    }
    %scan3A_9 = arith.constant 80 : i32
    %mul3A_10 = arith.constant 640 : i32
    %mul3A_11 = arith.muli %arg1, %mul3A_10 : i32
    %add3A_12 = arith.constant 0 : i32
    %add3A_13 = arith.addi %mul3A_11, %add3A_12 : i32
    "tpu.region"() ({
      %run_scoped3A = tpu.sem_alloc : memref<!tpu.dma_semaphore, #tpu.memory_space<semaphore_mem>>
      %dma_start3A_75 = arith.constant 0 : i32
      %dma_start3A_76 = tpu.memref_slice %arg16[%add3A_13, %dma_start3A_75] : memref<10240x128xf32, #tpu.memory_space<vmem_shared>> -> memref<80x128xf32, #tpu.memory_space<vmem_shared>>
      %dma_start3A_77 = arith.constant 0 : i32
      %dma_start3A_78 = tpu.memref_slice %arg16[%add3A_13, %dma_start3A_77] : memref<10240x128xf32, #tpu.memory_space<vmem_shared>> -> memref<80x128xf32, #tpu.memory_space<vmem_shared>>
      tpu.enqueue_dma source(%arg13 : memref<80x128xf32, #tpu.memory_space<vmem>>) target(%dma_start3A_78 : memref<80x128xf32, #tpu.memory_space<vmem_shared>>) target_semaphore(%run_scoped3A : memref<!tpu.dma_semaphore, #tpu.memory_space<semaphore_mem>>)
      %dma_wait3A_79 = arith.constant 0 : i32
      %dma_wait3A_80 = tpu.memref_slice %arg16[%add3A_13, %dma_wait3A_79] : memref<10240x128xf32, #tpu.memory_space<vmem_shared>> -> memref<80x128xf32, #tpu.memory_space<vmem_shared>>
      %dma_wait3A_81 = arith.constant 0 : i32
      %dma_wait3A_82 = tpu.memref_slice %arg16[%add3A_13, %dma_wait3A_81] : memref<10240x128xf32, #tpu.memory_space<vmem_shared>> -> memref<80x128xf32, #tpu.memory_space<vmem_shared>>
      tpu.wait_dma2 semaphore(%run_scoped3A : memref<!tpu.dma_semaphore, #tpu.memory_space<semaphore_mem>>) src(%arg13 : memref<80x128xf32, #tpu.memory_space<vmem>>) dst(%dma_wait3A_82 : memref<80x128xf32, #tpu.memory_space<vmem_shared>>)
      tpu.yield
    }) : () -> ()
    %add3A_14 = arith.constant 80 : i32
    %add3A_15 = arith.addi %mul3A_11, %add3A_14 : i32
    "tpu.region"() ({
      %run_scoped3A = tpu.sem_alloc : memref<!tpu.dma_semaphore, #tpu.memory_space<semaphore_mem>>
      %dma_start3A_75 = arith.constant 0 : i32
      %dma_start3A_76 = tpu.memref_slice %arg16[%add3A_15, %dma_start3A_75] : memref<10240x128xf32, #tpu.memory_space<vmem_shared>> -> memref<80x128xf32, #tpu.memory_space<vmem_shared>>
      %dma_start3A_77 = arith.constant 0 : i32
      %dma_start3A_78 = tpu.memref_slice %arg16[%add3A_15, %dma_start3A_77] : memref<10240x128xf32, #tpu.memory_space<vmem_shared>> -> memref<80x128xf32, #tpu.memory_space<vmem_shared>>
      tpu.enqueue_dma source(%arg13 : memref<80x128xf32, #tpu.memory_space<vmem>>) target(%dma_start3A_78 : memref<80x128xf32, #tpu.memory_space<vmem_shared>>) target_semaphore(%run_scoped3A : memref<!tpu.dma_semaphore, #tpu.memory_space<semaphore_mem>>)
      %dma_wait3A_79 = arith.constant 0 : i32
      %dma_wait3A_80 = tpu.memref_slice %arg16[%add3A_15, %dma_wait3A_79] : memref<10240x128xf32, #tpu.memory_space<vmem_shared>> -> memref<80x128xf32, #tpu.memory_space<vmem_shared>>
      %dma_wait3A_81 = arith.constant 0 : i32
      %dma_wait3A_82 = tpu.memref_slice %arg16[%add3A_15, %dma_wait3A_81] : memref<10240x128xf32, #tpu.memory_space<vmem_shared>> -> memref<80x128xf32, #tpu.memory_space<vmem_shared>>
      tpu.wait_dma2 semaphore(%run_scoped3A : memref<!tpu.dma_semaphore, #tpu.memory_space<semaphore_mem>>) src(%arg13 : memref<80x128xf32, #tpu.memory_space<vmem>>) dst(%dma_wait3A_82 : memref<80x128xf32, #tpu.memory_space<vmem_shared>>)
      tpu.yield
    }) : () -> ()
    %add3A_16 = arith.constant 160 : i32
    %add3A_17 = arith.addi %mul3A_11, %add3A_16 : i32
    "tpu.region"() ({
      %run_scoped3A = tpu.sem_alloc : memref<!tpu.dma_semaphore, #tpu.memory_space<semaphore_mem>>
      %dma_start3A_75 = arith.constant 0 : i32
      %dma_start3A_76 = tpu.memref_slice %arg16[%add3A_17, %dma_start3A_75] : memref<10240x128xf32, #tpu.memory_space<vmem_shared>> -> memref<80x128xf32, #tpu.memory_space<vmem_shared>>
      %dma_start3A_77 = arith.constant 0 : i32
      %dma_start3A_78 = tpu.memref_slice %arg16[%add3A_17, %dma_start3A_77] : memref<10240x128xf32, #tpu.memory_space<vmem_shared>> -> memref<80x128xf32, #tpu.memory_space<vmem_shared>>
      tpu.enqueue_dma source(%arg13 : memref<80x128xf32, #tpu.memory_space<vmem>>) target(%dma_start3A_78 : memref<80x128xf32, #tpu.memory_space<vmem_shared>>) target_semaphore(%run_scoped3A : memref<!tpu.dma_semaphore, #tpu.memory_space<semaphore_mem>>)
      %dma_wait3A_79 = arith.constant 0 : i32
      %dma_wait3A_80 = tpu.memref_slice %arg16[%add3A_17, %dma_wait3A_79] : memref<10240x128xf32, #tpu.memory_space<vmem_shared>> -> memref<80x128xf32, #tpu.memory_space<vmem_shared>>
      %dma_wait3A_81 = arith.constant 0 : i32
      %dma_wait3A_82 = tpu.memref_slice %arg16[%add3A_17, %dma_wait3A_81] : memref<10240x128xf32, #tpu.memory_space<vmem_shared>> -> memref<80x128xf32, #tpu.memory_space<vmem_shared>>
      tpu.wait_dma2 semaphore(%run_scoped3A : memref<!tpu.dma_semaphore, #tpu.memory_space<semaphore_mem>>) src(%arg13 : memref<80x128xf32, #tpu.memory_space<vmem>>) dst(%dma_wait3A_82 : memref<80x128xf32, #tpu.memory_space<vmem_shared>>)
      tpu.yield
    }) : () -> ()
    %add3A_18 = arith.constant 240 : i32
    %add3A_19 = arith.addi %mul3A_11, %add3A_18 : i32
    "tpu.region"() ({
      %run_scoped3A = tpu.sem_alloc : memref<!tpu.dma_semaphore, #tpu.memory_space<semaphore_mem>>
      %dma_start3A_75 = arith.constant 0 : i32
      %dma_start3A_76 = tpu.memref_slice %arg16[%add3A_19, %dma_start3A_75] : memref<10240x128xf32, #tpu.memory_space<vmem_shared>> -> memref<80x128xf32, #tpu.memory_space<vmem_shared>>
      %dma_start3A_77 = arith.constant 0 : i32
      %dma_start3A_78 = tpu.memref_slice %arg16[%add3A_19, %dma_start3A_77] : memref<10240x128xf32, #tpu.memory_space<vmem_shared>> -> memref<80x128xf32, #tpu.memory_space<vmem_shared>>
      tpu.enqueue_dma source(%arg13 : memref<80x128xf32, #tpu.memory_space<vmem>>) target(%dma_start3A_78 : memref<80x128xf32, #tpu.memory_space<vmem_shared>>) target_semaphore(%run_scoped3A : memref<!tpu.dma_semaphore, #tpu.memory_space<semaphore_mem>>)
      %dma_wait3A_79 = arith.constant 0 : i32
      %dma_wait3A_80 = tpu.memref_slice %arg16[%add3A_19, %dma_wait3A_79] : memref<10240x128xf32, #tpu.memory_space<vmem_shared>> -> memref<80x128xf32, #tpu.memory_space<vmem_shared>>
      %dma_wait3A_81 = arith.constant 0 : i32
      %dma_wait3A_82 = tpu.memref_slice %arg16[%add3A_19, %dma_wait3A_81] : memref<10240x128xf32, #tpu.memory_space<vmem_shared>> -> memref<80x128xf32, #tpu.memory_space<vmem_shared>>
      tpu.wait_dma2 semaphore(%run_scoped3A : memref<!tpu.dma_semaphore, #tpu.memory_space<semaphore_mem>>) src(%arg13 : memref<80x128xf32, #tpu.memory_space<vmem>>) dst(%dma_wait3A_82 : memref<80x128xf32, #tpu.memory_space<vmem_shared>>)
      tpu.yield
    }) : () -> ()
    %add3A_20 = arith.constant 320 : i32
    %add3A_21 = arith.addi %mul3A_11, %add3A_20 : i32
    "tpu.region"() ({
      %run_scoped3A = tpu.sem_alloc : memref<!tpu.dma_semaphore, #tpu.memory_space<semaphore_mem>>
      %dma_start3A_75 = arith.constant 0 : i32
      %dma_start3A_76 = tpu.memref_slice %arg16[%add3A_21, %dma_start3A_75] : memref<10240x128xf32, #tpu.memory_space<vmem_shared>> -> memref<80x128xf32, #tpu.memory_space<vmem_shared>>
      %dma_start3A_77 = arith.constant 0 : i32
      %dma_start3A_78 = tpu.memref_slice %arg16[%add3A_21, %dma_start3A_77] : memref<10240x128xf32, #tpu.memory_space<vmem_shared>> -> memref<80x128xf32, #tpu.memory_space<vmem_shared>>
      tpu.enqueue_dma source(%arg13 : memref<80x128xf32, #tpu.memory_space<vmem>>) target(%dma_start3A_78 : memref<80x128xf32, #tpu.memory_space<vmem_shared>>) target_semaphore(%run_scoped3A : memref<!tpu.dma_semaphore, #tpu.memory_space<semaphore_mem>>)
      %dma_wait3A_79 = arith.constant 0 : i32
      %dma_wait3A_80 = tpu.memref_slice %arg16[%add3A_21, %dma_wait3A_79] : memref<10240x128xf32, #tpu.memory_space<vmem_shared>> -> memref<80x128xf32, #tpu.memory_space<vmem_shared>>
      %dma_wait3A_81 = arith.constant 0 : i32
      %dma_wait3A_82 = tpu.memref_slice %arg16[%add3A_21, %dma_wait3A_81] : memref<10240x128xf32, #tpu.memory_space<vmem_shared>> -> memref<80x128xf32, #tpu.memory_space<vmem_shared>>
      tpu.wait_dma2 semaphore(%run_scoped3A : memref<!tpu.dma_semaphore, #tpu.memory_space<semaphore_mem>>) src(%arg13 : memref<80x128xf32, #tpu.memory_space<vmem>>) dst(%dma_wait3A_82 : memref<80x128xf32, #tpu.memory_space<vmem_shared>>)
      tpu.yield
    }) : () -> ()
    %add3A_22 = arith.constant 400 : i32
    %add3A_23 = arith.addi %mul3A_11, %add3A_22 : i32
    "tpu.region"() ({
      %run_scoped3A = tpu.sem_alloc : memref<!tpu.dma_semaphore, #tpu.memory_space<semaphore_mem>>
      %dma_start3A_75 = arith.constant 0 : i32
      %dma_start3A_76 = tpu.memref_slice %arg16[%add3A_23, %dma_start3A_75] : memref<10240x128xf32, #tpu.memory_space<vmem_shared>> -> memref<80x128xf32, #tpu.memory_space<vmem_shared>>
      %dma_start3A_77 = arith.constant 0 : i32
      %dma_start3A_78 = tpu.memref_slice %arg16[%add3A_23, %dma_start3A_77] : memref<10240x128xf32, #tpu.memory_space<vmem_shared>> -> memref<80x128xf32, #tpu.memory_space<vmem_shared>>
      tpu.enqueue_dma source(%arg13 : memref<80x128xf32, #tpu.memory_space<vmem>>) target(%dma_start3A_78 : memref<80x128xf32, #tpu.memory_space<vmem_shared>>) target_semaphore(%run_scoped3A : memref<!tpu.dma_semaphore, #tpu.memory_space<semaphore_mem>>)
      %dma_wait3A_79 = arith.constant 0 : i32
      %dma_wait3A_80 = tpu.memref_slice %arg16[%add3A_23, %dma_wait3A_79] : memref<10240x128xf32, #tpu.memory_space<vmem_shared>> -> memref<80x128xf32, #tpu.memory_space<vmem_shared>>
      %dma_wait3A_81 = arith.constant 0 : i32
      %dma_wait3A_82 = tpu.memref_slice %arg16[%add3A_23, %dma_wait3A_81] : memref<10240x128xf32, #tpu.memory_space<vmem_shared>> -> memref<80x128xf32, #tpu.memory_space<vmem_shared>>
      tpu.wait_dma2 semaphore(%run_scoped3A : memref<!tpu.dma_semaphore, #tpu.memory_space<semaphore_mem>>) src(%arg13 : memref<80x128xf32, #tpu.memory_space<vmem>>) dst(%dma_wait3A_82 : memref<80x128xf32, #tpu.memory_space<vmem_shared>>)
      tpu.yield
    }) : () -> ()
    %add3A_24 = arith.constant 480 : i32
    %add3A_25 = arith.addi %mul3A_11, %add3A_24 : i32
    "tpu.region"() ({
      %run_scoped3A = tpu.sem_alloc : memref<!tpu.dma_semaphore, #tpu.memory_space<semaphore_mem>>
      %dma_start3A_75 = arith.constant 0 : i32
      %dma_start3A_76 = tpu.memref_slice %arg16[%add3A_25, %dma_start3A_75] : memref<10240x128xf32, #tpu.memory_space<vmem_shared>> -> memref<80x128xf32, #tpu.memory_space<vmem_shared>>
      %dma_start3A_77 = arith.constant 0 : i32
      %dma_start3A_78 = tpu.memref_slice %arg16[%add3A_25, %dma_start3A_77] : memref<10240x128xf32, #tpu.memory_space<vmem_shared>> -> memref<80x128xf32, #tpu.memory_space<vmem_shared>>
      tpu.enqueue_dma source(%arg13 : memref<80x128xf32, #tpu.memory_space<vmem>>) target(%dma_start3A_78 : memref<80x128xf32, #tpu.memory_space<vmem_shared>>) target_semaphore(%run_scoped3A : memref<!tpu.dma_semaphore, #tpu.memory_space<semaphore_mem>>)
      %dma_wait3A_79 = arith.constant 0 : i32
      %dma_wait3A_80 = tpu.memref_slice %arg16[%add3A_25, %dma_wait3A_79] : memref<10240x128xf32, #tpu.memory_space<vmem_shared>> -> memref<80x128xf32, #tpu.memory_space<vmem_shared>>
      %dma_wait3A_81 = arith.constant 0 : i32
      %dma_wait3A_82 = tpu.memref_slice %arg16[%add3A_25, %dma_wait3A_81] : memref<10240x128xf32, #tpu.memory_space<vmem_shared>> -> memref<80x128xf32, #tpu.memory_space<vmem_shared>>
      tpu.wait_dma2 semaphore(%run_scoped3A : memref<!tpu.dma_semaphore, #tpu.memory_space<semaphore_mem>>) src(%arg13 : memref<80x128xf32, #tpu.memory_space<vmem>>) dst(%dma_wait3A_82 : memref<80x128xf32, #tpu.memory_space<vmem_shared>>)
      tpu.yield
    }) : () -> ()
    %add3A_26 = arith.constant 560 : i32
    %add3A_27 = arith.addi %mul3A_11, %add3A_26 : i32
    "tpu.region"() ({
      %run_scoped3A = tpu.sem_alloc : memref<!tpu.dma_semaphore, #tpu.memory_space<semaphore_mem>>
      %dma_start3A_75 = arith.constant 0 : i32
      %dma_start3A_76 = tpu.memref_slice %arg16[%add3A_27, %dma_start3A_75] : memref<10240x128xf32, #tpu.memory_space<vmem_shared>> -> memref<80x128xf32, #tpu.memory_space<vmem_shared>>
      %dma_start3A_77 = arith.constant 0 : i32
      %dma_start3A_78 = tpu.memref_slice %arg16[%add3A_27, %dma_start3A_77] : memref<10240x128xf32, #tpu.memory_space<vmem_shared>> -> memref<80x128xf32, #tpu.memory_space<vmem_shared>>
      tpu.enqueue_dma source(%arg13 : memref<80x128xf32, #tpu.memory_space<vmem>>) target(%dma_start3A_78 : memref<80x128xf32, #tpu.memory_space<vmem_shared>>) target_semaphore(%run_scoped3A : memref<!tpu.dma_semaphore, #tpu.memory_space<semaphore_mem>>)
      %dma_wait3A_79 = arith.constant 0 : i32
      %dma_wait3A_80 = tpu.memref_slice %arg16[%add3A_27, %dma_wait3A_79] : memref<10240x128xf32, #tpu.memory_space<vmem_shared>> -> memref<80x128xf32, #tpu.memory_space<vmem_shared>>
      %dma_wait3A_81 = arith.constant 0 : i32
      %dma_wait3A_82 = tpu.memref_slice %arg16[%add3A_27, %dma_wait3A_81] : memref<10240x128xf32, #tpu.memory_space<vmem_shared>> -> memref<80x128xf32, #tpu.memory_space<vmem_shared>>
      tpu.wait_dma2 semaphore(%run_scoped3A : memref<!tpu.dma_semaphore, #tpu.memory_space<semaphore_mem>>) src(%arg13 : memref<80x128xf32, #tpu.memory_space<vmem>>) dst(%dma_wait3A_82 : memref<80x128xf32, #tpu.memory_space<vmem_shared>>)
      tpu.yield
    }) : () -> ()
    %barrier3A = arith.constant 0 : index
    tpu.barrier barrier_id(%barrier3A)
    %add3A_28 = arith.constant 0 : i32
    %add3A_29 = arith.addi %mul3A_2, %add3A_28 : i32
    %dma_start3A_30 = tpu.memref_slice %arg3[%add3A_29] : memref<322560xi32, #tpu.memory_space<hbm>> -> memref<80xi32, #tpu.memory_space<hbm>>
    %dma_start3A_31 = tpu.memref_slice %arg3[%add3A_29] : memref<322560xi32, #tpu.memory_space<hbm>> -> memref<80xi32, #tpu.memory_space<hbm>>
    tpu.enqueue_dma source(%dma_start3A_31 : memref<80xi32, #tpu.memory_space<hbm>>) target(%arg6 : memref<80xi32, #tpu.memory_space<vmem>>) target_semaphore(%arg17 : memref<!tpu.dma_semaphore, #tpu.memory_space<semaphore_mem>>)
    %add3A_32 = arith.constant 80 : i32
    %add3A_33 = arith.addi %mul3A_2, %add3A_32 : i32
    %dma_start3A_34 = tpu.memref_slice %arg3[%add3A_33] : memref<322560xi32, #tpu.memory_space<hbm>> -> memref<80xi32, #tpu.memory_space<hbm>>
    %dma_start3A_35 = tpu.memref_slice %arg3[%add3A_33] : memref<322560xi32, #tpu.memory_space<hbm>> -> memref<80xi32, #tpu.memory_space<hbm>>
    tpu.enqueue_dma source(%dma_start3A_35 : memref<80xi32, #tpu.memory_space<hbm>>) target(%arg7 : memref<80xi32, #tpu.memory_space<vmem>>) target_semaphore(%arg18 : memref<!tpu.dma_semaphore, #tpu.memory_space<semaphore_mem>>)
    %add3A_36 = arith.constant 160 : i32
    %add3A_37 = arith.addi %mul3A_2, %add3A_36 : i32
    %dma_start3A_38 = tpu.memref_slice %arg3[%add3A_37] : memref<322560xi32, #tpu.memory_space<hbm>> -> memref<80xi32, #tpu.memory_space<hbm>>
    %dma_start3A_39 = tpu.memref_slice %arg3[%add3A_37] : memref<322560xi32, #tpu.memory_space<hbm>> -> memref<80xi32, #tpu.memory_space<hbm>>
    tpu.enqueue_dma source(%dma_start3A_39 : memref<80xi32, #tpu.memory_space<hbm>>) target(%arg8 : memref<80xi32, #tpu.memory_space<vmem>>) target_semaphore(%arg19 : memref<!tpu.dma_semaphore, #tpu.memory_space<semaphore_mem>>)
    %add3A_40 = arith.constant 240 : i32
    %add3A_41 = arith.addi %mul3A_2, %add3A_40 : i32
    %dma_start3A_42 = tpu.memref_slice %arg3[%add3A_41] : memref<322560xi32, #tpu.memory_space<hbm>> -> memref<80xi32, #tpu.memory_space<hbm>>
    %dma_start3A_43 = tpu.memref_slice %arg3[%add3A_41] : memref<322560xi32, #tpu.memory_space<hbm>> -> memref<80xi32, #tpu.memory_space<hbm>>
    tpu.enqueue_dma source(%dma_start3A_43 : memref<80xi32, #tpu.memory_space<hbm>>) target(%arg9 : memref<80xi32, #tpu.memory_space<vmem>>) target_semaphore(%arg20 : memref<!tpu.dma_semaphore, #tpu.memory_space<semaphore_mem>>)
    %add3A_44 = arith.constant 320 : i32
    %add3A_45 = arith.addi %mul3A_2, %add3A_44 : i32
    %dma_start3A_46 = tpu.memref_slice %arg3[%add3A_45] : memref<322560xi32, #tpu.memory_space<hbm>> -> memref<80xi32, #tpu.memory_space<hbm>>
    %dma_start3A_47 = tpu.memref_slice %arg3[%add3A_45] : memref<322560xi32, #tpu.memory_space<hbm>> -> memref<80xi32, #tpu.memory_space<hbm>>
    tpu.enqueue_dma source(%dma_start3A_47 : memref<80xi32, #tpu.memory_space<hbm>>) target(%arg10 : memref<80xi32, #tpu.memory_space<vmem>>) target_semaphore(%arg21 : memref<!tpu.dma_semaphore, #tpu.memory_space<semaphore_mem>>)
    %add3A_48 = arith.constant 400 : i32
    %add3A_49 = arith.addi %mul3A_2, %add3A_48 : i32
    %dma_start3A_50 = tpu.memref_slice %arg3[%add3A_49] : memref<322560xi32, #tpu.memory_space<hbm>> -> memref<80xi32, #tpu.memory_space<hbm>>
    %dma_start3A_51 = tpu.memref_slice %arg3[%add3A_49] : memref<322560xi32, #tpu.memory_space<hbm>> -> memref<80xi32, #tpu.memory_space<hbm>>
    tpu.enqueue_dma source(%dma_start3A_51 : memref<80xi32, #tpu.memory_space<hbm>>) target(%arg11 : memref<80xi32, #tpu.memory_space<vmem>>) target_semaphore(%arg22 : memref<!tpu.dma_semaphore, #tpu.memory_space<semaphore_mem>>)
    %dma_wait3A = tpu.memref_slice %arg4[%mul3A_2] : memref<322560xi32, #tpu.memory_space<hbm>> -> memref<10080xi32, #tpu.memory_space<hbm>>
    %dma_wait3A_52 = tpu.memref_slice %arg4[%mul3A_2] : memref<322560xi32, #tpu.memory_space<hbm>> -> memref<10080xi32, #tpu.memory_space<hbm>>
    tpu.wait_dma2 semaphore(%arg23 : memref<!tpu.dma_semaphore, #tpu.memory_space<semaphore_mem>>) src(%dma_wait3A_52 : memref<10080xi32, #tpu.memory_space<hbm>>) dst(%arg12 : memref<10080xi32, #tpu.memory_space<vmem>>)
    %dma_wait3A_53 = tpu.memref_slice %arg3[%mul3A_2] : memref<322560xi32, #tpu.memory_space<hbm>> -> memref<80xi32, #tpu.memory_space<hbm>>
    %dma_wait3A_54 = tpu.memref_slice %arg3[%mul3A_2] : memref<322560xi32, #tpu.memory_space<hbm>> -> memref<80xi32, #tpu.memory_space<hbm>>
    tpu.wait_dma2 semaphore(%arg17 : memref<!tpu.dma_semaphore, #tpu.memory_space<semaphore_mem>>) src(%dma_wait3A_54 : memref<80xi32, #tpu.memory_space<hbm>>) dst(%arg6 : memref<80xi32, #tpu.memory_space<vmem>>)
    %dma_start3A_55 = arith.constant 0 : i32
    %dma_start3A_56 = arith.constant 0 : i32
    %dma_start3A_57 = tpu.memref_slice %arg2[%dma_start3A_55, %dma_start3A_56] : memref<10240x128xf32, #tpu.memory_space<hbm>> -> memref<10240x128xf32, #tpu.memory_space<hbm>>
    tpu.enqueue_indirect_dma source(%dma_start3A_57 : memref<10240x128xf32, #tpu.memory_space<hbm>>) target(%arg13 : memref<80x128xf32, #tpu.memory_space<vmem>>) offsets(%arg6 : memref<80xi32, #tpu.memory_space<vmem>>) semaphore(%arg24 : memref<!tpu.dma_semaphore, #tpu.memory_space<semaphore_mem>>)
    %dma_wait3A_58 = tpu.memref_slice %arg3[%mul3A_2] : memref<322560xi32, #tpu.memory_space<hbm>> -> memref<80xi32, #tpu.memory_space<hbm>>
    %dma_wait3A_59 = tpu.memref_slice %arg3[%mul3A_2] : memref<322560xi32, #tpu.memory_space<hbm>> -> memref<80xi32, #tpu.memory_space<hbm>>
    tpu.wait_dma2 semaphore(%arg18 : memref<!tpu.dma_semaphore, #tpu.memory_space<semaphore_mem>>) src(%dma_wait3A_59 : memref<80xi32, #tpu.memory_space<hbm>>) dst(%arg7 : memref<80xi32, #tpu.memory_space<vmem>>)
    %dma_start3A_60 = arith.constant 0 : i32
    %dma_start3A_61 = arith.constant 0 : i32
    %dma_start3A_62 = tpu.memref_slice %arg2[%dma_start3A_60, %dma_start3A_61] : memref<10240x128xf32, #tpu.memory_space<hbm>> -> memref<10240x128xf32, #tpu.memory_space<hbm>>
    tpu.enqueue_indirect_dma source(%dma_start3A_62 : memref<10240x128xf32, #tpu.memory_space<hbm>>) target(%arg14 : memref<80x128xf32, #tpu.memory_space<vmem>>) offsets(%arg7 : memref<80xi32, #tpu.memory_space<vmem>>) semaphore(%arg25 : memref<!tpu.dma_semaphore, #tpu.memory_space<semaphore_mem>>)
    %scan3A_63 = arith.constant 0 : i32
    %scan3A_64 = arith.constant 0 : i32
    %scan3A_65 = arith.constant 21 : i32
    %scan3A_66 = arith.addi %scan3A_64, %scan3A_65 : i32
    %scan3A_67 = arith.constant 1 : i32
    scf.for %scan3A_75 = %scan3A_64 to %scan3A_66 step %scan3A_67  : i32 {
      %mul3A_76 = arith.constant 6 : i32
      %mul3A_77 = arith.muli %scan3A_75, %mul3A_76 : i32
      %add3A_78 = arith.constant 0 : i32
      %add3A_79 = arith.addi %mul3A_77, %add3A_78 : i32
      %dma_wait3A_80 = arith.constant 0 : i32
      %dma_wait3A_81 = arith.constant 0 : i32
      %dma_wait3A_82 = tpu.memref_slice %arg2[%dma_wait3A_80, %dma_wait3A_81] : memref<10240x128xf32, #tpu.memory_space<hbm>> -> memref<10240x128xf32, #tpu.memory_space<hbm>>
      tpu.wait_indirect_dma semaphore(%arg24 : memref<!tpu.dma_semaphore, #tpu.memory_space<semaphore_mem>>) src(%dma_wait3A_82 : memref<10240x128xf32, #tpu.memory_space<hbm>>) dst(%arg13 : memref<80x128xf32, #tpu.memory_space<vmem>>)
      %add3A_83 = arith.constant 6 : i32
      %add3A_84 = arith.addi %add3A_79, %add3A_83 : i32
      %lt3A = arith.constant 126 : i32
      %lt3A_85 = arith.cmpi slt, %add3A_84, %lt3A : i32
      %convert_element_type3A = arith.extui %lt3A_85 : i1 to i32
      %cond3A = arith.constant 0 : i32
      %cond3A_86 = arith.cmpi ne, %convert_element_type3A, %cond3A : i32
      scf.if %cond3A_86 {
        %add3A_264 = arith.constant 6 : i32
        %add3A_265 = arith.addi %add3A_79, %add3A_264 : i32
        %mul3A_266 = arith.constant 80 : i32
        %mul3A_267 = arith.muli %add3A_265, %mul3A_266 : i32
        %add3A_268 = arith.addi %mul3A_2, %mul3A_267 : i32
        %dma_start3A_269 = tpu.memref_slice %arg3[%add3A_268] : memref<322560xi32, #tpu.memory_space<hbm>> -> memref<80xi32, #tpu.memory_space<hbm>>
        %dma_start3A_270 = tpu.memref_slice %arg3[%add3A_268] : memref<322560xi32, #tpu.memory_space<hbm>> -> memref<80xi32, #tpu.memory_space<hbm>>
        tpu.enqueue_dma source(%dma_start3A_270 : memref<80xi32, #tpu.memory_space<hbm>>) target(%arg6 : memref<80xi32, #tpu.memory_space<vmem>>) target_semaphore(%arg17 : memref<!tpu.dma_semaphore, #tpu.memory_space<semaphore_mem>>)
      } else {
      }
      %mul3A_87 = arith.constant 80 : i32
      %mul3A_88 = arith.muli %add3A_79, %mul3A_87 : i32
      %dma_start3A_89 = tpu.memref_slice %arg12[%mul3A_88] : memref<10080xi32, #tpu.memory_space<vmem>> -> memref<80xi32, #tpu.memory_space<vmem>>
      %dma_start3A_90 = arith.constant 0 : i32
      %dma_start3A_91 = arith.constant 0 : i32
      %dma_start3A_92 = tpu.memref_slice %arg16[%dma_start3A_90, %dma_start3A_91] : memref<10240x128xf32, #tpu.memory_space<vmem_shared>> -> memref<10240x128xf32, #tpu.memory_space<vmem_shared>>
      tpu.enqueue_indirect_dma source(%arg13 : memref<80x128xf32, #tpu.memory_space<vmem>>) target(%dma_start3A_92 : memref<10240x128xf32, #tpu.memory_space<vmem_shared>>) offsets(%dma_start3A_89 : memref<80xi32, #tpu.memory_space<vmem>>) semaphore(%arg27 : memref<!tpu.dma_semaphore, #tpu.memory_space<semaphore_mem>>) {add = true}
      %ge3A = arith.constant 1 : i32
      %ge3A_93 = arith.cmpi sge, %add3A_79, %ge3A : i32
      %convert_element_type3A_94 = arith.extui %ge3A_93 : i1 to i32
      %cond3A_95 = arith.constant 0 : i32
      %cond3A_96 = arith.cmpi ne, %convert_element_type3A_94, %cond3A_95 : i32
      scf.if %cond3A_96 {
        %sub3A = arith.constant 1 : i32
        %sub3A_264 = arith.subi %add3A_79, %sub3A : i32
        %mul3A_265 = arith.constant 80 : i32
        %mul3A_266 = arith.muli %sub3A_264, %mul3A_265 : i32
        %dma_wait3A_267 = tpu.memref_slice %arg12[%mul3A_266] : memref<10080xi32, #tpu.memory_space<vmem>> -> memref<80xi32, #tpu.memory_space<vmem>>
        %dma_wait3A_268 = arith.constant 0 : i32
        %dma_wait3A_269 = arith.constant 0 : i32
        %dma_wait3A_270 = tpu.memref_slice %arg16[%dma_wait3A_268, %dma_wait3A_269] : memref<10240x128xf32, #tpu.memory_space<vmem_shared>> -> memref<10240x128xf32, #tpu.memory_space<vmem_shared>>
        tpu.wait_indirect_dma semaphore(%arg29 : memref<!tpu.dma_semaphore, #tpu.memory_space<semaphore_mem>>) src(%arg15 : memref<80x128xf32, #tpu.memory_space<vmem>>) dst(%dma_wait3A_270 : memref<10240x128xf32, #tpu.memory_space<vmem_shared>>)
      } else {
      }
      %add3A_97 = arith.constant 2 : i32
      %add3A_98 = arith.addi %add3A_79, %add3A_97 : i32
      %lt3A_99 = arith.constant 126 : i32
      %lt3A_100 = arith.cmpi slt, %add3A_98, %lt3A_99 : i32
      %convert_element_type3A_101 = arith.extui %lt3A_100 : i1 to i32
      %cond3A_102 = arith.constant 0 : i32
      %cond3A_103 = arith.cmpi ne, %convert_element_type3A_101, %cond3A_102 : i32
      scf.if %cond3A_103 {
        %dma_wait3A_264 = tpu.memref_slice %arg3[%mul3A_2] : memref<322560xi32, #tpu.memory_space<hbm>> -> memref<80xi32, #tpu.memory_space<hbm>>
        %dma_wait3A_265 = tpu.memref_slice %arg3[%mul3A_2] : memref<322560xi32, #tpu.memory_space<hbm>> -> memref<80xi32, #tpu.memory_space<hbm>>
        tpu.wait_dma2 semaphore(%arg19 : memref<!tpu.dma_semaphore, #tpu.memory_space<semaphore_mem>>) src(%dma_wait3A_265 : memref<80xi32, #tpu.memory_space<hbm>>) dst(%arg8 : memref<80xi32, #tpu.memory_space<vmem>>)
        %dma_start3A_266 = arith.constant 0 : i32
        %dma_start3A_267 = arith.constant 0 : i32
        %dma_start3A_268 = tpu.memref_slice %arg2[%dma_start3A_266, %dma_start3A_267] : memref<10240x128xf32, #tpu.memory_space<hbm>> -> memref<10240x128xf32, #tpu.memory_space<hbm>>
        tpu.enqueue_indirect_dma source(%dma_start3A_268 : memref<10240x128xf32, #tpu.memory_space<hbm>>) target(%arg15 : memref<80x128xf32, #tpu.memory_space<vmem>>) offsets(%arg8 : memref<80xi32, #tpu.memory_space<vmem>>) semaphore(%arg26 : memref<!tpu.dma_semaphore, #tpu.memory_space<semaphore_mem>>)
      } else {
      }
      %mul3A_104 = arith.constant 6 : i32
      %mul3A_105 = arith.muli %scan3A_75, %mul3A_104 : i32
      %add3A_106 = arith.constant 1 : i32
      %add3A_107 = arith.addi %mul3A_105, %add3A_106 : i32
      %dma_wait3A_108 = arith.constant 0 : i32
      %dma_wait3A_109 = arith.constant 0 : i32
      %dma_wait3A_110 = tpu.memref_slice %arg2[%dma_wait3A_108, %dma_wait3A_109] : memref<10240x128xf32, #tpu.memory_space<hbm>> -> memref<10240x128xf32, #tpu.memory_space<hbm>>
      tpu.wait_indirect_dma semaphore(%arg25 : memref<!tpu.dma_semaphore, #tpu.memory_space<semaphore_mem>>) src(%dma_wait3A_110 : memref<10240x128xf32, #tpu.memory_space<hbm>>) dst(%arg14 : memref<80x128xf32, #tpu.memory_space<vmem>>)
      %add3A_111 = arith.constant 6 : i32
      %add3A_112 = arith.addi %add3A_107, %add3A_111 : i32
      %lt3A_113 = arith.constant 126 : i32
      %lt3A_114 = arith.cmpi slt, %add3A_112, %lt3A_113 : i32
      %convert_element_type3A_115 = arith.extui %lt3A_114 : i1 to i32
      %cond3A_116 = arith.constant 0 : i32
      %cond3A_117 = arith.cmpi ne, %convert_element_type3A_115, %cond3A_116 : i32
      scf.if %cond3A_117 {
        %add3A_264 = arith.constant 6 : i32
        %add3A_265 = arith.addi %add3A_107, %add3A_264 : i32
        %mul3A_266 = arith.constant 80 : i32
        %mul3A_267 = arith.muli %add3A_265, %mul3A_266 : i32
        %add3A_268 = arith.addi %mul3A_2, %mul3A_267 : i32
        %dma_start3A_269 = tpu.memref_slice %arg3[%add3A_268] : memref<322560xi32, #tpu.memory_space<hbm>> -> memref<80xi32, #tpu.memory_space<hbm>>
        %dma_start3A_270 = tpu.memref_slice %arg3[%add3A_268] : memref<322560xi32, #tpu.memory_space<hbm>> -> memref<80xi32, #tpu.memory_space<hbm>>
        tpu.enqueue_dma source(%dma_start3A_270 : memref<80xi32, #tpu.memory_space<hbm>>) target(%arg7 : memref<80xi32, #tpu.memory_space<vmem>>) target_semaphore(%arg18 : memref<!tpu.dma_semaphore, #tpu.memory_space<semaphore_mem>>)
      } else {
      }
      %mul3A_118 = arith.constant 80 : i32
      %mul3A_119 = arith.muli %add3A_107, %mul3A_118 : i32
      %dma_start3A_120 = tpu.memref_slice %arg12[%mul3A_119] : memref<10080xi32, #tpu.memory_space<vmem>> -> memref<80xi32, #tpu.memory_space<vmem>>
      %dma_start3A_121 = arith.constant 0 : i32
      %dma_start3A_122 = arith.constant 0 : i32
      %dma_start3A_123 = tpu.memref_slice %arg16[%dma_start3A_121, %dma_start3A_122] : memref<10240x128xf32, #tpu.memory_space<vmem_shared>> -> memref<10240x128xf32, #tpu.memory_space<vmem_shared>>
      tpu.enqueue_indirect_dma source(%arg14 : memref<80x128xf32, #tpu.memory_space<vmem>>) target(%dma_start3A_123 : memref<10240x128xf32, #tpu.memory_space<vmem_shared>>) offsets(%dma_start3A_120 : memref<80xi32, #tpu.memory_space<vmem>>) semaphore(%arg28 : memref<!tpu.dma_semaphore, #tpu.memory_space<semaphore_mem>>) {add = true}
      %ge3A_124 = arith.constant 1 : i32
      %ge3A_125 = arith.cmpi sge, %add3A_107, %ge3A_124 : i32
      %convert_element_type3A_126 = arith.extui %ge3A_125 : i1 to i32
      %cond3A_127 = arith.constant 0 : i32
      %cond3A_128 = arith.cmpi ne, %convert_element_type3A_126, %cond3A_127 : i32
      scf.if %cond3A_128 {
        %sub3A = arith.constant 1 : i32
        %sub3A_264 = arith.subi %add3A_107, %sub3A : i32
        %mul3A_265 = arith.constant 80 : i32
        %mul3A_266 = arith.muli %sub3A_264, %mul3A_265 : i32
        %dma_wait3A_267 = tpu.memref_slice %arg12[%mul3A_266] : memref<10080xi32, #tpu.memory_space<vmem>> -> memref<80xi32, #tpu.memory_space<vmem>>
        %dma_wait3A_268 = arith.constant 0 : i32
        %dma_wait3A_269 = arith.constant 0 : i32
        %dma_wait3A_270 = tpu.memref_slice %arg16[%dma_wait3A_268, %dma_wait3A_269] : memref<10240x128xf32, #tpu.memory_space<vmem_shared>> -> memref<10240x128xf32, #tpu.memory_space<vmem_shared>>
        tpu.wait_indirect_dma semaphore(%arg27 : memref<!tpu.dma_semaphore, #tpu.memory_space<semaphore_mem>>) src(%arg13 : memref<80x128xf32, #tpu.memory_space<vmem>>) dst(%dma_wait3A_270 : memref<10240x128xf32, #tpu.memory_space<vmem_shared>>)
      } else {
      }
      %add3A_129 = arith.constant 2 : i32
      %add3A_130 = arith.addi %add3A_107, %add3A_129 : i32
      %lt3A_131 = arith.constant 126 : i32
      %lt3A_132 = arith.cmpi slt, %add3A_130, %lt3A_131 : i32
      %convert_element_type3A_133 = arith.extui %lt3A_132 : i1 to i32
      %cond3A_134 = arith.constant 0 : i32
      %cond3A_135 = arith.cmpi ne, %convert_element_type3A_133, %cond3A_134 : i32
      scf.if %cond3A_135 {
        %dma_wait3A_264 = tpu.memref_slice %arg3[%mul3A_2] : memref<322560xi32, #tpu.memory_space<hbm>> -> memref<80xi32, #tpu.memory_space<hbm>>
        %dma_wait3A_265 = tpu.memref_slice %arg3[%mul3A_2] : memref<322560xi32, #tpu.memory_space<hbm>> -> memref<80xi32, #tpu.memory_space<hbm>>
        tpu.wait_dma2 semaphore(%arg20 : memref<!tpu.dma_semaphore, #tpu.memory_space<semaphore_mem>>) src(%dma_wait3A_265 : memref<80xi32, #tpu.memory_space<hbm>>) dst(%arg9 : memref<80xi32, #tpu.memory_space<vmem>>)
        %dma_start3A_266 = arith.constant 0 : i32
        %dma_start3A_267 = arith.constant 0 : i32
        %dma_start3A_268 = tpu.memref_slice %arg2[%dma_start3A_266, %dma_start3A_267] : memref<10240x128xf32, #tpu.memory_space<hbm>> -> memref<10240x128xf32, #tpu.memory_space<hbm>>
        tpu.enqueue_indirect_dma source(%dma_start3A_268 : memref<10240x128xf32, #tpu.memory_space<hbm>>) target(%arg13 : memref<80x128xf32, #tpu.memory_space<vmem>>) offsets(%arg9 : memref<80xi32, #tpu.memory_space<vmem>>) semaphore(%arg24 : memref<!tpu.dma_semaphore, #tpu.memory_space<semaphore_mem>>)
      } else {
      }
      %mul3A_136 = arith.constant 6 : i32
      %mul3A_137 = arith.muli %scan3A_75, %mul3A_136 : i32
      %add3A_138 = arith.constant 2 : i32
      %add3A_139 = arith.addi %mul3A_137, %add3A_138 : i32
      %dma_wait3A_140 = arith.constant 0 : i32
      %dma_wait3A_141 = arith.constant 0 : i32
      %dma_wait3A_142 = tpu.memref_slice %arg2[%dma_wait3A_140, %dma_wait3A_141] : memref<10240x128xf32, #tpu.memory_space<hbm>> -> memref<10240x128xf32, #tpu.memory_space<hbm>>
      tpu.wait_indirect_dma semaphore(%arg26 : memref<!tpu.dma_semaphore, #tpu.memory_space<semaphore_mem>>) src(%dma_wait3A_142 : memref<10240x128xf32, #tpu.memory_space<hbm>>) dst(%arg15 : memref<80x128xf32, #tpu.memory_space<vmem>>)
      %add3A_143 = arith.constant 6 : i32
      %add3A_144 = arith.addi %add3A_139, %add3A_143 : i32
      %lt3A_145 = arith.constant 126 : i32
      %lt3A_146 = arith.cmpi slt, %add3A_144, %lt3A_145 : i32
      %convert_element_type3A_147 = arith.extui %lt3A_146 : i1 to i32
      %cond3A_148 = arith.constant 0 : i32
      %cond3A_149 = arith.cmpi ne, %convert_element_type3A_147, %cond3A_148 : i32
      scf.if %cond3A_149 {
        %add3A_264 = arith.constant 6 : i32
        %add3A_265 = arith.addi %add3A_139, %add3A_264 : i32
        %mul3A_266 = arith.constant 80 : i32
        %mul3A_267 = arith.muli %add3A_265, %mul3A_266 : i32
        %add3A_268 = arith.addi %mul3A_2, %mul3A_267 : i32
        %dma_start3A_269 = tpu.memref_slice %arg3[%add3A_268] : memref<322560xi32, #tpu.memory_space<hbm>> -> memref<80xi32, #tpu.memory_space<hbm>>
        %dma_start3A_270 = tpu.memref_slice %arg3[%add3A_268] : memref<322560xi32, #tpu.memory_space<hbm>> -> memref<80xi32, #tpu.memory_space<hbm>>
        tpu.enqueue_dma source(%dma_start3A_270 : memref<80xi32, #tpu.memory_space<hbm>>) target(%arg8 : memref<80xi32, #tpu.memory_space<vmem>>) target_semaphore(%arg19 : memref<!tpu.dma_semaphore, #tpu.memory_space<semaphore_mem>>)
      } else {
      }
      %mul3A_150 = arith.constant 80 : i32
      %mul3A_151 = arith.muli %add3A_139, %mul3A_150 : i32
      %dma_start3A_152 = tpu.memref_slice %arg12[%mul3A_151] : memref<10080xi32, #tpu.memory_space<vmem>> -> memref<80xi32, #tpu.memory_space<vmem>>
      %dma_start3A_153 = arith.constant 0 : i32
      %dma_start3A_154 = arith.constant 0 : i32
      %dma_start3A_155 = tpu.memref_slice %arg16[%dma_start3A_153, %dma_start3A_154] : memref<10240x128xf32, #tpu.memory_space<vmem_shared>> -> memref<10240x128xf32, #tpu.memory_space<vmem_shared>>
      tpu.enqueue_indirect_dma source(%arg15 : memref<80x128xf32, #tpu.memory_space<vmem>>) target(%dma_start3A_155 : memref<10240x128xf32, #tpu.memory_space<vmem_shared>>) offsets(%dma_start3A_152 : memref<80xi32, #tpu.memory_space<vmem>>) semaphore(%arg29 : memref<!tpu.dma_semaphore, #tpu.memory_space<semaphore_mem>>) {add = true}
      %ge3A_156 = arith.constant 1 : i32
      %ge3A_157 = arith.cmpi sge, %add3A_139, %ge3A_156 : i32
      %convert_element_type3A_158 = arith.extui %ge3A_157 : i1 to i32
      %cond3A_159 = arith.constant 0 : i32
      %cond3A_160 = arith.cmpi ne, %convert_element_type3A_158, %cond3A_159 : i32
      scf.if %cond3A_160 {
        %sub3A = arith.constant 1 : i32
        %sub3A_264 = arith.subi %add3A_139, %sub3A : i32
        %mul3A_265 = arith.constant 80 : i32
        %mul3A_266 = arith.muli %sub3A_264, %mul3A_265 : i32
        %dma_wait3A_267 = tpu.memref_slice %arg12[%mul3A_266] : memref<10080xi32, #tpu.memory_space<vmem>> -> memref<80xi32, #tpu.memory_space<vmem>>
        %dma_wait3A_268 = arith.constant 0 : i32
        %dma_wait3A_269 = arith.constant 0 : i32
        %dma_wait3A_270 = tpu.memref_slice %arg16[%dma_wait3A_268, %dma_wait3A_269] : memref<10240x128xf32, #tpu.memory_space<vmem_shared>> -> memref<10240x128xf32, #tpu.memory_space<vmem_shared>>
        tpu.wait_indirect_dma semaphore(%arg28 : memref<!tpu.dma_semaphore, #tpu.memory_space<semaphore_mem>>) src(%arg14 : memref<80x128xf32, #tpu.memory_space<vmem>>) dst(%dma_wait3A_270 : memref<10240x128xf32, #tpu.memory_space<vmem_shared>>)
      } else {
      }
      %add3A_161 = arith.constant 2 : i32
      %add3A_162 = arith.addi %add3A_139, %add3A_161 : i32
      %lt3A_163 = arith.constant 126 : i32
      %lt3A_164 = arith.cmpi slt, %add3A_162, %lt3A_163 : i32
      %convert_element_type3A_165 = arith.extui %lt3A_164 : i1 to i32
      %cond3A_166 = arith.constant 0 : i32
      %cond3A_167 = arith.cmpi ne, %convert_element_type3A_165, %cond3A_166 : i32
      scf.if %cond3A_167 {
        %dma_wait3A_264 = tpu.memref_slice %arg3[%mul3A_2] : memref<322560xi32, #tpu.memory_space<hbm>> -> memref<80xi32, #tpu.memory_space<hbm>>
        %dma_wait3A_265 = tpu.memref_slice %arg3[%mul3A_2] : memref<322560xi32, #tpu.memory_space<hbm>> -> memref<80xi32, #tpu.memory_space<hbm>>
        tpu.wait_dma2 semaphore(%arg21 : memref<!tpu.dma_semaphore, #tpu.memory_space<semaphore_mem>>) src(%dma_wait3A_265 : memref<80xi32, #tpu.memory_space<hbm>>) dst(%arg10 : memref<80xi32, #tpu.memory_space<vmem>>)
        %dma_start3A_266 = arith.constant 0 : i32
        %dma_start3A_267 = arith.constant 0 : i32
        %dma_start3A_268 = tpu.memref_slice %arg2[%dma_start3A_266, %dma_start3A_267] : memref<10240x128xf32, #tpu.memory_space<hbm>> -> memref<10240x128xf32, #tpu.memory_space<hbm>>
        tpu.enqueue_indirect_dma source(%dma_start3A_268 : memref<10240x128xf32, #tpu.memory_space<hbm>>) target(%arg14 : memref<80x128xf32, #tpu.memory_space<vmem>>) offsets(%arg10 : memref<80xi32, #tpu.memory_space<vmem>>) semaphore(%arg25 : memref<!tpu.dma_semaphore, #tpu.memory_space<semaphore_mem>>)
      } else {
      }
      %mul3A_168 = arith.constant 6 : i32
      %mul3A_169 = arith.muli %scan3A_75, %mul3A_168 : i32
      %add3A_170 = arith.constant 3 : i32
      %add3A_171 = arith.addi %mul3A_169, %add3A_170 : i32
      %dma_wait3A_172 = arith.constant 0 : i32
      %dma_wait3A_173 = arith.constant 0 : i32
      %dma_wait3A_174 = tpu.memref_slice %arg2[%dma_wait3A_172, %dma_wait3A_173] : memref<10240x128xf32, #tpu.memory_space<hbm>> -> memref<10240x128xf32, #tpu.memory_space<hbm>>
      tpu.wait_indirect_dma semaphore(%arg24 : memref<!tpu.dma_semaphore, #tpu.memory_space<semaphore_mem>>) src(%dma_wait3A_174 : memref<10240x128xf32, #tpu.memory_space<hbm>>) dst(%arg13 : memref<80x128xf32, #tpu.memory_space<vmem>>)
      %add3A_175 = arith.constant 6 : i32
      %add3A_176 = arith.addi %add3A_171, %add3A_175 : i32
      %lt3A_177 = arith.constant 126 : i32
      %lt3A_178 = arith.cmpi slt, %add3A_176, %lt3A_177 : i32
      %convert_element_type3A_179 = arith.extui %lt3A_178 : i1 to i32
      %cond3A_180 = arith.constant 0 : i32
      %cond3A_181 = arith.cmpi ne, %convert_element_type3A_179, %cond3A_180 : i32
      scf.if %cond3A_181 {
        %add3A_264 = arith.constant 6 : i32
        %add3A_265 = arith.addi %add3A_171, %add3A_264 : i32
        %mul3A_266 = arith.constant 80 : i32
        %mul3A_267 = arith.muli %add3A_265, %mul3A_266 : i32
        %add3A_268 = arith.addi %mul3A_2, %mul3A_267 : i32
        %dma_start3A_269 = tpu.memref_slice %arg3[%add3A_268] : memref<322560xi32, #tpu.memory_space<hbm>> -> memref<80xi32, #tpu.memory_space<hbm>>
        %dma_start3A_270 = tpu.memref_slice %arg3[%add3A_268] : memref<322560xi32, #tpu.memory_space<hbm>> -> memref<80xi32, #tpu.memory_space<hbm>>
        tpu.enqueue_dma source(%dma_start3A_270 : memref<80xi32, #tpu.memory_space<hbm>>) target(%arg9 : memref<80xi32, #tpu.memory_space<vmem>>) target_semaphore(%arg20 : memref<!tpu.dma_semaphore, #tpu.memory_space<semaphore_mem>>)
      } else {
      }
      %mul3A_182 = arith.constant 80 : i32
      %mul3A_183 = arith.muli %add3A_171, %mul3A_182 : i32
      %dma_start3A_184 = tpu.memref_slice %arg12[%mul3A_183] : memref<10080xi32, #tpu.memory_space<vmem>> -> memref<80xi32, #tpu.memory_space<vmem>>
      %dma_start3A_185 = arith.constant 0 : i32
      %dma_start3A_186 = arith.constant 0 : i32
      %dma_start3A_187 = tpu.memref_slice %arg16[%dma_start3A_185, %dma_start3A_186] : memref<10240x128xf32, #tpu.memory_space<vmem_shared>> -> memref<10240x128xf32, #tpu.memory_space<vmem_shared>>
      tpu.enqueue_indirect_dma source(%arg13 : memref<80x128xf32, #tpu.memory_space<vmem>>) target(%dma_start3A_187 : memref<10240x128xf32, #tpu.memory_space<vmem_shared>>) offsets(%dma_start3A_184 : memref<80xi32, #tpu.memory_space<vmem>>) semaphore(%arg27 : memref<!tpu.dma_semaphore, #tpu.memory_space<semaphore_mem>>) {add = true}
      %ge3A_188 = arith.constant 1 : i32
      %ge3A_189 = arith.cmpi sge, %add3A_171, %ge3A_188 : i32
      %convert_element_type3A_190 = arith.extui %ge3A_189 : i1 to i32
      %cond3A_191 = arith.constant 0 : i32
      %cond3A_192 = arith.cmpi ne, %convert_element_type3A_190, %cond3A_191 : i32
      scf.if %cond3A_192 {
        %sub3A = arith.constant 1 : i32
        %sub3A_264 = arith.subi %add3A_171, %sub3A : i32
        %mul3A_265 = arith.constant 80 : i32
        %mul3A_266 = arith.muli %sub3A_264, %mul3A_265 : i32
        %dma_wait3A_267 = tpu.memref_slice %arg12[%mul3A_266] : memref<10080xi32, #tpu.memory_space<vmem>> -> memref<80xi32, #tpu.memory_space<vmem>>
        %dma_wait3A_268 = arith.constant 0 : i32
        %dma_wait3A_269 = arith.constant 0 : i32
        %dma_wait3A_270 = tpu.memref_slice %arg16[%dma_wait3A_268, %dma_wait3A_269] : memref<10240x128xf32, #tpu.memory_space<vmem_shared>> -> memref<10240x128xf32, #tpu.memory_space<vmem_shared>>
        tpu.wait_indirect_dma semaphore(%arg29 : memref<!tpu.dma_semaphore, #tpu.memory_space<semaphore_mem>>) src(%arg15 : memref<80x128xf32, #tpu.memory_space<vmem>>) dst(%dma_wait3A_270 : memref<10240x128xf32, #tpu.memory_space<vmem_shared>>)
      } else {
      }
      %add3A_193 = arith.constant 2 : i32
      %add3A_194 = arith.addi %add3A_171, %add3A_193 : i32
      %lt3A_195 = arith.constant 126 : i32
      %lt3A_196 = arith.cmpi slt, %add3A_194, %lt3A_195 : i32
      %convert_element_type3A_197 = arith.extui %lt3A_196 : i1 to i32
      %cond3A_198 = arith.constant 0 : i32
      %cond3A_199 = arith.cmpi ne, %convert_element_type3A_197, %cond3A_198 : i32
      scf.if %cond3A_199 {
        %dma_wait3A_264 = tpu.memref_slice %arg3[%mul3A_2] : memref<322560xi32, #tpu.memory_space<hbm>> -> memref<80xi32, #tpu.memory_space<hbm>>
        %dma_wait3A_265 = tpu.memref_slice %arg3[%mul3A_2] : memref<322560xi32, #tpu.memory_space<hbm>> -> memref<80xi32, #tpu.memory_space<hbm>>
        tpu.wait_dma2 semaphore(%arg22 : memref<!tpu.dma_semaphore, #tpu.memory_space<semaphore_mem>>) src(%dma_wait3A_265 : memref<80xi32, #tpu.memory_space<hbm>>) dst(%arg11 : memref<80xi32, #tpu.memory_space<vmem>>)
        %dma_start3A_266 = arith.constant 0 : i32
        %dma_start3A_267 = arith.constant 0 : i32
        %dma_start3A_268 = tpu.memref_slice %arg2[%dma_start3A_266, %dma_start3A_267] : memref<10240x128xf32, #tpu.memory_space<hbm>> -> memref<10240x128xf32, #tpu.memory_space<hbm>>
        tpu.enqueue_indirect_dma source(%dma_start3A_268 : memref<10240x128xf32, #tpu.memory_space<hbm>>) target(%arg15 : memref<80x128xf32, #tpu.memory_space<vmem>>) offsets(%arg11 : memref<80xi32, #tpu.memory_space<vmem>>) semaphore(%arg26 : memref<!tpu.dma_semaphore, #tpu.memory_space<semaphore_mem>>)
      } else {
      }
      %mul3A_200 = arith.constant 6 : i32
      %mul3A_201 = arith.muli %scan3A_75, %mul3A_200 : i32
      %add3A_202 = arith.constant 4 : i32
      %add3A_203 = arith.addi %mul3A_201, %add3A_202 : i32
      %dma_wait3A_204 = arith.constant 0 : i32
      %dma_wait3A_205 = arith.constant 0 : i32
      %dma_wait3A_206 = tpu.memref_slice %arg2[%dma_wait3A_204, %dma_wait3A_205] : memref<10240x128xf32, #tpu.memory_space<hbm>> -> memref<10240x128xf32, #tpu.memory_space<hbm>>
      tpu.wait_indirect_dma semaphore(%arg25 : memref<!tpu.dma_semaphore, #tpu.memory_space<semaphore_mem>>) src(%dma_wait3A_206 : memref<10240x128xf32, #tpu.memory_space<hbm>>) dst(%arg14 : memref<80x128xf32, #tpu.memory_space<vmem>>)
      %add3A_207 = arith.constant 6 : i32
      %add3A_208 = arith.addi %add3A_203, %add3A_207 : i32
      %lt3A_209 = arith.constant 126 : i32
      %lt3A_210 = arith.cmpi slt, %add3A_208, %lt3A_209 : i32
      %convert_element_type3A_211 = arith.extui %lt3A_210 : i1 to i32
      %cond3A_212 = arith.constant 0 : i32
      %cond3A_213 = arith.cmpi ne, %convert_element_type3A_211, %cond3A_212 : i32
      scf.if %cond3A_213 {
        %add3A_264 = arith.constant 6 : i32
        %add3A_265 = arith.addi %add3A_203, %add3A_264 : i32
        %mul3A_266 = arith.constant 80 : i32
        %mul3A_267 = arith.muli %add3A_265, %mul3A_266 : i32
        %add3A_268 = arith.addi %mul3A_2, %mul3A_267 : i32
        %dma_start3A_269 = tpu.memref_slice %arg3[%add3A_268] : memref<322560xi32, #tpu.memory_space<hbm>> -> memref<80xi32, #tpu.memory_space<hbm>>
        %dma_start3A_270 = tpu.memref_slice %arg3[%add3A_268] : memref<322560xi32, #tpu.memory_space<hbm>> -> memref<80xi32, #tpu.memory_space<hbm>>
        tpu.enqueue_dma source(%dma_start3A_270 : memref<80xi32, #tpu.memory_space<hbm>>) target(%arg10 : memref<80xi32, #tpu.memory_space<vmem>>) target_semaphore(%arg21 : memref<!tpu.dma_semaphore, #tpu.memory_space<semaphore_mem>>)
      } else {
      }
      %mul3A_214 = arith.constant 80 : i32
      %mul3A_215 = arith.muli %add3A_203, %mul3A_214 : i32
      %dma_start3A_216 = tpu.memref_slice %arg12[%mul3A_215] : memref<10080xi32, #tpu.memory_space<vmem>> -> memref<80xi32, #tpu.memory_space<vmem>>
      %dma_start3A_217 = arith.constant 0 : i32
      %dma_start3A_218 = arith.constant 0 : i32
      %dma_start3A_219 = tpu.memref_slice %arg16[%dma_start3A_217, %dma_start3A_218] : memref<10240x128xf32, #tpu.memory_space<vmem_shared>> -> memref<10240x128xf32, #tpu.memory_space<vmem_shared>>
      tpu.enqueue_indirect_dma source(%arg14 : memref<80x128xf32, #tpu.memory_space<vmem>>) target(%dma_start3A_219 : memref<10240x128xf32, #tpu.memory_space<vmem_shared>>) offsets(%dma_start3A_216 : memref<80xi32, #tpu.memory_space<vmem>>) semaphore(%arg28 : memref<!tpu.dma_semaphore, #tpu.memory_space<semaphore_mem>>) {add = true}
      %ge3A_220 = arith.constant 1 : i32
      %ge3A_221 = arith.cmpi sge, %add3A_203, %ge3A_220 : i32
      %convert_element_type3A_222 = arith.extui %ge3A_221 : i1 to i32
      %cond3A_223 = arith.constant 0 : i32
      %cond3A_224 = arith.cmpi ne, %convert_element_type3A_222, %cond3A_223 : i32
      scf.if %cond3A_224 {
        %sub3A = arith.constant 1 : i32
        %sub3A_264 = arith.subi %add3A_203, %sub3A : i32
        %mul3A_265 = arith.constant 80 : i32
        %mul3A_266 = arith.muli %sub3A_264, %mul3A_265 : i32
        %dma_wait3A_267 = tpu.memref_slice %arg12[%mul3A_266] : memref<10080xi32, #tpu.memory_space<vmem>> -> memref<80xi32, #tpu.memory_space<vmem>>
        %dma_wait3A_268 = arith.constant 0 : i32
        %dma_wait3A_269 = arith.constant 0 : i32
        %dma_wait3A_270 = tpu.memref_slice %arg16[%dma_wait3A_268, %dma_wait3A_269] : memref<10240x128xf32, #tpu.memory_space<vmem_shared>> -> memref<10240x128xf32, #tpu.memory_space<vmem_shared>>
        tpu.wait_indirect_dma semaphore(%arg27 : memref<!tpu.dma_semaphore, #tpu.memory_space<semaphore_mem>>) src(%arg13 : memref<80x128xf32, #tpu.memory_space<vmem>>) dst(%dma_wait3A_270 : memref<10240x128xf32, #tpu.memory_space<vmem_shared>>)
      } else {
      }
      %add3A_225 = arith.constant 2 : i32
      %add3A_226 = arith.addi %add3A_203, %add3A_225 : i32
      %lt3A_227 = arith.constant 126 : i32
      %lt3A_228 = arith.cmpi slt, %add3A_226, %lt3A_227 : i32
      %convert_element_type3A_229 = arith.extui %lt3A_228 : i1 to i32
      %cond3A_230 = arith.constant 0 : i32
      %cond3A_231 = arith.cmpi ne, %convert_element_type3A_229, %cond3A_230 : i32
      scf.if %cond3A_231 {
        %dma_wait3A_264 = tpu.memref_slice %arg3[%mul3A_2] : memref<322560xi32, #tpu.memory_space<hbm>> -> memref<80xi32, #tpu.memory_space<hbm>>
        %dma_wait3A_265 = tpu.memref_slice %arg3[%mul3A_2] : memref<322560xi32, #tpu.memory_space<hbm>> -> memref<80xi32, #tpu.memory_space<hbm>>
        tpu.wait_dma2 semaphore(%arg17 : memref<!tpu.dma_semaphore, #tpu.memory_space<semaphore_mem>>) src(%dma_wait3A_265 : memref<80xi32, #tpu.memory_space<hbm>>) dst(%arg6 : memref<80xi32, #tpu.memory_space<vmem>>)
        %dma_start3A_266 = arith.constant 0 : i32
        %dma_start3A_267 = arith.constant 0 : i32
        %dma_start3A_268 = tpu.memref_slice %arg2[%dma_start3A_266, %dma_start3A_267] : memref<10240x128xf32, #tpu.memory_space<hbm>> -> memref<10240x128xf32, #tpu.memory_space<hbm>>
        tpu.enqueue_indirect_dma source(%dma_start3A_268 : memref<10240x128xf32, #tpu.memory_space<hbm>>) target(%arg13 : memref<80x128xf32, #tpu.memory_space<vmem>>) offsets(%arg6 : memref<80xi32, #tpu.memory_space<vmem>>) semaphore(%arg24 : memref<!tpu.dma_semaphore, #tpu.memory_space<semaphore_mem>>)
      } else {
      }
      %mul3A_232 = arith.constant 6 : i32
      %mul3A_233 = arith.muli %scan3A_75, %mul3A_232 : i32
      %add3A_234 = arith.constant 5 : i32
      %add3A_235 = arith.addi %mul3A_233, %add3A_234 : i32
      %dma_wait3A_236 = arith.constant 0 : i32
      %dma_wait3A_237 = arith.constant 0 : i32
      %dma_wait3A_238 = tpu.memref_slice %arg2[%dma_wait3A_236, %dma_wait3A_237] : memref<10240x128xf32, #tpu.memory_space<hbm>> -> memref<10240x128xf32, #tpu.memory_space<hbm>>
      tpu.wait_indirect_dma semaphore(%arg26 : memref<!tpu.dma_semaphore, #tpu.memory_space<semaphore_mem>>) src(%dma_wait3A_238 : memref<10240x128xf32, #tpu.memory_space<hbm>>) dst(%arg15 : memref<80x128xf32, #tpu.memory_space<vmem>>)
      %add3A_239 = arith.constant 6 : i32
      %add3A_240 = arith.addi %add3A_235, %add3A_239 : i32
      %lt3A_241 = arith.constant 126 : i32
      %lt3A_242 = arith.cmpi slt, %add3A_240, %lt3A_241 : i32
      %convert_element_type3A_243 = arith.extui %lt3A_242 : i1 to i32
      %cond3A_244 = arith.constant 0 : i32
      %cond3A_245 = arith.cmpi ne, %convert_element_type3A_243, %cond3A_244 : i32
      scf.if %cond3A_245 {
        %add3A_264 = arith.constant 6 : i32
        %add3A_265 = arith.addi %add3A_235, %add3A_264 : i32
        %mul3A_266 = arith.constant 80 : i32
        %mul3A_267 = arith.muli %add3A_265, %mul3A_266 : i32
        %add3A_268 = arith.addi %mul3A_2, %mul3A_267 : i32
        %dma_start3A_269 = tpu.memref_slice %arg3[%add3A_268] : memref<322560xi32, #tpu.memory_space<hbm>> -> memref<80xi32, #tpu.memory_space<hbm>>
        %dma_start3A_270 = tpu.memref_slice %arg3[%add3A_268] : memref<322560xi32, #tpu.memory_space<hbm>> -> memref<80xi32, #tpu.memory_space<hbm>>
        tpu.enqueue_dma source(%dma_start3A_270 : memref<80xi32, #tpu.memory_space<hbm>>) target(%arg11 : memref<80xi32, #tpu.memory_space<vmem>>) target_semaphore(%arg22 : memref<!tpu.dma_semaphore, #tpu.memory_space<semaphore_mem>>)
      } else {
      }
      %mul3A_246 = arith.constant 80 : i32
      %mul3A_247 = arith.muli %add3A_235, %mul3A_246 : i32
      %dma_start3A_248 = tpu.memref_slice %arg12[%mul3A_247] : memref<10080xi32, #tpu.memory_space<vmem>> -> memref<80xi32, #tpu.memory_space<vmem>>
      %dma_start3A_249 = arith.constant 0 : i32
      %dma_start3A_250 = arith.constant 0 : i32
      %dma_start3A_251 = tpu.memref_slice %arg16[%dma_start3A_249, %dma_start3A_250] : memref<10240x128xf32, #tpu.memory_space<vmem_shared>> -> memref<10240x128xf32, #tpu.memory_space<vmem_shared>>
      tpu.enqueue_indirect_dma source(%arg15 : memref<80x128xf32, #tpu.memory_space<vmem>>) target(%dma_start3A_251 : memref<10240x128xf32, #tpu.memory_space<vmem_shared>>) offsets(%dma_start3A_248 : memref<80xi32, #tpu.memory_space<vmem>>) semaphore(%arg29 : memref<!tpu.dma_semaphore, #tpu.memory_space<semaphore_mem>>) {add = true}
      %ge3A_252 = arith.constant 1 : i32
      %ge3A_253 = arith.cmpi sge, %add3A_235, %ge3A_252 : i32
      %convert_element_type3A_254 = arith.extui %ge3A_253 : i1 to i32
      %cond3A_255 = arith.constant 0 : i32
      %cond3A_256 = arith.cmpi ne, %convert_element_type3A_254, %cond3A_255 : i32
      scf.if %cond3A_256 {
        %sub3A = arith.constant 1 : i32
        %sub3A_264 = arith.subi %add3A_235, %sub3A : i32
        %mul3A_265 = arith.constant 80 : i32
        %mul3A_266 = arith.muli %sub3A_264, %mul3A_265 : i32
        %dma_wait3A_267 = tpu.memref_slice %arg12[%mul3A_266] : memref<10080xi32, #tpu.memory_space<vmem>> -> memref<80xi32, #tpu.memory_space<vmem>>
        %dma_wait3A_268 = arith.constant 0 : i32
        %dma_wait3A_269 = arith.constant 0 : i32
        %dma_wait3A_270 = tpu.memref_slice %arg16[%dma_wait3A_268, %dma_wait3A_269] : memref<10240x128xf32, #tpu.memory_space<vmem_shared>> -> memref<10240x128xf32, #tpu.memory_space<vmem_shared>>
        tpu.wait_indirect_dma semaphore(%arg28 : memref<!tpu.dma_semaphore, #tpu.memory_space<semaphore_mem>>) src(%arg14 : memref<80x128xf32, #tpu.memory_space<vmem>>) dst(%dma_wait3A_270 : memref<10240x128xf32, #tpu.memory_space<vmem_shared>>)
      } else {
      }
      %add3A_257 = arith.constant 2 : i32
      %add3A_258 = arith.addi %add3A_235, %add3A_257 : i32
      %lt3A_259 = arith.constant 126 : i32
      %lt3A_260 = arith.cmpi slt, %add3A_258, %lt3A_259 : i32
      %convert_element_type3A_261 = arith.extui %lt3A_260 : i1 to i32
      %cond3A_262 = arith.constant 0 : i32
      %cond3A_263 = arith.cmpi ne, %convert_element_type3A_261, %cond3A_262 : i32
      scf.if %cond3A_263 {
        %dma_wait3A_264 = tpu.memref_slice %arg3[%mul3A_2] : memref<322560xi32, #tpu.memory_space<hbm>> -> memref<80xi32, #tpu.memory_space<hbm>>
        %dma_wait3A_265 = tpu.memref_slice %arg3[%mul3A_2] : memref<322560xi32, #tpu.memory_space<hbm>> -> memref<80xi32, #tpu.memory_space<hbm>>
        tpu.wait_dma2 semaphore(%arg18 : memref<!tpu.dma_semaphore, #tpu.memory_space<semaphore_mem>>) src(%dma_wait3A_265 : memref<80xi32, #tpu.memory_space<hbm>>) dst(%arg7 : memref<80xi32, #tpu.memory_space<vmem>>)
        %dma_start3A_266 = arith.constant 0 : i32
        %dma_start3A_267 = arith.constant 0 : i32
        %dma_start3A_268 = tpu.memref_slice %arg2[%dma_start3A_266, %dma_start3A_267] : memref<10240x128xf32, #tpu.memory_space<hbm>> -> memref<10240x128xf32, #tpu.memory_space<hbm>>
        tpu.enqueue_indirect_dma source(%dma_start3A_268 : memref<10240x128xf32, #tpu.memory_space<hbm>>) target(%arg14 : memref<80x128xf32, #tpu.memory_space<vmem>>) offsets(%arg7 : memref<80xi32, #tpu.memory_space<vmem>>) semaphore(%arg25 : memref<!tpu.dma_semaphore, #tpu.memory_space<semaphore_mem>>)
      } else {
      }
    }
    %scan3A_68 = arith.constant 21 : i32
    %dma_wait3A_69 = arith.constant 10000 : i32
    %dma_wait3A_70 = tpu.memref_slice %arg12[%dma_wait3A_69] : memref<10080xi32, #tpu.memory_space<vmem>> -> memref<80xi32, #tpu.memory_space<vmem>>
    %dma_wait3A_71 = arith.constant 0 : i32
    %dma_wait3A_72 = arith.constant 0 : i32
    %dma_wait3A_73 = tpu.memref_slice %arg16[%dma_wait3A_71, %dma_wait3A_72] : memref<10240x128xf32, #tpu.memory_space<vmem_shared>> -> memref<10240x128xf32, #tpu.memory_space<vmem_shared>>
    tpu.wait_indirect_dma semaphore(%arg29 : memref<!tpu.dma_semaphore, #tpu.memory_space<semaphore_mem>>) src(%arg15 : memref<80x128xf32, #tpu.memory_space<vmem>>) dst(%dma_wait3A_73 : memref<10240x128xf32, #tpu.memory_space<vmem_shared>>)
    %barrier3A_74 = arith.constant 0 : index
    tpu.barrier barrier_id(%barrier3A_74)
    "tpu.region"() ({
      %run_scoped3A = tpu.sem_alloc : memref<!tpu.dma_semaphore, #tpu.memory_space<semaphore_mem>>
      %dma_start3A_75 = arith.constant 0 : i32
      %dma_start3A_76 = tpu.memref_slice %arg5[%arg0, %mul3A_11, %dma_start3A_75] : memref<2x10240x128xf32, #tpu.memory_space<hbm>> -> memref<1x640x128xf32, #tpu.memory_space<hbm>>
      %dma_start3A_77 = tpu.memref_squeeze %dma_start3A_76 : memref<1x640x128xf32, #tpu.memory_space<hbm>> -> memref<640x128xf32, #tpu.memory_space<hbm>>
      %dma_start3A_78 = arith.constant 0 : i32
      %dma_start3A_79 = tpu.memref_slice %arg16[%mul3A_11, %dma_start3A_78] : memref<10240x128xf32, #tpu.memory_space<vmem_shared>> -> memref<640x128xf32, #tpu.memory_space<vmem_shared>>
      tpu.enqueue_dma source(%dma_start3A_79 : memref<640x128xf32, #tpu.memory_space<vmem_shared>>) target(%dma_start3A_77 : memref<640x128xf32, #tpu.memory_space<hbm>>) target_semaphore(%run_scoped3A : memref<!tpu.dma_semaphore, #tpu.memory_space<semaphore_mem>>)
      %dma_wait3A_80 = arith.constant 0 : i32
      %dma_wait3A_81 = tpu.memref_slice %arg5[%arg0, %mul3A_11, %dma_wait3A_80] : memref<2x10240x128xf32, #tpu.memory_space<hbm>> -> memref<1x640x128xf32, #tpu.memory_space<hbm>>
      %dma_wait3A_82 = tpu.memref_squeeze %dma_wait3A_81 : memref<1x640x128xf32, #tpu.memory_space<hbm>> -> memref<640x128xf32, #tpu.memory_space<hbm>>
      %dma_wait3A_83 = arith.constant 0 : i32
      %dma_wait3A_84 = tpu.memref_slice %arg16[%mul3A_11, %dma_wait3A_83] : memref<10240x128xf32, #tpu.memory_space<vmem_shared>> -> memref<640x128xf32, #tpu.memory_space<vmem_shared>>
      tpu.wait_dma2 semaphore(%run_scoped3A : memref<!tpu.dma_semaphore, #tpu.memory_space<semaphore_mem>>) src(%dma_wait3A_84 : memref<640x128xf32, #tpu.memory_space<vmem_shared>>) dst(%dma_wait3A_82 : memref<640x128xf32, #tpu.memory_space<hbm>>)
      tpu.yield
    }) : () -> ()
    return
  }
}

#map = affine_map<(d0, d1) -> (0, 0)>
#map1 = affine_map<(d0, d1) -> (0)>
#map2 = affine_map<(d0, d1) -> (0, 0, 0)>
module attributes {stable_mosaic.version = 14 : i64} {
  func.func @_agg_body(%arg0: i32, %arg1: i32, %arg2: memref<10240x128xf32, #tpu.memory_space<hbm>>, %arg3: memref<322560xi32, #tpu.memory_space<hbm>>, %arg4: memref<322560xi32, #tpu.memory_space<hbm>>, %arg5: memref<2x10240x128xf32, #tpu.memory_space<hbm>>, %arg6: memref<80xi32, #tpu.memory_space<vmem>>, %arg7: memref<80xi32, #tpu.memory_space<vmem>>, %arg8: memref<80xi32, #tpu.memory_space<vmem>>, %arg9: memref<80xi32, #tpu.memory_space<vmem>>, %arg10: memref<80xi32, #tpu.memory_space<vmem>>, %arg11: memref<80xi32, #tpu.memory_space<vmem>>, %arg12: memref<10080xi32, #tpu.memory_space<vmem>>, %arg13: memref<80x128xf32, #tpu.memory_space<vmem>>, %arg14: memref<80x128xf32, #tpu.memory_space<vmem>>, %arg15: memref<80x128xf32, #tpu.memory_space<vmem>>, %arg16: memref<10240x128xf32, #tpu.memory_space<vmem_shared>>, %arg17: memref<!tpu.dma_semaphore, #tpu.memory_space<semaphore_mem>>, %arg18: memref<!tpu.dma_semaphore, #tpu.memory_space<semaphore_mem>>, %arg19: memref<!tpu.dma_semaphore, #tpu.memory_space<semaphore_mem>>, %arg20: memref<!tpu.dma_semaphore, #tpu.memory_space<semaphore_mem>>, %arg21: memref<!tpu.dma_semaphore, #tpu.memory_space<semaphore_mem>>, %arg22: memref<!tpu.dma_semaphore, #tpu.memory_space<semaphore_mem>>, %arg23: memref<!tpu.dma_semaphore, #tpu.memory_space<semaphore_mem>>, %arg24: memref<!tpu.dma_semaphore, #tpu.memory_space<semaphore_mem>>, %arg25: memref<!tpu.dma_semaphore, #tpu.memory_space<semaphore_mem>>, %arg26: memref<!tpu.dma_semaphore, #tpu.memory_space<semaphore_mem>>, %arg27: memref<!tpu.dma_semaphore, #tpu.memory_space<semaphore_mem>>, %arg28: memref<!tpu.dma_semaphore, #tpu.memory_space<semaphore_mem>>, %arg29: memref<!tpu.dma_semaphore, #tpu.memory_space<semaphore_mem>>) attributes {dimension_semantics = [#tpu.dimension_semantics<core_parallel>, #tpu.dimension_semantics<subcore_parallel>], iteration_bounds = array<i64: 2, 16>, scalar_prefetch = 0 : i64, scratch_operands = 24 : i64, tpu.core_type = #tpu.core_type<sc_vector_subcore>, window_params = [{transform_indices = #map}, {transform_indices = #map1}, {transform_indices = #map1}, {transform_indices = #map2}]} {
    %mul3A = arith.constant 16 : i32
    %mul3A_0 = arith.muli %arg0, %mul3A : i32
    %add3A = arith.addi %mul3A_0, %arg1 : i32
    %mul3A_1 = arith.constant 10080 : i32
    %mul3A_2 = arith.muli %add3A, %mul3A_1 : i32
    %dma_start3A = tpu.memref_slice %arg4[%mul3A_2] : memref<322560xi32, #tpu.memory_space<hbm>> -> memref<10080xi32, #tpu.memory_space<hbm>>
    %dma_start3A_3 = tpu.memref_slice %arg4[%mul3A_2] : memref<322560xi32, #tpu.memory_space<hbm>> -> memref<10080xi32, #tpu.memory_space<hbm>>
    tpu.enqueue_dma source(%dma_start3A_3 : memref<10080xi32, #tpu.memory_space<hbm>>) target(%arg12 : memref<10080xi32, #tpu.memory_space<vmem>>) target_semaphore(%arg23 : memref<!tpu.dma_semaphore, #tpu.memory_space<semaphore_mem>>)
    %broadcast_in_dim3A = arith.constant 0.000000e+00 : f32
    %broadcast_in_dim3A_4 = vector.broadcast %broadcast_in_dim3A : f32 to vector<16xf32>
    %scan3A = arith.constant 0 : i32
    %scan3A_5 = arith.constant 0 : i32
    %scan3A_6 = arith.constant 80 : i32
    %scan3A_7 = arith.addi %scan3A_5, %scan3A_6 : i32
    %scan3A_8 = arith.constant 1 : i32
    scf.for %scan3A_75 = %scan3A_5 to %scan3A_7 step %scan3A_8  : i32 {
      %swap3A = arith.index_cast %scan3A_75 : i32 to index
      %swap3A_76 = arith.constant 0 : index
      %swap3A_77 = tpu.vector_load %arg13[%swap3A, %swap3A_76] {strides = array<i32>} : memref<80x128xf32, #tpu.memory_space<vmem>>, vector<1x16xf32>,
      %swap3A_78 = vector.shape_cast %swap3A_77 : vector<1x16xf32> to vector<16xf32>
      %swap3A_79 = vector.shape_cast %broadcast_in_dim3A_4 : vector<16xf32> to vector<1x16xf32>
      tpu.vector_store %arg13[%swap3A, %swap3A_76], %swap3A_79 {strides = array<i32>} : memref<80x128xf32, #tpu.memory_space<vmem>>, vector<1x16xf32>,
      %swap3A_80 = arith.index_cast %scan3A_75 : i32 to index
      %swap3A_81 = arith.constant 16 : index
      %swap3A_82 = tpu.vector_load %arg13[%swap3A_80, %swap3A_81] {strides = array<i32>} : memref<80x128xf32, #tpu.memory_space<vmem>>, vector<1x16xf32>,
      %swap3A_83 = vector.shape_cast %swap3A_82 : vector<1x16xf32> to vector<16xf32>
      %swap3A_84 = vector.shape_cast %broadcast_in_dim3A_4 : vector<16xf32> to vector<1x16xf32>
      tpu.vector_store %arg13[%swap3A_80, %swap3A_81], %swap3A_84 {strides = array<i32>} : memref<80x128xf32, #tpu.memory_space<vmem>>, vector<1x16xf32>,
      %swap3A_85 = arith.index_cast %scan3A_75 : i32 to index
      %swap3A_86 = arith.constant 32 : index
      %swap3A_87 = tpu.vector_load %arg13[%swap3A_85, %swap3A_86] {strides = array<i32>} : memref<80x128xf32, #tpu.memory_space<vmem>>, vector<1x16xf32>,
      %swap3A_88 = vector.shape_cast %swap3A_87 : vector<1x16xf32> to vector<16xf32>
      %swap3A_89 = vector.shape_cast %broadcast_in_dim3A_4 : vector<16xf32> to vector<1x16xf32>
      tpu.vector_store %arg13[%swap3A_85, %swap3A_86], %swap3A_89 {strides = array<i32>} : memref<80x128xf32, #tpu.memory_space<vmem>>, vector<1x16xf32>,
      %swap3A_90 = arith.index_cast %scan3A_75 : i32 to index
      %swap3A_91 = arith.constant 48 : index
      %swap3A_92 = tpu.vector_load %arg13[%swap3A_90, %swap3A_91] {strides = array<i32>} : memref<80x128xf32, #tpu.memory_space<vmem>>, vector<1x16xf32>,
      %swap3A_93 = vector.shape_cast %swap3A_92 : vector<1x16xf32> to vector<16xf32>
      %swap3A_94 = vector.shape_cast %broadcast_in_dim3A_4 : vector<16xf32> to vector<1x16xf32>
      tpu.vector_store %arg13[%swap3A_90, %swap3A_91], %swap3A_94 {strides = array<i32>} : memref<80x128xf32, #tpu.memory_space<vmem>>, vector<1x16xf32>,
      %swap3A_95 = arith.index_cast %scan3A_75 : i32 to index
      %swap3A_96 = arith.constant 64 : index
      %swap3A_97 = tpu.vector_load %arg13[%swap3A_95, %swap3A_96] {strides = array<i32>} : memref<80x128xf32, #tpu.memory_space<vmem>>, vector<1x16xf32>,
      %swap3A_98 = vector.shape_cast %swap3A_97 : vector<1x16xf32> to vector<16xf32>
      %swap3A_99 = vector.shape_cast %broadcast_in_dim3A_4 : vector<16xf32> to vector<1x16xf32>
      tpu.vector_store %arg13[%swap3A_95, %swap3A_96], %swap3A_99 {strides = array<i32>} : memref<80x128xf32, #tpu.memory_space<vmem>>, vector<1x16xf32>,
      %swap3A_100 = arith.index_cast %scan3A_75 : i32 to index
      %swap3A_101 = arith.constant 80 : index
      %swap3A_102 = tpu.vector_load %arg13[%swap3A_100, %swap3A_101] {strides = array<i32>} : memref<80x128xf32, #tpu.memory_space<vmem>>, vector<1x16xf32>,
      %swap3A_103 = vector.shape_cast %swap3A_102 : vector<1x16xf32> to vector<16xf32>
      %swap3A_104 = vector.shape_cast %broadcast_in_dim3A_4 : vector<16xf32> to vector<1x16xf32>
      tpu.vector_store %arg13[%swap3A_100, %swap3A_101], %swap3A_104 {strides = array<i32>} : memref<80x128xf32, #tpu.memory_space<vmem>>, vector<1x16xf32>,
      %swap3A_105 = arith.index_cast %scan3A_75 : i32 to index
      %swap3A_106 = arith.constant 96 : index
      %swap3A_107 = tpu.vector_load %arg13[%swap3A_105, %swap3A_106] {strides = array<i32>} : memref<80x128xf32, #tpu.memory_space<vmem>>, vector<1x16xf32>,
      %swap3A_108 = vector.shape_cast %swap3A_107 : vector<1x16xf32> to vector<16xf32>
      %swap3A_109 = vector.shape_cast %broadcast_in_dim3A_4 : vector<16xf32> to vector<1x16xf32>
      tpu.vector_store %arg13[%swap3A_105, %swap3A_106], %swap3A_109 {strides = array<i32>} : memref<80x128xf32, #tpu.memory_space<vmem>>, vector<1x16xf32>,
      %swap3A_110 = arith.index_cast %scan3A_75 : i32 to index
      %swap3A_111 = arith.constant 112 : index
      %swap3A_112 = tpu.vector_load %arg13[%swap3A_110, %swap3A_111] {strides = array<i32>} : memref<80x128xf32, #tpu.memory_space<vmem>>, vector<1x16xf32>,
      %swap3A_113 = vector.shape_cast %swap3A_112 : vector<1x16xf32> to vector<16xf32>
      %swap3A_114 = vector.shape_cast %broadcast_in_dim3A_4 : vector<16xf32> to vector<1x16xf32>
      tpu.vector_store %arg13[%swap3A_110, %swap3A_111], %swap3A_114 {strides = array<i32>} : memref<80x128xf32, #tpu.memory_space<vmem>>, vector<1x16xf32>,
    }
    %scan3A_9 = arith.constant 80 : i32
    %mul3A_10 = arith.constant 640 : i32
    %mul3A_11 = arith.muli %arg1, %mul3A_10 : i32
    %add3A_12 = arith.constant 0 : i32
    %add3A_13 = arith.addi %mul3A_11, %add3A_12 : i32
    "tpu.region"() ({
      %run_scoped3A = tpu.sem_alloc : memref<!tpu.dma_semaphore, #tpu.memory_space<semaphore_mem>>
      %dma_start3A_75 = arith.constant 0 : i32
      %dma_start3A_76 = tpu.memref_slice %arg16[%add3A_13, %dma_start3A_75] : memref<10240x128xf32, #tpu.memory_space<vmem_shared>> -> memref<80x128xf32, #tpu.memory_space<vmem_shared>>
      %dma_start3A_77 = arith.constant 0 : i32
      %dma_start3A_78 = tpu.memref_slice %arg16[%add3A_13, %dma_start3A_77] : memref<10240x128xf32, #tpu.memory_space<vmem_shared>> -> memref<80x128xf32, #tpu.memory_space<vmem_shared>>
      tpu.enqueue_dma source(%arg13 : memref<80x128xf32, #tpu.memory_space<vmem>>) target(%dma_start3A_78 : memref<80x128xf32, #tpu.memory_space<vmem_shared>>) target_semaphore(%run_scoped3A : memref<!tpu.dma_semaphore, #tpu.memory_space<semaphore_mem>>)
      %dma_wait3A_79 = arith.constant 0 : i32
      %dma_wait3A_80 = tpu.memref_slice %arg16[%add3A_13, %dma_wait3A_79] : memref<10240x128xf32, #tpu.memory_space<vmem_shared>> -> memref<80x128xf32, #tpu.memory_space<vmem_shared>>
      %dma_wait3A_81 = arith.constant 0 : i32
      %dma_wait3A_82 = tpu.memref_slice %arg16[%add3A_13, %dma_wait3A_81] : memref<10240x128xf32, #tpu.memory_space<vmem_shared>> -> memref<80x128xf32, #tpu.memory_space<vmem_shared>>
      tpu.wait_dma2 semaphore(%run_scoped3A : memref<!tpu.dma_semaphore, #tpu.memory_space<semaphore_mem>>) src(%arg13 : memref<80x128xf32, #tpu.memory_space<vmem>>) dst(%dma_wait3A_82 : memref<80x128xf32, #tpu.memory_space<vmem_shared>>)
      tpu.yield
    }) : () -> ()
    %add3A_14 = arith.constant 80 : i32
    %add3A_15 = arith.addi %mul3A_11, %add3A_14 : i32
    "tpu.region"() ({
      %run_scoped3A = tpu.sem_alloc : memref<!tpu.dma_semaphore, #tpu.memory_space<semaphore_mem>>
      %dma_start3A_75 = arith.constant 0 : i32
      %dma_start3A_76 = tpu.memref_slice %arg16[%add3A_15, %dma_start3A_75] : memref<10240x128xf32, #tpu.memory_space<vmem_shared>> -> memref<80x128xf32, #tpu.memory_space<vmem_shared>>
      %dma_start3A_77 = arith.constant 0 : i32
      %dma_start3A_78 = tpu.memref_slice %arg16[%add3A_15, %dma_start3A_77] : memref<10240x128xf32, #tpu.memory_space<vmem_shared>> -> memref<80x128xf32, #tpu.memory_space<vmem_shared>>
      tpu.enqueue_dma source(%arg13 : memref<80x128xf32, #tpu.memory_space<vmem>>) target(%dma_start3A_78 : memref<80x128xf32, #tpu.memory_space<vmem_shared>>) target_semaphore(%run_scoped3A : memref<!tpu.dma_semaphore, #tpu.memory_space<semaphore_mem>>)
      %dma_wait3A_79 = arith.constant 0 : i32
      %dma_wait3A_80 = tpu.memref_slice %arg16[%add3A_15, %dma_wait3A_79] : memref<10240x128xf32, #tpu.memory_space<vmem_shared>> -> memref<80x128xf32, #tpu.memory_space<vmem_shared>>
      %dma_wait3A_81 = arith.constant 0 : i32
      %dma_wait3A_82 = tpu.memref_slice %arg16[%add3A_15, %dma_wait3A_81] : memref<10240x128xf32, #tpu.memory_space<vmem_shared>> -> memref<80x128xf32, #tpu.memory_space<vmem_shared>>
      tpu.wait_dma2 semaphore(%run_scoped3A : memref<!tpu.dma_semaphore, #tpu.memory_space<semaphore_mem>>) src(%arg13 : memref<80x128xf32, #tpu.memory_space<vmem>>) dst(%dma_wait3A_82 : memref<80x128xf32, #tpu.memory_space<vmem_shared>>)
      tpu.yield
    }) : () -> ()
    %add3A_16 = arith.constant 160 : i32
    %add3A_17 = arith.addi %mul3A_11, %add3A_16 : i32
    "tpu.region"() ({
      %run_scoped3A = tpu.sem_alloc : memref<!tpu.dma_semaphore, #tpu.memory_space<semaphore_mem>>
      %dma_start3A_75 = arith.constant 0 : i32
      %dma_start3A_76 = tpu.memref_slice %arg16[%add3A_17, %dma_start3A_75] : memref<10240x128xf32, #tpu.memory_space<vmem_shared>> -> memref<80x128xf32, #tpu.memory_space<vmem_shared>>
      %dma_start3A_77 = arith.constant 0 : i32
      %dma_start3A_78 = tpu.memref_slice %arg16[%add3A_17, %dma_start3A_77] : memref<10240x128xf32, #tpu.memory_space<vmem_shared>> -> memref<80x128xf32, #tpu.memory_space<vmem_shared>>
      tpu.enqueue_dma source(%arg13 : memref<80x128xf32, #tpu.memory_space<vmem>>) target(%dma_start3A_78 : memref<80x128xf32, #tpu.memory_space<vmem_shared>>) target_semaphore(%run_scoped3A : memref<!tpu.dma_semaphore, #tpu.memory_space<semaphore_mem>>)
      %dma_wait3A_79 = arith.constant 0 : i32
      %dma_wait3A_80 = tpu.memref_slice %arg16[%add3A_17, %dma_wait3A_79] : memref<10240x128xf32, #tpu.memory_space<vmem_shared>> -> memref<80x128xf32, #tpu.memory_space<vmem_shared>>
      %dma_wait3A_81 = arith.constant 0 : i32
      %dma_wait3A_82 = tpu.memref_slice %arg16[%add3A_17, %dma_wait3A_81] : memref<10240x128xf32, #tpu.memory_space<vmem_shared>> -> memref<80x128xf32, #tpu.memory_space<vmem_shared>>
      tpu.wait_dma2 semaphore(%run_scoped3A : memref<!tpu.dma_semaphore, #tpu.memory_space<semaphore_mem>>) src(%arg13 : memref<80x128xf32, #tpu.memory_space<vmem>>) dst(%dma_wait3A_82 : memref<80x128xf32, #tpu.memory_space<vmem_shared>>)
      tpu.yield
    }) : () -> ()
    %add3A_18 = arith.constant 240 : i32
    %add3A_19 = arith.addi %mul3A_11, %add3A_18 : i32
    "tpu.region"() ({
      %run_scoped3A = tpu.sem_alloc : memref<!tpu.dma_semaphore, #tpu.memory_space<semaphore_mem>>
      %dma_start3A_75 = arith.constant 0 : i32
      %dma_start3A_76 = tpu.memref_slice %arg16[%add3A_19, %dma_start3A_75] : memref<10240x128xf32, #tpu.memory_space<vmem_shared>> -> memref<80x128xf32, #tpu.memory_space<vmem_shared>>
      %dma_start3A_77 = arith.constant 0 : i32
      %dma_start3A_78 = tpu.memref_slice %arg16[%add3A_19, %dma_start3A_77] : memref<10240x128xf32, #tpu.memory_space<vmem_shared>> -> memref<80x128xf32, #tpu.memory_space<vmem_shared>>
      tpu.enqueue_dma source(%arg13 : memref<80x128xf32, #tpu.memory_space<vmem>>) target(%dma_start3A_78 : memref<80x128xf32, #tpu.memory_space<vmem_shared>>) target_semaphore(%run_scoped3A : memref<!tpu.dma_semaphore, #tpu.memory_space<semaphore_mem>>)
      %dma_wait3A_79 = arith.constant 0 : i32
      %dma_wait3A_80 = tpu.memref_slice %arg16[%add3A_19, %dma_wait3A_79] : memref<10240x128xf32, #tpu.memory_space<vmem_shared>> -> memref<80x128xf32, #tpu.memory_space<vmem_shared>>
      %dma_wait3A_81 = arith.constant 0 : i32
      %dma_wait3A_82 = tpu.memref_slice %arg16[%add3A_19, %dma_wait3A_81] : memref<10240x128xf32, #tpu.memory_space<vmem_shared>> -> memref<80x128xf32, #tpu.memory_space<vmem_shared>>
      tpu.wait_dma2 semaphore(%run_scoped3A : memref<!tpu.dma_semaphore, #tpu.memory_space<semaphore_mem>>) src(%arg13 : memref<80x128xf32, #tpu.memory_space<vmem>>) dst(%dma_wait3A_82 : memref<80x128xf32, #tpu.memory_space<vmem_shared>>)
      tpu.yield
    }) : () -> ()
    %add3A_20 = arith.constant 320 : i32
    %add3A_21 = arith.addi %mul3A_11, %add3A_20 : i32
    "tpu.region"() ({
      %run_scoped3A = tpu.sem_alloc : memref<!tpu.dma_semaphore, #tpu.memory_space<semaphore_mem>>
      %dma_start3A_75 = arith.constant 0 : i32
      %dma_start3A_76 = tpu.memref_slice %arg16[%add3A_21, %dma_start3A_75] : memref<10240x128xf32, #tpu.memory_space<vmem_shared>> -> memref<80x128xf32, #tpu.memory_space<vmem_shared>>
      %dma_start3A_77 = arith.constant 0 : i32
      %dma_start3A_78 = tpu.memref_slice %arg16[%add3A_21, %dma_start3A_77] : memref<10240x128xf32, #tpu.memory_space<vmem_shared>> -> memref<80x128xf32, #tpu.memory_space<vmem_shared>>
      tpu.enqueue_dma source(%arg13 : memref<80x128xf32, #tpu.memory_space<vmem>>) target(%dma_start3A_78 : memref<80x128xf32, #tpu.memory_space<vmem_shared>>) target_semaphore(%run_scoped3A : memref<!tpu.dma_semaphore, #tpu.memory_space<semaphore_mem>>)
      %dma_wait3A_79 = arith.constant 0 : i32
      %dma_wait3A_80 = tpu.memref_slice %arg16[%add3A_21, %dma_wait3A_79] : memref<10240x128xf32, #tpu.memory_space<vmem_shared>> -> memref<80x128xf32, #tpu.memory_space<vmem_shared>>
      %dma_wait3A_81 = arith.constant 0 : i32
      %dma_wait3A_82 = tpu.memref_slice %arg16[%add3A_21, %dma_wait3A_81] : memref<10240x128xf32, #tpu.memory_space<vmem_shared>> -> memref<80x128xf32, #tpu.memory_space<vmem_shared>>
      tpu.wait_dma2 semaphore(%run_scoped3A : memref<!tpu.dma_semaphore, #tpu.memory_space<semaphore_mem>>) src(%arg13 : memref<80x128xf32, #tpu.memory_space<vmem>>) dst(%dma_wait3A_82 : memref<80x128xf32, #tpu.memory_space<vmem_shared>>)
      tpu.yield
    }) : () -> ()
    %add3A_22 = arith.constant 400 : i32
    %add3A_23 = arith.addi %mul3A_11, %add3A_22 : i32
    "tpu.region"() ({
      %run_scoped3A = tpu.sem_alloc : memref<!tpu.dma_semaphore, #tpu.memory_space<semaphore_mem>>
      %dma_start3A_75 = arith.constant 0 : i32
      %dma_start3A_76 = tpu.memref_slice %arg16[%add3A_23, %dma_start3A_75] : memref<10240x128xf32, #tpu.memory_space<vmem_shared>> -> memref<80x128xf32, #tpu.memory_space<vmem_shared>>
      %dma_start3A_77 = arith.constant 0 : i32
      %dma_start3A_78 = tpu.memref_slice %arg16[%add3A_23, %dma_start3A_77] : memref<10240x128xf32, #tpu.memory_space<vmem_shared>> -> memref<80x128xf32, #tpu.memory_space<vmem_shared>>
      tpu.enqueue_dma source(%arg13 : memref<80x128xf32, #tpu.memory_space<vmem>>) target(%dma_start3A_78 : memref<80x128xf32, #tpu.memory_space<vmem_shared>>) target_semaphore(%run_scoped3A : memref<!tpu.dma_semaphore, #tpu.memory_space<semaphore_mem>>)
      %dma_wait3A_79 = arith.constant 0 : i32
      %dma_wait3A_80 = tpu.memref_slice %arg16[%add3A_23, %dma_wait3A_79] : memref<10240x128xf32, #tpu.memory_space<vmem_shared>> -> memref<80x128xf32, #tpu.memory_space<vmem_shared>>
      %dma_wait3A_81 = arith.constant 0 : i32
      %dma_wait3A_82 = tpu.memref_slice %arg16[%add3A_23, %dma_wait3A_81] : memref<10240x128xf32, #tpu.memory_space<vmem_shared>> -> memref<80x128xf32, #tpu.memory_space<vmem_shared>>
      tpu.wait_dma2 semaphore(%run_scoped3A : memref<!tpu.dma_semaphore, #tpu.memory_space<semaphore_mem>>) src(%arg13 : memref<80x128xf32, #tpu.memory_space<vmem>>) dst(%dma_wait3A_82 : memref<80x128xf32, #tpu.memory_space<vmem_shared>>)
      tpu.yield
    }) : () -> ()
    %add3A_24 = arith.constant 480 : i32
    %add3A_25 = arith.addi %mul3A_11, %add3A_24 : i32
    "tpu.region"() ({
      %run_scoped3A = tpu.sem_alloc : memref<!tpu.dma_semaphore, #tpu.memory_space<semaphore_mem>>
      %dma_start3A_75 = arith.constant 0 : i32
      %dma_start3A_76 = tpu.memref_slice %arg16[%add3A_25, %dma_start3A_75] : memref<10240x128xf32, #tpu.memory_space<vmem_shared>> -> memref<80x128xf32, #tpu.memory_space<vmem_shared>>
      %dma_start3A_77 = arith.constant 0 : i32
      %dma_start3A_78 = tpu.memref_slice %arg16[%add3A_25, %dma_start3A_77] : memref<10240x128xf32, #tpu.memory_space<vmem_shared>> -> memref<80x128xf32, #tpu.memory_space<vmem_shared>>
      tpu.enqueue_dma source(%arg13 : memref<80x128xf32, #tpu.memory_space<vmem>>) target(%dma_start3A_78 : memref<80x128xf32, #tpu.memory_space<vmem_shared>>) target_semaphore(%run_scoped3A : memref<!tpu.dma_semaphore, #tpu.memory_space<semaphore_mem>>)
      %dma_wait3A_79 = arith.constant 0 : i32
      %dma_wait3A_80 = tpu.memref_slice %arg16[%add3A_25, %dma_wait3A_79] : memref<10240x128xf32, #tpu.memory_space<vmem_shared>> -> memref<80x128xf32, #tpu.memory_space<vmem_shared>>
      %dma_wait3A_81 = arith.constant 0 : i32
      %dma_wait3A_82 = tpu.memref_slice %arg16[%add3A_25, %dma_wait3A_81] : memref<10240x128xf32, #tpu.memory_space<vmem_shared>> -> memref<80x128xf32, #tpu.memory_space<vmem_shared>>
      tpu.wait_dma2 semaphore(%run_scoped3A : memref<!tpu.dma_semaphore, #tpu.memory_space<semaphore_mem>>) src(%arg13 : memref<80x128xf32, #tpu.memory_space<vmem>>) dst(%dma_wait3A_82 : memref<80x128xf32, #tpu.memory_space<vmem_shared>>)
      tpu.yield
    }) : () -> ()
    %add3A_26 = arith.constant 560 : i32
    %add3A_27 = arith.addi %mul3A_11, %add3A_26 : i32
    "tpu.region"() ({
      %run_scoped3A = tpu.sem_alloc : memref<!tpu.dma_semaphore, #tpu.memory_space<semaphore_mem>>
      %dma_start3A_75 = arith.constant 0 : i32
      %dma_start3A_76 = tpu.memref_slice %arg16[%add3A_27, %dma_start3A_75] : memref<10240x128xf32, #tpu.memory_space<vmem_shared>> -> memref<80x128xf32, #tpu.memory_space<vmem_shared>>
      %dma_start3A_77 = arith.constant 0 : i32
      %dma_start3A_78 = tpu.memref_slice %arg16[%add3A_27, %dma_start3A_77] : memref<10240x128xf32, #tpu.memory_space<vmem_shared>> -> memref<80x128xf32, #tpu.memory_space<vmem_shared>>
      tpu.enqueue_dma source(%arg13 : memref<80x128xf32, #tpu.memory_space<vmem>>) target(%dma_start3A_78 : memref<80x128xf32, #tpu.memory_space<vmem_shared>>) target_semaphore(%run_scoped3A : memref<!tpu.dma_semaphore, #tpu.memory_space<semaphore_mem>>)
      %dma_wait3A_79 = arith.constant 0 : i32
      %dma_wait3A_80 = tpu.memref_slice %arg16[%add3A_27, %dma_wait3A_79] : memref<10240x128xf32, #tpu.memory_space<vmem_shared>> -> memref<80x128xf32, #tpu.memory_space<vmem_shared>>
      %dma_wait3A_81 = arith.constant 0 : i32
      %dma_wait3A_82 = tpu.memref_slice %arg16[%add3A_27, %dma_wait3A_81] : memref<10240x128xf32, #tpu.memory_space<vmem_shared>> -> memref<80x128xf32, #tpu.memory_space<vmem_shared>>
      tpu.wait_dma2 semaphore(%run_scoped3A : memref<!tpu.dma_semaphore, #tpu.memory_space<semaphore_mem>>) src(%arg13 : memref<80x128xf32, #tpu.memory_space<vmem>>) dst(%dma_wait3A_82 : memref<80x128xf32, #tpu.memory_space<vmem_shared>>)
      tpu.yield
    }) : () -> ()
    %barrier3A = arith.constant 0 : index
    tpu.barrier barrier_id(%barrier3A)
    %add3A_28 = arith.constant 0 : i32
    %add3A_29 = arith.addi %mul3A_2, %add3A_28 : i32
    %dma_start3A_30 = tpu.memref_slice %arg3[%add3A_29] : memref<322560xi32, #tpu.memory_space<hbm>> -> memref<80xi32, #tpu.memory_space<hbm>>
    %dma_start3A_31 = tpu.memref_slice %arg3[%add3A_29] : memref<322560xi32, #tpu.memory_space<hbm>> -> memref<80xi32, #tpu.memory_space<hbm>>
    tpu.enqueue_dma source(%dma_start3A_31 : memref<80xi32, #tpu.memory_space<hbm>>) target(%arg6 : memref<80xi32, #tpu.memory_space<vmem>>) target_semaphore(%arg17 : memref<!tpu.dma_semaphore, #tpu.memory_space<semaphore_mem>>)
    %add3A_32 = arith.constant 80 : i32
    %add3A_33 = arith.addi %mul3A_2, %add3A_32 : i32
    %dma_start3A_34 = tpu.memref_slice %arg3[%add3A_33] : memref<322560xi32, #tpu.memory_space<hbm>> -> memref<80xi32, #tpu.memory_space<hbm>>
    %dma_start3A_35 = tpu.memref_slice %arg3[%add3A_33] : memref<322560xi32, #tpu.memory_space<hbm>> -> memref<80xi32, #tpu.memory_space<hbm>>
    tpu.enqueue_dma source(%dma_start3A_35 : memref<80xi32, #tpu.memory_space<hbm>>) target(%arg7 : memref<80xi32, #tpu.memory_space<vmem>>) target_semaphore(%arg18 : memref<!tpu.dma_semaphore, #tpu.memory_space<semaphore_mem>>)
    %add3A_36 = arith.constant 160 : i32
    %add3A_37 = arith.addi %mul3A_2, %add3A_36 : i32
    %dma_start3A_38 = tpu.memref_slice %arg3[%add3A_37] : memref<322560xi32, #tpu.memory_space<hbm>> -> memref<80xi32, #tpu.memory_space<hbm>>
    %dma_start3A_39 = tpu.memref_slice %arg3[%add3A_37] : memref<322560xi32, #tpu.memory_space<hbm>> -> memref<80xi32, #tpu.memory_space<hbm>>
    tpu.enqueue_dma source(%dma_start3A_39 : memref<80xi32, #tpu.memory_space<hbm>>) target(%arg8 : memref<80xi32, #tpu.memory_space<vmem>>) target_semaphore(%arg19 : memref<!tpu.dma_semaphore, #tpu.memory_space<semaphore_mem>>)
    %add3A_40 = arith.constant 240 : i32
    %add3A_41 = arith.addi %mul3A_2, %add3A_40 : i32
    %dma_start3A_42 = tpu.memref_slice %arg3[%add3A_41] : memref<322560xi32, #tpu.memory_space<hbm>> -> memref<80xi32, #tpu.memory_space<hbm>>
    %dma_start3A_43 = tpu.memref_slice %arg3[%add3A_41] : memref<322560xi32, #tpu.memory_space<hbm>> -> memref<80xi32, #tpu.memory_space<hbm>>
    tpu.enqueue_dma source(%dma_start3A_43 : memref<80xi32, #tpu.memory_space<hbm>>) target(%arg9 : memref<80xi32, #tpu.memory_space<vmem>>) target_semaphore(%arg20 : memref<!tpu.dma_semaphore, #tpu.memory_space<semaphore_mem>>)
    %add3A_44 = arith.constant 320 : i32
    %add3A_45 = arith.addi %mul3A_2, %add3A_44 : i32
    %dma_start3A_46 = tpu.memref_slice %arg3[%add3A_45] : memref<322560xi32, #tpu.memory_space<hbm>> -> memref<80xi32, #tpu.memory_space<hbm>>
    %dma_start3A_47 = tpu.memref_slice %arg3[%add3A_45] : memref<322560xi32, #tpu.memory_space<hbm>> -> memref<80xi32, #tpu.memory_space<hbm>>
    tpu.enqueue_dma source(%dma_start3A_47 : memref<80xi32, #tpu.memory_space<hbm>>) target(%arg10 : memref<80xi32, #tpu.memory_space<vmem>>) target_semaphore(%arg21 : memref<!tpu.dma_semaphore, #tpu.memory_space<semaphore_mem>>)
    %add3A_48 = arith.constant 400 : i32
    %add3A_49 = arith.addi %mul3A_2, %add3A_48 : i32
    %dma_start3A_50 = tpu.memref_slice %arg3[%add3A_49] : memref<322560xi32, #tpu.memory_space<hbm>> -> memref<80xi32, #tpu.memory_space<hbm>>
    %dma_start3A_51 = tpu.memref_slice %arg3[%add3A_49] : memref<322560xi32, #tpu.memory_space<hbm>> -> memref<80xi32, #tpu.memory_space<hbm>>
    tpu.enqueue_dma source(%dma_start3A_51 : memref<80xi32, #tpu.memory_space<hbm>>) target(%arg11 : memref<80xi32, #tpu.memory_space<vmem>>) target_semaphore(%arg22 : memref<!tpu.dma_semaphore, #tpu.memory_space<semaphore_mem>>)
    %dma_wait3A = tpu.memref_slice %arg4[%mul3A_2] : memref<322560xi32, #tpu.memory_space<hbm>> -> memref<10080xi32, #tpu.memory_space<hbm>>
    %dma_wait3A_52 = tpu.memref_slice %arg4[%mul3A_2] : memref<322560xi32, #tpu.memory_space<hbm>> -> memref<10080xi32, #tpu.memory_space<hbm>>
    tpu.wait_dma2 semaphore(%arg23 : memref<!tpu.dma_semaphore, #tpu.memory_space<semaphore_mem>>) src(%dma_wait3A_52 : memref<10080xi32, #tpu.memory_space<hbm>>) dst(%arg12 : memref<10080xi32, #tpu.memory_space<vmem>>)
    %dma_wait3A_53 = tpu.memref_slice %arg3[%mul3A_2] : memref<322560xi32, #tpu.memory_space<hbm>> -> memref<80xi32, #tpu.memory_space<hbm>>
    %dma_wait3A_54 = tpu.memref_slice %arg3[%mul3A_2] : memref<322560xi32, #tpu.memory_space<hbm>> -> memref<80xi32, #tpu.memory_space<hbm>>
    tpu.wait_dma2 semaphore(%arg17 : memref<!tpu.dma_semaphore, #tpu.memory_space<semaphore_mem>>) src(%dma_wait3A_54 : memref<80xi32, #tpu.memory_space<hbm>>) dst(%arg6 : memref<80xi32, #tpu.memory_space<vmem>>)
    %dma_start3A_55 = arith.constant 0 : i32
    %dma_start3A_56 = arith.constant 0 : i32
    %dma_start3A_57 = tpu.memref_slice %arg2[%dma_start3A_55, %dma_start3A_56] : memref<10240x128xf32, #tpu.memory_space<hbm>> -> memref<10240x128xf32, #tpu.memory_space<hbm>>
    tpu.enqueue_indirect_dma source(%dma_start3A_57 : memref<10240x128xf32, #tpu.memory_space<hbm>>) target(%arg13 : memref<80x128xf32, #tpu.memory_space<vmem>>) offsets(%arg6 : memref<80xi32, #tpu.memory_space<vmem>>) semaphore(%arg24 : memref<!tpu.dma_semaphore, #tpu.memory_space<semaphore_mem>>)
    %dma_wait3A_58 = tpu.memref_slice %arg3[%mul3A_2] : memref<322560xi32, #tpu.memory_space<hbm>> -> memref<80xi32, #tpu.memory_space<hbm>>
    %dma_wait3A_59 = tpu.memref_slice %arg3[%mul3A_2] : memref<322560xi32, #tpu.memory_space<hbm>> -> memref<80xi32, #tpu.memory_space<hbm>>
    tpu.wait_dma2 semaphore(%arg18 : memref<!tpu.dma_semaphore, #tpu.memory_space<semaphore_mem>>) src(%dma_wait3A_59 : memref<80xi32, #tpu.memory_space<hbm>>) dst(%arg7 : memref<80xi32, #tpu.memory_space<vmem>>)
    %dma_start3A_60 = arith.constant 0 : i32
    %dma_start3A_61 = arith.constant 0 : i32
    %dma_start3A_62 = tpu.memref_slice %arg2[%dma_start3A_60, %dma_start3A_61] : memref<10240x128xf32, #tpu.memory_space<hbm>> -> memref<10240x128xf32, #tpu.memory_space<hbm>>
    tpu.enqueue_indirect_dma source(%dma_start3A_62 : memref<10240x128xf32, #tpu.memory_space<hbm>>) target(%arg14 : memref<80x128xf32, #tpu.memory_space<vmem>>) offsets(%arg7 : memref<80xi32, #tpu.memory_space<vmem>>) semaphore(%arg25 : memref<!tpu.dma_semaphore, #tpu.memory_space<semaphore_mem>>)
    %scan3A_63 = arith.constant 0 : i32
    %scan3A_64 = arith.constant 0 : i32
    %scan3A_65 = arith.constant 21 : i32
    %scan3A_66 = arith.addi %scan3A_64, %scan3A_65 : i32
    %scan3A_67 = arith.constant 1 : i32
    scf.for %scan3A_75 = %scan3A_64 to %scan3A_66 step %scan3A_67  : i32 {
      %mul3A_76 = arith.constant 6 : i32
      %mul3A_77 = arith.muli %scan3A_75, %mul3A_76 : i32
      %add3A_78 = arith.constant 0 : i32
      %add3A_79 = arith.addi %mul3A_77, %add3A_78 : i32
      %dma_wait3A_80 = arith.constant 0 : i32
      %dma_wait3A_81 = arith.constant 0 : i32
      %dma_wait3A_82 = tpu.memref_slice %arg2[%dma_wait3A_80, %dma_wait3A_81] : memref<10240x128xf32, #tpu.memory_space<hbm>> -> memref<10240x128xf32, #tpu.memory_space<hbm>>
      tpu.wait_indirect_dma semaphore(%arg24 : memref<!tpu.dma_semaphore, #tpu.memory_space<semaphore_mem>>) src(%dma_wait3A_82 : memref<10240x128xf32, #tpu.memory_space<hbm>>) dst(%arg13 : memref<80x128xf32, #tpu.memory_space<vmem>>)
      %add3A_83 = arith.constant 6 : i32
      %add3A_84 = arith.addi %add3A_79, %add3A_83 : i32
      %lt3A = arith.constant 126 : i32
      %lt3A_85 = arith.cmpi slt, %add3A_84, %lt3A : i32
      %convert_element_type3A = arith.extui %lt3A_85 : i1 to i32
      %cond3A = arith.constant 0 : i32
      %cond3A_86 = arith.cmpi ne, %convert_element_type3A, %cond3A : i32
      scf.if %cond3A_86 {
        %add3A_264 = arith.constant 6 : i32
        %add3A_265 = arith.addi %add3A_79, %add3A_264 : i32
        %mul3A_266 = arith.constant 80 : i32
        %mul3A_267 = arith.muli %add3A_265, %mul3A_266 : i32
        %add3A_268 = arith.addi %mul3A_2, %mul3A_267 : i32
        %dma_start3A_269 = tpu.memref_slice %arg3[%add3A_268] : memref<322560xi32, #tpu.memory_space<hbm>> -> memref<80xi32, #tpu.memory_space<hbm>>
        %dma_start3A_270 = tpu.memref_slice %arg3[%add3A_268] : memref<322560xi32, #tpu.memory_space<hbm>> -> memref<80xi32, #tpu.memory_space<hbm>>
        tpu.enqueue_dma source(%dma_start3A_270 : memref<80xi32, #tpu.memory_space<hbm>>) target(%arg6 : memref<80xi32, #tpu.memory_space<vmem>>) target_semaphore(%arg17 : memref<!tpu.dma_semaphore, #tpu.memory_space<semaphore_mem>>)
      } else {
      }
      %mul3A_87 = arith.constant 80 : i32
      %mul3A_88 = arith.muli %add3A_79, %mul3A_87 : i32
      %dma_start3A_89 = tpu.memref_slice %arg12[%mul3A_88] : memref<10080xi32, #tpu.memory_space<vmem>> -> memref<80xi32, #tpu.memory_space<vmem>>
      %dma_start3A_90 = arith.constant 0 : i32
      %dma_start3A_91 = arith.constant 0 : i32
      %dma_start3A_92 = tpu.memref_slice %arg16[%dma_start3A_90, %dma_start3A_91] : memref<10240x128xf32, #tpu.memory_space<vmem_shared>> -> memref<10240x128xf32, #tpu.memory_space<vmem_shared>>
      tpu.enqueue_indirect_dma source(%arg13 : memref<80x128xf32, #tpu.memory_space<vmem>>) target(%dma_start3A_92 : memref<10240x128xf32, #tpu.memory_space<vmem_shared>>) offsets(%dma_start3A_89 : memref<80xi32, #tpu.memory_space<vmem>>) semaphore(%arg27 : memref<!tpu.dma_semaphore, #tpu.memory_space<semaphore_mem>>) {add = true}
      %ge3A = arith.constant 1 : i32
      %ge3A_93 = arith.cmpi sge, %add3A_79, %ge3A : i32
      %convert_element_type3A_94 = arith.extui %ge3A_93 : i1 to i32
      %cond3A_95 = arith.constant 0 : i32
      %cond3A_96 = arith.cmpi ne, %convert_element_type3A_94, %cond3A_95 : i32
      scf.if %cond3A_96 {
        %sub3A = arith.constant 1 : i32
        %sub3A_264 = arith.subi %add3A_79, %sub3A : i32
        %mul3A_265 = arith.constant 80 : i32
        %mul3A_266 = arith.muli %sub3A_264, %mul3A_265 : i32
        %dma_wait3A_267 = tpu.memref_slice %arg12[%mul3A_266] : memref<10080xi32, #tpu.memory_space<vmem>> -> memref<80xi32, #tpu.memory_space<vmem>>
        %dma_wait3A_268 = arith.constant 0 : i32
        %dma_wait3A_269 = arith.constant 0 : i32
        %dma_wait3A_270 = tpu.memref_slice %arg16[%dma_wait3A_268, %dma_wait3A_269] : memref<10240x128xf32, #tpu.memory_space<vmem_shared>> -> memref<10240x128xf32, #tpu.memory_space<vmem_shared>>
        tpu.wait_indirect_dma semaphore(%arg29 : memref<!tpu.dma_semaphore, #tpu.memory_space<semaphore_mem>>) src(%arg15 : memref<80x128xf32, #tpu.memory_space<vmem>>) dst(%dma_wait3A_270 : memref<10240x128xf32, #tpu.memory_space<vmem_shared>>)
      } else {
      }
      %add3A_97 = arith.constant 2 : i32
      %add3A_98 = arith.addi %add3A_79, %add3A_97 : i32
      %lt3A_99 = arith.constant 126 : i32
      %lt3A_100 = arith.cmpi slt, %add3A_98, %lt3A_99 : i32
      %convert_element_type3A_101 = arith.extui %lt3A_100 : i1 to i32
      %cond3A_102 = arith.constant 0 : i32
      %cond3A_103 = arith.cmpi ne, %convert_element_type3A_101, %cond3A_102 : i32
      scf.if %cond3A_103 {
        %dma_wait3A_264 = tpu.memref_slice %arg3[%mul3A_2] : memref<322560xi32, #tpu.memory_space<hbm>> -> memref<80xi32, #tpu.memory_space<hbm>>
        %dma_wait3A_265 = tpu.memref_slice %arg3[%mul3A_2] : memref<322560xi32, #tpu.memory_space<hbm>> -> memref<80xi32, #tpu.memory_space<hbm>>
        tpu.wait_dma2 semaphore(%arg19 : memref<!tpu.dma_semaphore, #tpu.memory_space<semaphore_mem>>) src(%dma_wait3A_265 : memref<80xi32, #tpu.memory_space<hbm>>) dst(%arg8 : memref<80xi32, #tpu.memory_space<vmem>>)
        %dma_start3A_266 = arith.constant 0 : i32
        %dma_start3A_267 = arith.constant 0 : i32
        %dma_start3A_268 = tpu.memref_slice %arg2[%dma_start3A_266, %dma_start3A_267] : memref<10240x128xf32, #tpu.memory_space<hbm>> -> memref<10240x128xf32, #tpu.memory_space<hbm>>
        tpu.enqueue_indirect_dma source(%dma_start3A_268 : memref<10240x128xf32, #tpu.memory_space<hbm>>) target(%arg15 : memref<80x128xf32, #tpu.memory_space<vmem>>) offsets(%arg8 : memref<80xi32, #tpu.memory_space<vmem>>) semaphore(%arg26 : memref<!tpu.dma_semaphore, #tpu.memory_space<semaphore_mem>>)
      } else {
      }
      %mul3A_104 = arith.constant 6 : i32
      %mul3A_105 = arith.muli %scan3A_75, %mul3A_104 : i32
      %add3A_106 = arith.constant 1 : i32
      %add3A_107 = arith.addi %mul3A_105, %add3A_106 : i32
      %dma_wait3A_108 = arith.constant 0 : i32
      %dma_wait3A_109 = arith.constant 0 : i32
      %dma_wait3A_110 = tpu.memref_slice %arg2[%dma_wait3A_108, %dma_wait3A_109] : memref<10240x128xf32, #tpu.memory_space<hbm>> -> memref<10240x128xf32, #tpu.memory_space<hbm>>
      tpu.wait_indirect_dma semaphore(%arg25 : memref<!tpu.dma_semaphore, #tpu.memory_space<semaphore_mem>>) src(%dma_wait3A_110 : memref<10240x128xf32, #tpu.memory_space<hbm>>) dst(%arg14 : memref<80x128xf32, #tpu.memory_space<vmem>>)
      %add3A_111 = arith.constant 6 : i32
      %add3A_112 = arith.addi %add3A_107, %add3A_111 : i32
      %lt3A_113 = arith.constant 126 : i32
      %lt3A_114 = arith.cmpi slt, %add3A_112, %lt3A_113 : i32
      %convert_element_type3A_115 = arith.extui %lt3A_114 : i1 to i32
      %cond3A_116 = arith.constant 0 : i32
      %cond3A_117 = arith.cmpi ne, %convert_element_type3A_115, %cond3A_116 : i32
      scf.if %cond3A_117 {
        %add3A_264 = arith.constant 6 : i32
        %add3A_265 = arith.addi %add3A_107, %add3A_264 : i32
        %mul3A_266 = arith.constant 80 : i32
        %mul3A_267 = arith.muli %add3A_265, %mul3A_266 : i32
        %add3A_268 = arith.addi %mul3A_2, %mul3A_267 : i32
        %dma_start3A_269 = tpu.memref_slice %arg3[%add3A_268] : memref<322560xi32, #tpu.memory_space<hbm>> -> memref<80xi32, #tpu.memory_space<hbm>>
        %dma_start3A_270 = tpu.memref_slice %arg3[%add3A_268] : memref<322560xi32, #tpu.memory_space<hbm>> -> memref<80xi32, #tpu.memory_space<hbm>>
        tpu.enqueue_dma source(%dma_start3A_270 : memref<80xi32, #tpu.memory_space<hbm>>) target(%arg7 : memref<80xi32, #tpu.memory_space<vmem>>) target_semaphore(%arg18 : memref<!tpu.dma_semaphore, #tpu.memory_space<semaphore_mem>>)
      } else {
      }
      %mul3A_118 = arith.constant 80 : i32
      %mul3A_119 = arith.muli %add3A_107, %mul3A_118 : i32
      %dma_start3A_120 = tpu.memref_slice %arg12[%mul3A_119] : memref<10080xi32, #tpu.memory_space<vmem>> -> memref<80xi32, #tpu.memory_space<vmem>>
      %dma_start3A_121 = arith.constant 0 : i32
      %dma_start3A_122 = arith.constant 0 : i32
      %dma_start3A_123 = tpu.memref_slice %arg16[%dma_start3A_121, %dma_start3A_122] : memref<10240x128xf32, #tpu.memory_space<vmem_shared>> -> memref<10240x128xf32, #tpu.memory_space<vmem_shared>>
      tpu.enqueue_indirect_dma source(%arg14 : memref<80x128xf32, #tpu.memory_space<vmem>>) target(%dma_start3A_123 : memref<10240x128xf32, #tpu.memory_space<vmem_shared>>) offsets(%dma_start3A_120 : memref<80xi32, #tpu.memory_space<vmem>>) semaphore(%arg28 : memref<!tpu.dma_semaphore, #tpu.memory_space<semaphore_mem>>) {add = true}
      %ge3A_124 = arith.constant 1 : i32
      %ge3A_125 = arith.cmpi sge, %add3A_107, %ge3A_124 : i32
      %convert_element_type3A_126 = arith.extui %ge3A_125 : i1 to i32
      %cond3A_127 = arith.constant 0 : i32
      %cond3A_128 = arith.cmpi ne, %convert_element_type3A_126, %cond3A_127 : i32
      scf.if %cond3A_128 {
        %sub3A = arith.constant 1 : i32
        %sub3A_264 = arith.subi %add3A_107, %sub3A : i32
        %mul3A_265 = arith.constant 80 : i32
        %mul3A_266 = arith.muli %sub3A_264, %mul3A_265 : i32
        %dma_wait3A_267 = tpu.memref_slice %arg12[%mul3A_266] : memref<10080xi32, #tpu.memory_space<vmem>> -> memref<80xi32, #tpu.memory_space<vmem>>
        %dma_wait3A_268 = arith.constant 0 : i32
        %dma_wait3A_269 = arith.constant 0 : i32
        %dma_wait3A_270 = tpu.memref_slice %arg16[%dma_wait3A_268, %dma_wait3A_269] : memref<10240x128xf32, #tpu.memory_space<vmem_shared>> -> memref<10240x128xf32, #tpu.memory_space<vmem_shared>>
        tpu.wait_indirect_dma semaphore(%arg27 : memref<!tpu.dma_semaphore, #tpu.memory_space<semaphore_mem>>) src(%arg13 : memref<80x128xf32, #tpu.memory_space<vmem>>) dst(%dma_wait3A_270 : memref<10240x128xf32, #tpu.memory_space<vmem_shared>>)
      } else {
      }
      %add3A_129 = arith.constant 2 : i32
      %add3A_130 = arith.addi %add3A_107, %add3A_129 : i32
      %lt3A_131 = arith.constant 126 : i32
      %lt3A_132 = arith.cmpi slt, %add3A_130, %lt3A_131 : i32
      %convert_element_type3A_133 = arith.extui %lt3A_132 : i1 to i32
      %cond3A_134 = arith.constant 0 : i32
      %cond3A_135 = arith.cmpi ne, %convert_element_type3A_133, %cond3A_134 : i32
      scf.if %cond3A_135 {
        %dma_wait3A_264 = tpu.memref_slice %arg3[%mul3A_2] : memref<322560xi32, #tpu.memory_space<hbm>> -> memref<80xi32, #tpu.memory_space<hbm>>
        %dma_wait3A_265 = tpu.memref_slice %arg3[%mul3A_2] : memref<322560xi32, #tpu.memory_space<hbm>> -> memref<80xi32, #tpu.memory_space<hbm>>
        tpu.wait_dma2 semaphore(%arg20 : memref<!tpu.dma_semaphore, #tpu.memory_space<semaphore_mem>>) src(%dma_wait3A_265 : memref<80xi32, #tpu.memory_space<hbm>>) dst(%arg9 : memref<80xi32, #tpu.memory_space<vmem>>)
        %dma_start3A_266 = arith.constant 0 : i32
        %dma_start3A_267 = arith.constant 0 : i32
        %dma_start3A_268 = tpu.memref_slice %arg2[%dma_start3A_266, %dma_start3A_267] : memref<10240x128xf32, #tpu.memory_space<hbm>> -> memref<10240x128xf32, #tpu.memory_space<hbm>>
        tpu.enqueue_indirect_dma source(%dma_start3A_268 : memref<10240x128xf32, #tpu.memory_space<hbm>>) target(%arg13 : memref<80x128xf32, #tpu.memory_space<vmem>>) offsets(%arg9 : memref<80xi32, #tpu.memory_space<vmem>>) semaphore(%arg24 : memref<!tpu.dma_semaphore, #tpu.memory_space<semaphore_mem>>)
      } else {
      }
      %mul3A_136 = arith.constant 6 : i32
      %mul3A_137 = arith.muli %scan3A_75, %mul3A_136 : i32
      %add3A_138 = arith.constant 2 : i32
      %add3A_139 = arith.addi %mul3A_137, %add3A_138 : i32
      %dma_wait3A_140 = arith.constant 0 : i32
      %dma_wait3A_141 = arith.constant 0 : i32
      %dma_wait3A_142 = tpu.memref_slice %arg2[%dma_wait3A_140, %dma_wait3A_141] : memref<10240x128xf32, #tpu.memory_space<hbm>> -> memref<10240x128xf32, #tpu.memory_space<hbm>>
      tpu.wait_indirect_dma semaphore(%arg26 : memref<!tpu.dma_semaphore, #tpu.memory_space<semaphore_mem>>) src(%dma_wait3A_142 : memref<10240x128xf32, #tpu.memory_space<hbm>>) dst(%arg15 : memref<80x128xf32, #tpu.memory_space<vmem>>)
      %add3A_143 = arith.constant 6 : i32
      %add3A_144 = arith.addi %add3A_139, %add3A_143 : i32
      %lt3A_145 = arith.constant 126 : i32
      %lt3A_146 = arith.cmpi slt, %add3A_144, %lt3A_145 : i32
      %convert_element_type3A_147 = arith.extui %lt3A_146 : i1 to i32
      %cond3A_148 = arith.constant 0 : i32
      %cond3A_149 = arith.cmpi ne, %convert_element_type3A_147, %cond3A_148 : i32
      scf.if %cond3A_149 {
        %add3A_264 = arith.constant 6 : i32
        %add3A_265 = arith.addi %add3A_139, %add3A_264 : i32
        %mul3A_266 = arith.constant 80 : i32
        %mul3A_267 = arith.muli %add3A_265, %mul3A_266 : i32
        %add3A_268 = arith.addi %mul3A_2, %mul3A_267 : i32
        %dma_start3A_269 = tpu.memref_slice %arg3[%add3A_268] : memref<322560xi32, #tpu.memory_space<hbm>> -> memref<80xi32, #tpu.memory_space<hbm>>
        %dma_start3A_270 = tpu.memref_slice %arg3[%add3A_268] : memref<322560xi32, #tpu.memory_space<hbm>> -> memref<80xi32, #tpu.memory_space<hbm>>
        tpu.enqueue_dma source(%dma_start3A_270 : memref<80xi32, #tpu.memory_space<hbm>>) target(%arg8 : memref<80xi32, #tpu.memory_space<vmem>>) target_semaphore(%arg19 : memref<!tpu.dma_semaphore, #tpu.memory_space<semaphore_mem>>)
      } else {
      }
      %mul3A_150 = arith.constant 80 : i32
      %mul3A_151 = arith.muli %add3A_139, %mul3A_150 : i32
      %dma_start3A_152 = tpu.memref_slice %arg12[%mul3A_151] : memref<10080xi32, #tpu.memory_space<vmem>> -> memref<80xi32, #tpu.memory_space<vmem>>
      %dma_start3A_153 = arith.constant 0 : i32
      %dma_start3A_154 = arith.constant 0 : i32
      %dma_start3A_155 = tpu.memref_slice %arg16[%dma_start3A_153, %dma_start3A_154] : memref<10240x128xf32, #tpu.memory_space<vmem_shared>> -> memref<10240x128xf32, #tpu.memory_space<vmem_shared>>
      tpu.enqueue_indirect_dma source(%arg15 : memref<80x128xf32, #tpu.memory_space<vmem>>) target(%dma_start3A_155 : memref<10240x128xf32, #tpu.memory_space<vmem_shared>>) offsets(%dma_start3A_152 : memref<80xi32, #tpu.memory_space<vmem>>) semaphore(%arg29 : memref<!tpu.dma_semaphore, #tpu.memory_space<semaphore_mem>>) {add = true}
      %ge3A_156 = arith.constant 1 : i32
      %ge3A_157 = arith.cmpi sge, %add3A_139, %ge3A_156 : i32
      %convert_element_type3A_158 = arith.extui %ge3A_157 : i1 to i32
      %cond3A_159 = arith.constant 0 : i32
      %cond3A_160 = arith.cmpi ne, %convert_element_type3A_158, %cond3A_159 : i32
      scf.if %cond3A_160 {
        %sub3A = arith.constant 1 : i32
        %sub3A_264 = arith.subi %add3A_139, %sub3A : i32
        %mul3A_265 = arith.constant 80 : i32
        %mul3A_266 = arith.muli %sub3A_264, %mul3A_265 : i32
        %dma_wait3A_267 = tpu.memref_slice %arg12[%mul3A_266] : memref<10080xi32, #tpu.memory_space<vmem>> -> memref<80xi32, #tpu.memory_space<vmem>>
        %dma_wait3A_268 = arith.constant 0 : i32
        %dma_wait3A_269 = arith.constant 0 : i32
        %dma_wait3A_270 = tpu.memref_slice %arg16[%dma_wait3A_268, %dma_wait3A_269] : memref<10240x128xf32, #tpu.memory_space<vmem_shared>> -> memref<10240x128xf32, #tpu.memory_space<vmem_shared>>
        tpu.wait_indirect_dma semaphore(%arg28 : memref<!tpu.dma_semaphore, #tpu.memory_space<semaphore_mem>>) src(%arg14 : memref<80x128xf32, #tpu.memory_space<vmem>>) dst(%dma_wait3A_270 : memref<10240x128xf32, #tpu.memory_space<vmem_shared>>)
      } else {
      }
      %add3A_161 = arith.constant 2 : i32
      %add3A_162 = arith.addi %add3A_139, %add3A_161 : i32
      %lt3A_163 = arith.constant 126 : i32
      %lt3A_164 = arith.cmpi slt, %add3A_162, %lt3A_163 : i32
      %convert_element_type3A_165 = arith.extui %lt3A_164 : i1 to i32
      %cond3A_166 = arith.constant 0 : i32
      %cond3A_167 = arith.cmpi ne, %convert_element_type3A_165, %cond3A_166 : i32
      scf.if %cond3A_167 {
        %dma_wait3A_264 = tpu.memref_slice %arg3[%mul3A_2] : memref<322560xi32, #tpu.memory_space<hbm>> -> memref<80xi32, #tpu.memory_space<hbm>>
        %dma_wait3A_265 = tpu.memref_slice %arg3[%mul3A_2] : memref<322560xi32, #tpu.memory_space<hbm>> -> memref<80xi32, #tpu.memory_space<hbm>>
        tpu.wait_dma2 semaphore(%arg21 : memref<!tpu.dma_semaphore, #tpu.memory_space<semaphore_mem>>) src(%dma_wait3A_265 : memref<80xi32, #tpu.memory_space<hbm>>) dst(%arg10 : memref<80xi32, #tpu.memory_space<vmem>>)
        %dma_start3A_266 = arith.constant 0 : i32
        %dma_start3A_267 = arith.constant 0 : i32
        %dma_start3A_268 = tpu.memref_slice %arg2[%dma_start3A_266, %dma_start3A_267] : memref<10240x128xf32, #tpu.memory_space<hbm>> -> memref<10240x128xf32, #tpu.memory_space<hbm>>
        tpu.enqueue_indirect_dma source(%dma_start3A_268 : memref<10240x128xf32, #tpu.memory_space<hbm>>) target(%arg14 : memref<80x128xf32, #tpu.memory_space<vmem>>) offsets(%arg10 : memref<80xi32, #tpu.memory_space<vmem>>) semaphore(%arg25 : memref<!tpu.dma_semaphore, #tpu.memory_space<semaphore_mem>>)
      } else {
      }
      %mul3A_168 = arith.constant 6 : i32
      %mul3A_169 = arith.muli %scan3A_75, %mul3A_168 : i32
      %add3A_170 = arith.constant 3 : i32
      %add3A_171 = arith.addi %mul3A_169, %add3A_170 : i32
      %dma_wait3A_172 = arith.constant 0 : i32
      %dma_wait3A_173 = arith.constant 0 : i32
      %dma_wait3A_174 = tpu.memref_slice %arg2[%dma_wait3A_172, %dma_wait3A_173] : memref<10240x128xf32, #tpu.memory_space<hbm>> -> memref<10240x128xf32, #tpu.memory_space<hbm>>
      tpu.wait_indirect_dma semaphore(%arg24 : memref<!tpu.dma_semaphore, #tpu.memory_space<semaphore_mem>>) src(%dma_wait3A_174 : memref<10240x128xf32, #tpu.memory_space<hbm>>) dst(%arg13 : memref<80x128xf32, #tpu.memory_space<vmem>>)
      %add3A_175 = arith.constant 6 : i32
      %add3A_176 = arith.addi %add3A_171, %add3A_175 : i32
      %lt3A_177 = arith.constant 126 : i32
      %lt3A_178 = arith.cmpi slt, %add3A_176, %lt3A_177 : i32
      %convert_element_type3A_179 = arith.extui %lt3A_178 : i1 to i32
      %cond3A_180 = arith.constant 0 : i32
      %cond3A_181 = arith.cmpi ne, %convert_element_type3A_179, %cond3A_180 : i32
      scf.if %cond3A_181 {
        %add3A_264 = arith.constant 6 : i32
        %add3A_265 = arith.addi %add3A_171, %add3A_264 : i32
        %mul3A_266 = arith.constant 80 : i32
        %mul3A_267 = arith.muli %add3A_265, %mul3A_266 : i32
        %add3A_268 = arith.addi %mul3A_2, %mul3A_267 : i32
        %dma_start3A_269 = tpu.memref_slice %arg3[%add3A_268] : memref<322560xi32, #tpu.memory_space<hbm>> -> memref<80xi32, #tpu.memory_space<hbm>>
        %dma_start3A_270 = tpu.memref_slice %arg3[%add3A_268] : memref<322560xi32, #tpu.memory_space<hbm>> -> memref<80xi32, #tpu.memory_space<hbm>>
        tpu.enqueue_dma source(%dma_start3A_270 : memref<80xi32, #tpu.memory_space<hbm>>) target(%arg9 : memref<80xi32, #tpu.memory_space<vmem>>) target_semaphore(%arg20 : memref<!tpu.dma_semaphore, #tpu.memory_space<semaphore_mem>>)
      } else {
      }
      %mul3A_182 = arith.constant 80 : i32
      %mul3A_183 = arith.muli %add3A_171, %mul3A_182 : i32
      %dma_start3A_184 = tpu.memref_slice %arg12[%mul3A_183] : memref<10080xi32, #tpu.memory_space<vmem>> -> memref<80xi32, #tpu.memory_space<vmem>>
      %dma_start3A_185 = arith.constant 0 : i32
      %dma_start3A_186 = arith.constant 0 : i32
      %dma_start3A_187 = tpu.memref_slice %arg16[%dma_start3A_185, %dma_start3A_186] : memref<10240x128xf32, #tpu.memory_space<vmem_shared>> -> memref<10240x128xf32, #tpu.memory_space<vmem_shared>>
      tpu.enqueue_indirect_dma source(%arg13 : memref<80x128xf32, #tpu.memory_space<vmem>>) target(%dma_start3A_187 : memref<10240x128xf32, #tpu.memory_space<vmem_shared>>) offsets(%dma_start3A_184 : memref<80xi32, #tpu.memory_space<vmem>>) semaphore(%arg27 : memref<!tpu.dma_semaphore, #tpu.memory_space<semaphore_mem>>) {add = true}
      %ge3A_188 = arith.constant 1 : i32
      %ge3A_189 = arith.cmpi sge, %add3A_171, %ge3A_188 : i32
      %convert_element_type3A_190 = arith.extui %ge3A_189 : i1 to i32
      %cond3A_191 = arith.constant 0 : i32
      %cond3A_192 = arith.cmpi ne, %convert_element_type3A_190, %cond3A_191 : i32
      scf.if %cond3A_192 {
        %sub3A = arith.constant 1 : i32
        %sub3A_264 = arith.subi %add3A_171, %sub3A : i32
        %mul3A_265 = arith.constant 80 : i32
        %mul3A_266 = arith.muli %sub3A_264, %mul3A_265 : i32
        %dma_wait3A_267 = tpu.memref_slice %arg12[%mul3A_266] : memref<10080xi32, #tpu.memory_space<vmem>> -> memref<80xi32, #tpu.memory_space<vmem>>
        %dma_wait3A_268 = arith.constant 0 : i32
        %dma_wait3A_269 = arith.constant 0 : i32
        %dma_wait3A_270 = tpu.memref_slice %arg16[%dma_wait3A_268, %dma_wait3A_269] : memref<10240x128xf32, #tpu.memory_space<vmem_shared>> -> memref<10240x128xf32, #tpu.memory_space<vmem_shared>>
        tpu.wait_indirect_dma semaphore(%arg29 : memref<!tpu.dma_semaphore, #tpu.memory_space<semaphore_mem>>) src(%arg15 : memref<80x128xf32, #tpu.memory_space<vmem>>) dst(%dma_wait3A_270 : memref<10240x128xf32, #tpu.memory_space<vmem_shared>>)
      } else {
      }
      %add3A_193 = arith.constant 2 : i32
      %add3A_194 = arith.addi %add3A_171, %add3A_193 : i32
      %lt3A_195 = arith.constant 126 : i32
      %lt3A_196 = arith.cmpi slt, %add3A_194, %lt3A_195 : i32
      %convert_element_type3A_197 = arith.extui %lt3A_196 : i1 to i32
      %cond3A_198 = arith.constant 0 : i32
      %cond3A_199 = arith.cmpi ne, %convert_element_type3A_197, %cond3A_198 : i32
      scf.if %cond3A_199 {
        %dma_wait3A_264 = tpu.memref_slice %arg3[%mul3A_2] : memref<322560xi32, #tpu.memory_space<hbm>> -> memref<80xi32, #tpu.memory_space<hbm>>
        %dma_wait3A_265 = tpu.memref_slice %arg3[%mul3A_2] : memref<322560xi32, #tpu.memory_space<hbm>> -> memref<80xi32, #tpu.memory_space<hbm>>
        tpu.wait_dma2 semaphore(%arg22 : memref<!tpu.dma_semaphore, #tpu.memory_space<semaphore_mem>>) src(%dma_wait3A_265 : memref<80xi32, #tpu.memory_space<hbm>>) dst(%arg11 : memref<80xi32, #tpu.memory_space<vmem>>)
        %dma_start3A_266 = arith.constant 0 : i32
        %dma_start3A_267 = arith.constant 0 : i32
        %dma_start3A_268 = tpu.memref_slice %arg2[%dma_start3A_266, %dma_start3A_267] : memref<10240x128xf32, #tpu.memory_space<hbm>> -> memref<10240x128xf32, #tpu.memory_space<hbm>>
        tpu.enqueue_indirect_dma source(%dma_start3A_268 : memref<10240x128xf32, #tpu.memory_space<hbm>>) target(%arg15 : memref<80x128xf32, #tpu.memory_space<vmem>>) offsets(%arg11 : memref<80xi32, #tpu.memory_space<vmem>>) semaphore(%arg26 : memref<!tpu.dma_semaphore, #tpu.memory_space<semaphore_mem>>)
      } else {
      }
      %mul3A_200 = arith.constant 6 : i32
      %mul3A_201 = arith.muli %scan3A_75, %mul3A_200 : i32
      %add3A_202 = arith.constant 4 : i32
      %add3A_203 = arith.addi %mul3A_201, %add3A_202 : i32
      %dma_wait3A_204 = arith.constant 0 : i32
      %dma_wait3A_205 = arith.constant 0 : i32
      %dma_wait3A_206 = tpu.memref_slice %arg2[%dma_wait3A_204, %dma_wait3A_205] : memref<10240x128xf32, #tpu.memory_space<hbm>> -> memref<10240x128xf32, #tpu.memory_space<hbm>>
      tpu.wait_indirect_dma semaphore(%arg25 : memref<!tpu.dma_semaphore, #tpu.memory_space<semaphore_mem>>) src(%dma_wait3A_206 : memref<10240x128xf32, #tpu.memory_space<hbm>>) dst(%arg14 : memref<80x128xf32, #tpu.memory_space<vmem>>)
      %add3A_207 = arith.constant 6 : i32
      %add3A_208 = arith.addi %add3A_203, %add3A_207 : i32
      %lt3A_209 = arith.constant 126 : i32
      %lt3A_210 = arith.cmpi slt, %add3A_208, %lt3A_209 : i32
      %convert_element_type3A_211 = arith.extui %lt3A_210 : i1 to i32
      %cond3A_212 = arith.constant 0 : i32
      %cond3A_213 = arith.cmpi ne, %convert_element_type3A_211, %cond3A_212 : i32
      scf.if %cond3A_213 {
        %add3A_264 = arith.constant 6 : i32
        %add3A_265 = arith.addi %add3A_203, %add3A_264 : i32
        %mul3A_266 = arith.constant 80 : i32
        %mul3A_267 = arith.muli %add3A_265, %mul3A_266 : i32
        %add3A_268 = arith.addi %mul3A_2, %mul3A_267 : i32
        %dma_start3A_269 = tpu.memref_slice %arg3[%add3A_268] : memref<322560xi32, #tpu.memory_space<hbm>> -> memref<80xi32, #tpu.memory_space<hbm>>
        %dma_start3A_270 = tpu.memref_slice %arg3[%add3A_268] : memref<322560xi32, #tpu.memory_space<hbm>> -> memref<80xi32, #tpu.memory_space<hbm>>
        tpu.enqueue_dma source(%dma_start3A_270 : memref<80xi32, #tpu.memory_space<hbm>>) target(%arg10 : memref<80xi32, #tpu.memory_space<vmem>>) target_semaphore(%arg21 : memref<!tpu.dma_semaphore, #tpu.memory_space<semaphore_mem>>)
      } else {
      }
      %mul3A_214 = arith.constant 80 : i32
      %mul3A_215 = arith.muli %add3A_203, %mul3A_214 : i32
      %dma_start3A_216 = tpu.memref_slice %arg12[%mul3A_215] : memref<10080xi32, #tpu.memory_space<vmem>> -> memref<80xi32, #tpu.memory_space<vmem>>
      %dma_start3A_217 = arith.constant 0 : i32
      %dma_start3A_218 = arith.constant 0 : i32
      %dma_start3A_219 = tpu.memref_slice %arg16[%dma_start3A_217, %dma_start3A_218] : memref<10240x128xf32, #tpu.memory_space<vmem_shared>> -> memref<10240x128xf32, #tpu.memory_space<vmem_shared>>
      tpu.enqueue_indirect_dma source(%arg14 : memref<80x128xf32, #tpu.memory_space<vmem>>) target(%dma_start3A_219 : memref<10240x128xf32, #tpu.memory_space<vmem_shared>>) offsets(%dma_start3A_216 : memref<80xi32, #tpu.memory_space<vmem>>) semaphore(%arg28 : memref<!tpu.dma_semaphore, #tpu.memory_space<semaphore_mem>>) {add = true}
      %ge3A_220 = arith.constant 1 : i32
      %ge3A_221 = arith.cmpi sge, %add3A_203, %ge3A_220 : i32
      %convert_element_type3A_222 = arith.extui %ge3A_221 : i1 to i32
      %cond3A_223 = arith.constant 0 : i32
      %cond3A_224 = arith.cmpi ne, %convert_element_type3A_222, %cond3A_223 : i32
      scf.if %cond3A_224 {
        %sub3A = arith.constant 1 : i32
        %sub3A_264 = arith.subi %add3A_203, %sub3A : i32
        %mul3A_265 = arith.constant 80 : i32
        %mul3A_266 = arith.muli %sub3A_264, %mul3A_265 : i32
        %dma_wait3A_267 = tpu.memref_slice %arg12[%mul3A_266] : memref<10080xi32, #tpu.memory_space<vmem>> -> memref<80xi32, #tpu.memory_space<vmem>>
        %dma_wait3A_268 = arith.constant 0 : i32
        %dma_wait3A_269 = arith.constant 0 : i32
        %dma_wait3A_270 = tpu.memref_slice %arg16[%dma_wait3A_268, %dma_wait3A_269] : memref<10240x128xf32, #tpu.memory_space<vmem_shared>> -> memref<10240x128xf32, #tpu.memory_space<vmem_shared>>
        tpu.wait_indirect_dma semaphore(%arg27 : memref<!tpu.dma_semaphore, #tpu.memory_space<semaphore_mem>>) src(%arg13 : memref<80x128xf32, #tpu.memory_space<vmem>>) dst(%dma_wait3A_270 : memref<10240x128xf32, #tpu.memory_space<vmem_shared>>)
      } else {
      }
      %add3A_225 = arith.constant 2 : i32
      %add3A_226 = arith.addi %add3A_203, %add3A_225 : i32
      %lt3A_227 = arith.constant 126 : i32
      %lt3A_228 = arith.cmpi slt, %add3A_226, %lt3A_227 : i32
      %convert_element_type3A_229 = arith.extui %lt3A_228 : i1 to i32
      %cond3A_230 = arith.constant 0 : i32
      %cond3A_231 = arith.cmpi ne, %convert_element_type3A_229, %cond3A_230 : i32
      scf.if %cond3A_231 {
        %dma_wait3A_264 = tpu.memref_slice %arg3[%mul3A_2] : memref<322560xi32, #tpu.memory_space<hbm>> -> memref<80xi32, #tpu.memory_space<hbm>>
        %dma_wait3A_265 = tpu.memref_slice %arg3[%mul3A_2] : memref<322560xi32, #tpu.memory_space<hbm>> -> memref<80xi32, #tpu.memory_space<hbm>>
        tpu.wait_dma2 semaphore(%arg17 : memref<!tpu.dma_semaphore, #tpu.memory_space<semaphore_mem>>) src(%dma_wait3A_265 : memref<80xi32, #tpu.memory_space<hbm>>) dst(%arg6 : memref<80xi32, #tpu.memory_space<vmem>>)
        %dma_start3A_266 = arith.constant 0 : i32
        %dma_start3A_267 = arith.constant 0 : i32
        %dma_start3A_268 = tpu.memref_slice %arg2[%dma_start3A_266, %dma_start3A_267] : memref<10240x128xf32, #tpu.memory_space<hbm>> -> memref<10240x128xf32, #tpu.memory_space<hbm>>
        tpu.enqueue_indirect_dma source(%dma_start3A_268 : memref<10240x128xf32, #tpu.memory_space<hbm>>) target(%arg13 : memref<80x128xf32, #tpu.memory_space<vmem>>) offsets(%arg6 : memref<80xi32, #tpu.memory_space<vmem>>) semaphore(%arg24 : memref<!tpu.dma_semaphore, #tpu.memory_space<semaphore_mem>>)
      } else {
      }
      %mul3A_232 = arith.constant 6 : i32
      %mul3A_233 = arith.muli %scan3A_75, %mul3A_232 : i32
      %add3A_234 = arith.constant 5 : i32
      %add3A_235 = arith.addi %mul3A_233, %add3A_234 : i32
      %dma_wait3A_236 = arith.constant 0 : i32
      %dma_wait3A_237 = arith.constant 0 : i32
      %dma_wait3A_238 = tpu.memref_slice %arg2[%dma_wait3A_236, %dma_wait3A_237] : memref<10240x128xf32, #tpu.memory_space<hbm>> -> memref<10240x128xf32, #tpu.memory_space<hbm>>
      tpu.wait_indirect_dma semaphore(%arg26 : memref<!tpu.dma_semaphore, #tpu.memory_space<semaphore_mem>>) src(%dma_wait3A_238 : memref<10240x128xf32, #tpu.memory_space<hbm>>) dst(%arg15 : memref<80x128xf32, #tpu.memory_space<vmem>>)
      %add3A_239 = arith.constant 6 : i32
      %add3A_240 = arith.addi %add3A_235, %add3A_239 : i32
      %lt3A_241 = arith.constant 126 : i32
      %lt3A_242 = arith.cmpi slt, %add3A_240, %lt3A_241 : i32
      %convert_element_type3A_243 = arith.extui %lt3A_242 : i1 to i32
      %cond3A_244 = arith.constant 0 : i32
      %cond3A_245 = arith.cmpi ne, %convert_element_type3A_243, %cond3A_244 : i32
      scf.if %cond3A_245 {
        %add3A_264 = arith.constant 6 : i32
        %add3A_265 = arith.addi %add3A_235, %add3A_264 : i32
        %mul3A_266 = arith.constant 80 : i32
        %mul3A_267 = arith.muli %add3A_265, %mul3A_266 : i32
        %add3A_268 = arith.addi %mul3A_2, %mul3A_267 : i32
        %dma_start3A_269 = tpu.memref_slice %arg3[%add3A_268] : memref<322560xi32, #tpu.memory_space<hbm>> -> memref<80xi32, #tpu.memory_space<hbm>>
        %dma_start3A_270 = tpu.memref_slice %arg3[%add3A_268] : memref<322560xi32, #tpu.memory_space<hbm>> -> memref<80xi32, #tpu.memory_space<hbm>>
        tpu.enqueue_dma source(%dma_start3A_270 : memref<80xi32, #tpu.memory_space<hbm>>) target(%arg11 : memref<80xi32, #tpu.memory_space<vmem>>) target_semaphore(%arg22 : memref<!tpu.dma_semaphore, #tpu.memory_space<semaphore_mem>>)
      } else {
      }
      %mul3A_246 = arith.constant 80 : i32
      %mul3A_247 = arith.muli %add3A_235, %mul3A_246 : i32
      %dma_start3A_248 = tpu.memref_slice %arg12[%mul3A_247] : memref<10080xi32, #tpu.memory_space<vmem>> -> memref<80xi32, #tpu.memory_space<vmem>>
      %dma_start3A_249 = arith.constant 0 : i32
      %dma_start3A_250 = arith.constant 0 : i32
      %dma_start3A_251 = tpu.memref_slice %arg16[%dma_start3A_249, %dma_start3A_250] : memref<10240x128xf32, #tpu.memory_space<vmem_shared>> -> memref<10240x128xf32, #tpu.memory_space<vmem_shared>>
      tpu.enqueue_indirect_dma source(%arg15 : memref<80x128xf32, #tpu.memory_space<vmem>>) target(%dma_start3A_251 : memref<10240x128xf32, #tpu.memory_space<vmem_shared>>) offsets(%dma_start3A_248 : memref<80xi32, #tpu.memory_space<vmem>>) semaphore(%arg29 : memref<!tpu.dma_semaphore, #tpu.memory_space<semaphore_mem>>) {add = true}
      %ge3A_252 = arith.constant 1 : i32
      %ge3A_253 = arith.cmpi sge, %add3A_235, %ge3A_252 : i32
      %convert_element_type3A_254 = arith.extui %ge3A_253 : i1 to i32
      %cond3A_255 = arith.constant 0 : i32
      %cond3A_256 = arith.cmpi ne, %convert_element_type3A_254, %cond3A_255 : i32
      scf.if %cond3A_256 {
        %sub3A = arith.constant 1 : i32
        %sub3A_264 = arith.subi %add3A_235, %sub3A : i32
        %mul3A_265 = arith.constant 80 : i32
        %mul3A_266 = arith.muli %sub3A_264, %mul3A_265 : i32
        %dma_wait3A_267 = tpu.memref_slice %arg12[%mul3A_266] : memref<10080xi32, #tpu.memory_space<vmem>> -> memref<80xi32, #tpu.memory_space<vmem>>
        %dma_wait3A_268 = arith.constant 0 : i32
        %dma_wait3A_269 = arith.constant 0 : i32
        %dma_wait3A_270 = tpu.memref_slice %arg16[%dma_wait3A_268, %dma_wait3A_269] : memref<10240x128xf32, #tpu.memory_space<vmem_shared>> -> memref<10240x128xf32, #tpu.memory_space<vmem_shared>>
        tpu.wait_indirect_dma semaphore(%arg28 : memref<!tpu.dma_semaphore, #tpu.memory_space<semaphore_mem>>) src(%arg14 : memref<80x128xf32, #tpu.memory_space<vmem>>) dst(%dma_wait3A_270 : memref<10240x128xf32, #tpu.memory_space<vmem_shared>>)
      } else {
      }
      %add3A_257 = arith.constant 2 : i32
      %add3A_258 = arith.addi %add3A_235, %add3A_257 : i32
      %lt3A_259 = arith.constant 126 : i32
      %lt3A_260 = arith.cmpi slt, %add3A_258, %lt3A_259 : i32
      %convert_element_type3A_261 = arith.extui %lt3A_260 : i1 to i32
      %cond3A_262 = arith.constant 0 : i32
      %cond3A_263 = arith.cmpi ne, %convert_element_type3A_261, %cond3A_262 : i32
      scf.if %cond3A_263 {
        %dma_wait3A_264 = tpu.memref_slice %arg3[%mul3A_2] : memref<322560xi32, #tpu.memory_space<hbm>> -> memref<80xi32, #tpu.memory_space<hbm>>
        %dma_wait3A_265 = tpu.memref_slice %arg3[%mul3A_2] : memref<322560xi32, #tpu.memory_space<hbm>> -> memref<80xi32, #tpu.memory_space<hbm>>
        tpu.wait_dma2 semaphore(%arg18 : memref<!tpu.dma_semaphore, #tpu.memory_space<semaphore_mem>>) src(%dma_wait3A_265 : memref<80xi32, #tpu.memory_space<hbm>>) dst(%arg7 : memref<80xi32, #tpu.memory_space<vmem>>)
        %dma_start3A_266 = arith.constant 0 : i32
        %dma_start3A_267 = arith.constant 0 : i32
        %dma_start3A_268 = tpu.memref_slice %arg2[%dma_start3A_266, %dma_start3A_267] : memref<10240x128xf32, #tpu.memory_space<hbm>> -> memref<10240x128xf32, #tpu.memory_space<hbm>>
        tpu.enqueue_indirect_dma source(%dma_start3A_268 : memref<10240x128xf32, #tpu.memory_space<hbm>>) target(%arg14 : memref<80x128xf32, #tpu.memory_space<vmem>>) offsets(%arg7 : memref<80xi32, #tpu.memory_space<vmem>>) semaphore(%arg25 : memref<!tpu.dma_semaphore, #tpu.memory_space<semaphore_mem>>)
      } else {
      }
    }
    %scan3A_68 = arith.constant 21 : i32
    %dma_wait3A_69 = arith.constant 10000 : i32
    %dma_wait3A_70 = tpu.memref_slice %arg12[%dma_wait3A_69] : memref<10080xi32, #tpu.memory_space<vmem>> -> memref<80xi32, #tpu.memory_space<vmem>>
    %dma_wait3A_71 = arith.constant 0 : i32
    %dma_wait3A_72 = arith.constant 0 : i32
    %dma_wait3A_73 = tpu.memref_slice %arg16[%dma_wait3A_71, %dma_wait3A_72] : memref<10240x128xf32, #tpu.memory_space<vmem_shared>> -> memref<10240x128xf32, #tpu.memory_space<vmem_shared>>
    tpu.wait_indirect_dma semaphore(%arg29 : memref<!tpu.dma_semaphore, #tpu.memory_space<semaphore_mem>>) src(%arg15 : memref<80x128xf32, #tpu.memory_space<vmem>>) dst(%dma_wait3A_73 : memref<10240x128xf32, #tpu.memory_space<vmem_shared>>)
    %barrier3A_74 = arith.constant 0 : index
    tpu.barrier barrier_id(%barrier3A_74)
    "tpu.region"() ({
      %run_scoped3A = tpu.sem_alloc : memref<!tpu.dma_semaphore, #tpu.memory_space<semaphore_mem>>
      %dma_start3A_75 = arith.constant 0 : i32
      %dma_start3A_76 = tpu.memref_slice %arg5[%arg0, %mul3A_11, %dma_start3A_75] : memref<2x10240x128xf32, #tpu.memory_space<hbm>> -> memref<1x640x128xf32, #tpu.memory_space<hbm>>
      %dma_start3A_77 = tpu.memref_squeeze %dma_start3A_76 : memref<1x640x128xf32, #tpu.memory_space<hbm>> -> memref<640x128xf32, #tpu.memory_space<hbm>>
      %dma_start3A_78 = arith.constant 0 : i32
      %dma_start3A_79 = tpu.memref_slice %arg16[%mul3A_11, %dma_start3A_78] : memref<10240x128xf32, #tpu.memory_space<vmem_shared>> -> memref<640x128xf32, #tpu.memory_space<vmem_shared>>
      tpu.enqueue_dma source(%dma_start3A_79 : memref<640x128xf32, #tpu.memory_space<vmem_shared>>) target(%dma_start3A_77 : memref<640x128xf32, #tpu.memory_space<hbm>>) target_semaphore(%run_scoped3A : memref<!tpu.dma_semaphore, #tpu.memory_space<semaphore_mem>>)
      %dma_wait3A_80 = arith.constant 0 : i32
      %dma_wait3A_81 = tpu.memref_slice %arg5[%arg0, %mul3A_11, %dma_wait3A_80] : memref<2x10240x128xf32, #tpu.memory_space<hbm>> -> memref<1x640x128xf32, #tpu.memory_space<hbm>>
      %dma_wait3A_82 = tpu.memref_squeeze %dma_wait3A_81 : memref<1x640x128xf32, #tpu.memory_space<hbm>> -> memref<640x128xf32, #tpu.memory_space<hbm>>
      %dma_wait3A_83 = arith.constant 0 : i32
      %dma_wait3A_84 = tpu.memref_slice %arg16[%mul3A_11, %dma_wait3A_83] : memref<10240x128xf32, #tpu.memory_space<vmem_shared>> -> memref<640x128xf32, #tpu.memory_space<vmem_shared>>
      tpu.wait_dma2 semaphore(%run_scoped3A : memref<!tpu.dma_semaphore, #tpu.memory_space<semaphore_mem>>) src(%dma_wait3A_84 : memref<640x128xf32, #tpu.memory_space<vmem_shared>>) dst(%dma_wait3A_82 : memref<640x128xf32, #tpu.memory_space<hbm>>)
      tpu.yield
    }) : () -> ()
    return
  }
}

module attributes {stable_mosaic.version = 14 : i64} {
  func.func @_mm_body(%arg0: memref<10240x128xf32, #tpu.memory_space<vmem>>, %arg1: memref<128x128xf32, #tpu.memory_space<vmem>>, %arg2: memref<10240x128xf32, #tpu.memory_space<vmem>>) attributes {dimension_semantics = [], scalar_prefetch = 0 : i64, scratch_operands = 0 : i64, tpu.core_type = #tpu.core_type<tc>} {
    %get3A = arith.constant 0 : index
    %get3A_0 = arith.constant 0 : index
    %get3A_1 = vector.load %arg0[%get3A, %get3A_0] : memref<10240x128xf32, #tpu.memory_space<vmem>>, vector<10240x128xf32>
    %get3A_2 = arith.constant 0 : index
    %get3A_3 = arith.constant 0 : index
    %get3A_4 = vector.load %arg1[%get3A_2, %get3A_3] : memref<128x128xf32, #tpu.memory_space<vmem>>, vector<128x128xf32>
    %dot_general3A = arith.constant dense<0.000000e+00> : vector<10240x128xf32>
    %dot_general3A_5 = tpu.matmul %get3A_1, %get3A_4, %dot_general3A {dimension_numbers = #tpu.dot_dimension_numbers<[1], [0], [0], [1], [0, 0, 1, 1], [], []>, transpose_lhs_hint = false} : vector<10240x128xf32>, vector<128x128xf32>, vector<10240x128xf32> -> vector<10240x128xf32>
    %swap3A = arith.constant 0 : index
    %swap3A_6 = arith.constant 0 : index
    %swap3A_7 = vector.load %arg2[%swap3A, %swap3A_6] : memref<10240x128xf32, #tpu.memory_space<vmem>>, vector<10240x128xf32>
    tpu.vector_store %arg2[%swap3A, %swap3A_6], %dot_general3A_5 {strides = array<i32>} : memref<10240x128xf32, #tpu.memory_space<vmem>>, vector<10240x128xf32>,
    return
  }
}

module attributes {stable_mosaic.version = 14 : i64} {
  func.func @_t1_body(%arg0: memref<10240x128xf32, #tpu.memory_space<vmem>>, %arg1: memref<2x2x10240x1xf32, #tpu.memory_space<vmem>>, %arg2: memref<10240x128xf32, #tpu.memory_space<vmem>>, %arg3: memref<10240x1xf32, #tpu.memory_space<vmem>>, %arg4: memref<10240x1xf32, #tpu.memory_space<vmem>>) attributes {dimension_semantics = [], scalar_prefetch = 0 : i64, scratch_operands = 0 : i64, tpu.core_type = #tpu.core_type<tc>} {
    %get3A = arith.constant 0 : index
    %get3A_0 = arith.constant 0 : index
    %get3A_1 = arith.constant 0 : index
    %get3A_2 = arith.constant 0 : index
    %get3A_3 = vector.load %arg1[%get3A, %get3A_0, %get3A_1, %get3A_2] : memref<2x2x10240x1xf32, #tpu.memory_space<vmem>>, vector<1x1x10240x1xf32>
    %get3A_4 = vector.shape_cast %get3A_3 : vector<1x1x10240x1xf32> to vector<10240x1xf32>
    %get3A_5 = arith.constant 1 : index
    %get3A_6 = arith.constant 0 : index
    %get3A_7 = arith.constant 0 : index
    %get3A_8 = arith.constant 0 : index
    %get3A_9 = vector.load %arg1[%get3A_5, %get3A_6, %get3A_7, %get3A_8] : memref<2x2x10240x1xf32, #tpu.memory_space<vmem>>, vector<1x1x10240x1xf32>
    %get3A_10 = vector.shape_cast %get3A_9 : vector<1x1x10240x1xf32> to vector<10240x1xf32>
    %add3A = arith.addf %get3A_4, %get3A_10 : vector<10240x1xf32>
    %get3A_11 = arith.constant 0 : index
    %get3A_12 = arith.constant 1 : index
    %get3A_13 = arith.constant 0 : index
    %get3A_14 = arith.constant 0 : index
    %get3A_15 = vector.load %arg1[%get3A_11, %get3A_12, %get3A_13, %get3A_14] : memref<2x2x10240x1xf32, #tpu.memory_space<vmem>>, vector<1x1x10240x1xf32>
    %get3A_16 = vector.shape_cast %get3A_15 : vector<1x1x10240x1xf32> to vector<10240x1xf32>
    %get3A_17 = arith.constant 1 : index
    %get3A_18 = arith.constant 1 : index
    %get3A_19 = arith.constant 0 : index
    %get3A_20 = arith.constant 0 : index
    %get3A_21 = vector.load %arg1[%get3A_17, %get3A_18, %get3A_19, %get3A_20] : memref<2x2x10240x1xf32, #tpu.memory_space<vmem>>, vector<1x1x10240x1xf32>
    %get3A_22 = vector.shape_cast %get3A_21 : vector<1x1x10240x1xf32> to vector<10240x1xf32>
    %add3A_23 = arith.addf %get3A_16, %get3A_22 : vector<10240x1xf32>
    %max3A = arith.constant 1.000000e+00 : f32
    %max3A_24 = vector.broadcast %max3A : f32 to vector<10240x1xf32>
    %max3A_25 = arith.maximumf %add3A, %max3A_24 : vector<10240x1xf32>
    %rsqrt3A = math.rsqrt %max3A_25 : vector<10240x1xf32>
    %max3A_26 = arith.constant 1.000000e+00 : f32
    %max3A_27 = vector.broadcast %max3A_26 : f32 to vector<10240x1xf32>
    %max3A_28 = arith.maximumf %add3A_23, %max3A_27 : vector<10240x1xf32>
    %rsqrt3A_29 = math.rsqrt %max3A_28 : vector<10240x1xf32>
    %get3A_30 = arith.constant 0 : index
    %get3A_31 = arith.constant 0 : index
    %get3A_32 = vector.load %arg0[%get3A_30, %get3A_31] : memref<10240x128xf32, #tpu.memory_space<vmem>>, vector<10240x128xf32>
    %mul3A = vector.broadcast %rsqrt3A : vector<10240x1xf32> to vector<10240x128xf32>
    %mul3A_33 = arith.mulf %get3A_32, %mul3A : vector<10240x128xf32>
    %swap3A = arith.constant 0 : index
    %swap3A_34 = arith.constant 0 : index
    %swap3A_35 = vector.load %arg2[%swap3A, %swap3A_34] : memref<10240x128xf32, #tpu.memory_space<vmem>>, vector<10240x128xf32>
    tpu.vector_store %arg2[%swap3A, %swap3A_34], %mul3A_33 {strides = array<i32>} : memref<10240x128xf32, #tpu.memory_space<vmem>>, vector<10240x128xf32>,
    %swap3A_36 = arith.constant 0 : index
    %swap3A_37 = arith.constant 0 : index
    %swap3A_38 = vector.load %arg3[%swap3A_36, %swap3A_37] : memref<10240x1xf32, #tpu.memory_space<vmem>>, vector<10240x1xf32>
    tpu.vector_store %arg3[%swap3A_36, %swap3A_37], %rsqrt3A {strides = array<i32>} : memref<10240x1xf32, #tpu.memory_space<vmem>>, vector<10240x1xf32>,
    %swap3A_39 = arith.constant 0 : index
    %swap3A_40 = arith.constant 0 : index
    %swap3A_41 = vector.load %arg4[%swap3A_39, %swap3A_40] : memref<10240x1xf32, #tpu.memory_space<vmem>>, vector<10240x1xf32>
    tpu.vector_store %arg4[%swap3A_39, %swap3A_40], %rsqrt3A_29 {strides = array<i32>} : memref<10240x1xf32, #tpu.memory_space<vmem>>, vector<10240x1xf32>,
    return
  }
}

module attributes {stable_mosaic.version = 14 : i64} {
  func.func @_tmid_body(%arg0: memref<2x10240x128xf32, #tpu.memory_space<vmem>>, %arg1: memref<10240x1xf32, #tpu.memory_space<vmem>>, %arg2: memref<10240x1xf32, #tpu.memory_space<vmem>>, %arg3: memref<1x128xf32, #tpu.memory_space<vmem>>, %arg4: memref<128x128xf32, #tpu.memory_space<vmem>>, %arg5: memref<10240x128xf32, #tpu.memory_space<vmem>>) attributes {dimension_semantics = [], scalar_prefetch = 0 : i64, scratch_operands = 0 : i64, tpu.core_type = #tpu.core_type<tc>} {
    %get3A = arith.constant 0 : index
    %get3A_0 = arith.constant 0 : index
    %get3A_1 = arith.constant 0 : index
    %get3A_2 = vector.load %arg0[%get3A, %get3A_0, %get3A_1] : memref<2x10240x128xf32, #tpu.memory_space<vmem>>, vector<1x10240x128xf32>
    %get3A_3 = vector.shape_cast %get3A_2 : vector<1x10240x128xf32> to vector<10240x128xf32>
    %get3A_4 = arith.constant 1 : index
    %get3A_5 = arith.constant 0 : index
    %get3A_6 = arith.constant 0 : index
    %get3A_7 = vector.load %arg0[%get3A_4, %get3A_5, %get3A_6] : memref<2x10240x128xf32, #tpu.memory_space<vmem>>, vector<1x10240x128xf32>
    %get3A_8 = vector.shape_cast %get3A_7 : vector<1x10240x128xf32> to vector<10240x128xf32>
    %add3A = arith.addf %get3A_3, %get3A_8 : vector<10240x128xf32>
    %get3A_9 = arith.constant 0 : index
    %get3A_10 = arith.constant 0 : index
    %get3A_11 = vector.load %arg1[%get3A_9, %get3A_10] : memref<10240x1xf32, #tpu.memory_space<vmem>>, vector<10240x1xf32>
    %mul3A = vector.broadcast %get3A_11 : vector<10240x1xf32> to vector<10240x128xf32>
    %mul3A_12 = arith.mulf %add3A, %mul3A : vector<10240x128xf32>
    %get3A_13 = arith.constant 0 : index
    %get3A_14 = arith.constant 0 : index
    %get3A_15 = vector.load %arg3[%get3A_13, %get3A_14] : memref<1x128xf32, #tpu.memory_space<vmem>>, vector<1x128xf32>
    %add3A_16 = vector.broadcast %get3A_15 : vector<1x128xf32> to vector<10240x128xf32>
    %add3A_17 = arith.addf %mul3A_12, %add3A_16 : vector<10240x128xf32>
    %max3A = arith.constant 0.000000e+00 : f32
    %max3A_18 = vector.broadcast %max3A : f32 to vector<10240x128xf32>
    %max3A_19 = arith.maximumf %add3A_17, %max3A_18 : vector<10240x128xf32>
    %get3A_20 = arith.constant 0 : index
    %get3A_21 = arith.constant 0 : index
    %get3A_22 = vector.load %arg4[%get3A_20, %get3A_21] : memref<128x128xf32, #tpu.memory_space<vmem>>, vector<128x128xf32>
    %dot_general3A = arith.constant dense<0.000000e+00> : vector<10240x128xf32>
    %dot_general3A_23 = tpu.matmul %max3A_19, %get3A_22, %dot_general3A {dimension_numbers = #tpu.dot_dimension_numbers<[1], [0], [0], [1], [0, 0, 1, 1], [], []>, transpose_lhs_hint = false} : vector<10240x128xf32>, vector<128x128xf32>, vector<10240x128xf32> -> vector<10240x128xf32>
    %get3A_24 = arith.constant 0 : index
    %get3A_25 = arith.constant 0 : index
    %get3A_26 = vector.load %arg2[%get3A_24, %get3A_25] : memref<10240x1xf32, #tpu.memory_space<vmem>>, vector<10240x1xf32>
    %mul3A_27 = vector.broadcast %get3A_26 : vector<10240x1xf32> to vector<10240x128xf32>
    %mul3A_28 = arith.mulf %dot_general3A_23, %mul3A_27 : vector<10240x128xf32>
    %swap3A = arith.constant 0 : index
    %swap3A_29 = arith.constant 0 : index
    %swap3A_30 = vector.load %arg5[%swap3A, %swap3A_29] : memref<10240x128xf32, #tpu.memory_space<vmem>>, vector<10240x128xf32>
    tpu.vector_store %arg5[%swap3A, %swap3A_29], %mul3A_28 {strides = array<i32>} : memref<10240x128xf32, #tpu.memory_space<vmem>>, vector<10240x128xf32>,
    return
  }
}

module attributes {stable_mosaic.version = 14 : i64} {
  func.func @_t4_body(%arg0: memref<2x10240x128xf32, #tpu.memory_space<vmem>>, %arg1: memref<10240x1xf32, #tpu.memory_space<vmem>>, %arg2: memref<1x128xf32, #tpu.memory_space<vmem>>, %arg3: memref<10240x128xf32, #tpu.memory_space<vmem>>) attributes {dimension_semantics = [], scalar_prefetch = 0 : i64, scratch_operands = 0 : i64, tpu.core_type = #tpu.core_type<tc>} {
    %get3A = arith.constant 0 : index
    %get3A_0 = arith.constant 0 : index
    %get3A_1 = arith.constant 0 : index
    %get3A_2 = vector.load %arg0[%get3A, %get3A_0, %get3A_1] : memref<2x10240x128xf32, #tpu.memory_space<vmem>>, vector<1x10240x128xf32>
    %get3A_3 = vector.shape_cast %get3A_2 : vector<1x10240x128xf32> to vector<10240x128xf32>
    %get3A_4 = arith.constant 1 : index
    %get3A_5 = arith.constant 0 : index
    %get3A_6 = arith.constant 0 : index
    %get3A_7 = vector.load %arg0[%get3A_4, %get3A_5, %get3A_6] : memref<2x10240x128xf32, #tpu.memory_space<vmem>>, vector<1x10240x128xf32>
    %get3A_8 = vector.shape_cast %get3A_7 : vector<1x10240x128xf32> to vector<10240x128xf32>
    %add3A = arith.addf %get3A_3, %get3A_8 : vector<10240x128xf32>
    %get3A_9 = arith.constant 0 : index
    %get3A_10 = arith.constant 0 : index
    %get3A_11 = vector.load %arg1[%get3A_9, %get3A_10] : memref<10240x1xf32, #tpu.memory_space<vmem>>, vector<10240x1xf32>
    %mul3A = vector.broadcast %get3A_11 : vector<10240x1xf32> to vector<10240x128xf32>
    %mul3A_12 = arith.mulf %add3A, %mul3A : vector<10240x128xf32>
    %get3A_13 = arith.constant 0 : index
    %get3A_14 = arith.constant 0 : index
    %get3A_15 = vector.load %arg2[%get3A_13, %get3A_14] : memref<1x128xf32, #tpu.memory_space<vmem>>, vector<1x128xf32>
    %add3A_16 = vector.broadcast %get3A_15 : vector<1x128xf32> to vector<10240x128xf32>
    %add3A_17 = arith.addf %mul3A_12, %add3A_16 : vector<10240x128xf32>
    %swap3A = arith.constant 0 : index
    %swap3A_18 = arith.constant 0 : index
    %swap3A_19 = vector.load %arg3[%swap3A, %swap3A_18] : memref<10240x128xf32, #tpu.memory_space<vmem>>, vector<10240x128xf32>
    tpu.vector_store %arg3[%swap3A, %swap3A_18], %add3A_17 {strides = array<i32>} : memref<10240x128xf32, #tpu.memory_space<vmem>>, vector<10240x128xf32>,
    return
  }
}

</mosaic_0001>

<sc_bundles>
// kernel: kernel.11.cloned.1.call-start
scs
__scs_entry_jumppad:
0x0: {  	(pc) =	sbr.rel $0x88, $3  }
0x1: {  	(tag) =	ssettag $0x0;
	lr =	simm.s32 $0x1  }
0x2: {  	[smem:$0x3F99] =	sst lr;
	_ =	strace $0xD0000000  }
0x3: {  	_ = 	snop  }
0x4: {  	_ = 	snop  }
0x5: {  	_ = 	snop  }
0x6: {  	_ = 	snop  }
0x7: {  	_ = 	snop  }
__scs_overlays_trampoline_lowered:
0x8: {  	[smem:$0x3FA8] =	sst s0  }
0x9: {  	[smem:$0x3FA9] =	sst s1  }
0xa: {  	[smem:$0x3FAA] =	sst s2  }
0xb: {  	[smem:$0x3FAB] =	sst s3  }
0xc: {  	[smem:$0x3FAC] =	sst s4  }
0xd: {  	[smem:$0x3FAD] =	sst s5  }
0xe: {  	[smem:$0x3FAE] =	sst s6  }
0xf: {  	[smem:$0x3FAF] =	sst s7  }
0x10: {  	[smem:$0x3FB0] =	sst s8  }
0x11: {  	[smem:$0x3FB1] =	sst s9;
	s0 =	simm.s32 @!p0 $0x0  }
0x12: {  	s1 =	sld [smem:$0x3F97];
	s0 =	simm.s32 @p0 $0x1  }
0x13: {  	[smem:$0x3FB2] =	sst s0;
	s0 =	simm.s32 @!p1 $0x0  }
0x14: {  	s2 =	sld [smem:$0x3F96];
	s0 =	simm.s32 @p1 $0x1  }
0x15: {  	[smem:$0x3FB3] =	sst s0;
	s0 =	simm.s32 @!p2 $0x0  }
0x16: {  	s3 =	sld [smem:$0x3FDB];
	s0 =	simm.s32 @p2 $0x1  }
0x17: {  	s4 =	simm.s32 $0x1BF5;
	[smem:$0x3FB5] =	sst s0  }
0x18: {  	s0 =	sld [smem:$0x3F98];
	_ =	swait.ge [sflag:s4], $0x0  }
0x19: {  	s7 =	sld [smem:$0x3F99]  }
0x1a: {  	s8 =	sadd.s32 $0xFFFFE003, lr  }
0x1b: {  	s9 =	sadd.s32 $0xFFFFFEF7, lr;
	s5 =	simm.s32 $0xFFFFFFFF;
	p2 =	slt.u32 s8, $0xFFFFF086  }
0x1c: {  	p1 =	slt.u32 s9, $0xF7A;
	s5 =	simm.s32 @!p2 $0x0  }
0x1d: {  	s5 =	simm.s32 @p1 $0x1;
	p0 =	seq.s32 s7, s2  }
0x1e: {  	s7 =	smul.u32 @!p0 $0xF7A, s2;
	p2 =	seq.s32 @!p0 s5, $0x0  }
0x1f: {  	s9 =	smul.u32 $0xF7A, s1;
	s8 =	simm.s32 @!p0 $0x1BF5;
	p2 =	por !p2, p0  }
0x20: {  	[sflag:s8] =	ssyncset.s32 @!p0 $0xFFFFF086;
	s6 =	sadd.s32 @!p0 s3, s7;
	s7 =	simm.s32 @!p0 $0x108  }
0x21: {  	s3 =	sadd.s32 s3, s9;
	s6 =	sadd.s32 @!p0 $0x88, s6;
	s7 =	simm.s32 @p2 $0x1082  }
0x22: {  	[simem:s7], [sflag:s8] =	dma.local @!p0 [hbm:s6], $0xF7A  }
0x23: {  	s9 =	sor.u32 $0xD0000000, s2;
	s6 =	simm.s32 $0x108;
	_ =	swait.ge @!p0 [sflag:s8], $0x0  }
0x24: {  	s3 =	sadd.s32 $0x88, s3;
	s6 =	simm.s32 @!p1 $0x1082;
	[sflag:s4] =	ssyncset.s32 $0xFFFFF086  }
0x25: {  	[simem:s6], [sflag:s4] =	dma.local [hbm:s3], $0xF7A  }
0x26: {  	[smem:$0x3F99] =	sst s1;
	(tag) =	ssettag s2;
	_ =	strace s9  }
0x27: {  	s1 =	sld [smem:$0x3FA9]  }
0x28: {  	s2 =	sld [smem:$0x3FAA]  }
0x29: {  	s4 =	sld [smem:$0x3FAC]  }
0x2a: {  	p0 =	seq.s32 s5, $0x0;
	s5 =	sld [smem:$0x3FAD]  }
0x2b: {  	s6 =	sld [smem:$0x3FAE]  }
0x2c: {  	s7 =	sld [smem:$0x3FAF]  }
0x2d: {  	s3 =	simm.s32 $0x108;
	s8 =	sld [smem:$0x3FB0]  }
0x2e: {  	s3 =	simm.s32 @!p0 $0x1082;
	s9 =	sld [smem:$0x3FB1]  }
0x2f: {  	lr =	sadd.s32 s0, s3;
	s0 =	sld [smem:$0x3FA8]  }
0x30: {  	s3 =	sld [smem:$0x3FAB]  }
0x31: {  	[smem:$0x3FB4] =	sst s10  }
0x32: {  	s10 =	sld [smem:$0x3FB2];
	_ =	sdelay $0x3  }
0x33: {  	p0 =	seq.s32 s10, $0x1;
	s10 =	sld [smem:$0x3FB4];
	_ =	sdelay $0x3  }
0x34: {  	[smem:$0x3FB4] =	sst s10  }
0x35: {  	s10 =	sld [smem:$0x3FB3];
	_ =	sdelay $0x3  }
0x36: {  	p1 =	seq.s32 s10, $0x1;
	s10 =	sld [smem:$0x3FB4];
	_ =	sdelay $0x3  }
0x37: {  	[smem:$0x3FB4] =	sst s10  }
0x38: {  	s10 =	sld [smem:$0x3FB5]  }
0x39: {  	_ = 	snop;
	(pc) =	sbr.ind lr, $3  }
0x3a: {  	_ = 	snop  }
0x3b: {  	_ = 	snop  }
0x3c: {  	p2 =	seq.s32 s10, $0x1;
	s10 =	sld [smem:$0x3FB4]  }
0x3d: {  	_ =	shalt  }
0x3e: {  	_ =	shalt  }
0x3f: {  	_ =	shalt  }
0x40: {  	_ =	shalt  }
0x41: {  	_ =	shalt  }
0x42: {  	_ =	shalt  }
0x43: {  	_ =	shalt  }
0x44: {  	_ =	shalt  }
0x45: {  	_ =	shalt  }
0x46: {  	_ =	shalt  }
0x47: {  	_ =	shalt  }
0x48: {  	_ =	shalt  }
0x49: {  	_ =	shalt  }
0x4a: {  	_ =	shalt  }
0x4b: {  	_ =	shalt  }
0x4c: {  	_ =	shalt  }
0x4d: {  	_ =	shalt  }
0x4e: {  	_ =	shalt  }
0x4f: {  	_ =	shalt  }
0x50: {  	_ =	shalt  }
0x51: {  	_ =	shalt  }
0x52: {  	_ =	shalt  }
0x53: {  	_ =	shalt  }
0x54: {  	_ =	shalt  }
0x55: {  	_ =	shalt  }
0x56: {  	_ =	shalt  }
0x57: {  	_ =	shalt  }
0x58: {  	_ =	shalt  }
0x59: {  	_ =	shalt  }
0x5a: {  	_ =	shalt  }
0x5b: {  	_ =	shalt  }
0x5c: {  	_ =	shalt  }
0x5d: {  	_ =	shalt  }
0x5e: {  	_ =	shalt  }
0x5f: {  	_ =	shalt  }
0x60: {  	_ =	shalt  }
0x61: {  	_ =	shalt  }
0x62: {  	_ =	shalt  }
0x63: {  	_ =	shalt  }
0x64: {  	_ =	shalt  }
0x65: {  	_ =	shalt  }
0x66: {  	_ =	shalt  }
0x67: {  	_ =	shalt  }
0x68: {  	_ =	shalt  }
0x69: {  	_ =	shalt  }
0x6a: {  	_ =	shalt  }
0x6b: {  	_ =	shalt  }
0x6c: {  	_ =	shalt  }
0x6d: {  	_ =	shalt  }
0x6e: {  	_ =	shalt  }
0x6f: {  	_ =	shalt  }
0x70: {  	_ =	shalt  }
0x71: {  	_ =	shalt  }
0x72: {  	_ =	shalt  }
0x73: {  	_ =	shalt  }
0x74: {  	_ =	shalt  }
0x75: {  	_ =	shalt  }
0x76: {  	_ =	shalt  }
0x77: {  	_ =	shalt  }
0x78: {  	_ =	shalt  }
0x79: {  	_ =	shalt  }
0x7a: {  	_ =	shalt  }
0x7b: {  	_ =	shalt  }
0x7c: {  	_ =	shalt  }
0x7d: {  	_ =	shalt  }
0x7e: {  	_ =	shalt  }
0x7f: {  	_ =	shalt  }
0x80: {  	_ =	shalt  }
0x81: {  	_ =	shalt  }
0x82: {  	_ =	shalt  }
0x83: {  	_ =	shalt  }
0x84: {  	_ =	shalt  }
0x85: {  	_ =	shalt  }
0x86: {  	_ =	shalt  }
0x87: {  	_ =	shalt  }
.Lfunc_end0:
.L_simem_size_0:
called_computation_lowered:
.L_overlay_start_0:
0x88: {  	s2 =	sld [smem:$0x3FD9]  }
0x89: {  	s3 =	sld [smem:$0x3FFE];
	_ =	sdelay $0x1  }
0x8a: {  	s1 =	srdreg.scid  }
0x8b: {  	s0 =	sand.u32 $0x1, s1  }
0x8c: {  	s17 =	sshll.u32 s0, $0xA;
	s2 =	sadd.s32 s3, s2  }
0x8d: {  	s2 =	sadd.s32 s2, s17  }
0x8e: {  	[smem:$0x3FC0] =	sst s2  }
0x8f: {  	_ = 	snop  }
0x90: {  	s2 =	sld [smem:$0x3FD0];
	(tm) =	ssettm $0x1  }
0x91: {  	s18 =	sld [smem:$0x3FFB];
	_ =	sdelay $0x3  }
0x92: {  	_ =	strace s18  }
0x93: {  	s3 =	sld [smem:$0x3FFC];
	_ =	sdelay $0x3  }
0x94: {  	_ =	strace s3  }
0x95: {  	s3 =	sld [smem:$0x3FFD];
	_ =	sdelay $0x3  }
0x96: {  	_ =	strace s3  }
0x97: {  	_ =	strace $0x8FFFFFFF  }
0x98: {  	s19 =	sld [smem:$0x3FDB];
	_ =	sdelay $0x1  }
0x99: {  	s4 =	simm.s32 $_scs_section_size  }
0x9a: {  	s5 =	simm.s32 $_size__tile_overlayer_lowered;
	s6 =	simm.s32 $_tile_overlayer_lowered  }
0x9b: {  	s22 =	simm.s32 $0x1BFF;
	s21 =	sshll.u32 s6, $0x1;
	s3 =	sadd.s32 s4, s19  }
0x9c: {  	s7 =	simm.s32 $0x0;
	s20 =	sshll.u32 s5, $0x1;
	s5 =	sadd.s32 s21, s3  }
0x9d: {  	[timem:s7], [sflag:s22] =	dma.local [hbm:s5], s20  }
0x9e: {  	_ =	swait.ge [sflag:s22], s20  }
0x9f: {  	s4 =	ssub.s32 $0x0, s20;
	[sflag:s22] =	ssyncset.done $0x0  }
0xa0: {  	[sflag:s22] =	ssyncadd.s32 s4;
	_ =	sdelay $0x1  }
0xa1: {  	s23 =	simm.s32 $0x1B8B  }
0xa2: {  	_ =	swait.ge [sflag:s23], $0x1  }
0xa3: {  	[sflag:s23] =	ssyncset.done $0x0  }
0xa4: {  	s25 =	simm.s32 $0x1B8E;
	s24 =	sld [smem:$0x3FFE];
	[sflag:s23] =	ssyncadd.s32 $0xFFFFFFFF  }
0xa5: {  	s26 =	simm.s32 $execute0_lowered;
	[smem:$0x3FD2] =	sst s25  }
0xa6: {  	s5 =	sshll.u32 s26, $0x1;
	_ =	strace $0x80000046;
	[dreg:$0x1] =	wrdreg $0xFFFFFFFF  }
0xa7: {  	s28 =	simm.s32 $_size_execute0_lowered;
	s3 =	sadd.s32 s3, s5;
	[dreg:$0x0] =	wrdreg $0x0  }
0xa8: {  	s5 =	sshll.u32 s28, $0x1;
	[dreg:$0x2] =	wrdreg s3  }
0xa9: {  	[dreg:$0x3] =	wrdreg s5  }
0xaa: {  	[dreg:$0x4] =	wrdreg $0xC0  }
0xab: {  	_ =	task [dreg:s7], $0x5FFFF  }
0xac: {  	[dreg:$0x1] =	wrdreg $0xFFFFFFFF  }
0xad: {  	[dreg:$0x0] =	wrdreg $0x60  }
0xae: {  	[dreg:$0x2] =	wrdreg s24  }
0xaf: {  	[dreg:$0x3] =	wrdreg s2  }
0xb0: {  	[dreg:$0x4] =	wrdreg $0xB000  }
0xb1: {  	[dreg:$0x5] =	wrdreg $0xD800  }
0xb2: {  	[dreg:$0x6] =	wrdreg $0x9  }
0xb3: {  	_ =	task.clear_ibuf [dreg:s7], $0x7FFFF;
	_ =	strace $0x90000046  }
0xb4: {  	s29 =	simm.s32 $0x9;
	_ =	strace $0x80000048  }
0xb5: {  	_ =	swait.ge [sflag:s29], $0x1  }
0xb6: {  	[sflag:s29] =	ssyncadd.s32 $0xFFFFFFFF  }
0xb7: {  	_ =	strace $0x90000048  }
0xb8: {  	_ =	sfence  }
0xb9: {  	s30 =	sld [smem:$0x0];
	_ =	sdelay $0x2  }
0xba: {  	s31 =	sshll.u32 s1, $0xD;
	s1 =	sshrl.u32 s1, $0x2  }
0xbb: {  	s3 =	sand.u32 $0x4000, s31;
	s1 =	sadd.s32 s1, s30  }
0xbc: {  	s0 =	sor.u32 s3, s0;
	s1 =	sshll.u32 s1, $0x11  }
0xbd: {  	s0 =	sor.u32 s1, s0  }
0xbe: {  	s0 =	sadd.s32 $0x8F2B, s0  }
0xbf: {  	[sflag:s0] =	ssyncadd.remote.s32 $0x1  }
0xc0: {  	_ =	sfence.sel $0xFFFF  }
0xc1: {  	[dreg:$0x0] =	wrdreg $0xFFFFFFFF;
	(pc) =	sbr.abs _section_cstart, $3  }
0xc2: {  	[dreg:$0x1] =	wrdreg $0xFFFFFFFF  }
0xc3: {  	_ =	task.clear_ibuf [dreg:s7], $0x2FFFF;
	_ =	strace $0x9FFFFFFF  }
0xc4: {  	(tm) =	ssettm $0x7FFFFFFF  }
0xc5: {  	_ =	shalt  }
tec
execute0_lowered:
.L_overlay_start_1:
0x0: {  	(tag) =	ssettag $0x1  }
0x1: {  	s0 =	rddreg [dreg:$0x0]  }
0x2: {  	s3 =	rddreg [dreg:$0x1]  }
0x3: {  	s1 =	rddreg [dreg:$0x2]  }
0x4: {  	s2 =	rddreg [dreg:$0x3];
	s4 =	srdreg.scid  }
0x5: {  	s11 =	stileid.u32;
	s14 =	simm.s32 $0x400;
	s15 =	simm.s32 $0x1  }
0x6: {  	s16 =	simm.s32 $0x50;
	s17 =	simm.s32 $0x800;
	s18 =	simm.s32 $0x80  }
0x7: {  	s19 =	simm.s32 $0x480;
	s20 =	simm.s32 $0x100;
	s28 =	simm.s32 $0x680  }
0x8: {  	s29 =	simm.s32 $0x300;
	s30 =	simm.s32 $0x700;
	s31 =	simm.s32 $0x380  }
0x9: {  	s13 =	simm.s32 $0x20;
	s5 =	sand.u32 $0x1, s4;
	s7 =	smul.u32 $0x500, s11  }
0xa: {  	s4 =	simm.s32 $0x0;
	s21 =	smul.u32 $0x280, s11;
	s23 =	sshll.u32 s11, $0xB  }
0xb: {  	s6 =	smul.u32 $0x5000, s5;
	[smem:$0x7FF] =	sst s4;
	s8 =	sshll.u32 s5, $0xF  }
0xc: {  	s5 =	ssub.s32 $0x2, s5;
	_ =	strace $0x80000047;
	s9 =	sadd.s32 s8, s0  }
0xd: {  	s10 =	sshrl.u32 s5, $0x1;
	s12 =	sadd.s32 s21, s1;
	s22 =	sadd.s32 s21, s2  }
0xe: {  	s24 =	sadd.s32 s8, s3;
	s21 =	simm.s32 $0x500;
	s3 =	simm.s32 $0x2  }
0xf: {  	s8 =	simm.s32 $0x0;
	s6 =	sadd.s32 s7, s6;
	s10 =	ssub.s32 s5, s10  }
0x10: {  	s25 =	sadd.s32 s23, s9;
	s7 =	smov.u32 s22;
	s22 =	simm.s32 $0x180  }
0x11: {  	[dreg:$0x5] =	wrdreg s12;
	s6 =	sshrl.u32 s6, $0x3;
	s26 =	smax.u32 s10, $0x1  }
0x12: {  	s10 =	sadd.s32 s23, s24;
	s11 =	sadd.s32 $0x2A00, s25;
	s23 =	simm.s32 $0x580  }
0x13: {  	s24 =	simm.s32 $0x200;
	[dreg:$0x6] =	wrdreg s7;
	s0 =	sadd.s32 s6, s0  }
0x14: {  	s25 =	simm.s32 $0x600;
	[dreg:$0x9] =	wrdreg s26;
	s6 =	sadd.s32 $0x12A00, s0  }
0x15: {  	s26 =	simm.s32 $0x280;
	s0 =	sadd.s32 $0x12A10, s0;
	[dreg:$0x7] =	wrdreg s6  }
0x16: {  	v0 =	vimm.f32 $1.000000000e+00;
	v1 =	vimm.f32 $0.0e+00;
	[dreg:$0x8] =	wrdreg s0;
	s6 =	simm.s32 $0x3;
	s0 =	simm.s32 $0x780  }
.LBB2_1:
0x17: {  	[tilespmem:$0x800] =	vst v0  }
0x18: {  	[tilespmem:$0x810] =	vst v0  }
0x19: {  	[tilespmem:$0x820] =	vst v0  }
0x1a: {  	[tilespmem:$0x830] =	vst v0  }
0x1b: {  	[tilespmem:$0x840] =	vst v0  }
0x1c: {  	[tilespmem:$0x880] =	vst v1  }
0x1d: {  	[tilespmem:$0x890] =	vst v1  }
0x1e: {  	[tilespmem:$0x8A0] =	vst v1  }
0x1f: {  	[tilespmem:$0x8B0] =	vst v1  }
0x20: {  	[tilespmem:$0x8C0] =	vst v1  }
0x21: {  	[tilespmem:$0x8D0] =	vst v1  }
0x22: {  	[tilespmem:$0x8E0] =	vst v1  }
0x23: {  	[tilespmem:$0x8F0] =	vst v1  }
0x24: {  	[tilespmem:$0x900] =	vst v1  }
0x25: {  	[tilespmem:$0x910] =	vst v1  }
0x26: {  	[tilespmem:$0x920] =	vst v1  }
0x27: {  	[tilespmem:$0x930] =	vst v1  }
0x28: {  	[tilespmem:$0x940] =	vst v1  }
0x29: {  	[tilespmem:$0x950] =	vst v1  }
0x2a: {  	[tilespmem:$0x960] =	vst v1  }
0x2b: {  	[tilespmem:$0x970] =	vst v1  }
0x2c: {  	[tilespmem:$0x980] =	vst v1  }
0x2d: {  	[tilespmem:$0x990] =	vst v1  }
0x2e: {  	[tilespmem:$0x9A0] =	vst v1  }
0x2f: {  	[tilespmem:$0x9B0] =	vst v1  }
0x30: {  	[tilespmem:$0x9C0] =	vst v1  }
0x31: {  	[tilespmem:$0x9D0] =	vst v1  }
0x32: {  	[tilespmem:$0x9E0] =	vst v1  }
0x33: {  	[tilespmem:$0x9F0] =	vst v1  }
0x34: {  	[tilespmem:$0xA00] =	vst v1  }
0x35: {  	[tilespmem:$0xA10] =	vst v1  }
0x36: {  	[tilespmem:$0xA20] =	vst v1  }
0x37: {  	[tilespmem:$0xA30] =	vst v1  }
0x38: {  	[tilespmem:$0xA40] =	vst v1  }
0x39: {  	[tilespmem:$0xA50] =	vst v1  }
0x3a: {  	[tilespmem:$0xA60] =	vst v1  }
0x3b: {  	[tilespmem:$0xA70] =	vst v1  }
0x3c: {  	[tilespmem:$0xA80] =	vst v1  }
0x3d: {  	[tilespmem:$0xA90] =	vst v1  }
0x3e: {  	[tilespmem:$0xAA0] =	vst v1  }
0x3f: {  	[tilespmem:$0xAB0] =	vst v1  }
0x40: {  	[tilespmem:$0xAC0] =	vst v1  }
0x41: {  	[tilespmem:$0xAD0] =	vst v1  }
0x42: {  	[tilespmem:$0xAE0] =	vst v1  }
0x43: {  	[dreg:$0xa] =	wrdreg s8;
	[tilespmem:$0xAF0] =	vst v1;
	s5 =	simm.s32 $0x880  }
0x44: {  	[spmem:s12] =	stream.linear.scatter [tilespmem:s5], [sflag:$0x3], $0x280, $0x38;
	[tilespmem:$0x1000] =	vst v63  }
0x45: {  	_ =	swait.ge [sflag:s6], $0x280  }
0x46: {  	[sflag:s6] =	ssyncset.done $0x0  }
0x47: {  	[sflag:s6] =	ssyncadd.s32 $0xFFFFFD80  }
0x48: {  	[spmem:s7] =	stream.linear.scatter [tilespmem:s5], [sflag:$0x3], $0x280, $0x38;
	[tilespmem:$0x1000] =	vst v63  }
0x49: {  	_ =	swait.ge [sflag:s6], $0x280  }
0x4a: {  	[sflag:s6] =	ssyncset.done $0x0  }
0x4b: {  	[sflag:s6] =	ssyncadd.s32 $0xFFFFFD80  }
0x4c: {  	s9 =	sadd.s32 $0x0, s11;
	[bflag:$0x0] =	sbarrier.arrive $0xFFFF  }
0x4d: {  	[tilespmem:s4], [sflag:$0x1] =	stream.linear.gather [hbm4b:s9+s4], $0x400, $0x38;
	[tilespmem:$0x1000] =	vst v63  }
0x4e: {  	s12 =	sadd.s32 $0x0, s10  }
0x4f: {  	[tilespmem:s14], [sflag:$0x1] =	stream.linear.gather [hbm4b:s12+s4], $0x400, $0x38;
	[tilespmem:$0x1000] =	vst v63  }
0x50: {  	_ =	swait.ge [sflag:s15], $0x400  }
0x51: {  	[sflag:s15] =	ssyncset.done $0x0  }
0x52: {  	[sflag:s15] =	ssyncadd.s32 $0xFFFFFC00  }
0x53: {  	_ =	swait.ge [sflag:s15], $0x400  }
0x54: {  	[sflag:s15] =	ssyncset.done $0x0  }
0x55: {  	[sflag:s15] =	ssyncadd.s32 $0xFFFFFC00  }
0x56: {  	[spmem:s1] =	stream.indirect.scatter.add.f32 [tilespmem:s17], [sflag:$0x2], $0x1, s4, s16, $0xb8;
	[tilespmem:$0x1000] =	vst v63  }
0x57: {  	_ = 	snop  }
0x58: {  	[spmem:s2] =	stream.indirect.scatter.add.f32 [tilespmem:s17], [sflag:$0x2], $0x1, s14, s16, $0xb8;
	[tilespmem:$0x1000] =	vst v63  }
0x59: {  	_ = 	snop  }
0x5a: {  	[spmem:s1] =	stream.indirect.scatter.add.f32 [tilespmem:s17], [sflag:$0x2], $0x1, s18, s16, $0xb8;
	[tilespmem:$0x1000] =	vst v63  }
0x5b: {  	_ = 	snop  }
0x5c: {  	[spmem:s2] =	stream.indirect.scatter.add.f32 [tilespmem:s17], [sflag:$0x2], $0x1, s19, s16, $0xb8;
	[tilespmem:$0x1000] =	vst v63  }
0x5d: {  	_ = 	snop  }
0x5e: {  	[spmem:s1] =	stream.indirect.scatter.add.f32 [tilespmem:s17], [sflag:$0x2], $0x1, s20, s16, $0xb8;
	[tilespmem:$0x1000] =	vst v63  }
0x5f: {  	_ = 	snop  }
0x60: {  	[spmem:s2] =	stream.indirect.scatter.add.f32 [tilespmem:s17], [sflag:$0x2], $0x1, s21, s16, $0xb8;
	[tilespmem:$0x1000] =	vst v63  }
0x61: {  	_ = 	snop  }
0x62: {  	[spmem:s1] =	stream.indirect.scatter.add.f32 [tilespmem:s17], [sflag:$0x2], $0x1, s22, s16, $0xb8;
	[tilespmem:$0x1000] =	vst v63  }
0x63: {  	_ = 	snop  }
0x64: {  	[spmem:s2] =	stream.indirect.scatter.add.f32 [tilespmem:s17], [sflag:$0x2], $0x1, s23, s16, $0xb8;
	[tilespmem:$0x1000] =	vst v63  }
0x65: {  	_ = 	snop  }
0x66: {  	[spmem:s1] =	stream.indirect.scatter.add.f32 [tilespmem:s17], [sflag:$0x2], $0x1, s24, s16, $0xb8;
	[tilespmem:$0x1000] =	vst v63  }
0x67: {  	_ = 	snop  }
0x68: {  	[spmem:s2] =	stream.indirect.scatter.add.f32 [tilespmem:s17], [sflag:$0x2], $0x1, s25, s16, $0xb8;
	[tilespmem:$0x1000] =	vst v63  }
0x69: {  	_ = 	snop  }
0x6a: {  	[spmem:s1] =	stream.indirect.scatter.add.f32 [tilespmem:s17], [sflag:$0x2], $0x1, s26, s16, $0xb8;
	[tilespmem:$0x1000] =	vst v63  }
0x6b: {  	_ = 	snop  }
0x6c: {  	[spmem:s2] =	stream.indirect.scatter.add.f32 [tilespmem:s17], [sflag:$0x2], $0x1, s28, s16, $0xb8;
	[tilespmem:$0x1000] =	vst v63  }
0x6d: {  	_ = 	snop  }
0x6e: {  	[spmem:s1] =	stream.indirect.scatter.add.f32 [tilespmem:s17], [sflag:$0x2], $0x1, s29, s16, $0xb8;
	[tilespmem:$0x1000] =	vst v63  }
0x6f: {  	_ = 	snop  }
0x70: {  	[spmem:s2] =	stream.indirect.scatter.add.f32 [tilespmem:s17], [sflag:$0x2], $0x1, s30, s16, $0xb8;
	[tilespmem:$0x1000] =	vst v63  }
0x71: {  	_ = 	snop  }
0x72: {  	[spmem:s1] =	stream.indirect.scatter.add.f32 [tilespmem:s17], [sflag:$0x2], $0x1, s31, s16, $0xb8;
	[tilespmem:$0x1000] =	vst v63  }
0x73: {  	_ = 	snop  }
0x74: {  	[spmem:s2] =	stream.indirect.scatter.add.f32 [tilespmem:s17], [sflag:$0x2], $0x1, s0, s16, $0xb8;
	[tilespmem:$0x1000] =	vst v63  }
0x75: {  	_ =	swait.ge [sflag:s3], $0x50  }
0x76: {  	[sflag:s3] =	ssyncset.done $0x0  }
0x77: {  	[sflag:s3] =	ssyncadd.s32 $0xFFFFFFB0  }
0x78: {  	_ =	swait.ge [sflag:s3], $0x50  }
0x79: {  	[sflag:s3] =	ssyncset.done $0x0  }
0x7a: {  	[sflag:s3] =	ssyncadd.s32 $0xFFFFFFB0  }
0x7b: {  	_ =	swait.ge [sflag:s3], $0x50  }
0x7c: {  	[sflag:s3] =	ssyncset.done $0x0  }
0x7d: {  	[sflag:s3] =	ssyncadd.s32 $0xFFFFFFB0  }
0x7e: {  	_ =	swait.ge [sflag:s3], $0x50  }
0x7f: {  	[sflag:s3] =	ssyncset.done $0x0  }
0x80: {  	[sflag:s3] =	ssyncadd.s32 $0xFFFFFFB0  }
0x81: {  	_ =	swait.ge [sflag:s3], $0x50  }
0x82: {  	[sflag:s3] =	ssyncset.done $0x0  }
0x83: {  	[sflag:s3] =	ssyncadd.s32 $0xFFFFFFB0  }
0x84: {  	_ =	swait.ge [sflag:s3], $0x50  }
0x85: {  	[sflag:s3] =	ssyncset.done $0x0  }
0x86: {  	[sflag:s3] =	ssyncadd.s32 $0xFFFFFFB0  }
0x87: {  	_ =	swait.ge [sflag:s3], $0x50  }
0x88: {  	[sflag:s3] =	ssyncset.done $0x0  }
0x89: {  	[sflag:s3] =	ssyncadd.s32 $0xFFFFFFB0  }
0x8a: {  	_ =	swait.ge [sflag:s3], $0x50  }
0x8b: {  	[sflag:s3] =	ssyncset.done $0x0  }
0x8c: {  	[sflag:s3] =	ssyncadd.s32 $0xFFFFFFB0  }
0x8d: {  	_ =	swait.ge [sflag:s3], $0x50  }
0x8e: {  	[sflag:s3] =	ssyncset.done $0x0  }
0x8f: {  	[sflag:s3] =	ssyncadd.s32 $0xFFFFFFB0  }
0x90: {  	_ =	swait.ge [sflag:s3], $0x50  }
0x91: {  	[sflag:s3] =	ssyncset.done $0x0  }
0x92: {  	[sflag:s3] =	ssyncadd.s32 $0xFFFFFFB0  }
0x93: {  	_ =	swait.ge [sflag:s3], $0x50  }
0x94: {  	[sflag:s3] =	ssyncset.done $0x0  }
0x95: {  	[sflag:s3] =	ssyncadd.s32 $0xFFFFFFB0  }
0x96: {  	_ =	swait.ge [sflag:s3], $0x50  }
0x97: {  	[sflag:s3] =	ssyncset.done $0x0  }
0x98: {  	[sflag:s3] =	ssyncadd.s32 $0xFFFFFFB0  }
0x99: {  	_ =	swait.ge [sflag:s3], $0x50  }
0x9a: {  	[sflag:s3] =	ssyncset.done $0x0  }
0x9b: {  	[sflag:s3] =	ssyncadd.s32 $0xFFFFFFB0  }
0x9c: {  	_ =	swait.ge [sflag:s3], $0x50  }
0x9d: {  	[sflag:s3] =	ssyncset.done $0x0  }
0x9e: {  	[sflag:s3] =	ssyncadd.s32 $0xFFFFFFB0  }
0x9f: {  	_ =	swait.ge [sflag:s3], $0x50  }
0xa0: {  	[sflag:s3] =	ssyncset.done $0x0  }
0xa1: {  	[sflag:s3] =	ssyncadd.s32 $0xFFFFFFB0  }
0xa2: {  	_ =	swait.ge [sflag:s3], $0x50  }
0xa3: {  	s7 =	simm.s32 $0x100;
	s9 =	simm.s32 $0x80;
	[sflag:s3] =	ssyncset.done $0x0  }
.LBB2_2:
0xa4: {  	s5 =	sadd.s32 s9, s11  }
0xa5: {  	[sflag:s3] =	ssyncadd.s32 $0xFFFFFFB0;
	s6 =	smov.u32 s7;
	s12 =	sadd.s32 $0x80, s7  }
0xa6: {  	[tilespmem:s4], [sflag:$0x1] =	stream.linear.gather [hbm4b:s5+s4], $0x400, $0x38;
	[tilespmem:$0x1000] =	vst v63  }
0xa7: {  	p0 =	sne.s32 s7, $0x780;
	s5 =	sadd.s32 s9, s10;
	s9 =	smov.u32 s6  }
0xa8: {  	[tilespmem:s14], [sflag:$0x1] =	stream.linear.gather [hbm4b:s5+s4], $0x400, $0x38;
	[tilespmem:$0x1000] =	vst v63  }
0xa9: {  	_ =	swait.ge [sflag:s15], $0x400  }
0xaa: {  	[sflag:s15] =	ssyncset.done $0x0  }
0xab: {  	[sflag:s15] =	ssyncadd.s32 $0xFFFFFC00  }
0xac: {  	_ =	swait.ge [sflag:s15], $0x400  }
0xad: {  	[sflag:s15] =	ssyncset.done $0x0  }
0xae: {  	[sflag:s15] =	ssyncadd.s32 $0xFFFFFC00  }
0xaf: {  	[spmem:s1] =	stream.indirect.scatter.add.f32 [tilespmem:s17], [sflag:$0x2], $0x1, s4, s16, $0xb8;
	[tilespmem:$0x1000] =	vst v63  }
0xb0: {  	_ = 	snop  }
0xb1: {  	[spmem:s2] =	stream.indirect.scatter.add.f32 [tilespmem:s17], [sflag:$0x2], $0x1, s14, s16, $0xb8;
	[tilespmem:$0x1000] =	vst v63  }
0xb2: {  	_ = 	snop  }
0xb3: {  	[spmem:s1] =	stream.indirect.scatter.add.f32 [tilespmem:s17], [sflag:$0x2], $0x1, s18, s16, $0xb8;
	[tilespmem:$0x1000] =	vst v63  }
0xb4: {  	_ = 	snop  }
0xb5: {  	[spmem:s2] =	stream.indirect.scatter.add.f32 [tilespmem:s17], [sflag:$0x2], $0x1, s19, s16, $0xb8;
	[tilespmem:$0x1000] =	vst v63  }
0xb6: {  	_ = 	snop  }
0xb7: {  	[spmem:s1] =	stream.indirect.scatter.add.f32 [tilespmem:s17], [sflag:$0x2], $0x1, s20, s16, $0xb8;
	[tilespmem:$0x1000] =	vst v63  }
0xb8: {  	_ = 	snop  }
0xb9: {  	[spmem:s2] =	stream.indirect.scatter.add.f32 [tilespmem:s17], [sflag:$0x2], $0x1, s21, s16, $0xb8;
	[tilespmem:$0x1000] =	vst v63  }
0xba: {  	_ = 	snop  }
0xbb: {  	[spmem:s1] =	stream.indirect.scatter.add.f32 [tilespmem:s17], [sflag:$0x2], $0x1, s22, s16, $0xb8;
	[tilespmem:$0x1000] =	vst v63  }
0xbc: {  	_ = 	snop  }
0xbd: {  	[spmem:s2] =	stream.indirect.scatter.add.f32 [tilespmem:s17], [sflag:$0x2], $0x1, s23, s16, $0xb8;
	[tilespmem:$0x1000] =	vst v63  }
0xbe: {  	_ = 	snop  }
0xbf: {  	[spmem:s1] =	stream.indirect.scatter.add.f32 [tilespmem:s17], [sflag:$0x2], $0x1, s24, s16, $0xb8;
	[tilespmem:$0x1000] =	vst v63  }
0xc0: {  	_ = 	snop  }
0xc1: {  	[spmem:s2] =	stream.indirect.scatter.add.f32 [tilespmem:s17], [sflag:$0x2], $0x1, s25, s16, $0xb8;
	[tilespmem:$0x1000] =	vst v63  }
0xc2: {  	_ = 	snop  }
0xc3: {  	[spmem:s1] =	stream.indirect.scatter.add.f32 [tilespmem:s17], [sflag:$0x2], $0x1, s26, s16, $0xb8;
	[tilespmem:$0x1000] =	vst v63  }
0xc4: {  	_ = 	snop  }
0xc5: {  	[spmem:s2] =	stream.indirect.scatter.add.f32 [tilespmem:s17], [sflag:$0x2], $0x1, s28, s16, $0xb8;
	[tilespmem:$0x1000] =	vst v63  }
0xc6: {  	_ = 	snop  }
0xc7: {  	[spmem:s1] =	stream.indirect.scatter.add.f32 [tilespmem:s17], [sflag:$0x2], $0x1, s29, s16, $0xb8;
	[tilespmem:$0x1000] =	vst v63  }
0xc8: {  	_ = 	snop  }
0xc9: {  	[spmem:s2] =	stream.indirect.scatter.add.f32 [tilespmem:s17], [sflag:$0x2], $0x1, s30, s16, $0xb8;
	[tilespmem:$0x1000] =	vst v63  }
0xca: {  	_ = 	snop  }
0xcb: {  	[spmem:s1] =	stream.indirect.scatter.add.f32 [tilespmem:s17], [sflag:$0x2], $0x1, s31, s16, $0xb8;
	[tilespmem:$0x1000] =	vst v63  }
0xcc: {  	_ = 	snop  }
0xcd: {  	[spmem:s2] =	stream.indirect.scatter.add.f32 [tilespmem:s17], [sflag:$0x2], $0x1, s0, s16, $0xb8;
	[tilespmem:$0x1000] =	vst v63  }
0xce: {  	_ =	swait.ge [sflag:s3], $0x50  }
0xcf: {  	[sflag:s3] =	ssyncset.done $0x0  }
0xd0: {  	[sflag:s3] =	ssyncadd.s32 $0xFFFFFFB0  }
0xd1: {  	_ =	swait.ge [sflag:s3], $0x50  }
0xd2: {  	[sflag:s3] =	ssyncset.done $0x0  }
0xd3: {  	[sflag:s3] =	ssyncadd.s32 $0xFFFFFFB0  }
0xd4: {  	_ =	swait.ge [sflag:s3], $0x50  }
0xd5: {  	[sflag:s3] =	ssyncset.done $0x0  }
0xd6: {  	[sflag:s3] =	ssyncadd.s32 $0xFFFFFFB0  }
0xd7: {  	_ =	swait.ge [sflag:s3], $0x50  }
0xd8: {  	[sflag:s3] =	ssyncset.done $0x0  }
0xd9: {  	[sflag:s3] =	ssyncadd.s32 $0xFFFFFFB0  }
0xda: {  	_ =	swait.ge [sflag:s3], $0x50  }
0xdb: {  	[sflag:s3] =	ssyncset.done $0x0  }
0xdc: {  	[sflag:s3] =	ssyncadd.s32 $0xFFFFFFB0  }
0xdd: {  	_ =	swait.ge [sflag:s3], $0x50  }
0xde: {  	[sflag:s3] =	ssyncset.done $0x0  }
0xdf: {  	[sflag:s3] =	ssyncadd.s32 $0xFFFFFFB0  }
0xe0: {  	_ =	swait.ge [sflag:s3], $0x50  }
0xe1: {  	[sflag:s3] =	ssyncset.done $0x0  }
0xe2: {  	[sflag:s3] =	ssyncadd.s32 $0xFFFFFFB0  }
0xe3: {  	_ =	swait.ge [sflag:s3], $0x50  }
0xe4: {  	[sflag:s3] =	ssyncset.done $0x0  }
0xe5: {  	[sflag:s3] =	ssyncadd.s32 $0xFFFFFFB0  }
0xe6: {  	_ =	swait.ge [sflag:s3], $0x50  }
0xe7: {  	[sflag:s3] =	ssyncset.done $0x0  }
0xe8: {  	[sflag:s3] =	ssyncadd.s32 $0xFFFFFFB0  }
0xe9: {  	_ =	swait.ge [sflag:s3], $0x50  }
0xea: {  	[sflag:s3] =	ssyncset.done $0x0  }
0xeb: {  	[sflag:s3] =	ssyncadd.s32 $0xFFFFFFB0  }
0xec: {  	_ =	swait.ge [sflag:s3], $0x50  }
0xed: {  	[sflag:s3] =	ssyncset.done $0x0  }
0xee: {  	[sflag:s3] =	ssyncadd.s32 $0xFFFFFFB0  }
0xef: {  	_ =	swait.ge [sflag:s3], $0x50  }
0xf0: {  	[sflag:s3] =	ssyncset.done $0x0  }
0xf1: {  	[sflag:s3] =	ssyncadd.s32 $0xFFFFFFB0  }
0xf2: {  	_ =	swait.ge [sflag:s3], $0x50  }
0xf3: {  	[sflag:s3] =	ssyncset.done $0x0  }
0xf4: {  	[sflag:s3] =	ssyncadd.s32 $0xFFFFFFB0  }
0xf5: {  	_ =	swait.ge [sflag:s3], $0x50  }
0xf6: {  	[sflag:s3] =	ssyncset.done $0x0  }
0xf7: {  	[sflag:s3] =	ssyncadd.s32 $0xFFFFFFB0  }
.Ltmp0:
0xf8: {  	_ =	swait.ge [sflag:s3], $0x50;
	(pc) =	sbr.rel @p0 .LBB2_2-.Ltmp0, $4  }
0xf9: {  	[sflag:s3] =	ssyncset.done $0x0  }
0xfa: {  	[sflag:s3] =	ssyncadd.s32 $0xFFFFFFB0  }
0xfb: {  	_ =	swait.ge [sflag:s3], $0x50  }
0xfc: {  	s7 =	smov.u32 s12;
	[sflag:s3] =	ssyncset.done $0x0  }
0xfd: {  	s5 =	sadd.s32 s9, s11;
	[sflag:s3] =	ssyncadd.s32 $0xFFFFFFB0  }
0xfe: {  	[tilespmem:s4], [sflag:$0x1] =	stream.linear.gather [hbm4b:s5+s4], $0x400, $0x38;
	[tilespmem:$0x1000] =	vst v63  }
0xff: {  	s7 =	sadd.s32 s9, s10  }
0x100: {  	[tilespmem:s14], [sflag:$0x1] =	stream.linear.gather [hbm4b:s7+s4], $0x400, $0x38;
	[tilespmem:$0x1000] =	vst v63  }
0x101: {  	_ =	swait.ge [sflag:s15], $0x400  }
0x102: {  	[sflag:s15] =	ssyncset.done $0x0  }
0x103: {  	[sflag:s15] =	ssyncadd.s32 $0xFFFFFC00  }
0x104: {  	_ =	swait.ge [sflag:s15], $0x400  }
0x105: {  	[sflag:s15] =	ssyncset.done $0x0  }
0x106: {  	[sflag:s15] =	ssyncadd.s32 $0xFFFFFC00  }
0x107: {  	[spmem:s1] =	stream.indirect.scatter.add.f32 [tilespmem:s17], [sflag:$0x2], $0x1, s4, s16, $0xb8;
	[tilespmem:$0x1000] =	vst v63  }
0x108: {  	_ = 	snop  }
0x109: {  	[spmem:s2] =	stream.indirect.scatter.add.f32 [tilespmem:s17], [sflag:$0x2], $0x1, s14, s16, $0xb8;
	[tilespmem:$0x1000] =	vst v63  }
0x10a: {  	_ = 	snop  }
0x10b: {  	[spmem:s1] =	stream.indirect.scatter.add.f32 [tilespmem:s17], [sflag:$0x2], $0x1, s18, s16, $0xb8;
	[tilespmem:$0x1000] =	vst v63  }
0x10c: {  	_ = 	snop  }
0x10d: {  	[spmem:s2] =	stream.indirect.scatter.add.f32 [tilespmem:s17], [sflag:$0x2], $0x1, s19, s16, $0xb8;
	[tilespmem:$0x1000] =	vst v63  }
0x10e: {  	_ = 	snop  }
0x10f: {  	[spmem:s1] =	stream.indirect.scatter.add.f32 [tilespmem:s17], [sflag:$0x2], $0x1, s20, s16, $0xb8;
	[tilespmem:$0x1000] =	vst v63  }
0x110: {  	_ = 	snop  }
0x111: {  	[spmem:s2] =	stream.indirect.scatter.add.f32 [tilespmem:s17], [sflag:$0x2], $0x1, s21, s16, $0xb8;
	[tilespmem:$0x1000] =	vst v63  }
0x112: {  	_ = 	snop  }
0x113: {  	[spmem:s1] =	stream.indirect.scatter.add.f32 [tilespmem:s17], [sflag:$0x2], $0x1, s22, s16, $0xb8;
	[tilespmem:$0x1000] =	vst v63  }
0x114: {  	_ = 	snop  }
0x115: {  	[spmem:s2] =	stream.indirect.scatter.add.f32 [tilespmem:s17], [sflag:$0x2], $0x1, s23, s16, $0xb8;
	[tilespmem:$0x1000] =	vst v63  }
0x116: {  	_ = 	snop  }
0x117: {  	[spmem:s1] =	stream.indirect.scatter.add.f32 [tilespmem:s17], [sflag:$0x2], $0x1, s24, s16, $0xb8;
	[tilespmem:$0x1000] =	vst v63  }
0x118: {  	_ = 	snop  }
0x119: {  	[spmem:s2] =	stream.indirect.scatter.add.f32 [tilespmem:s17], [sflag:$0x2], $0x1, s25, s16, $0xb8;
	[tilespmem:$0x1000] =	vst v63  }
0x11a: {  	_ = 	snop  }
0x11b: {  	[spmem:s1] =	stream.indirect.scatter.add.f32 [tilespmem:s17], [sflag:$0x2], $0x1, s26, s16, $0xb8;
	[tilespmem:$0x1000] =	vst v63  }
0x11c: {  	_ = 	snop  }
0x11d: {  	[spmem:s2] =	stream.indirect.scatter.add.f32 [tilespmem:s17], [sflag:$0x2], $0x1, s28, s16, $0xb8;
	[tilespmem:$0x1000] =	vst v63  }
0x11e: {  	_ = 	snop  }
0x11f: {  	[spmem:s1] =	stream.indirect.scatter.add.f32 [tilespmem:s17], [sflag:$0x2], $0x1, s29, s16, $0xb8;
	[tilespmem:$0x1000] =	vst v63  }
0x120: {  	_ = 	snop  }
0x121: {  	[spmem:s2] =	stream.indirect.scatter.add.f32 [tilespmem:s17], [sflag:$0x2], $0x1, s30, s16, $0xb8;
	[tilespmem:$0x1000] =	vst v63  }
0x122: {  	_ = 	snop  }
0x123: {  	[spmem:s1] =	stream.indirect.scatter.add.f32 [tilespmem:s17], [sflag:$0x2], $0x1, s31, s16, $0xb8;
	[tilespmem:$0x1000] =	vst v63  }
0x124: {  	_ = 	snop  }
0x125: {  	[spmem:s2] =	stream.indirect.scatter.add.f32 [tilespmem:s17], [sflag:$0x2], $0x1, s0, s16, $0xb8;
	[tilespmem:$0x1000] =	vst v63  }
0x126: {  	_ =	swait.ge [sflag:s3], $0x50  }
0x127: {  	[sflag:s3] =	ssyncset.done $0x0  }
0x128: {  	[sflag:s3] =	ssyncadd.s32 $0xFFFFFFB0  }
0x129: {  	_ =	swait.ge [sflag:s3], $0x50  }
0x12a: {  	[sflag:s3] =	ssyncset.done $0x0  }
0x12b: {  	[sflag:s3] =	ssyncadd.s32 $0xFFFFFFB0  }
0x12c: {  	_ =	swait.ge [sflag:s3], $0x50  }
0x12d: {  	[sflag:s3] =	ssyncset.done $0x0  }
0x12e: {  	[sflag:s3] =	ssyncadd.s32 $0xFFFFFFB0  }
0x12f: {  	_ =	swait.ge [sflag:s3], $0x50  }
0x130: {  	[sflag:s3] =	ssyncset.done $0x0  }
0x131: {  	[sflag:s3] =	ssyncadd.s32 $0xFFFFFFB0  }
0x132: {  	_ =	swait.ge [sflag:s3], $0x50  }
0x133: {  	[sflag:s3] =	ssyncset.done $0x0  }
0x134: {  	[sflag:s3] =	ssyncadd.s32 $0xFFFFFFB0  }
0x135: {  	_ =	swait.ge [sflag:s3], $0x50  }
0x136: {  	[sflag:s3] =	ssyncset.done $0x0  }
0x137: {  	[sflag:s3] =	ssyncadd.s32 $0xFFFFFFB0  }
0x138: {  	_ =	swait.ge [sflag:s3], $0x50  }
0x139: {  	[sflag:s3] =	ssyncset.done $0x0  }
0x13a: {  	[sflag:s3] =	ssyncadd.s32 $0xFFFFFFB0  }
0x13b: {  	_ =	swait.ge [sflag:s3], $0x50  }
0x13c: {  	[sflag:s3] =	ssyncset.done $0x0  }
0x13d: {  	[sflag:s3] =	ssyncadd.s32 $0xFFFFFFB0  }
0x13e: {  	_ =	swait.ge [sflag:s3], $0x50  }
0x13f: {  	[sflag:s3] =	ssyncset.done $0x0  }
0x140: {  	[sflag:s3] =	ssyncadd.s32 $0xFFFFFFB0  }
0x141: {  	_ =	swait.ge [sflag:s3], $0x50  }
0x142: {  	[sflag:s3] =	ssyncset.done $0x0  }
0x143: {  	[sflag:s3] =	ssyncadd.s32 $0xFFFFFFB0  }
0x144: {  	_ =	swait.ge [sflag:s3], $0x50  }
0x145: {  	[sflag:s3] =	ssyncset.done $0x0  }
0x146: {  	[sflag:s3] =	ssyncadd.s32 $0xFFFFFFB0  }
0x147: {  	_ =	swait.ge [sflag:s3], $0x50  }
0x148: {  	[sflag:s3] =	ssyncset.done $0x0  }
0x149: {  	[sflag:s3] =	ssyncadd.s32 $0xFFFFFFB0  }
0x14a: {  	_ =	swait.ge [sflag:s3], $0x50  }
0x14b: {  	[sflag:s3] =	ssyncset.done $0x0  }
0x14c: {  	[sflag:s3] =	ssyncadd.s32 $0xFFFFFFB0  }
0x14d: {  	_ =	swait.ge [sflag:s3], $0x50  }
0x14e: {  	[sflag:s3] =	ssyncset.done $0x0  }
0x14f: {  	[sflag:s3] =	ssyncadd.s32 $0xFFFFFFB0  }
0x150: {  	_ =	swait.ge [sflag:s3], $0x50  }
0x151: {  	[sflag:s3] =	ssyncset.done $0x0  }
0x152: {  	[sflag:s3] =	ssyncadd.s32 $0xFFFFFFB0  }
0x153: {  	_ =	swait.ge [sflag:s3], $0x50  }
0x154: {  	[sflag:s3] =	ssyncset.done $0x0  }
0x155: {  	[sflag:s3] =	ssyncadd.s32 $0xFFFFFFB0  }
0x156: {  	s8 =	stileid.u32;
	s9 =	simm.s32 $0x3;
	[bflag:$0x0] =	sbarrier.arrive $0xFFFF  }
0x157: {  	s5 =	sshll.u32 s8, $0x6;
	s8 =	simm.s32 $0x10;
	s12 =	rddreg [dreg:$0x5]  }
0x158: {  	s5 =	sor.u32 $0x1C03, s5;
	s7 =	rddreg [dreg:$0x7];
	s6 =	sshrl.u32 s12, $0x3  }
0x159: {  	[hbm:s7@s13], [sflag:s5] =	dma.strided [spmem:s6@s8], $0x50, s15, $0x10   }
0x15a: {  	_ =	swait.ge [sflag:s9], $0x50  }
0x15b: {  	[sflag:s9] =	ssyncset.done $0x0;
	s7 =	rddreg [dreg:$0x6]  }
0x15c: {  	[sflag:s9] =	ssyncadd.s32 $0xFFFFFFB0;
	s6 =	sshrl.u32 s7, $0x3;
	s9 =	rddreg [dreg:$0x8]  }
0x15d: {  	[hbm:s9@s13], [sflag:s5] =	dma.strided [spmem:s6@s8], $0x50, s15, $0x10   }
0x15e: {  	s6 =	simm.s32 $0x3  }
0x15f: {  	_ =	swait.ge [sflag:s6], $0x50  }
0x160: {  	s5 =	rddreg [dreg:$0xa]  }
0x161: {  	s9 =	rddreg [dreg:$0x9];
	s8 =	sadd.s32 $0x1, s5  }
0x162: {  	p0 =	sne.s32 s8, s9  }
.Ltmp1:
0x163: {  	_ = 	snop;
	(pc) =	sbr.rel @p0 .LBB2_1-.Ltmp1, $3  }
0x164: {  	_ =	sdelay $0x1  }
0x165: {  	[sflag:s6] =	ssyncset.done $0x0  }
0x166: {  	[sflag:s6] =	ssyncadd.s32 $0xFFFFFFB0  }
0x167: {  	_ =	sfence.sel $0x180000  }
0x168: {  	[bflag:$0x0] =	sbarrier.arrive $0xFFFF  }
0x169: {  	_ =	strace $0x90000047  }
0x16a: {  	s0 =	stileid.u32;
	[bflag:$0x2] =	sbarrier.arrive $0xFFFF  }
0x16b: {  	p0 =	sne.s32 s0, $0x0;
	s0 =	rddreg [dreg:$0x4]  }
0x16c: {  	s0 =	sadd.s32 @!p0 $0x100000, s0  }
0x16d: {  	[sflag:s0] =	ssyncadd.tile.s32 @!p0 $0x1;
	_ =	shalt  }
.Lfunc_end2:
_tile_overlayer_lowered:
.L_overlay_start_2:
0x16e: {  	(tag) =	ssettag $0x2  }
0x16f: {  	s0 =	rddreg [dreg:$0x0];
	s2 =	stileid.u32  }
0x170: {  	s1 =	rddreg [dreg:$0x1];
	p0 =	sne.s32 s2, $0x0  }
0x171: {  	s3 =	rddreg [dreg:$0x2];
	[bflag:$0x3] =	sbarrier.arrive $0xFFFF;
	s2 =	simm.s32 @!p0 $0x1C03  }
0x172: {  	[timem:s3], [sflag:s2] =	dma.local @!p0 [hbm:s0], s1  }
0x173: {  	s0 =	simm.s32 @!p0 $0x3  }
0x174: {  	_ =	swait.ge @!p0 [sflag:s0], s1  }
0x175: {  	s1 =	ssub.s32 @!p0 $0x0, s1;
	[sflag:s0] =	ssyncset.done @!p0 $0x0  }
0x176: {  	[sflag:s0] =	ssyncadd.s32 @!p0 s1  }
0x177: {  	[bflag:$0x3] =	sbarrier.arrive $0xFFFF  }
0x178: {  	_ =	shalt  }

// kernel: kernel.14.cloned.1.call-start
scs
__scs_entry_jumppad:
0x0: {  	(pc) =	sbr.rel $0x88, $3  }
0x1: {  	(tag) =	ssettag $0x0;
	lr =	simm.s32 $0x1  }
0x2: {  	[smem:$0x3F99] =	sst lr;
	_ =	strace $0xD0000000  }
0x3: {  	_ = 	snop  }
0x4: {  	_ = 	snop  }
0x5: {  	_ = 	snop  }
0x6: {  	_ = 	snop  }
0x7: {  	_ = 	snop  }
__scs_overlays_trampoline_lowered:
0x8: {  	[smem:$0x3FA8] =	sst s0  }
0x9: {  	[smem:$0x3FA9] =	sst s1  }
0xa: {  	[smem:$0x3FAA] =	sst s2  }
0xb: {  	[smem:$0x3FAB] =	sst s3  }
0xc: {  	[smem:$0x3FAC] =	sst s4  }
0xd: {  	[smem:$0x3FAD] =	sst s5  }
0xe: {  	[smem:$0x3FAE] =	sst s6  }
0xf: {  	[smem:$0x3FAF] =	sst s7  }
0x10: {  	[smem:$0x3FB0] =	sst s8  }
0x11: {  	[smem:$0x3FB1] =	sst s9;
	s0 =	simm.s32 @!p0 $0x0  }
0x12: {  	s1 =	sld [smem:$0x3F97];
	s0 =	simm.s32 @p0 $0x1  }
0x13: {  	[smem:$0x3FB2] =	sst s0;
	s0 =	simm.s32 @!p1 $0x0  }
0x14: {  	s2 =	sld [smem:$0x3F96];
	s0 =	simm.s32 @p1 $0x1  }
0x15: {  	[smem:$0x3FB3] =	sst s0;
	s0 =	simm.s32 @!p2 $0x0  }
0x16: {  	s3 =	sld [smem:$0x3FDB];
	s0 =	simm.s32 @p2 $0x1  }
0x17: {  	s4 =	simm.s32 $0x1BF5;
	[smem:$0x3FB5] =	sst s0  }
0x18: {  	s0 =	sld [smem:$0x3F98];
	_ =	swait.ge [sflag:s4], $0x0  }
0x19: {  	s7 =	sld [smem:$0x3F99]  }
0x1a: {  	s8 =	sadd.s32 $0xFFFFE003, lr  }
0x1b: {  	s9 =	sadd.s32 $0xFFFFFEF7, lr;
	s5 =	simm.s32 $0xFFFFFFFF;
	p2 =	slt.u32 s8, $0xFFFFF086  }
0x1c: {  	p1 =	slt.u32 s9, $0xF7A;
	s5 =	simm.s32 @!p2 $0x0  }
0x1d: {  	s5 =	simm.s32 @p1 $0x1;
	p0 =	seq.s32 s7, s2  }
0x1e: {  	s7 =	smul.u32 @!p0 $0xF7A, s2;
	p2 =	seq.s32 @!p0 s5, $0x0  }
0x1f: {  	s9 =	smul.u32 $0xF7A, s1;
	s8 =	simm.s32 @!p0 $0x1BF5;
	p2 =	por !p2, p0  }
0x20: {  	[sflag:s8] =	ssyncset.s32 @!p0 $0xFFFFF086;
	s6 =	sadd.s32 @!p0 s3, s7;
	s7 =	simm.s32 @!p0 $0x108  }
0x21: {  	s3 =	sadd.s32 s3, s9;
	s6 =	sadd.s32 @!p0 $0x88, s6;
	s7 =	simm.s32 @p2 $0x1082  }
0x22: {  	[simem:s7], [sflag:s8] =	dma.local @!p0 [hbm:s6], $0xF7A  }
0x23: {  	s9 =	sor.u32 $0xD0000000, s2;
	s6 =	simm.s32 $0x108;
	_ =	swait.ge @!p0 [sflag:s8], $0x0  }
0x24: {  	s3 =	sadd.s32 $0x88, s3;
	s6 =	simm.s32 @!p1 $0x1082;
	[sflag:s4] =	ssyncset.s32 $0xFFFFF086  }
0x25: {  	[simem:s6], [sflag:s4] =	dma.local [hbm:s3], $0xF7A  }
0x26: {  	[smem:$0x3F99] =	sst s1;
	(tag) =	ssettag s2;
	_ =	strace s9  }
0x27: {  	s1 =	sld [smem:$0x3FA9]  }
0x28: {  	s2 =	sld [smem:$0x3FAA]  }
0x29: {  	s4 =	sld [smem:$0x3FAC]  }
0x2a: {  	p0 =	seq.s32 s5, $0x0;
	s5 =	sld [smem:$0x3FAD]  }
0x2b: {  	s6 =	sld [smem:$0x3FAE]  }
0x2c: {  	s7 =	sld [smem:$0x3FAF]  }
0x2d: {  	s3 =	simm.s32 $0x108;
	s8 =	sld [smem:$0x3FB0]  }
0x2e: {  	s3 =	simm.s32 @!p0 $0x1082;
	s9 =	sld [smem:$0x3FB1]  }
0x2f: {  	lr =	sadd.s32 s0, s3;
	s0 =	sld [smem:$0x3FA8]  }
0x30: {  	s3 =	sld [smem:$0x3FAB]  }
0x31: {  	[smem:$0x3FB4] =	sst s10  }
0x32: {  	s10 =	sld [smem:$0x3FB2];
	_ =	sdelay $0x3  }
0x33: {  	p0 =	seq.s32 s10, $0x1;
	s10 =	sld [smem:$0x3FB4];
	_ =	sdelay $0x3  }
0x34: {  	[smem:$0x3FB4] =	sst s10  }
0x35: {  	s10 =	sld [smem:$0x3FB3];
	_ =	sdelay $0x3  }
0x36: {  	p1 =	seq.s32 s10, $0x1;
	s10 =	sld [smem:$0x3FB4];
	_ =	sdelay $0x3  }
0x37: {  	[smem:$0x3FB4] =	sst s10  }
0x38: {  	s10 =	sld [smem:$0x3FB5]  }
0x39: {  	_ = 	snop;
	(pc) =	sbr.ind lr, $3  }
0x3a: {  	_ = 	snop  }
0x3b: {  	_ = 	snop  }
0x3c: {  	p2 =	seq.s32 s10, $0x1;
	s10 =	sld [smem:$0x3FB4]  }
0x3d: {  	_ =	shalt  }
0x3e: {  	_ =	shalt  }
0x3f: {  	_ =	shalt  }
0x40: {  	_ =	shalt  }
0x41: {  	_ =	shalt  }
0x42: {  	_ =	shalt  }
0x43: {  	_ =	shalt  }
0x44: {  	_ =	shalt  }
0x45: {  	_ =	shalt  }
0x46: {  	_ =	shalt  }
0x47: {  	_ =	shalt  }
0x48: {  	_ =	shalt  }
0x49: {  	_ =	shalt  }
0x4a: {  	_ =	shalt  }
0x4b: {  	_ =	shalt  }
0x4c: {  	_ =	shalt  }
0x4d: {  	_ =	shalt  }
0x4e: {  	_ =	shalt  }
0x4f: {  	_ =	shalt  }
0x50: {  	_ =	shalt  }
0x51: {  	_ =	shalt  }
0x52: {  	_ =	shalt  }
0x53: {  	_ =	shalt  }
0x54: {  	_ =	shalt  }
0x55: {  	_ =	shalt  }
0x56: {  	_ =	shalt  }
0x57: {  	_ =	shalt  }
0x58: {  	_ =	shalt  }
0x59: {  	_ =	shalt  }
0x5a: {  	_ =	shalt  }
0x5b: {  	_ =	shalt  }
0x5c: {  	_ =	shalt  }
0x5d: {  	_ =	shalt  }
0x5e: {  	_ =	shalt  }
0x5f: {  	_ =	shalt  }
0x60: {  	_ =	shalt  }
0x61: {  	_ =	shalt  }
0x62: {  	_ =	shalt  }
0x63: {  	_ =	shalt  }
0x64: {  	_ =	shalt  }
0x65: {  	_ =	shalt  }
0x66: {  	_ =	shalt  }
0x67: {  	_ =	shalt  }
0x68: {  	_ =	shalt  }
0x69: {  	_ =	shalt  }
0x6a: {  	_ =	shalt  }
0x6b: {  	_ =	shalt  }
0x6c: {  	_ =	shalt  }
0x6d: {  	_ =	shalt  }
0x6e: {  	_ =	shalt  }
0x6f: {  	_ =	shalt  }
0x70: {  	_ =	shalt  }
0x71: {  	_ =	shalt  }
0x72: {  	_ =	shalt  }
0x73: {  	_ =	shalt  }
0x74: {  	_ =	shalt  }
0x75: {  	_ =	shalt  }
0x76: {  	_ =	shalt  }
0x77: {  	_ =	shalt  }
0x78: {  	_ =	shalt  }
0x79: {  	_ =	shalt  }
0x7a: {  	_ =	shalt  }
0x7b: {  	_ =	shalt  }
0x7c: {  	_ =	shalt  }
0x7d: {  	_ =	shalt  }
0x7e: {  	_ =	shalt  }
0x7f: {  	_ =	shalt  }
0x80: {  	_ =	shalt  }
0x81: {  	_ =	shalt  }
0x82: {  	_ =	shalt  }
0x83: {  	_ =	shalt  }
0x84: {  	_ =	shalt  }
0x85: {  	_ =	shalt  }
0x86: {  	_ =	shalt  }
0x87: {  	_ =	shalt  }
.Lfunc_end0:
.L_simem_size_0:
called_computation.1_lowered:
.L_overlay_start_0:
0x88: {  	s2 =	sld [smem:$0x3FD9]  }
0x89: {  	s3 =	sld [smem:$0x3FFE];
	_ =	sdelay $0x1  }
0x8a: {  	s1 =	srdreg.scid  }
0x8b: {  	s0 =	sand.u32 $0x1, s1  }
0x8c: {  	s16 =	sshll.u32 s0, $0xA;
	s2 =	sadd.s32 s3, s2  }
0x8d: {  	s2 =	sadd.s32 s2, s16  }
0x8e: {  	[smem:$0x3FC0] =	sst s2  }
0x8f: {  	_ = 	snop  }
0x90: {  	(tm) =	ssettm $0x1  }
0x91: {  	s17 =	sld [smem:$0x3FFB];
	_ =	sdelay $0x3  }
0x92: {  	_ =	strace s17  }
0x93: {  	s2 =	sld [smem:$0x3FFC];
	_ =	sdelay $0x3  }
0x94: {  	_ =	strace s2  }
0x95: {  	s2 =	sld [smem:$0x3FFD];
	_ =	sdelay $0x3  }
0x96: {  	_ =	strace s2  }
0x97: {  	_ =	strace $0x8FFFFFFF  }
0x98: {  	s18 =	sld [smem:$0x3FDB];
	_ =	sdelay $0x1  }
0x99: {  	s19 =	simm.s32 $_scs_section_size  }
0x9a: {  	s4 =	simm.s32 $_size__tile_overlayer_lowered;
	s5 =	simm.s32 $_tile_overlayer_lowered  }
0x9b: {  	s22 =	simm.s32 $0x1BFF;
	s21 =	sshll.u32 s5, $0x1;
	s2 =	sadd.s32 s19, s18  }
0x9c: {  	s6 =	simm.s32 $0x0;
	s20 =	sshll.u32 s4, $0x1;
	s4 =	sadd.s32 s21, s2  }
0x9d: {  	[timem:s6], [sflag:s22] =	dma.local [hbm:s4], s20  }
0x9e: {  	_ =	swait.ge [sflag:s22], s20  }
0x9f: {  	s3 =	ssub.s32 $0x0, s20;
	[sflag:s22] =	ssyncset.done $0x0  }
0xa0: {  	[sflag:s22] =	ssyncadd.s32 s3;
	_ =	sdelay $0x1  }
0xa1: {  	s23 =	simm.s32 $0x1B8B  }
0xa2: {  	_ =	swait.ge [sflag:s23], $0x1  }
0xa3: {  	[sflag:s23] =	ssyncset.done $0x0  }
0xa4: {  	s25 =	simm.s32 $0x1B8E;
	s24 =	sld [smem:$0x3FFE];
	[sflag:s23] =	ssyncadd.s32 $0xFFFFFFFF  }
0xa5: {  	s26 =	simm.s32 $execute0_lowered;
	[smem:$0x3FD2] =	sst s25  }
0xa6: {  	s4 =	sshll.u32 s26, $0x1;
	_ =	strace $0x80000049;
	[dreg:$0x1] =	wrdreg $0xFFFFFFFF  }
0xa7: {  	s28 =	simm.s32 $_size_execute0_lowered;
	s2 =	sadd.s32 s2, s4;
	[dreg:$0x0] =	wrdreg $0x0  }
0xa8: {  	s4 =	sshll.u32 s28, $0x1;
	[dreg:$0x2] =	wrdreg s2  }
0xa9: {  	[dreg:$0x3] =	wrdreg s4  }
0xaa: {  	[dreg:$0x4] =	wrdreg $0xC0  }
0xab: {  	_ =	task [dreg:s6], $0x5FFFF  }
0xac: {  	[dreg:$0x1] =	wrdreg $0xFFFFFFFF  }
0xad: {  	[dreg:$0x0] =	wrdreg $0x60  }
0xae: {  	[dreg:$0x2] =	wrdreg s24  }
0xaf: {  	[dreg:$0x3] =	wrdreg $0xA2800  }
0xb0: {  	[dreg:$0x4] =	wrdreg $0x9  }
0xb1: {  	_ =	task.clear_ibuf [dreg:s6], $0x5FFFF;
	_ =	strace $0x90000049  }
0xb2: {  	s29 =	simm.s32 $0x9;
	_ =	strace $0x8000004B  }
0xb3: {  	_ =	swait.ge [sflag:s29], $0x1  }
0xb4: {  	[sflag:s29] =	ssyncadd.s32 $0xFFFFFFFF  }
0xb5: {  	_ =	strace $0x9000004B  }
0xb6: {  	_ =	sfence  }
0xb7: {  	s30 =	sld [smem:$0x0];
	_ =	sdelay $0x2  }
0xb8: {  	s31 =	sshll.u32 s1, $0xD;
	s1 =	sshrl.u32 s1, $0x2  }
0xb9: {  	s3 =	sand.u32 $0x4000, s31;
	s1 =	sadd.s32 s1, s30  }
0xba: {  	s0 =	sor.u32 s3, s0;
	s1 =	sshll.u32 s1, $0x11  }
0xbb: {  	s0 =	sor.u32 s1, s0  }
0xbc: {  	s0 =	sadd.s32 $0x8F2B, s0  }
0xbd: {  	[sflag:s0] =	ssyncadd.remote.s32 $0x1  }
0xbe: {  	_ =	sfence.sel $0xFFFF  }
0xbf: {  	[dreg:$0x0] =	wrdreg $0xFFFFFFFF;
	(pc) =	sbr.abs _section_cstart, $3  }
0xc0: {  	[dreg:$0x1] =	wrdreg $0xFFFFFFFF  }
0xc1: {  	_ =	task.clear_ibuf [dreg:s6], $0x2FFFF;
	_ =	strace $0x9FFFFFFF  }
0xc2: {  	(tm) =	ssettm $0x7FFFFFFF  }
0xc3: {  	_ =	shalt  }
tec
execute0_lowered:
.L_overlay_start_1:
0x0: {  	(tag) =	ssettag $0x1  }
0x1: {  	s0 =	srdreg.scid  }
0x2: {  	s1 =	rddreg [dreg:$0x0];
	s10 =	stileid.u32  }
0x3: {  	s2 =	rddreg [dreg:$0x1];
	s4 =	simm.s32 $0x0;
	s31 =	simm.s32 $0x2A80  }
0x4: {  	s28 =	simm.s32 $0xB;
	s29 =	simm.s32 $0xA;
	s6 =	smul.u32 $0x14000, s10  }
0x5: {  	s0 =	sand.u32 $0x1, s0;
	[smem:$0x7FF] =	sst s4;
	s7 =	smul.u32 $0x50000, s10  }
0x6: {  	s4 =	sadd.s32 $0x27A00, s1;
	s11 =	sadd.s32 $0x1DC00, s1;
	s25 =	smul.u32 $0x2760, s10  }
0x7: {  	s3 =	sshll.u32 s0, $0x4;
	s5 =	smul.u32 $0x140000, s0;
	_ =	strace $0x8000004A  }
0x8: {  	s19 =	ssub.s32 $0x2, s0;
	s0 =	smul.u32 $0x27600, s0;
	[dreg:$0x3] =	wrdreg s11  }
0x9: {  	s3 =	sor.u32 s10, s3;
	s9 =	sshrl.u32 s19, $0x1;
	s7 =	sshrl.u32 s7, $0x2  }
0xa: {  	s3 =	smul.u32 $0x2760, s3;
	s5 =	sadd.s32 s6, s5;
	s20 =	ssub.s32 s19, s9  }
0xb: {  	s7 =	sadd.s32 s7, s2;
	s0 =	sadd.s32 s25, s0;
	s5 =	sshrl.u32 s5, $0x3  }
0xc: {  	s22 =	sadd.s32 $0x2800, s7;
	s23 =	sadd.s32 $0x5000, s7;
	[dreg:$0x4] =	wrdreg s7  }
0xd: {  	s24 =	sadd.s32 $0x7800, s7;
	s26 =	sadd.s32 $0xA000, s7;
	[dreg:$0x6] =	wrdreg s22  }
0xe: {  	s30 =	sadd.s32 $0xC800, s7;
	s9 =	sadd.s32 $0xF000, s7;
	[dreg:$0x7] =	wrdreg s23  }
0xf: {  	s7 =	sadd.s32 $0x11800, s7;
	s13 =	sadd.s32 $0x370, s0;
	[dreg:$0x8] =	wrdreg s24  }
0x10: {  	s15 =	sadd.s32 $0x320, s0;
	s17 =	sadd.s32 $0x2D0, s0;
	[dreg:$0x9] =	wrdreg s26  }
0x11: {  	s18 =	sadd.s32 $0x280, s0;
	s19 =	sadd.s32 $0x230, s0;
	[dreg:$0xa] =	wrdreg s30  }
0x12: {  	s0 =	sadd.s32 $0x1E0, s0;
	s3 =	sshrl.u32 s3, $0x3;
	[dreg:$0xb] =	wrdreg s9  }
0x13: {  	[dreg:$0xc] =	wrdreg s7;
	s14 =	sshrl.u32 s13, $0x3;
	s16 =	sshrl.u32 s15, $0x3  }
0x14: {  	s24 =	sshrl.u32 s19, $0x3;
	[dreg:$0x12] =	wrdreg s0;
	s13 =	simm.s32 $0x2  }
0x15: {  	s19 =	simm.s32 $0x7A80;
	s15 =	simm.s32 $0xC;
	s9 =	simm.s32 $0x80  }
0x16: {  	s8 =	sadd.s32 s3, s1;
	s1 =	sadd.s32 s5, s1;
	s5 =	smax.u32 s20, $0x1  }
0x17: {  	s10 =	sadd.s32 s11, s3;
	s20 =	sadd.s32 s14, s11;
	[dreg:$0x11] =	wrdreg s5  }
0x18: {  	s24 =	sadd.s32 s24, s11;
	s21 =	sadd.s32 $0x13E00, s8;
	[dreg:$0xd] =	wrdreg s10  }
0x19: {  	s14 =	simm.s32 $0x5280;
	s3 =	sadd.s32 $0xA, s10;
	[dreg:$0x5] =	wrdreg s21  }
0x1a: {  	s12 =	sadd.s32 $0x14, s10;
	s1 =	sadd.s32 $0x4FA00, s1;
	[dreg:$0xe] =	wrdreg s3  }
0x1b: {  	s25 =	sadd.s32 $0x1E, s10;
	s26 =	sadd.s32 $0x28, s10;
	[dreg:$0xf] =	wrdreg s12  }
0x1c: {  	s30 =	sadd.s32 $0x32, s10;
	s5 =	simm.s32 $0xE;
	[dreg:$0x10] =	wrdreg s1  }
0x1d: {  	s10 =	simm.s32 $0x5;
	s21 =	sadd.s32 s16, s11;
	[dreg:$0x13] =	wrdreg s25  }
.Ltmp0:
0x1e: {  	s1 =	sshrl.u32 s17, $0x3;
	[dreg:$0x14] =	wrdreg s26;
	(pc) =	sbr.rel .LBB2_1-.Ltmp0, $4  }
0x1f: {  	s3 =	sshrl.u32 s18, $0x3;
	[dreg:$0x15] =	wrdreg s30;
	s12 =	simm.s32 $0x50  }
0x20: {  	s16 =	simm.s32 $0x8;
	s17 =	simm.s32 $0xD;
	s18 =	simm.s32 $0x3  }
0x21: {  	s26 =	simm.s32 $0x9;
	s25 =	simm.s32 $0x4;
	s22 =	sadd.s32 s1, s11  }
0x22: {  	v0 =	vimm.f32 $0.0e+00;
	s23 =	sadd.s32 s3, s11;
	s11 =	simm.s32 $0x6;
	s1 =	simm.s32 $0x0  }
.LBB2_10:
0x23: {  	_ =	swait.ge [sflag:s17], $0x2800  }
0x24: {  	[sflag:s17] =	ssyncset.done $0x0  }
0x25: {  	[sflag:s17] =	ssyncadd.s32 $0xFFFFD800  }
0x26: {  	s0 =	stileid.u32;
	[bflag:$0x0] =	sbarrier.arrive $0xFFFF  }
0x27: {  	s5 =	simm.s32 $0xE;
	s0 =	sshll.u32 s0, $0x6;
	s1 =	rddreg [dreg:$0x4]  }
0x28: {  	s0 =	sor.u32 $0x1C0E, s0;
	s3 =	rddreg [dreg:$0x10];
	s1 =	sshrl.u32 s1, $0x3  }
0x29: {  	[hbm:s3], [sflag:s0] =	dma.local [spmem:s1], $0x2800  }
0x2a: {  	_ =	swait.ge [sflag:s5], $0x2800  }
0x2b: {  	s8 =	rddreg [dreg:$0x16]  }
0x2c: {  	s30 =	rddreg [dreg:$0x11];
	s1 =	sadd.s32 $0x1, s8  }
0x2d: {  	p0 =	sne.s32 s1, s30  }
.Ltmp1:
0x2e: {  	_ = 	snop;
	(pc) =	sbr.rel @!p0 .LBB2_11-.Ltmp1, $3  }
0x2f: {  	_ =	sdelay $0x1  }
0x30: {  	[sflag:s5] =	ssyncset.done $0x0  }
0x31: {  	[sflag:s5] =	ssyncadd.s32 $0xFFFFD800  }
.LBB2_1:
0x32: {  	s0 =	simm.s32 $0x0;
	s30 =	rddreg [dreg:$0x5];
	s3 =	simm.s32 $0x300  }
0x33: {  	[tilespmem:s3], [sflag:$0x7] =	stream.linear.gather [hbm4b:s30+s0], $0x2760, $0x38;
	[tilespmem:$0x1E280] =	vst v63  }
0x34: {  	[dreg:$0x16] =	wrdreg s1;
	s1 =	simm.s32 $0x200;
	s0 =	simm.s32 $0x0  }
.LBB2_2:
0x35: {  	p0 =	sne.s32 s1, $0x9E00;
	[tilespmem:s0+$0x2AF0] =	vst v0  }
0x36: {  	[tilespmem:s0+$0x2A80] =	vst v0  }
0x37: {  	[tilespmem:s0+$0x2A90] =	vst v0  }
.Ltmp2:
0x38: {  	[tilespmem:s0+$0x2AA0] =	vst v0;
	(pc) =	sbr.rel @p0 .LBB2_2-.Ltmp2, $4  }
0x39: {  	[tilespmem:s0+$0x2AB0] =	vst v0  }
0x3a: {  	[tilespmem:s0+$0x2AC0] =	vst v0  }
0x3b: {  	[tilespmem:s0+$0x2AD0] =	vst v0  }
0x3c: {  	[tilespmem:s0+$0x2AE0] =	vst v0;
	s0 =	sshra.s32 s1, $0x2;
	s1 =	sadd.s32 $0x200, s1  }
0x3d: {  	[tilespmem:s0+$0x2AF0] =	vst v0  }
0x3e: {  	[tilespmem:s0+$0x2A80] =	vst v0  }
0x3f: {  	[tilespmem:s0+$0x2A90] =	vst v0  }
0x40: {  	[tilespmem:s0+$0x2AA0] =	vst v0  }
0x41: {  	[tilespmem:s0+$0x2AB0] =	vst v0  }
0x42: {  	[tilespmem:s0+$0x2AC0] =	vst v0  }
0x43: {  	[tilespmem:s0+$0x2AD0] =	vst v0  }
0x44: {  	[tilespmem:s0+$0x2AE0] =	vst v0;
	s1 =	rddreg [dreg:$0x4]  }
0x45: {  	[spmem:s1] =	stream.linear.scatter [tilespmem:s31], [sflag:$0xE], $0x2800, $0x38;
	[tilespmem:$0x1E280] =	vst v63  }
0x46: {  	_ =	swait.ge [sflag:s5], $0x2800  }
0x47: {  	[sflag:s5] =	ssyncset.done $0x0  }
0x48: {  	s3 =	rddreg [dreg:$0x6];
	[sflag:s5] =	ssyncadd.s32 $0xFFFFD800  }
0x49: {  	[spmem:s3] =	stream.linear.scatter [tilespmem:s31], [sflag:$0xE], $0x2800, $0x38;
	[tilespmem:$0x1E280] =	vst v63  }
0x4a: {  	_ =	swait.ge [sflag:s5], $0x2800  }
0x4b: {  	[sflag:s5] =	ssyncset.done $0x0  }
0x4c: {  	s6 =	rddreg [dreg:$0x7];
	[sflag:s5] =	ssyncadd.s32 $0xFFFFD800  }
0x4d: {  	[spmem:s6] =	stream.linear.scatter [tilespmem:s31], [sflag:$0xE], $0x2800, $0x38;
	[tilespmem:$0x1E280] =	vst v63  }
0x4e: {  	_ =	swait.ge [sflag:s5], $0x2800  }
0x4f: {  	[sflag:s5] =	ssyncset.done $0x0  }
0x50: {  	s7 =	rddreg [dreg:$0x8];
	[sflag:s5] =	ssyncadd.s32 $0xFFFFD800  }
0x51: {  	[spmem:s7] =	stream.linear.scatter [tilespmem:s31], [sflag:$0xE], $0x2800, $0x38;
	[tilespmem:$0x1E280] =	vst v63  }
0x52: {  	_ =	swait.ge [sflag:s5], $0x2800  }
0x53: {  	[sflag:s5] =	ssyncset.done $0x0  }
0x54: {  	s8 =	rddreg [dreg:$0x9];
	[sflag:s5] =	ssyncadd.s32 $0xFFFFD800  }
0x55: {  	[spmem:s8] =	stream.linear.scatter [tilespmem:s31], [sflag:$0xE], $0x2800, $0x38;
	[tilespmem:$0x1E280] =	vst v63  }
0x56: {  	_ =	swait.ge [sflag:s5], $0x2800  }
0x57: {  	[sflag:s5] =	ssyncset.done $0x0  }
0x58: {  	s30 =	rddreg [dreg:$0xa];
	[sflag:s5] =	ssyncadd.s32 $0xFFFFD800  }
0x59: {  	[spmem:s30] =	stream.linear.scatter [tilespmem:s31], [sflag:$0xE], $0x2800, $0x38;
	[tilespmem:$0x1E280] =	vst v63  }
0x5a: {  	_ =	swait.ge [sflag:s5], $0x2800  }
0x5b: {  	[sflag:s5] =	ssyncset.done $0x0  }
0x5c: {  	s1 =	rddreg [dreg:$0xb];
	[sflag:s5] =	ssyncadd.s32 $0xFFFFD800  }
0x5d: {  	[spmem:s1] =	stream.linear.scatter [tilespmem:s31], [sflag:$0xE], $0x2800, $0x38;
	[tilespmem:$0x1E280] =	vst v63  }
0x5e: {  	_ =	swait.ge [sflag:s5], $0x2800  }
0x5f: {  	[sflag:s5] =	ssyncset.done $0x0  }
0x60: {  	s3 =	rddreg [dreg:$0xc];
	[sflag:s5] =	ssyncadd.s32 $0xFFFFD800  }
0x61: {  	[spmem:s3] =	stream.linear.scatter [tilespmem:s31], [sflag:$0xE], $0x2800, $0x38;
	[tilespmem:$0x1E280] =	vst v63  }
0x62: {  	_ =	swait.ge [sflag:s5], $0x2800  }
0x63: {  	[sflag:s5] =	ssyncset.done $0x0  }
0x64: {  	[sflag:s5] =	ssyncadd.s32 $0xFFFFD800  }
0x65: {  	[bflag:$0x0] =	sbarrier.arrive $0xFFFF  }
0x66: {  	s3 =	simm.s32 $0x0;
	s6 =	rddreg [dreg:$0xd]  }
0x67: {  	[tilespmem:s3], [sflag:$0x1] =	stream.linear.gather [hbm4b:s6+s3], $0x50, $0x38;
	[tilespmem:$0x1E280] =	vst v63  }
0x68: {  	s1 =	simm.s32 $0x80;
	s7 =	rddreg [dreg:$0xe]  }
0x69: {  	[tilespmem:s1], [sflag:$0x2] =	stream.linear.gather [hbm4b:s7+s3], $0x50, $0x38;
	[tilespmem:$0x1E280] =	vst v63  }
0x6a: {  	s30 =	simm.s32 $0x100;
	s8 =	rddreg [dreg:$0xf]  }
0x6b: {  	[tilespmem:s30], [sflag:$0x3] =	stream.linear.gather [hbm4b:s8+s3], $0x50, $0x38;
	[tilespmem:$0x1E280] =	vst v63  }
0x6c: {  	s6 =	rddreg [dreg:$0x13];
	s7 =	simm.s32 $0x180  }
0x6d: {  	[tilespmem:s7], [sflag:$0x4] =	stream.linear.gather [hbm4b:s6+s3], $0x50, $0x38;
	[tilespmem:$0x1E280] =	vst v63  }
0x6e: {  	s8 =	rddreg [dreg:$0x14];
	s30 =	simm.s32 $0x200  }
0x6f: {  	[tilespmem:s30], [sflag:$0x5] =	stream.linear.gather [hbm4b:s8+s3], $0x50, $0x38;
	[tilespmem:$0x1E280] =	vst v63  }
0x70: {  	s6 =	rddreg [dreg:$0x15];
	s7 =	simm.s32 $0x280;
	s8 =	simm.s32 $0x7  }
0x71: {  	[tilespmem:s7], [sflag:$0x6] =	stream.linear.gather [hbm4b:s6+s3], $0x50, $0x38;
	[tilespmem:$0x1E280] =	vst v63  }
0x72: {  	_ =	swait.ge [sflag:s8], $0x2760  }
0x73: {  	[sflag:s8] =	ssyncset.done $0x0  }
0x74: {  	s30 =	simm.s32 $0x1;
	[sflag:s8] =	ssyncadd.s32 $0xFFFFD8A0  }
0x75: {  	_ =	swait.ge [sflag:s30], $0x50  }
0x76: {  	[sflag:s30] =	ssyncset.done $0x0  }
0x77: {  	[sflag:s30] =	ssyncadd.s32 $0xFFFFFFB0  }
0x78: {  	[tilespmem:s31], [sflag:$0x8] =	stream.indirect.gather [hbm4b:s4+s12], $0x80, s3, s12, $0xb8;
	[tilespmem:$0x1E280] =	vst v63  }
0x79: {  	_ =	swait.ge [sflag:s13], $0x50  }
0x7a: {  	[sflag:s13] =	ssyncset.done $0x0  }
0x7b: {  	[sflag:s13] =	ssyncadd.s32 $0xFFFFFFB0  }
0x7c: {  	[tilespmem:s14], [sflag:$0x9] =	stream.indirect.gather [hbm4b:s4+s12], $0x80, s1, s12, $0xb8;
	[tilespmem:$0x1E280] =	vst v63  }
0x7d: {  	s5 =	simm.s32 $0x300;
	s1 =	rddreg [dreg:$0x12]  }
.LBB2_4:
0x7e: {  	p0 =	sne.s32 s3, $0x4B0  }
.Ltmp3:
0x7f: {  	_ = 	snop;
	(pc) =	sbr.rel @p0 .LBB2_6-.Ltmp3, $4  }
0x80: {  	_ = 	snop  }
0x81: {  	_ =	swait.ge [sflag:s16], $0x2800  }
0x82: {  	[sflag:s16] =	ssyncset.done $0x0  }
0x83: {  	[sflag:s16] =	ssyncadd.s32 $0xFFFFD800  }
.Ltmp4:
0x84: {  	(pc) =	sbr.rel .LBB2_7-.Ltmp4, $3  }
0x85: {  	_ =	sdelay $0x1  }
0x86: {  	s6 =	simm.s32 $0x2880  }
0x87: {  	[spmem:s2] =	stream.indirect.scatter.add.f32 [tilespmem:s31], [sflag:$0xB], $0x80, s6, s12, $0xb8;
	[tilespmem:$0x1E280] =	vst v63  }
.LBB2_6:
0x88: {  	p0 =	seq.s32 s3, $0x0  }
.Ltmp5:
0x89: {  	s0 =	sshrl.u32 s1, $0x3;
	s6 =	rddreg [dreg:$0x3];
	(pc) =	sbr.rel @p0 .LBB2_8-.Ltmp5, $4  }
0x8a: {  	s30 =	simm.s32 $0x0;
	s0 =	sadd.s32 s6, s0  }
0x8b: {  	[tilespmem:s30], [sflag:$0x1] =	stream.linear.gather [hbm4b:s0+s30], $0x50, $0x38;
	[tilespmem:$0x1E280] =	vst v63  }
0x8c: {  	s6 =	smov.u32 s5  }
0x8d: {  	[spmem:s2] =	stream.indirect.scatter.add.f32 [tilespmem:s31], [sflag:$0xB], $0x80, s5, s12, $0xb8;
	[tilespmem:$0x1E280] =	vst v63  }
.LBB2_7:
0x8e: {  	_ =	swait.ge [sflag:s17], $0x2800  }
0x8f: {  	[sflag:s17] =	ssyncset.done $0x0  }
0x90: {  	[sflag:s17] =	ssyncadd.s32 $0xFFFFD800  }
.LBB2_8:
0x91: {  	_ =	swait.ge [sflag:s18], $0x50  }
0x92: {  	[sflag:s18] =	ssyncset.done $0x0  }
0x93: {  	s0 =	simm.s32 $0x100;
	[sflag:s18] =	ssyncadd.s32 $0xFFFFFFB0  }
0x94: {  	[tilespmem:s19], [sflag:$0xA] =	stream.indirect.gather [hbm4b:s4+s12], $0x80, s0, s12, $0xb8;
	[tilespmem:$0x1E280] =	vst v63  }
0x95: {  	p0 =	seq.s32 s3, $0x4B0;
	_ =	swait.ge [sflag:s26], $0x2800  }
0x96: {  	s30 =	sadd.s32 @!p0 s3, s24;
	[sflag:s26] =	ssyncset.done $0x0  }
0x97: {  	s7 =	simm.s32 @!p0 $0x80;
	s0 =	simm.s32 @!p0 $0x0;
	[sflag:s26] =	ssyncadd.s32 $0xFFFFD800  }
0x98: {  	[tilespmem:s7], [sflag:$0x2] =	stream.linear.gather @!p0 [hbm4b:s30+s0], $0x50, $0x38;
	[tilespmem:$0x1E280] =	vst v63  }
0x99: {  	s30 =	sadd.s32 $0x50, s6  }
0x9a: {  	[spmem:s2] =	stream.indirect.scatter.add.f32 [tilespmem:s14], [sflag:$0xC], $0x80, s30, s12, $0xb8;
	[tilespmem:$0x1E280] =	vst v63  }
0x9b: {  	_ =	swait.ge [sflag:s28], $0x2800  }
0x9c: {  	[sflag:s28] =	ssyncset.done $0x0  }
0x9d: {  	[sflag:s28] =	ssyncadd.s32 $0xFFFFD800  }
0x9e: {  	_ =	swait.ge [sflag:s25], $0x50  }
0x9f: {  	[sflag:s25] =	ssyncset.done $0x0  }
0xa0: {  	s8 =	simm.s32 $0x180;
	[sflag:s25] =	ssyncadd.s32 $0xFFFFFFB0  }
0xa1: {  	[tilespmem:s31], [sflag:$0x8] =	stream.indirect.gather [hbm4b:s4+s12], $0x80, s8, s12, $0xb8;
	[tilespmem:$0x1E280] =	vst v63  }
0xa2: {  	_ =	swait.ge [sflag:s29], $0x2800  }
0xa3: {  	[sflag:s29] =	ssyncset.done $0x0  }
0xa4: {  	s7 =	sadd.s32 @!p0 s3, s23;
	s30 =	simm.s32 @!p0 $0x100;
	[sflag:s29] =	ssyncadd.s32 $0xFFFFD800  }
0xa5: {  	[tilespmem:s30], [sflag:$0x3] =	stream.linear.gather @!p0 [hbm4b:s7+s0], $0x50, $0x38;
	[tilespmem:$0x1E280] =	vst v63  }
0xa6: {  	s30 =	sadd.s32 $0xA0, s6  }
0xa7: {  	[spmem:s2] =	stream.indirect.scatter.add.f32 [tilespmem:s19], [sflag:$0xD], $0x80, s30, s12, $0xb8;
	[tilespmem:$0x1E280] =	vst v63  }
0xa8: {  	_ =	swait.ge [sflag:s15], $0x2800  }
0xa9: {  	[sflag:s15] =	ssyncset.done $0x0  }
0xaa: {  	[sflag:s15] =	ssyncadd.s32 $0xFFFFD800  }
0xab: {  	_ =	swait.ge [sflag:s10], $0x50  }
0xac: {  	[sflag:s10] =	ssyncset.done $0x0  }
0xad: {  	s8 =	simm.s32 $0x200;
	[sflag:s10] =	ssyncadd.s32 $0xFFFFFFB0  }
0xae: {  	[tilespmem:s14], [sflag:$0x9] =	stream.indirect.gather [hbm4b:s4+s12], $0x80, s8, s12, $0xb8;
	[tilespmem:$0x1E280] =	vst v63  }
0xaf: {  	_ =	swait.ge [sflag:s16], $0x2800  }
0xb0: {  	[sflag:s16] =	ssyncset.done $0x0  }
0xb1: {  	s7 =	sadd.s32 @!p0 s3, s22;
	s30 =	simm.s32 @!p0 $0x180;
	[sflag:s16] =	ssyncadd.s32 $0xFFFFD800  }
0xb2: {  	[tilespmem:s30], [sflag:$0x4] =	stream.linear.gather @!p0 [hbm4b:s7+s0], $0x50, $0x38;
	[tilespmem:$0x1E280] =	vst v63  }
0xb3: {  	s30 =	sadd.s32 $0xF0, s6  }
0xb4: {  	[spmem:s2] =	stream.indirect.scatter.add.f32 [tilespmem:s31], [sflag:$0xB], $0x80, s30, s12, $0xb8;
	[tilespmem:$0x1E280] =	vst v63  }
0xb5: {  	_ =	swait.ge [sflag:s17], $0x2800  }
0xb6: {  	[sflag:s17] =	ssyncset.done $0x0  }
0xb7: {  	[sflag:s17] =	ssyncadd.s32 $0xFFFFD800  }
0xb8: {  	_ =	swait.ge [sflag:s11], $0x50  }
0xb9: {  	[sflag:s11] =	ssyncset.done $0x0  }
0xba: {  	s8 =	simm.s32 $0x280;
	[sflag:s11] =	ssyncadd.s32 $0xFFFFFFB0  }
0xbb: {  	[tilespmem:s19], [sflag:$0xA] =	stream.indirect.gather [hbm4b:s4+s12], $0x80, s8, s12, $0xb8;
	[tilespmem:$0x1E280] =	vst v63  }
0xbc: {  	_ =	swait.ge [sflag:s26], $0x2800  }
0xbd: {  	s7 =	sadd.s32 @p0 $0x140, s6;
	[sflag:s26] =	ssyncset.done $0x0  }
0xbe: {  	s30 =	simm.s32 @p0 $0x50;
	s8 =	simm.s32 @p0 $0x5280;
	[sflag:s26] =	ssyncadd.s32 $0xFFFFD800  }
0xbf: {  	[spmem:s2] =	stream.indirect.scatter.add.f32 @p0 [tilespmem:s8], [sflag:$0xC], $0x80, s7, s30, $0xb8;
	[tilespmem:$0x1E280] =	vst v63  }
0xc0: {  	s7 =	simm.s32 @p0 $0xB  }
0xc1: {  	_ =	swait.ge @p0 [sflag:s7], $0x2800  }
0xc2: {  	[sflag:s7] =	ssyncset.done @p0 $0x0  }
0xc3: {  	[sflag:s7] =	ssyncadd.s32 @p0 $0xFFFFD800;
	s7 =	simm.s32 @p0 $0xA  }
0xc4: {  	_ =	swait.ge @p0 [sflag:s7], $0x2800  }
0xc5: {  	[sflag:s7] =	ssyncset.done @p0 $0x0  }
0xc6: {  	s8 =	simm.s32 @!p0 $0x200;
	[sflag:s7] =	ssyncadd.s32 @p0 $0xFFFFD800;
	s7 =	sadd.s32 @!p0 s3, s21  }
0xc7: {  	[tilespmem:s8], [sflag:$0x5] =	stream.linear.gather @!p0 [hbm4b:s7+s0], $0x50, $0x38;
	[tilespmem:$0x1E280] =	vst v63  }
0xc8: {  	s30 =	simm.s32 @!p0 $0x5280;
	s7 =	sadd.s32 @!p0 $0x140, s6;
	s8 =	simm.s32 @!p0 $0x50  }
0xc9: {  	[spmem:s2] =	stream.indirect.scatter.add.f32 @!p0 [tilespmem:s30], [sflag:$0xC], $0x80, s7, s8, $0xb8;
	[tilespmem:$0x1E280] =	vst v63  }
0xca: {  	s7 =	simm.s32 @!p0 $0xB  }
0xcb: {  	_ =	swait.ge @!p0 [sflag:s7], $0x2800  }
0xcc: {  	[sflag:s7] =	ssyncset.done @!p0 $0x0  }
0xcd: {  	[sflag:s7] =	ssyncadd.s32 @!p0 $0xFFFFD800;
	s7 =	simm.s32 @!p0 $0x1  }
0xce: {  	_ =	swait.ge @!p0 [sflag:s7], $0x50  }
0xcf: {  	[sflag:s7] =	ssyncset.done @!p0 $0x0  }
0xd0: {  	[sflag:s7] =	ssyncadd.s32 @!p0 $0xFFFFFFB0;
	s7 =	simm.s32 @!p0 $0x2A80  }
0xd1: {  	[tilespmem:s7], [sflag:$0x8] =	stream.indirect.gather @!p0 [hbm4b:s4+s8], $0x80, s0, s8, $0xb8;
	[tilespmem:$0x1E280] =	vst v63  }
0xd2: {  	s7 =	simm.s32 @!p0 $0xA  }
0xd3: {  	_ =	swait.ge @!p0 [sflag:s7], $0x2800  }
0xd4: {  	[sflag:s7] =	ssyncset.done @!p0 $0x0  }
0xd5: {  	s8 =	simm.s32 @!p0 $0x280;
	[sflag:s7] =	ssyncadd.s32 @!p0 $0xFFFFD800;
	s7 =	sadd.s32 @!p0 s3, s20  }
0xd6: {  	[tilespmem:s8], [sflag:$0x6] =	stream.linear.gather @!p0 [hbm4b:s7+s0], $0x50, $0x38;
	[tilespmem:$0x1E280] =	vst v63  }
.Ltmp6:
0xd7: {  	s30 =	sadd.s32 $0x190, s6;
	(pc) =	sbr.rel @p0 .LBB2_10-.Ltmp6, $4  }
0xd8: {  	[spmem:s2] =	stream.indirect.scatter.add.f32 [tilespmem:s19], [sflag:$0xD], $0x80, s30, s12, $0xb8;
	[tilespmem:$0x1E280] =	vst v63  }
0xd9: {  	_ =	swait.ge [sflag:s15], $0x2800  }
0xda: {  	[sflag:s15] =	ssyncset.done $0x0  }
0xdb: {  	[sflag:s15] =	ssyncadd.s32 $0xFFFFD800  }
.Ltmp7:
0xdc: {  	(pc) =	sbr.rel .LBB2_4-.Ltmp7, $4  }
0xdd: {  	_ =	swait.ge [sflag:s13], $0x50  }
0xde: {  	s3 =	sadd.s32 $0x3C, s3;
	[sflag:s13] =	ssyncset.done $0x0  }
0xdf: {  	s1 =	sadd.s32 $0x1E0, s1;
	s5 =	sadd.s32 $0x1E0, s5;
	[sflag:s13] =	ssyncadd.s32 $0xFFFFFFB0  }
0xe0: {  	[tilespmem:s14], [sflag:$0x9] =	stream.indirect.gather [hbm4b:s4+s12], $0x80, s9, s12, $0xb8;
	[tilespmem:$0x1E280] =	vst v63  }
.LBB2_11:
0xe1: {  	_ =	sfence.sel $0x180000  }
0xe2: {  	[bflag:$0x0] =	sbarrier.arrive $0xFFFF  }
0xe3: {  	_ =	strace $0x9000004A  }
0xe4: {  	s0 =	stileid.u32;
	[bflag:$0x2] =	sbarrier.arrive $0xFFFF  }
0xe5: {  	p0 =	sne.s32 s0, $0x0;
	s0 =	rddreg [dreg:$0x2]  }
0xe6: {  	s0 =	sadd.s32 @!p0 $0x100000, s0  }
0xe7: {  	[sflag:s0] =	ssyncadd.tile.s32 @!p0 $0x1;
	_ =	shalt  }
.Lfunc_end2:
_tile_overlayer_lowered:
.L_overlay_start_2:
0xe8: {  	(tag) =	ssettag $0x2  }
0xe9: {  	s0 =	rddreg [dreg:$0x0];
	s2 =	stileid.u32  }
0xea: {  	s1 =	rddreg [dreg:$0x1];
	p0 =	sne.s32 s2, $0x0  }
0xeb: {  	s3 =	rddreg [dreg:$0x2];
	[bflag:$0x3] =	sbarrier.arrive $0xFFFF;
	s2 =	simm.s32 @!p0 $0x1C0E  }
0xec: {  	[timem:s3], [sflag:s2] =	dma.local @!p0 [hbm:s0], s1  }
0xed: {  	s0 =	simm.s32 @!p0 $0xE  }
0xee: {  	_ =	swait.ge @!p0 [sflag:s0], s1  }
0xef: {  	s1 =	ssub.s32 @!p0 $0x0, s1;
	[sflag:s0] =	ssyncset.done @!p0 $0x0  }
0xf0: {  	[sflag:s0] =	ssyncadd.s32 @!p0 s1  }
0xf1: {  	[bflag:$0x3] =	sbarrier.arrive $0xFFFF  }
0xf2: {  	_ =	shalt  }

// kernel: kernel.17.cloned.1.call-start
scs
__scs_entry_jumppad:
0x0: {  	(pc) =	sbr.rel $0x88, $3  }
0x1: {  	(tag) =	ssettag $0x0;
	lr =	simm.s32 $0x1  }
0x2: {  	[smem:$0x3F99] =	sst lr;
	_ =	strace $0xD0000000  }
0x3: {  	_ = 	snop  }
0x4: {  	_ = 	snop  }
0x5: {  	_ = 	snop  }
0x6: {  	_ = 	snop  }
0x7: {  	_ = 	snop  }
__scs_overlays_trampoline_lowered:
0x8: {  	[smem:$0x3FA8] =	sst s0  }
0x9: {  	[smem:$0x3FA9] =	sst s1  }
0xa: {  	[smem:$0x3FAA] =	sst s2  }
0xb: {  	[smem:$0x3FAB] =	sst s3  }
0xc: {  	[smem:$0x3FAC] =	sst s4  }
0xd: {  	[smem:$0x3FAD] =	sst s5  }
0xe: {  	[smem:$0x3FAE] =	sst s6  }
0xf: {  	[smem:$0x3FAF] =	sst s7  }
0x10: {  	[smem:$0x3FB0] =	sst s8  }
0x11: {  	[smem:$0x3FB1] =	sst s9;
	s0 =	simm.s32 @!p0 $0x0  }
0x12: {  	s1 =	sld [smem:$0x3F97];
	s0 =	simm.s32 @p0 $0x1  }
0x13: {  	[smem:$0x3FB2] =	sst s0;
	s0 =	simm.s32 @!p1 $0x0  }
0x14: {  	s2 =	sld [smem:$0x3F96];
	s0 =	simm.s32 @p1 $0x1  }
0x15: {  	[smem:$0x3FB3] =	sst s0;
	s0 =	simm.s32 @!p2 $0x0  }
0x16: {  	s3 =	sld [smem:$0x3FDB];
	s0 =	simm.s32 @p2 $0x1  }
0x17: {  	s4 =	simm.s32 $0x1BF5;
	[smem:$0x3FB5] =	sst s0  }
0x18: {  	s0 =	sld [smem:$0x3F98];
	_ =	swait.ge [sflag:s4], $0x0  }
0x19: {  	s7 =	sld [smem:$0x3F99]  }
0x1a: {  	s8 =	sadd.s32 $0xFFFFE003, lr  }
0x1b: {  	s9 =	sadd.s32 $0xFFFFFEF7, lr;
	s5 =	simm.s32 $0xFFFFFFFF;
	p2 =	slt.u32 s8, $0xFFFFF086  }
0x1c: {  	p1 =	slt.u32 s9, $0xF7A;
	s5 =	simm.s32 @!p2 $0x0  }
0x1d: {  	s5 =	simm.s32 @p1 $0x1;
	p0 =	seq.s32 s7, s2  }
0x1e: {  	s7 =	smul.u32 @!p0 $0xF7A, s2;
	p2 =	seq.s32 @!p0 s5, $0x0  }
0x1f: {  	s9 =	smul.u32 $0xF7A, s1;
	s8 =	simm.s32 @!p0 $0x1BF5;
	p2 =	por !p2, p0  }
0x20: {  	[sflag:s8] =	ssyncset.s32 @!p0 $0xFFFFF086;
	s6 =	sadd.s32 @!p0 s3, s7;
	s7 =	simm.s32 @!p0 $0x108  }
0x21: {  	s3 =	sadd.s32 s3, s9;
	s6 =	sadd.s32 @!p0 $0x88, s6;
	s7 =	simm.s32 @p2 $0x1082  }
0x22: {  	[simem:s7], [sflag:s8] =	dma.local @!p0 [hbm:s6], $0xF7A  }
0x23: {  	s9 =	sor.u32 $0xD0000000, s2;
	s6 =	simm.s32 $0x108;
	_ =	swait.ge @!p0 [sflag:s8], $0x0  }
0x24: {  	s3 =	sadd.s32 $0x88, s3;
	s6 =	simm.s32 @!p1 $0x1082;
	[sflag:s4] =	ssyncset.s32 $0xFFFFF086  }
0x25: {  	[simem:s6], [sflag:s4] =	dma.local [hbm:s3], $0xF7A  }
0x26: {  	[smem:$0x3F99] =	sst s1;
	(tag) =	ssettag s2;
	_ =	strace s9  }
0x27: {  	s1 =	sld [smem:$0x3FA9]  }
0x28: {  	s2 =	sld [smem:$0x3FAA]  }
0x29: {  	s4 =	sld [smem:$0x3FAC]  }
0x2a: {  	p0 =	seq.s32 s5, $0x0;
	s5 =	sld [smem:$0x3FAD]  }
0x2b: {  	s6 =	sld [smem:$0x3FAE]  }
0x2c: {  	s7 =	sld [smem:$0x3FAF]  }
0x2d: {  	s3 =	simm.s32 $0x108;
	s8 =	sld [smem:$0x3FB0]  }
0x2e: {  	s3 =	simm.s32 @!p0 $0x1082;
	s9 =	sld [smem:$0x3FB1]  }
0x2f: {  	lr =	sadd.s32 s0, s3;
	s0 =	sld [smem:$0x3FA8]  }
0x30: {  	s3 =	sld [smem:$0x3FAB]  }
0x31: {  	[smem:$0x3FB4] =	sst s10  }
0x32: {  	s10 =	sld [smem:$0x3FB2];
	_ =	sdelay $0x3  }
0x33: {  	p0 =	seq.s32 s10, $0x1;
	s10 =	sld [smem:$0x3FB4];
	_ =	sdelay $0x3  }
0x34: {  	[smem:$0x3FB4] =	sst s10  }
0x35: {  	s10 =	sld [smem:$0x3FB3];
	_ =	sdelay $0x3  }
0x36: {  	p1 =	seq.s32 s10, $0x1;
	s10 =	sld [smem:$0x3FB4];
	_ =	sdelay $0x3  }
0x37: {  	[smem:$0x3FB4] =	sst s10  }
0x38: {  	s10 =	sld [smem:$0x3FB5]  }
0x39: {  	_ = 	snop;
	(pc) =	sbr.ind lr, $3  }
0x3a: {  	_ = 	snop  }
0x3b: {  	_ = 	snop  }
0x3c: {  	p2 =	seq.s32 s10, $0x1;
	s10 =	sld [smem:$0x3FB4]  }
0x3d: {  	_ =	shalt  }
0x3e: {  	_ =	shalt  }
0x3f: {  	_ =	shalt  }
0x40: {  	_ =	shalt  }
0x41: {  	_ =	shalt  }
0x42: {  	_ =	shalt  }
0x43: {  	_ =	shalt  }
0x44: {  	_ =	shalt  }
0x45: {  	_ =	shalt  }
0x46: {  	_ =	shalt  }
0x47: {  	_ =	shalt  }
0x48: {  	_ =	shalt  }
0x49: {  	_ =	shalt  }
0x4a: {  	_ =	shalt  }
0x4b: {  	_ =	shalt  }
0x4c: {  	_ =	shalt  }
0x4d: {  	_ =	shalt  }
0x4e: {  	_ =	shalt  }
0x4f: {  	_ =	shalt  }
0x50: {  	_ =	shalt  }
0x51: {  	_ =	shalt  }
0x52: {  	_ =	shalt  }
0x53: {  	_ =	shalt  }
0x54: {  	_ =	shalt  }
0x55: {  	_ =	shalt  }
0x56: {  	_ =	shalt  }
0x57: {  	_ =	shalt  }
0x58: {  	_ =	shalt  }
0x59: {  	_ =	shalt  }
0x5a: {  	_ =	shalt  }
0x5b: {  	_ =	shalt  }
0x5c: {  	_ =	shalt  }
0x5d: {  	_ =	shalt  }
0x5e: {  	_ =	shalt  }
0x5f: {  	_ =	shalt  }
0x60: {  	_ =	shalt  }
0x61: {  	_ =	shalt  }
0x62: {  	_ =	shalt  }
0x63: {  	_ =	shalt  }
0x64: {  	_ =	shalt  }
0x65: {  	_ =	shalt  }
0x66: {  	_ =	shalt  }
0x67: {  	_ =	shalt  }
0x68: {  	_ =	shalt  }
0x69: {  	_ =	shalt  }
0x6a: {  	_ =	shalt  }
0x6b: {  	_ =	shalt  }
0x6c: {  	_ =	shalt  }
0x6d: {  	_ =	shalt  }
0x6e: {  	_ =	shalt  }
0x6f: {  	_ =	shalt  }
0x70: {  	_ =	shalt  }
0x71: {  	_ =	shalt  }
0x72: {  	_ =	shalt  }
0x73: {  	_ =	shalt  }
0x74: {  	_ =	shalt  }
0x75: {  	_ =	shalt  }
0x76: {  	_ =	shalt  }
0x77: {  	_ =	shalt  }
0x78: {  	_ =	shalt  }
0x79: {  	_ =	shalt  }
0x7a: {  	_ =	shalt  }
0x7b: {  	_ =	shalt  }
0x7c: {  	_ =	shalt  }
0x7d: {  	_ =	shalt  }
0x7e: {  	_ =	shalt  }
0x7f: {  	_ =	shalt  }
0x80: {  	_ =	shalt  }
0x81: {  	_ =	shalt  }
0x82: {  	_ =	shalt  }
0x83: {  	_ =	shalt  }
0x84: {  	_ =	shalt  }
0x85: {  	_ =	shalt  }
0x86: {  	_ =	shalt  }
0x87: {  	_ =	shalt  }
.Lfunc_end0:
.L_simem_size_0:
called_computation.2_lowered:
.L_overlay_start_0:
0x88: {  	s2 =	sld [smem:$0x3FD9]  }
0x89: {  	s3 =	sld [smem:$0x3FFE];
	_ =	sdelay $0x1  }
0x8a: {  	s1 =	srdreg.scid  }
0x8b: {  	s0 =	sand.u32 $0x1, s1  }
0x8c: {  	s16 =	sshll.u32 s0, $0xA;
	s2 =	sadd.s32 s3, s2  }
0x8d: {  	s2 =	sadd.s32 s2, s16  }
0x8e: {  	[smem:$0x3FC0] =	sst s2  }
0x8f: {  	_ = 	snop  }
0x90: {  	(tm) =	ssettm $0x1  }
0x91: {  	s17 =	sld [smem:$0x3FFB];
	_ =	sdelay $0x3  }
0x92: {  	_ =	strace s17  }
0x93: {  	s2 =	sld [smem:$0x3FFC];
	_ =	sdelay $0x3  }
0x94: {  	_ =	strace s2  }
0x95: {  	s2 =	sld [smem:$0x3FFD];
	_ =	sdelay $0x3  }
0x96: {  	_ =	strace s2  }
0x97: {  	_ =	strace $0x8FFFFFFF  }
0x98: {  	s18 =	sld [smem:$0x3FDB];
	_ =	sdelay $0x1  }
0x99: {  	s19 =	simm.s32 $_scs_section_size  }
0x9a: {  	s4 =	simm.s32 $_size__tile_overlayer_lowered;
	s5 =	simm.s32 $_tile_overlayer_lowered  }
0x9b: {  	s22 =	simm.s32 $0x1BFF;
	s21 =	sshll.u32 s5, $0x1;
	s2 =	sadd.s32 s19, s18  }
0x9c: {  	s6 =	simm.s32 $0x0;
	s20 =	sshll.u32 s4, $0x1;
	s4 =	sadd.s32 s21, s2  }
0x9d: {  	[timem:s6], [sflag:s22] =	dma.local [hbm:s4], s20  }
0x9e: {  	_ =	swait.ge [sflag:s22], s20  }
0x9f: {  	s3 =	ssub.s32 $0x0, s20;
	[sflag:s22] =	ssyncset.done $0x0  }
0xa0: {  	[sflag:s22] =	ssyncadd.s32 s3;
	_ =	sdelay $0x1  }
0xa1: {  	s23 =	simm.s32 $0x1B8B  }
0xa2: {  	_ =	swait.ge [sflag:s23], $0x1  }
0xa3: {  	[sflag:s23] =	ssyncset.done $0x0  }
0xa4: {  	s25 =	simm.s32 $0x1B8E;
	s24 =	sld [smem:$0x3FFE];
	[sflag:s23] =	ssyncadd.s32 $0xFFFFFFFF  }
0xa5: {  	s26 =	simm.s32 $execute0_lowered;
	[smem:$0x3FD2] =	sst s25  }
0xa6: {  	s4 =	sshll.u32 s26, $0x1;
	_ =	strace $0x8000004C;
	[dreg:$0x1] =	wrdreg $0xFFFFFFFF  }
0xa7: {  	s28 =	simm.s32 $_size_execute0_lowered;
	s2 =	sadd.s32 s2, s4;
	[dreg:$0x0] =	wrdreg $0x0  }
0xa8: {  	s4 =	sshll.u32 s28, $0x1;
	[dreg:$0x2] =	wrdreg s2  }
0xa9: {  	[dreg:$0x3] =	wrdreg s4  }
0xaa: {  	[dreg:$0x4] =	wrdreg $0xC0  }
0xab: {  	_ =	task [dreg:s6], $0x5FFFF  }
0xac: {  	[dreg:$0x1] =	wrdreg $0xFFFFFFFF  }
0xad: {  	[dreg:$0x0] =	wrdreg $0x60  }
0xae: {  	[dreg:$0x2] =	wrdreg s24  }
0xaf: {  	[dreg:$0x3] =	wrdreg $0xA2800  }
0xb0: {  	[dreg:$0x4] =	wrdreg $0x9  }
0xb1: {  	_ =	task.clear_ibuf [dreg:s6], $0x5FFFF;
	_ =	strace $0x9000004C  }
0xb2: {  	s29 =	simm.s32 $0x9;
	_ =	strace $0x8000004E  }
0xb3: {  	_ =	swait.ge [sflag:s29], $0x1  }
0xb4: {  	[sflag:s29] =	ssyncadd.s32 $0xFFFFFFFF  }
0xb5: {  	_ =	strace $0x9000004E  }
0xb6: {  	_ =	sfence  }
0xb7: {  	s30 =	sld [smem:$0x0];
	_ =	sdelay $0x2  }
0xb8: {  	s31 =	sshll.u32 s1, $0xD;
	s1 =	sshrl.u32 s1, $0x2  }
0xb9: {  	s3 =	sand.u32 $0x4000, s31;
	s1 =	sadd.s32 s1, s30  }
0xba: {  	s0 =	sor.u32 s3, s0;
	s1 =	sshll.u32 s1, $0x11  }
0xbb: {  	s0 =	sor.u32 s1, s0  }
0xbc: {  	s0 =	sadd.s32 $0x8F2B, s0  }
0xbd: {  	[sflag:s0] =	ssyncadd.remote.s32 $0x1  }
0xbe: {  	_ =	sfence.sel $0xFFFF  }
0xbf: {  	[dreg:$0x0] =	wrdreg $0xFFFFFFFF;
	(pc) =	sbr.abs _section_cstart, $3  }
0xc0: {  	[dreg:$0x1] =	wrdreg $0xFFFFFFFF  }
0xc1: {  	_ =	task.clear_ibuf [dreg:s6], $0x2FFFF;
	_ =	strace $0x9FFFFFFF  }
0xc2: {  	(tm) =	ssettm $0x7FFFFFFF  }
0xc3: {  	_ =	shalt  }
tec
execute0_lowered:
.L_overlay_start_1:
0x0: {  	(tag) =	ssettag $0x1  }
0x1: {  	s0 =	srdreg.scid  }
0x2: {  	s1 =	rddreg [dreg:$0x0];
	s10 =	stileid.u32  }
0x3: {  	s2 =	rddreg [dreg:$0x1];
	s4 =	simm.s32 $0x0;
	s31 =	simm.s32 $0x2A80  }
0x4: {  	s28 =	simm.s32 $0xB;
	s29 =	simm.s32 $0xA;
	s6 =	smul.u32 $0x14000, s10  }
0x5: {  	s0 =	sand.u32 $0x1, s0;
	[smem:$0x7FF] =	sst s4;
	s7 =	smul.u32 $0x50000, s10  }
0x6: {  	s4 =	sadd.s32 $0x27A00, s1;
	s11 =	sadd.s32 $0x1DC00, s1;
	s25 =	smul.u32 $0x2760, s10  }
0x7: {  	s3 =	sshll.u32 s0, $0x4;
	s5 =	smul.u32 $0x140000, s0;
	_ =	strace $0x8000004D  }
0x8: {  	s19 =	ssub.s32 $0x2, s0;
	s0 =	smul.u32 $0x27600, s0;
	[dreg:$0x3] =	wrdreg s11  }
0x9: {  	s3 =	sor.u32 s10, s3;
	s9 =	sshrl.u32 s19, $0x1;
	s7 =	sshrl.u32 s7, $0x2  }
0xa: {  	s3 =	smul.u32 $0x2760, s3;
	s5 =	sadd.s32 s6, s5;
	s20 =	ssub.s32 s19, s9  }
0xb: {  	s7 =	sadd.s32 s7, s2;
	s0 =	sadd.s32 s25, s0;
	s5 =	sshrl.u32 s5, $0x3  }
0xc: {  	s22 =	sadd.s32 $0x2800, s7;
	s23 =	sadd.s32 $0x5000, s7;
	[dreg:$0x4] =	wrdreg s7  }
0xd: {  	s24 =	sadd.s32 $0x7800, s7;
	s26 =	sadd.s32 $0xA000, s7;
	[dreg:$0x6] =	wrdreg s22  }
0xe: {  	s30 =	sadd.s32 $0xC800, s7;
	s9 =	sadd.s32 $0xF000, s7;
	[dreg:$0x7] =	wrdreg s23  }
0xf: {  	s7 =	sadd.s32 $0x11800, s7;
	s13 =	sadd.s32 $0x370, s0;
	[dreg:$0x8] =	wrdreg s24  }
0x10: {  	s15 =	sadd.s32 $0x320, s0;
	s17 =	sadd.s32 $0x2D0, s0;
	[dreg:$0x9] =	wrdreg s26  }
0x11: {  	s18 =	sadd.s32 $0x280, s0;
	s19 =	sadd.s32 $0x230, s0;
	[dreg:$0xa] =	wrdreg s30  }
0x12: {  	s0 =	sadd.s32 $0x1E0, s0;
	s3 =	sshrl.u32 s3, $0x3;
	[dreg:$0xb] =	wrdreg s9  }
0x13: {  	[dreg:$0xc] =	wrdreg s7;
	s14 =	sshrl.u32 s13, $0x3;
	s16 =	sshrl.u32 s15, $0x3  }
0x14: {  	s24 =	sshrl.u32 s19, $0x3;
	[dreg:$0x12] =	wrdreg s0;
	s13 =	simm.s32 $0x2  }
0x15: {  	s19 =	simm.s32 $0x7A80;
	s15 =	simm.s32 $0xC;
	s9 =	simm.s32 $0x80  }
0x16: {  	s8 =	sadd.s32 s3, s1;
	s1 =	sadd.s32 s5, s1;
	s5 =	smax.u32 s20, $0x1  }
0x17: {  	s10 =	sadd.s32 s11, s3;
	s20 =	sadd.s32 s14, s11;
	[dreg:$0x11] =	wrdreg s5  }
0x18: {  	s24 =	sadd.s32 s24, s11;
	s21 =	sadd.s32 $0x13E00, s8;
	[dreg:$0xd] =	wrdreg s10  }
0x19: {  	s14 =	simm.s32 $0x5280;
	s3 =	sadd.s32 $0xA, s10;
	[dreg:$0x5] =	wrdreg s21  }
0x1a: {  	s12 =	sadd.s32 $0x14, s10;
	s1 =	sadd.s32 $0x4FA00, s1;
	[dreg:$0xe] =	wrdreg s3  }
0x1b: {  	s25 =	sadd.s32 $0x1E, s10;
	s26 =	sadd.s32 $0x28, s10;
	[dreg:$0xf] =	wrdreg s12  }
0x1c: {  	s30 =	sadd.s32 $0x32, s10;
	s5 =	simm.s32 $0xE;
	[dreg:$0x10] =	wrdreg s1  }
0x1d: {  	s10 =	simm.s32 $0x5;
	s21 =	sadd.s32 s16, s11;
	[dreg:$0x13] =	wrdreg s25  }
.Ltmp0:
0x1e: {  	s1 =	sshrl.u32 s17, $0x3;
	[dreg:$0x14] =	wrdreg s26;
	(pc) =	sbr.rel .LBB2_1-.Ltmp0, $4  }
0x1f: {  	s3 =	sshrl.u32 s18, $0x3;
	[dreg:$0x15] =	wrdreg s30;
	s12 =	simm.s32 $0x50  }
0x20: {  	s16 =	simm.s32 $0x8;
	s17 =	simm.s32 $0xD;
	s18 =	simm.s32 $0x3  }
0x21: {  	s26 =	simm.s32 $0x9;
	s25 =	simm.s32 $0x4;
	s22 =	sadd.s32 s1, s11  }
0x22: {  	v0 =	vimm.f32 $0.0e+00;
	s23 =	sadd.s32 s3, s11;
	s11 =	simm.s32 $0x6;
	s1 =	simm.s32 $0x0  }
.LBB2_10:
0x23: {  	_ =	swait.ge [sflag:s17], $0x2800  }
0x24: {  	[sflag:s17] =	ssyncset.done $0x0  }
0x25: {  	[sflag:s17] =	ssyncadd.s32 $0xFFFFD800  }
0x26: {  	s0 =	stileid.u32;
	[bflag:$0x0] =	sbarrier.arrive $0xFFFF  }
0x27: {  	s5 =	simm.s32 $0xE;
	s0 =	sshll.u32 s0, $0x6;
	s1 =	rddreg [dreg:$0x4]  }
0x28: {  	s0 =	sor.u32 $0x1C0E, s0;
	s3 =	rddreg [dreg:$0x10];
	s1 =	sshrl.u32 s1, $0x3  }
0x29: {  	[hbm:s3], [sflag:s0] =	dma.local [spmem:s1], $0x2800  }
0x2a: {  	_ =	swait.ge [sflag:s5], $0x2800  }
0x2b: {  	s8 =	rddreg [dreg:$0x16]  }
0x2c: {  	s30 =	rddreg [dreg:$0x11];
	s1 =	sadd.s32 $0x1, s8  }
0x2d: {  	p0 =	sne.s32 s1, s30  }
.Ltmp1:
0x2e: {  	_ = 	snop;
	(pc) =	sbr.rel @!p0 .LBB2_11-.Ltmp1, $3  }
0x2f: {  	_ =	sdelay $0x1  }
0x30: {  	[sflag:s5] =	ssyncset.done $0x0  }
0x31: {  	[sflag:s5] =	ssyncadd.s32 $0xFFFFD800  }
.LBB2_1:
0x32: {  	s0 =	simm.s32 $0x0;
	s30 =	rddreg [dreg:$0x5];
	s3 =	simm.s32 $0x300  }
0x33: {  	[tilespmem:s3], [sflag:$0x7] =	stream.linear.gather [hbm4b:s30+s0], $0x2760, $0x38;
	[tilespmem:$0x1E280] =	vst v63  }
0x34: {  	[dreg:$0x16] =	wrdreg s1;
	s1 =	simm.s32 $0x200;
	s0 =	simm.s32 $0x0  }
.LBB2_2:
0x35: {  	p0 =	sne.s32 s1, $0x9E00;
	[tilespmem:s0+$0x2AF0] =	vst v0  }
0x36: {  	[tilespmem:s0+$0x2A80] =	vst v0  }
0x37: {  	[tilespmem:s0+$0x2A90] =	vst v0  }
.Ltmp2:
0x38: {  	[tilespmem:s0+$0x2AA0] =	vst v0;
	(pc) =	sbr.rel @p0 .LBB2_2-.Ltmp2, $4  }
0x39: {  	[tilespmem:s0+$0x2AB0] =	vst v0  }
0x3a: {  	[tilespmem:s0+$0x2AC0] =	vst v0  }
0x3b: {  	[tilespmem:s0+$0x2AD0] =	vst v0  }
0x3c: {  	[tilespmem:s0+$0x2AE0] =	vst v0;
	s0 =	sshra.s32 s1, $0x2;
	s1 =	sadd.s32 $0x200, s1  }
0x3d: {  	[tilespmem:s0+$0x2AF0] =	vst v0  }
0x3e: {  	[tilespmem:s0+$0x2A80] =	vst v0  }
0x3f: {  	[tilespmem:s0+$0x2A90] =	vst v0  }
0x40: {  	[tilespmem:s0+$0x2AA0] =	vst v0  }
0x41: {  	[tilespmem:s0+$0x2AB0] =	vst v0  }
0x42: {  	[tilespmem:s0+$0x2AC0] =	vst v0  }
0x43: {  	[tilespmem:s0+$0x2AD0] =	vst v0  }
0x44: {  	[tilespmem:s0+$0x2AE0] =	vst v0;
	s1 =	rddreg [dreg:$0x4]  }
0x45: {  	[spmem:s1] =	stream.linear.scatter [tilespmem:s31], [sflag:$0xE], $0x2800, $0x38;
	[tilespmem:$0x1E280] =	vst v63  }
0x46: {  	_ =	swait.ge [sflag:s5], $0x2800  }
0x47: {  	[sflag:s5] =	ssyncset.done $0x0  }
0x48: {  	s3 =	rddreg [dreg:$0x6];
	[sflag:s5] =	ssyncadd.s32 $0xFFFFD800  }
0x49: {  	[spmem:s3] =	stream.linear.scatter [tilespmem:s31], [sflag:$0xE], $0x2800, $0x38;
	[tilespmem:$0x1E280] =	vst v63  }
0x4a: {  	_ =	swait.ge [sflag:s5], $0x2800  }
0x4b: {  	[sflag:s5] =	ssyncset.done $0x0  }
0x4c: {  	s6 =	rddreg [dreg:$0x7];
	[sflag:s5] =	ssyncadd.s32 $0xFFFFD800  }
0x4d: {  	[spmem:s6] =	stream.linear.scatter [tilespmem:s31], [sflag:$0xE], $0x2800, $0x38;
	[tilespmem:$0x1E280] =	vst v63  }
0x4e: {  	_ =	swait.ge [sflag:s5], $0x2800  }
0x4f: {  	[sflag:s5] =	ssyncset.done $0x0  }
0x50: {  	s7 =	rddreg [dreg:$0x8];
	[sflag:s5] =	ssyncadd.s32 $0xFFFFD800  }
0x51: {  	[spmem:s7] =	stream.linear.scatter [tilespmem:s31], [sflag:$0xE], $0x2800, $0x38;
	[tilespmem:$0x1E280] =	vst v63  }
0x52: {  	_ =	swait.ge [sflag:s5], $0x2800  }
0x53: {  	[sflag:s5] =	ssyncset.done $0x0  }
0x54: {  	s8 =	rddreg [dreg:$0x9];
	[sflag:s5] =	ssyncadd.s32 $0xFFFFD800  }
0x55: {  	[spmem:s8] =	stream.linear.scatter [tilespmem:s31], [sflag:$0xE], $0x2800, $0x38;
	[tilespmem:$0x1E280] =	vst v63  }
0x56: {  	_ =	swait.ge [sflag:s5], $0x2800  }
0x57: {  	[sflag:s5] =	ssyncset.done $0x0  }
0x58: {  	s30 =	rddreg [dreg:$0xa];
	[sflag:s5] =	ssyncadd.s32 $0xFFFFD800  }
0x59: {  	[spmem:s30] =	stream.linear.scatter [tilespmem:s31], [sflag:$0xE], $0x2800, $0x38;
	[tilespmem:$0x1E280] =	vst v63  }
0x5a: {  	_ =	swait.ge [sflag:s5], $0x2800  }
0x5b: {  	[sflag:s5] =	ssyncset.done $0x0  }
0x5c: {  	s1 =	rddreg [dreg:$0xb];
	[sflag:s5] =	ssyncadd.s32 $0xFFFFD800  }
0x5d: {  	[spmem:s1] =	stream.linear.scatter [tilespmem:s31], [sflag:$0xE], $0x2800, $0x38;
	[tilespmem:$0x1E280] =	vst v63  }
0x5e: {  	_ =	swait.ge [sflag:s5], $0x2800  }
0x5f: {  	[sflag:s5] =	ssyncset.done $0x0  }
0x60: {  	s3 =	rddreg [dreg:$0xc];
	[sflag:s5] =	ssyncadd.s32 $0xFFFFD800  }
0x61: {  	[spmem:s3] =	stream.linear.scatter [tilespmem:s31], [sflag:$0xE], $0x2800, $0x38;
	[tilespmem:$0x1E280] =	vst v63  }
0x62: {  	_ =	swait.ge [sflag:s5], $0x2800  }
0x63: {  	[sflag:s5] =	ssyncset.done $0x0  }
0x64: {  	[sflag:s5] =	ssyncadd.s32 $0xFFFFD800  }
0x65: {  	[bflag:$0x0] =	sbarrier.arrive $0xFFFF  }
0x66: {  	s3 =	simm.s32 $0x0;
	s6 =	rddreg [dreg:$0xd]  }
0x67: {  	[tilespmem:s3], [sflag:$0x1] =	stream.linear.gather [hbm4b:s6+s3], $0x50, $0x38;
	[tilespmem:$0x1E280] =	vst v63  }
0x68: {  	s1 =	simm.s32 $0x80;
	s7 =	rddreg [dreg:$0xe]  }
0x69: {  	[tilespmem:s1], [sflag:$0x2] =	stream.linear.gather [hbm4b:s7+s3], $0x50, $0x38;
	[tilespmem:$0x1E280] =	vst v63  }
0x6a: {  	s30 =	simm.s32 $0x100;
	s8 =	rddreg [dreg:$0xf]  }
0x6b: {  	[tilespmem:s30], [sflag:$0x3] =	stream.linear.gather [hbm4b:s8+s3], $0x50, $0x38;
	[tilespmem:$0x1E280] =	vst v63  }
0x6c: {  	s6 =	rddreg [dreg:$0x13];
	s7 =	simm.s32 $0x180  }
0x6d: {  	[tilespmem:s7], [sflag:$0x4] =	stream.linear.gather [hbm4b:s6+s3], $0x50, $0x38;
	[tilespmem:$0x1E280] =	vst v63  }
0x6e: {  	s8 =	rddreg [dreg:$0x14];
	s30 =	simm.s32 $0x200  }
0x6f: {  	[tilespmem:s30], [sflag:$0x5] =	stream.linear.gather [hbm4b:s8+s3], $0x50, $0x38;
	[tilespmem:$0x1E280] =	vst v63  }
0x70: {  	s6 =	rddreg [dreg:$0x15];
	s7 =	simm.s32 $0x280;
	s8 =	simm.s32 $0x7  }
0x71: {  	[tilespmem:s7], [sflag:$0x6] =	stream.linear.gather [hbm4b:s6+s3], $0x50, $0x38;
	[tilespmem:$0x1E280] =	vst v63  }
0x72: {  	_ =	swait.ge [sflag:s8], $0x2760  }
0x73: {  	[sflag:s8] =	ssyncset.done $0x0  }
0x74: {  	s30 =	simm.s32 $0x1;
	[sflag:s8] =	ssyncadd.s32 $0xFFFFD8A0  }
0x75: {  	_ =	swait.ge [sflag:s30], $0x50  }
0x76: {  	[sflag:s30] =	ssyncset.done $0x0  }
0x77: {  	[sflag:s30] =	ssyncadd.s32 $0xFFFFFFB0  }
0x78: {  	[tilespmem:s31], [sflag:$0x8] =	stream.indirect.gather [hbm4b:s4+s12], $0x80, s3, s12, $0xb8;
	[tilespmem:$0x1E280] =	vst v63  }
0x79: {  	_ =	swait.ge [sflag:s13], $0x50  }
0x7a: {  	[sflag:s13] =	ssyncset.done $0x0  }
0x7b: {  	[sflag:s13] =	ssyncadd.s32 $0xFFFFFFB0  }
0x7c: {  	[tilespmem:s14], [sflag:$0x9] =	stream.indirect.gather [hbm4b:s4+s12], $0x80, s1, s12, $0xb8;
	[tilespmem:$0x1E280] =	vst v63  }
0x7d: {  	s5 =	simm.s32 $0x300;
	s1 =	rddreg [dreg:$0x12]  }
.LBB2_4:
0x7e: {  	p0 =	sne.s32 s3, $0x4B0  }
.Ltmp3:
0x7f: {  	_ = 	snop;
	(pc) =	sbr.rel @p0 .LBB2_6-.Ltmp3, $4  }
0x80: {  	_ = 	snop  }
0x81: {  	_ =	swait.ge [sflag:s16], $0x2800  }
0x82: {  	[sflag:s16] =	ssyncset.done $0x0  }
0x83: {  	[sflag:s16] =	ssyncadd.s32 $0xFFFFD800  }
.Ltmp4:
0x84: {  	(pc) =	sbr.rel .LBB2_7-.Ltmp4, $3  }
0x85: {  	_ =	sdelay $0x1  }
0x86: {  	s6 =	simm.s32 $0x2880  }
0x87: {  	[spmem:s2] =	stream.indirect.scatter.add.f32 [tilespmem:s31], [sflag:$0xB], $0x80, s6, s12, $0xb8;
	[tilespmem:$0x1E280] =	vst v63  }
.LBB2_6:
0x88: {  	p0 =	seq.s32 s3, $0x0  }
.Ltmp5:
0x89: {  	s0 =	sshrl.u32 s1, $0x3;
	s6 =	rddreg [dreg:$0x3];
	(pc) =	sbr.rel @p0 .LBB2_8-.Ltmp5, $4  }
0x8a: {  	s30 =	simm.s32 $0x0;
	s0 =	sadd.s32 s6, s0  }
0x8b: {  	[tilespmem:s30], [sflag:$0x1] =	stream.linear.gather [hbm4b:s0+s30], $0x50, $0x38;
	[tilespmem:$0x1E280] =	vst v63  }
0x8c: {  	s6 =	smov.u32 s5  }
0x8d: {  	[spmem:s2] =	stream.indirect.scatter.add.f32 [tilespmem:s31], [sflag:$0xB], $0x80, s5, s12, $0xb8;
	[tilespmem:$0x1E280] =	vst v63  }
.LBB2_7:
0x8e: {  	_ =	swait.ge [sflag:s17], $0x2800  }
0x8f: {  	[sflag:s17] =	ssyncset.done $0x0  }
0x90: {  	[sflag:s17] =	ssyncadd.s32 $0xFFFFD800  }
.LBB2_8:
0x91: {  	_ =	swait.ge [sflag:s18], $0x50  }
0x92: {  	[sflag:s18] =	ssyncset.done $0x0  }
0x93: {  	s0 =	simm.s32 $0x100;
	[sflag:s18] =	ssyncadd.s32 $0xFFFFFFB0  }
0x94: {  	[tilespmem:s19], [sflag:$0xA] =	stream.indirect.gather [hbm4b:s4+s12], $0x80, s0, s12, $0xb8;
	[tilespmem:$0x1E280] =	vst v63  }
0x95: {  	p0 =	seq.s32 s3, $0x4B0;
	_ =	swait.ge [sflag:s26], $0x2800  }
0x96: {  	s30 =	sadd.s32 @!p0 s3, s24;
	[sflag:s26] =	ssyncset.done $0x0  }
0x97: {  	s7 =	simm.s32 @!p0 $0x80;
	s0 =	simm.s32 @!p0 $0x0;
	[sflag:s26] =	ssyncadd.s32 $0xFFFFD800  }
0x98: {  	[tilespmem:s7], [sflag:$0x2] =	stream.linear.gather @!p0 [hbm4b:s30+s0], $0x50, $0x38;
	[tilespmem:$0x1E280] =	vst v63  }
0x99: {  	s30 =	sadd.s32 $0x50, s6  }
0x9a: {  	[spmem:s2] =	stream.indirect.scatter.add.f32 [tilespmem:s14], [sflag:$0xC], $0x80, s30, s12, $0xb8;
	[tilespmem:$0x1E280] =	vst v63  }
0x9b: {  	_ =	swait.ge [sflag:s28], $0x2800  }
0x9c: {  	[sflag:s28] =	ssyncset.done $0x0  }
0x9d: {  	[sflag:s28] =	ssyncadd.s32 $0xFFFFD800  }
0x9e: {  	_ =	swait.ge [sflag:s25], $0x50  }
0x9f: {  	[sflag:s25] =	ssyncset.done $0x0  }
0xa0: {  	s8 =	simm.s32 $0x180;
	[sflag:s25] =	ssyncadd.s32 $0xFFFFFFB0  }
0xa1: {  	[tilespmem:s31], [sflag:$0x8] =	stream.indirect.gather [hbm4b:s4+s12], $0x80, s8, s12, $0xb8;
	[tilespmem:$0x1E280] =	vst v63  }
0xa2: {  	_ =	swait.ge [sflag:s29], $0x2800  }
0xa3: {  	[sflag:s29] =	ssyncset.done $0x0  }
0xa4: {  	s7 =	sadd.s32 @!p0 s3, s23;
	s30 =	simm.s32 @!p0 $0x100;
	[sflag:s29] =	ssyncadd.s32 $0xFFFFD800  }
0xa5: {  	[tilespmem:s30], [sflag:$0x3] =	stream.linear.gather @!p0 [hbm4b:s7+s0], $0x50, $0x38;
	[tilespmem:$0x1E280] =	vst v63  }
0xa6: {  	s30 =	sadd.s32 $0xA0, s6  }
0xa7: {  	[spmem:s2] =	stream.indirect.scatter.add.f32 [tilespmem:s19], [sflag:$0xD], $0x80, s30, s12, $0xb8;
	[tilespmem:$0x1E280] =	vst v63  }
0xa8: {  	_ =	swait.ge [sflag:s15], $0x2800  }
0xa9: {  	[sflag:s15] =	ssyncset.done $0x0  }
0xaa: {  	[sflag:s15] =	ssyncadd.s32 $0xFFFFD800  }
0xab: {  	_ =	swait.ge [sflag:s10], $0x50  }
0xac: {  	[sflag:s10] =	ssyncset.done $0x0  }
0xad: {  	s8 =	simm.s32 $0x200;
	[sflag:s10] =	ssyncadd.s32 $0xFFFFFFB0  }
0xae: {  	[tilespmem:s14], [sflag:$0x9] =	stream.indirect.gather [hbm4b:s4+s12], $0x80, s8, s12, $0xb8;
	[tilespmem:$0x1E280] =	vst v63  }
0xaf: {  	_ =	swait.ge [sflag:s16], $0x2800  }
0xb0: {  	[sflag:s16] =	ssyncset.done $0x0  }
0xb1: {  	s7 =	sadd.s32 @!p0 s3, s22;
	s30 =	simm.s32 @!p0 $0x180;
	[sflag:s16] =	ssyncadd.s32 $0xFFFFD800  }
0xb2: {  	[tilespmem:s30], [sflag:$0x4] =	stream.linear.gather @!p0 [hbm4b:s7+s0], $0x50, $0x38;
	[tilespmem:$0x1E280] =	vst v63  }
0xb3: {  	s30 =	sadd.s32 $0xF0, s6  }
0xb4: {  	[spmem:s2] =	stream.indirect.scatter.add.f32 [tilespmem:s31], [sflag:$0xB], $0x80, s30, s12, $0xb8;
	[tilespmem:$0x1E280] =	vst v63  }
0xb5: {  	_ =	swait.ge [sflag:s17], $0x2800  }
0xb6: {  	[sflag:s17] =	ssyncset.done $0x0  }
0xb7: {  	[sflag:s17] =	ssyncadd.s32 $0xFFFFD800  }
0xb8: {  	_ =	swait.ge [sflag:s11], $0x50  }
0xb9: {  	[sflag:s11] =	ssyncset.done $0x0  }
0xba: {  	s8 =	simm.s32 $0x280;
	[sflag:s11] =	ssyncadd.s32 $0xFFFFFFB0  }
0xbb: {  	[tilespmem:s19], [sflag:$0xA] =	stream.indirect.gather [hbm4b:s4+s12], $0x80, s8, s12, $0xb8;
	[tilespmem:$0x1E280] =	vst v63  }
0xbc: {  	_ =	swait.ge [sflag:s26], $0x2800  }
0xbd: {  	s7 =	sadd.s32 @p0 $0x140, s6;
	[sflag:s26] =	ssyncset.done $0x0  }
0xbe: {  	s30 =	simm.s32 @p0 $0x50;
	s8 =	simm.s32 @p0 $0x5280;
	[sflag:s26] =	ssyncadd.s32 $0xFFFFD800  }
0xbf: {  	[spmem:s2] =	stream.indirect.scatter.add.f32 @p0 [tilespmem:s8], [sflag:$0xC], $0x80, s7, s30, $0xb8;
	[tilespmem:$0x1E280] =	vst v63  }
0xc0: {  	s7 =	simm.s32 @p0 $0xB  }
0xc1: {  	_ =	swait.ge @p0 [sflag:s7], $0x2800  }
0xc2: {  	[sflag:s7] =	ssyncset.done @p0 $0x0  }
0xc3: {  	[sflag:s7] =	ssyncadd.s32 @p0 $0xFFFFD800;
	s7 =	simm.s32 @p0 $0xA  }
0xc4: {  	_ =	swait.ge @p0 [sflag:s7], $0x2800  }
0xc5: {  	[sflag:s7] =	ssyncset.done @p0 $0x0  }
0xc6: {  	s8 =	simm.s32 @!p0 $0x200;
	[sflag:s7] =	ssyncadd.s32 @p0 $0xFFFFD800;
	s7 =	sadd.s32 @!p0 s3, s21  }
0xc7: {  	[tilespmem:s8], [sflag:$0x5] =	stream.linear.gather @!p0 [hbm4b:s7+s0], $0x50, $0x38;
	[tilespmem:$0x1E280] =	vst v63  }
0xc8: {  	s30 =	simm.s32 @!p0 $0x5280;
	s7 =	sadd.s32 @!p0 $0x140, s6;
	s8 =	simm.s32 @!p0 $0x50  }
0xc9: {  	[spmem:s2] =	stream.indirect.scatter.add.f32 @!p0 [tilespmem:s30], [sflag:$0xC], $0x80, s7, s8, $0xb8;
	[tilespmem:$0x1E280] =	vst v63  }
0xca: {  	s7 =	simm.s32 @!p0 $0xB  }
0xcb: {  	_ =	swait.ge @!p0 [sflag:s7], $0x2800  }
0xcc: {  	[sflag:s7] =	ssyncset.done @!p0 $0x0  }
0xcd: {  	[sflag:s7] =	ssyncadd.s32 @!p0 $0xFFFFD800;
	s7 =	simm.s32 @!p0 $0x1  }
0xce: {  	_ =	swait.ge @!p0 [sflag:s7], $0x50  }
0xcf: {  	[sflag:s7] =	ssyncset.done @!p0 $0x0  }
0xd0: {  	[sflag:s7] =	ssyncadd.s32 @!p0 $0xFFFFFFB0;
	s7 =	simm.s32 @!p0 $0x2A80  }
0xd1: {  	[tilespmem:s7], [sflag:$0x8] =	stream.indirect.gather @!p0 [hbm4b:s4+s8], $0x80, s0, s8, $0xb8;
	[tilespmem:$0x1E280] =	vst v63  }
0xd2: {  	s7 =	simm.s32 @!p0 $0xA  }
0xd3: {  	_ =	swait.ge @!p0 [sflag:s7], $0x2800  }
0xd4: {  	[sflag:s7] =	ssyncset.done @!p0 $0x0  }
0xd5: {  	s8 =	simm.s32 @!p0 $0x280;
	[sflag:s7] =	ssyncadd.s32 @!p0 $0xFFFFD800;
	s7 =	sadd.s32 @!p0 s3, s20  }
0xd6: {  	[tilespmem:s8], [sflag:$0x6] =	stream.linear.gather @!p0 [hbm4b:s7+s0], $0x50, $0x38;
	[tilespmem:$0x1E280] =	vst v63  }
.Ltmp6:
0xd7: {  	s30 =	sadd.s32 $0x190, s6;
	(pc) =	sbr.rel @p0 .LBB2_10-.Ltmp6, $4  }
0xd8: {  	[spmem:s2] =	stream.indirect.scatter.add.f32 [tilespmem:s19], [sflag:$0xD], $0x80, s30, s12, $0xb8;
	[tilespmem:$0x1E280] =	vst v63  }
0xd9: {  	_ =	swait.ge [sflag:s15], $0x2800  }
0xda: {  	[sflag:s15] =	ssyncset.done $0x0  }
0xdb: {  	[sflag:s15] =	ssyncadd.s32 $0xFFFFD800  }
.Ltmp7:
0xdc: {  	(pc) =	sbr.rel .LBB2_4-.Ltmp7, $4  }
0xdd: {  	_ =	swait.ge [sflag:s13], $0x50  }
0xde: {  	s3 =	sadd.s32 $0x3C, s3;
	[sflag:s13] =	ssyncset.done $0x0  }
0xdf: {  	s1 =	sadd.s32 $0x1E0, s1;
	s5 =	sadd.s32 $0x1E0, s5;
	[sflag:s13] =	ssyncadd.s32 $0xFFFFFFB0  }
0xe0: {  	[tilespmem:s14], [sflag:$0x9] =	stream.indirect.gather [hbm4b:s4+s12], $0x80, s9, s12, $0xb8;
	[tilespmem:$0x1E280] =	vst v63  }
.LBB2_11:
0xe1: {  	_ =	sfence.sel $0x180000  }
0xe2: {  	[bflag:$0x0] =	sbarrier.arrive $0xFFFF  }
0xe3: {  	_ =	strace $0x9000004D  }
0xe4: {  	s0 =	stileid.u32;
	[bflag:$0x2] =	sbarrier.arrive $0xFFFF  }
0xe5: {  	p0 =	sne.s32 s0, $0x0;
	s0 =	rddreg [dreg:$0x2]  }
0xe6: {  	s0 =	sadd.s32 @!p0 $0x100000, s0  }
0xe7: {  	[sflag:s0] =	ssyncadd.tile.s32 @!p0 $0x1;
	_ =	shalt  }
.Lfunc_end2:
_tile_overlayer_lowered:
.L_overlay_start_2:
0xe8: {  	(tag) =	ssettag $0x2  }
0xe9: {  	s0 =	rddreg [dreg:$0x0];
	s2 =	stileid.u32  }
0xea: {  	s1 =	rddreg [dreg:$0x1];
	p0 =	sne.s32 s2, $0x0  }
0xeb: {  	s3 =	rddreg [dreg:$0x2];
	[bflag:$0x3] =	sbarrier.arrive $0xFFFF;
	s2 =	simm.s32 @!p0 $0x1C0E  }
0xec: {  	[timem:s3], [sflag:s2] =	dma.local @!p0 [hbm:s0], s1  }
0xed: {  	s0 =	simm.s32 @!p0 $0xE  }
0xee: {  	_ =	swait.ge @!p0 [sflag:s0], s1  }
0xef: {  	s1 =	ssub.s32 @!p0 $0x0, s1;
	[sflag:s0] =	ssyncset.done @!p0 $0x0  }
0xf0: {  	[sflag:s0] =	ssyncadd.s32 @!p0 s1  }
0xf1: {  	[bflag:$0x3] =	sbarrier.arrive $0xFFFF  }
0xf2: {  	_ =	shalt  }

// kernel: kernel.20.cloned.1.call-start
scs
__scs_entry_jumppad:
0x0: {  	(pc) =	sbr.rel $0x88, $3  }
0x1: {  	(tag) =	ssettag $0x0;
	lr =	simm.s32 $0x1  }
0x2: {  	[smem:$0x3F99] =	sst lr;
	_ =	strace $0xD0000000  }
0x3: {  	_ = 	snop  }
0x4: {  	_ = 	snop  }
0x5: {  	_ = 	snop  }
0x6: {  	_ = 	snop  }
0x7: {  	_ = 	snop  }
__scs_overlays_trampoline_lowered:
0x8: {  	[smem:$0x3FA8] =	sst s0  }
0x9: {  	[smem:$0x3FA9] =	sst s1  }
0xa: {  	[smem:$0x3FAA] =	sst s2  }
0xb: {  	[smem:$0x3FAB] =	sst s3  }
0xc: {  	[smem:$0x3FAC] =	sst s4  }
0xd: {  	[smem:$0x3FAD] =	sst s5  }
0xe: {  	[smem:$0x3FAE] =	sst s6  }
0xf: {  	[smem:$0x3FAF] =	sst s7  }
0x10: {  	[smem:$0x3FB0] =	sst s8  }
0x11: {  	[smem:$0x3FB1] =	sst s9;
	s0 =	simm.s32 @!p0 $0x0  }
0x12: {  	s1 =	sld [smem:$0x3F97];
	s0 =	simm.s32 @p0 $0x1  }
0x13: {  	[smem:$0x3FB2] =	sst s0;
	s0 =	simm.s32 @!p1 $0x0  }
0x14: {  	s2 =	sld [smem:$0x3F96];
	s0 =	simm.s32 @p1 $0x1  }
0x15: {  	[smem:$0x3FB3] =	sst s0;
	s0 =	simm.s32 @!p2 $0x0  }
0x16: {  	s3 =	sld [smem:$0x3FDB];
	s0 =	simm.s32 @p2 $0x1  }
0x17: {  	s4 =	simm.s32 $0x1BF5;
	[smem:$0x3FB5] =	sst s0  }
0x18: {  	s0 =	sld [smem:$0x3F98];
	_ =	swait.ge [sflag:s4], $0x0  }
0x19: {  	s7 =	sld [smem:$0x3F99]  }
0x1a: {  	s8 =	sadd.s32 $0xFFFFE003, lr  }
0x1b: {  	s9 =	sadd.s32 $0xFFFFFEF7, lr;
	s5 =	simm.s32 $0xFFFFFFFF;
	p2 =	slt.u32 s8, $0xFFFFF086  }
0x1c: {  	p1 =	slt.u32 s9, $0xF7A;
	s5 =	simm.s32 @!p2 $0x0  }
0x1d: {  	s5 =	simm.s32 @p1 $0x1;
	p0 =	seq.s32 s7, s2  }
0x1e: {  	s7 =	smul.u32 @!p0 $0xF7A, s2;
	p2 =	seq.s32 @!p0 s5, $0x0  }
0x1f: {  	s9 =	smul.u32 $0xF7A, s1;
	s8 =	simm.s32 @!p0 $0x1BF5;
	p2 =	por !p2, p0  }
0x20: {  	[sflag:s8] =	ssyncset.s32 @!p0 $0xFFFFF086;
	s6 =	sadd.s32 @!p0 s3, s7;
	s7 =	simm.s32 @!p0 $0x108  }
0x21: {  	s3 =	sadd.s32 s3, s9;
	s6 =	sadd.s32 @!p0 $0x88, s6;
	s7 =	simm.s32 @p2 $0x1082  }
0x22: {  	[simem:s7], [sflag:s8] =	dma.local @!p0 [hbm:s6], $0xF7A  }
0x23: {  	s9 =	sor.u32 $0xD0000000, s2;
	s6 =	simm.s32 $0x108;
	_ =	swait.ge @!p0 [sflag:s8], $0x0  }
0x24: {  	s3 =	sadd.s32 $0x88, s3;
	s6 =	simm.s32 @!p1 $0x1082;
	[sflag:s4] =	ssyncset.s32 $0xFFFFF086  }
0x25: {  	[simem:s6], [sflag:s4] =	dma.local [hbm:s3], $0xF7A  }
0x26: {  	[smem:$0x3F99] =	sst s1;
	(tag) =	ssettag s2;
	_ =	strace s9  }
0x27: {  	s1 =	sld [smem:$0x3FA9]  }
0x28: {  	s2 =	sld [smem:$0x3FAA]  }
0x29: {  	s4 =	sld [smem:$0x3FAC]  }
0x2a: {  	p0 =	seq.s32 s5, $0x0;
	s5 =	sld [smem:$0x3FAD]  }
0x2b: {  	s6 =	sld [smem:$0x3FAE]  }
0x2c: {  	s7 =	sld [smem:$0x3FAF]  }
0x2d: {  	s3 =	simm.s32 $0x108;
	s8 =	sld [smem:$0x3FB0]  }
0x2e: {  	s3 =	simm.s32 @!p0 $0x1082;
	s9 =	sld [smem:$0x3FB1]  }
0x2f: {  	lr =	sadd.s32 s0, s3;
	s0 =	sld [smem:$0x3FA8]  }
0x30: {  	s3 =	sld [smem:$0x3FAB]  }
0x31: {  	[smem:$0x3FB4] =	sst s10  }
0x32: {  	s10 =	sld [smem:$0x3FB2];
	_ =	sdelay $0x3  }
0x33: {  	p0 =	seq.s32 s10, $0x1;
	s10 =	sld [smem:$0x3FB4];
	_ =	sdelay $0x3  }
0x34: {  	[smem:$0x3FB4] =	sst s10  }
0x35: {  	s10 =	sld [smem:$0x3FB3];
	_ =	sdelay $0x3  }
0x36: {  	p1 =	seq.s32 s10, $0x1;
	s10 =	sld [smem:$0x3FB4];
	_ =	sdelay $0x3  }
0x37: {  	[smem:$0x3FB4] =	sst s10  }
0x38: {  	s10 =	sld [smem:$0x3FB5]  }
0x39: {  	_ = 	snop;
	(pc) =	sbr.ind lr, $3  }
0x3a: {  	_ = 	snop  }
0x3b: {  	_ = 	snop  }
0x3c: {  	p2 =	seq.s32 s10, $0x1;
	s10 =	sld [smem:$0x3FB4]  }
0x3d: {  	_ =	shalt  }
0x3e: {  	_ =	shalt  }
0x3f: {  	_ =	shalt  }
0x40: {  	_ =	shalt  }
0x41: {  	_ =	shalt  }
0x42: {  	_ =	shalt  }
0x43: {  	_ =	shalt  }
0x44: {  	_ =	shalt  }
0x45: {  	_ =	shalt  }
0x46: {  	_ =	shalt  }
0x47: {  	_ =	shalt  }
0x48: {  	_ =	shalt  }
0x49: {  	_ =	shalt  }
0x4a: {  	_ =	shalt  }
0x4b: {  	_ =	shalt  }
0x4c: {  	_ =	shalt  }
0x4d: {  	_ =	shalt  }
0x4e: {  	_ =	shalt  }
0x4f: {  	_ =	shalt  }
0x50: {  	_ =	shalt  }
0x51: {  	_ =	shalt  }
0x52: {  	_ =	shalt  }
0x53: {  	_ =	shalt  }
0x54: {  	_ =	shalt  }
0x55: {  	_ =	shalt  }
0x56: {  	_ =	shalt  }
0x57: {  	_ =	shalt  }
0x58: {  	_ =	shalt  }
0x59: {  	_ =	shalt  }
0x5a: {  	_ =	shalt  }
0x5b: {  	_ =	shalt  }
0x5c: {  	_ =	shalt  }
0x5d: {  	_ =	shalt  }
0x5e: {  	_ =	shalt  }
0x5f: {  	_ =	shalt  }
0x60: {  	_ =	shalt  }
0x61: {  	_ =	shalt  }
0x62: {  	_ =	shalt  }
0x63: {  	_ =	shalt  }
0x64: {  	_ =	shalt  }
0x65: {  	_ =	shalt  }
0x66: {  	_ =	shalt  }
0x67: {  	_ =	shalt  }
0x68: {  	_ =	shalt  }
0x69: {  	_ =	shalt  }
0x6a: {  	_ =	shalt  }
0x6b: {  	_ =	shalt  }
0x6c: {  	_ =	shalt  }
0x6d: {  	_ =	shalt  }
0x6e: {  	_ =	shalt  }
0x6f: {  	_ =	shalt  }
0x70: {  	_ =	shalt  }
0x71: {  	_ =	shalt  }
0x72: {  	_ =	shalt  }
0x73: {  	_ =	shalt  }
0x74: {  	_ =	shalt  }
0x75: {  	_ =	shalt  }
0x76: {  	_ =	shalt  }
0x77: {  	_ =	shalt  }
0x78: {  	_ =	shalt  }
0x79: {  	_ =	shalt  }
0x7a: {  	_ =	shalt  }
0x7b: {  	_ =	shalt  }
0x7c: {  	_ =	shalt  }
0x7d: {  	_ =	shalt  }
0x7e: {  	_ =	shalt  }
0x7f: {  	_ =	shalt  }
0x80: {  	_ =	shalt  }
0x81: {  	_ =	shalt  }
0x82: {  	_ =	shalt  }
0x83: {  	_ =	shalt  }
0x84: {  	_ =	shalt  }
0x85: {  	_ =	shalt  }
0x86: {  	_ =	shalt  }
0x87: {  	_ =	shalt  }
.Lfunc_end0:
.L_simem_size_0:
called_computation.3_lowered:
.L_overlay_start_0:
0x88: {  	s2 =	sld [smem:$0x3FD9]  }
0x89: {  	s3 =	sld [smem:$0x3FFE];
	_ =	sdelay $0x1  }
0x8a: {  	s1 =	srdreg.scid  }
0x8b: {  	s0 =	sand.u32 $0x1, s1  }
0x8c: {  	s16 =	sshll.u32 s0, $0xA;
	s2 =	sadd.s32 s3, s2  }
0x8d: {  	s2 =	sadd.s32 s2, s16  }
0x8e: {  	[smem:$0x3FC0] =	sst s2  }
0x8f: {  	_ = 	snop  }
0x90: {  	(tm) =	ssettm $0x1  }
0x91: {  	s17 =	sld [smem:$0x3FFB];
	_ =	sdelay $0x3  }
0x92: {  	_ =	strace s17  }
0x93: {  	s2 =	sld [smem:$0x3FFC];
	_ =	sdelay $0x3  }
0x94: {  	_ =	strace s2  }
0x95: {  	s2 =	sld [smem:$0x3FFD];
	_ =	sdelay $0x3  }
0x96: {  	_ =	strace s2  }
0x97: {  	_ =	strace $0x8FFFFFFF  }
0x98: {  	s18 =	sld [smem:$0x3FDB];
	_ =	sdelay $0x1  }
0x99: {  	s19 =	simm.s32 $_scs_section_size  }
0x9a: {  	s4 =	simm.s32 $_size__tile_overlayer_lowered;
	s5 =	simm.s32 $_tile_overlayer_lowered  }
0x9b: {  	s22 =	simm.s32 $0x1BFF;
	s21 =	sshll.u32 s5, $0x1;
	s2 =	sadd.s32 s19, s18  }
0x9c: {  	s6 =	simm.s32 $0x0;
	s20 =	sshll.u32 s4, $0x1;
	s4 =	sadd.s32 s21, s2  }
0x9d: {  	[timem:s6], [sflag:s22] =	dma.local [hbm:s4], s20  }
0x9e: {  	_ =	swait.ge [sflag:s22], s20  }
0x9f: {  	s3 =	ssub.s32 $0x0, s20;
	[sflag:s22] =	ssyncset.done $0x0  }
0xa0: {  	[sflag:s22] =	ssyncadd.s32 s3;
	_ =	sdelay $0x1  }
0xa1: {  	s23 =	simm.s32 $0x1B8B  }
0xa2: {  	_ =	swait.ge [sflag:s23], $0x1  }
0xa3: {  	[sflag:s23] =	ssyncset.done $0x0  }
0xa4: {  	s25 =	simm.s32 $0x1B8E;
	s24 =	sld [smem:$0x3FFE];
	[sflag:s23] =	ssyncadd.s32 $0xFFFFFFFF  }
0xa5: {  	s26 =	simm.s32 $execute0_lowered;
	[smem:$0x3FD2] =	sst s25  }
0xa6: {  	s4 =	sshll.u32 s26, $0x1;
	_ =	strace $0x8000004F;
	[dreg:$0x1] =	wrdreg $0xFFFFFFFF  }
0xa7: {  	s28 =	simm.s32 $_size_execute0_lowered;
	s2 =	sadd.s32 s2, s4;
	[dreg:$0x0] =	wrdreg $0x0  }
0xa8: {  	s4 =	sshll.u32 s28, $0x1;
	[dreg:$0x2] =	wrdreg s2  }
0xa9: {  	[dreg:$0x3] =	wrdreg s4  }
0xaa: {  	[dreg:$0x4] =	wrdreg $0xC0  }
0xab: {  	_ =	task [dreg:s6], $0x5FFFF  }
0xac: {  	[dreg:$0x1] =	wrdreg $0xFFFFFFFF  }
0xad: {  	[dreg:$0x0] =	wrdreg $0x60  }
0xae: {  	[dreg:$0x2] =	wrdreg s24  }
0xaf: {  	[dreg:$0x3] =	wrdreg $0xA2800  }
0xb0: {  	[dreg:$0x4] =	wrdreg $0x9  }
0xb1: {  	_ =	task.clear_ibuf [dreg:s6], $0x5FFFF;
	_ =	strace $0x9000004F  }
0xb2: {  	s29 =	simm.s32 $0x9;
	_ =	strace $0x80000051  }
0xb3: {  	_ =	swait.ge [sflag:s29], $0x1  }
0xb4: {  	[sflag:s29] =	ssyncadd.s32 $0xFFFFFFFF  }
0xb5: {  	_ =	strace $0x90000051  }
0xb6: {  	_ =	sfence  }
0xb7: {  	s30 =	sld [smem:$0x0];
	_ =	sdelay $0x2  }
0xb8: {  	s31 =	sshll.u32 s1, $0xD;
	s1 =	sshrl.u32 s1, $0x2  }
0xb9: {  	s3 =	sand.u32 $0x4000, s31;
	s1 =	sadd.s32 s1, s30  }
0xba: {  	s0 =	sor.u32 s3, s0;
	s1 =	sshll.u32 s1, $0x11  }
0xbb: {  	s0 =	sor.u32 s1, s0  }
0xbc: {  	s0 =	sadd.s32 $0x8F2B, s0  }
0xbd: {  	[sflag:s0] =	ssyncadd.remote.s32 $0x1  }
0xbe: {  	_ =	sfence.sel $0xFFFF  }
0xbf: {  	[dreg:$0x0] =	wrdreg $0xFFFFFFFF;
	(pc) =	sbr.abs _section_cstart, $3  }
0xc0: {  	[dreg:$0x1] =	wrdreg $0xFFFFFFFF  }
0xc1: {  	_ =	task.clear_ibuf [dreg:s6], $0x2FFFF;
	_ =	strace $0x9FFFFFFF  }
0xc2: {  	(tm) =	ssettm $0x7FFFFFFF  }
0xc3: {  	_ =	shalt  }
tec
execute0_lowered:
.L_overlay_start_1:
0x0: {  	(tag) =	ssettag $0x1  }
0x1: {  	s0 =	srdreg.scid  }
0x2: {  	s1 =	rddreg [dreg:$0x0];
	s10 =	stileid.u32  }
0x3: {  	s2 =	rddreg [dreg:$0x1];
	s4 =	simm.s32 $0x0;
	s31 =	simm.s32 $0x2A80  }
0x4: {  	s28 =	simm.s32 $0xB;
	s29 =	simm.s32 $0xA;
	s6 =	smul.u32 $0x14000, s10  }
0x5: {  	s0 =	sand.u32 $0x1, s0;
	[smem:$0x7FF] =	sst s4;
	s7 =	smul.u32 $0x50000, s10  }
0x6: {  	s4 =	sadd.s32 $0x27A00, s1;
	s11 =	sadd.s32 $0x1DC00, s1;
	s25 =	smul.u32 $0x2760, s10  }
0x7: {  	s3 =	sshll.u32 s0, $0x4;
	s5 =	smul.u32 $0x140000, s0;
	_ =	strace $0x80000050  }
0x8: {  	s19 =	ssub.s32 $0x2, s0;
	s0 =	smul.u32 $0x27600, s0;
	[dreg:$0x3] =	wrdreg s11  }
0x9: {  	s3 =	sor.u32 s10, s3;
	s9 =	sshrl.u32 s19, $0x1;
	s7 =	sshrl.u32 s7, $0x2  }
0xa: {  	s3 =	smul.u32 $0x2760, s3;
	s5 =	sadd.s32 s6, s5;
	s20 =	ssub.s32 s19, s9  }
0xb: {  	s7 =	sadd.s32 s7, s2;
	s0 =	sadd.s32 s25, s0;
	s5 =	sshrl.u32 s5, $0x3  }
0xc: {  	s22 =	sadd.s32 $0x2800, s7;
	s23 =	sadd.s32 $0x5000, s7;
	[dreg:$0x4] =	wrdreg s7  }
0xd: {  	s24 =	sadd.s32 $0x7800, s7;
	s26 =	sadd.s32 $0xA000, s7;
	[dreg:$0x6] =	wrdreg s22  }
0xe: {  	s30 =	sadd.s32 $0xC800, s7;
	s9 =	sadd.s32 $0xF000, s7;
	[dreg:$0x7] =	wrdreg s23  }
0xf: {  	s7 =	sadd.s32 $0x11800, s7;
	s13 =	sadd.s32 $0x370, s0;
	[dreg:$0x8] =	wrdreg s24  }
0x10: {  	s15 =	sadd.s32 $0x320, s0;
	s17 =	sadd.s32 $0x2D0, s0;
	[dreg:$0x9] =	wrdreg s26  }
0x11: {  	s18 =	sadd.s32 $0x280, s0;
	s19 =	sadd.s32 $0x230, s0;
	[dreg:$0xa] =	wrdreg s30  }
0x12: {  	s0 =	sadd.s32 $0x1E0, s0;
	s3 =	sshrl.u32 s3, $0x3;
	[dreg:$0xb] =	wrdreg s9  }
0x13: {  	[dreg:$0xc] =	wrdreg s7;
	s14 =	sshrl.u32 s13, $0x3;
	s16 =	sshrl.u32 s15, $0x3  }
0x14: {  	s24 =	sshrl.u32 s19, $0x3;
	[dreg:$0x12] =	wrdreg s0;
	s13 =	simm.s32 $0x2  }
0x15: {  	s19 =	simm.s32 $0x7A80;
	s15 =	simm.s32 $0xC;
	s9 =	simm.s32 $0x80  }
0x16: {  	s8 =	sadd.s32 s3, s1;
	s1 =	sadd.s32 s5, s1;
	s5 =	smax.u32 s20, $0x1  }
0x17: {  	s10 =	sadd.s32 s11, s3;
	s20 =	sadd.s32 s14, s11;
	[dreg:$0x11] =	wrdreg s5  }
0x18: {  	s24 =	sadd.s32 s24, s11;
	s21 =	sadd.s32 $0x13E00, s8;
	[dreg:$0xd] =	wrdreg s10  }
0x19: {  	s14 =	simm.s32 $0x5280;
	s3 =	sadd.s32 $0xA, s10;
	[dreg:$0x5] =	wrdreg s21  }
0x1a: {  	s12 =	sadd.s32 $0x14, s10;
	s1 =	sadd.s32 $0x4FA00, s1;
	[dreg:$0xe] =	wrdreg s3  }
0x1b: {  	s25 =	sadd.s32 $0x1E, s10;
	s26 =	sadd.s32 $0x28, s10;
	[dreg:$0xf] =	wrdreg s12  }
0x1c: {  	s30 =	sadd.s32 $0x32, s10;
	s5 =	simm.s32 $0xE;
	[dreg:$0x10] =	wrdreg s1  }
0x1d: {  	s10 =	simm.s32 $0x5;
	s21 =	sadd.s32 s16, s11;
	[dreg:$0x13] =	wrdreg s25  }
.Ltmp0:
0x1e: {  	s1 =	sshrl.u32 s17, $0x3;
	[dreg:$0x14] =	wrdreg s26;
	(pc) =	sbr.rel .LBB2_1-.Ltmp0, $4  }
0x1f: {  	s3 =	sshrl.u32 s18, $0x3;
	[dreg:$0x15] =	wrdreg s30;
	s12 =	simm.s32 $0x50  }
0x20: {  	s16 =	simm.s32 $0x8;
	s17 =	simm.s32 $0xD;
	s18 =	simm.s32 $0x3  }
0x21: {  	s26 =	simm.s32 $0x9;
	s25 =	simm.s32 $0x4;
	s22 =	sadd.s32 s1, s11  }
0x22: {  	v0 =	vimm.f32 $0.0e+00;
	s23 =	sadd.s32 s3, s11;
	s11 =	simm.s32 $0x6;
	s1 =	simm.s32 $0x0  }
.LBB2_10:
0x23: {  	_ =	swait.ge [sflag:s17], $0x2800  }
0x24: {  	[sflag:s17] =	ssyncset.done $0x0  }
0x25: {  	[sflag:s17] =	ssyncadd.s32 $0xFFFFD800  }
0x26: {  	s0 =	stileid.u32;
	[bflag:$0x0] =	sbarrier.arrive $0xFFFF  }
0x27: {  	s5 =	simm.s32 $0xE;
	s0 =	sshll.u32 s0, $0x6;
	s1 =	rddreg [dreg:$0x4]  }
0x28: {  	s0 =	sor.u32 $0x1C0E, s0;
	s3 =	rddreg [dreg:$0x10];
	s1 =	sshrl.u32 s1, $0x3  }
0x29: {  	[hbm:s3], [sflag:s0] =	dma.local [spmem:s1], $0x2800  }
0x2a: {  	_ =	swait.ge [sflag:s5], $0x2800  }
0x2b: {  	s8 =	rddreg [dreg:$0x16]  }
0x2c: {  	s30 =	rddreg [dreg:$0x11];
	s1 =	sadd.s32 $0x1, s8  }
0x2d: {  	p0 =	sne.s32 s1, s30  }
.Ltmp1:
0x2e: {  	_ = 	snop;
	(pc) =	sbr.rel @!p0 .LBB2_11-.Ltmp1, $3  }
0x2f: {  	_ =	sdelay $0x1  }
0x30: {  	[sflag:s5] =	ssyncset.done $0x0  }
0x31: {  	[sflag:s5] =	ssyncadd.s32 $0xFFFFD800  }
.LBB2_1:
0x32: {  	s0 =	simm.s32 $0x0;
	s30 =	rddreg [dreg:$0x5];
	s3 =	simm.s32 $0x300  }
0x33: {  	[tilespmem:s3], [sflag:$0x7] =	stream.linear.gather [hbm4b:s30+s0], $0x2760, $0x38;
	[tilespmem:$0x1E280] =	vst v63  }
0x34: {  	[dreg:$0x16] =	wrdreg s1;
	s1 =	simm.s32 $0x200;
	s0 =	simm.s32 $0x0  }
.LBB2_2:
0x35: {  	p0 =	sne.s32 s1, $0x9E00;
	[tilespmem:s0+$0x2AF0] =	vst v0  }
0x36: {  	[tilespmem:s0+$0x2A80] =	vst v0  }
0x37: {  	[tilespmem:s0+$0x2A90] =	vst v0  }
.Ltmp2:
0x38: {  	[tilespmem:s0+$0x2AA0] =	vst v0;
	(pc) =	sbr.rel @p0 .LBB2_2-.Ltmp2, $4  }
0x39: {  	[tilespmem:s0+$0x2AB0] =	vst v0  }
0x3a: {  	[tilespmem:s0+$0x2AC0] =	vst v0  }
0x3b: {  	[tilespmem:s0+$0x2AD0] =	vst v0  }
0x3c: {  	[tilespmem:s0+$0x2AE0] =	vst v0;
	s0 =	sshra.s32 s1, $0x2;
	s1 =	sadd.s32 $0x200, s1  }
0x3d: {  	[tilespmem:s0+$0x2AF0] =	vst v0  }
0x3e: {  	[tilespmem:s0+$0x2A80] =	vst v0  }
0x3f: {  	[tilespmem:s0+$0x2A90] =	vst v0  }
0x40: {  	[tilespmem:s0+$0x2AA0] =	vst v0  }
0x41: {  	[tilespmem:s0+$0x2AB0] =	vst v0  }
0x42: {  	[tilespmem:s0+$0x2AC0] =	vst v0  }
0x43: {  	[tilespmem:s0+$0x2AD0] =	vst v0  }
0x44: {  	[tilespmem:s0+$0x2AE0] =	vst v0;
	s1 =	rddreg [dreg:$0x4]  }
0x45: {  	[spmem:s1] =	stream.linear.scatter [tilespmem:s31], [sflag:$0xE], $0x2800, $0x38;
	[tilespmem:$0x1E280] =	vst v63  }
0x46: {  	_ =	swait.ge [sflag:s5], $0x2800  }
0x47: {  	[sflag:s5] =	ssyncset.done $0x0  }
0x48: {  	s3 =	rddreg [dreg:$0x6];
	[sflag:s5] =	ssyncadd.s32 $0xFFFFD800  }
0x49: {  	[spmem:s3] =	stream.linear.scatter [tilespmem:s31], [sflag:$0xE], $0x2800, $0x38;
	[tilespmem:$0x1E280] =	vst v63  }
0x4a: {  	_ =	swait.ge [sflag:s5], $0x2800  }
0x4b: {  	[sflag:s5] =	ssyncset.done $0x0  }
0x4c: {  	s6 =	rddreg [dreg:$0x7];
	[sflag:s5] =	ssyncadd.s32 $0xFFFFD800  }
0x4d: {  	[spmem:s6] =	stream.linear.scatter [tilespmem:s31], [sflag:$0xE], $0x2800, $0x38;
	[tilespmem:$0x1E280] =	vst v63  }
0x4e: {  	_ =	swait.ge [sflag:s5], $0x2800  }
0x4f: {  	[sflag:s5] =	ssyncset.done $0x0  }
0x50: {  	s7 =	rddreg [dreg:$0x8];
	[sflag:s5] =	ssyncadd.s32 $0xFFFFD800  }
0x51: {  	[spmem:s7] =	stream.linear.scatter [tilespmem:s31], [sflag:$0xE], $0x2800, $0x38;
	[tilespmem:$0x1E280] =	vst v63  }
0x52: {  	_ =	swait.ge [sflag:s5], $0x2800  }
0x53: {  	[sflag:s5] =	ssyncset.done $0x0  }
0x54: {  	s8 =	rddreg [dreg:$0x9];
	[sflag:s5] =	ssyncadd.s32 $0xFFFFD800  }
0x55: {  	[spmem:s8] =	stream.linear.scatter [tilespmem:s31], [sflag:$0xE], $0x2800, $0x38;
	[tilespmem:$0x1E280] =	vst v63  }
0x56: {  	_ =	swait.ge [sflag:s5], $0x2800  }
0x57: {  	[sflag:s5] =	ssyncset.done $0x0  }
0x58: {  	s30 =	rddreg [dreg:$0xa];
	[sflag:s5] =	ssyncadd.s32 $0xFFFFD800  }
0x59: {  	[spmem:s30] =	stream.linear.scatter [tilespmem:s31], [sflag:$0xE], $0x2800, $0x38;
	[tilespmem:$0x1E280] =	vst v63  }
0x5a: {  	_ =	swait.ge [sflag:s5], $0x2800  }
0x5b: {  	[sflag:s5] =	ssyncset.done $0x0  }
0x5c: {  	s1 =	rddreg [dreg:$0xb];
	[sflag:s5] =	ssyncadd.s32 $0xFFFFD800  }
0x5d: {  	[spmem:s1] =	stream.linear.scatter [tilespmem:s31], [sflag:$0xE], $0x2800, $0x38;
	[tilespmem:$0x1E280] =	vst v63  }
0x5e: {  	_ =	swait.ge [sflag:s5], $0x2800  }
0x5f: {  	[sflag:s5] =	ssyncset.done $0x0  }
0x60: {  	s3 =	rddreg [dreg:$0xc];
	[sflag:s5] =	ssyncadd.s32 $0xFFFFD800  }
0x61: {  	[spmem:s3] =	stream.linear.scatter [tilespmem:s31], [sflag:$0xE], $0x2800, $0x38;
	[tilespmem:$0x1E280] =	vst v63  }
0x62: {  	_ =	swait.ge [sflag:s5], $0x2800  }
0x63: {  	[sflag:s5] =	ssyncset.done $0x0  }
0x64: {  	[sflag:s5] =	ssyncadd.s32 $0xFFFFD800  }
0x65: {  	[bflag:$0x0] =	sbarrier.arrive $0xFFFF  }
0x66: {  	s3 =	simm.s32 $0x0;
	s6 =	rddreg [dreg:$0xd]  }
0x67: {  	[tilespmem:s3], [sflag:$0x1] =	stream.linear.gather [hbm4b:s6+s3], $0x50, $0x38;
	[tilespmem:$0x1E280] =	vst v63  }
0x68: {  	s1 =	simm.s32 $0x80;
	s7 =	rddreg [dreg:$0xe]  }
0x69: {  	[tilespmem:s1], [sflag:$0x2] =	stream.linear.gather [hbm4b:s7+s3], $0x50, $0x38;
	[tilespmem:$0x1E280] =	vst v63  }
0x6a: {  	s30 =	simm.s32 $0x100;
	s8 =	rddreg [dreg:$0xf]  }
0x6b: {  	[tilespmem:s30], [sflag:$0x3] =	stream.linear.gather [hbm4b:s8+s3], $0x50, $0x38;
	[tilespmem:$0x1E280] =	vst v63  }
0x6c: {  	s6 =	rddreg [dreg:$0x13];
	s7 =	simm.s32 $0x180  }
0x6d: {  	[tilespmem:s7], [sflag:$0x4] =	stream.linear.gather [hbm4b:s6+s3], $0x50, $0x38;
	[tilespmem:$0x1E280] =	vst v63  }
0x6e: {  	s8 =	rddreg [dreg:$0x14];
	s30 =	simm.s32 $0x200  }
0x6f: {  	[tilespmem:s30], [sflag:$0x5] =	stream.linear.gather [hbm4b:s8+s3], $0x50, $0x38;
	[tilespmem:$0x1E280] =	vst v63  }
0x70: {  	s6 =	rddreg [dreg:$0x15];
	s7 =	simm.s32 $0x280;
	s8 =	simm.s32 $0x7  }
0x71: {  	[tilespmem:s7], [sflag:$0x6] =	stream.linear.gather [hbm4b:s6+s3], $0x50, $0x38;
	[tilespmem:$0x1E280] =	vst v63  }
0x72: {  	_ =	swait.ge [sflag:s8], $0x2760  }
0x73: {  	[sflag:s8] =	ssyncset.done $0x0  }
0x74: {  	s30 =	simm.s32 $0x1;
	[sflag:s8] =	ssyncadd.s32 $0xFFFFD8A0  }
0x75: {  	_ =	swait.ge [sflag:s30], $0x50  }
0x76: {  	[sflag:s30] =	ssyncset.done $0x0  }
0x77: {  	[sflag:s30] =	ssyncadd.s32 $0xFFFFFFB0  }
0x78: {  	[tilespmem:s31], [sflag:$0x8] =	stream.indirect.gather [hbm4b:s4+s12], $0x80, s3, s12, $0xb8;
	[tilespmem:$0x1E280] =	vst v63  }
0x79: {  	_ =	swait.ge [sflag:s13], $0x50  }
0x7a: {  	[sflag:s13] =	ssyncset.done $0x0  }
0x7b: {  	[sflag:s13] =	ssyncadd.s32 $0xFFFFFFB0  }
0x7c: {  	[tilespmem:s14], [sflag:$0x9] =	stream.indirect.gather [hbm4b:s4+s12], $0x80, s1, s12, $0xb8;
	[tilespmem:$0x1E280] =	vst v63  }
0x7d: {  	s5 =	simm.s32 $0x300;
	s1 =	rddreg [dreg:$0x12]  }
.LBB2_4:
0x7e: {  	p0 =	sne.s32 s3, $0x4B0  }
.Ltmp3:
0x7f: {  	_ = 	snop;
	(pc) =	sbr.rel @p0 .LBB2_6-.Ltmp3, $4  }
0x80: {  	_ = 	snop  }
0x81: {  	_ =	swait.ge [sflag:s16], $0x2800  }
0x82: {  	[sflag:s16] =	ssyncset.done $0x0  }
0x83: {  	[sflag:s16] =	ssyncadd.s32 $0xFFFFD800  }
.Ltmp4:
0x84: {  	(pc) =	sbr.rel .LBB2_7-.Ltmp4, $3  }
0x85: {  	_ =	sdelay $0x1  }
0x86: {  	s6 =	simm.s32 $0x2880  }
0x87: {  	[spmem:s2] =	stream.indirect.scatter.add.f32 [tilespmem:s31], [sflag:$0xB], $0x80, s6, s12, $0xb8;
	[tilespmem:$0x1E280] =	vst v63  }
.LBB2_6:
0x88: {  	p0 =	seq.s32 s3, $0x0  }
.Ltmp5:
0x89: {  	s0 =	sshrl.u32 s1, $0x3;
	s6 =	rddreg [dreg:$0x3];
	(pc) =	sbr.rel @p0 .LBB2_8-.Ltmp5, $4  }
0x8a: {  	s30 =	simm.s32 $0x0;
	s0 =	sadd.s32 s6, s0  }
0x8b: {  	[tilespmem:s30], [sflag:$0x1] =	stream.linear.gather [hbm4b:s0+s30], $0x50, $0x38;
	[tilespmem:$0x1E280] =	vst v63  }
0x8c: {  	s6 =	smov.u32 s5  }
0x8d: {  	[spmem:s2] =	stream.indirect.scatter.add.f32 [tilespmem:s31], [sflag:$0xB], $0x80, s5, s12, $0xb8;
	[tilespmem:$0x1E280] =	vst v63  }
.LBB2_7:
0x8e: {  	_ =	swait.ge [sflag:s17], $0x2800  }
0x8f: {  	[sflag:s17] =	ssyncset.done $0x0  }
0x90: {  	[sflag:s17] =	ssyncadd.s32 $0xFFFFD800  }
.LBB2_8:
0x91: {  	_ =	swait.ge [sflag:s18], $0x50  }
0x92: {  	[sflag:s18] =	ssyncset.done $0x0  }
0x93: {  	s0 =	simm.s32 $0x100;
	[sflag:s18] =	ssyncadd.s32 $0xFFFFFFB0  }
0x94: {  	[tilespmem:s19], [sflag:$0xA] =	stream.indirect.gather [hbm4b:s4+s12], $0x80, s0, s12, $0xb8;
	[tilespmem:$0x1E280] =	vst v63  }
0x95: {  	p0 =	seq.s32 s3, $0x4B0;
	_ =	swait.ge [sflag:s26], $0x2800  }
0x96: {  	s30 =	sadd.s32 @!p0 s3, s24;
	[sflag:s26] =	ssyncset.done $0x0  }
0x97: {  	s7 =	simm.s32 @!p0 $0x80;
	s0 =	simm.s32 @!p0 $0x0;
	[sflag:s26] =	ssyncadd.s32 $0xFFFFD800  }
0x98: {  	[tilespmem:s7], [sflag:$0x2] =	stream.linear.gather @!p0 [hbm4b:s30+s0], $0x50, $0x38;
	[tilespmem:$0x1E280] =	vst v63  }
0x99: {  	s30 =	sadd.s32 $0x50, s6  }
0x9a: {  	[spmem:s2] =	stream.indirect.scatter.add.f32 [tilespmem:s14], [sflag:$0xC], $0x80, s30, s12, $0xb8;
	[tilespmem:$0x1E280] =	vst v63  }
0x9b: {  	_ =	swait.ge [sflag:s28], $0x2800  }
0x9c: {  	[sflag:s28] =	ssyncset.done $0x0  }
0x9d: {  	[sflag:s28] =	ssyncadd.s32 $0xFFFFD800  }
0x9e: {  	_ =	swait.ge [sflag:s25], $0x50  }
0x9f: {  	[sflag:s25] =	ssyncset.done $0x0  }
0xa0: {  	s8 =	simm.s32 $0x180;
	[sflag:s25] =	ssyncadd.s32 $0xFFFFFFB0  }
0xa1: {  	[tilespmem:s31], [sflag:$0x8] =	stream.indirect.gather [hbm4b:s4+s12], $0x80, s8, s12, $0xb8;
	[tilespmem:$0x1E280] =	vst v63  }
0xa2: {  	_ =	swait.ge [sflag:s29], $0x2800  }
0xa3: {  	[sflag:s29] =	ssyncset.done $0x0  }
0xa4: {  	s7 =	sadd.s32 @!p0 s3, s23;
	s30 =	simm.s32 @!p0 $0x100;
	[sflag:s29] =	ssyncadd.s32 $0xFFFFD800  }
0xa5: {  	[tilespmem:s30], [sflag:$0x3] =	stream.linear.gather @!p0 [hbm4b:s7+s0], $0x50, $0x38;
	[tilespmem:$0x1E280] =	vst v63  }
0xa6: {  	s30 =	sadd.s32 $0xA0, s6  }
0xa7: {  	[spmem:s2] =	stream.indirect.scatter.add.f32 [tilespmem:s19], [sflag:$0xD], $0x80, s30, s12, $0xb8;
	[tilespmem:$0x1E280] =	vst v63  }
0xa8: {  	_ =	swait.ge [sflag:s15], $0x2800  }
0xa9: {  	[sflag:s15] =	ssyncset.done $0x0  }
0xaa: {  	[sflag:s15] =	ssyncadd.s32 $0xFFFFD800  }
0xab: {  	_ =	swait.ge [sflag:s10], $0x50  }
0xac: {  	[sflag:s10] =	ssyncset.done $0x0  }
0xad: {  	s8 =	simm.s32 $0x200;
	[sflag:s10] =	ssyncadd.s32 $0xFFFFFFB0  }
0xae: {  	[tilespmem:s14], [sflag:$0x9] =	stream.indirect.gather [hbm4b:s4+s12], $0x80, s8, s12, $0xb8;
	[tilespmem:$0x1E280] =	vst v63  }
0xaf: {  	_ =	swait.ge [sflag:s16], $0x2800  }
0xb0: {  	[sflag:s16] =	ssyncset.done $0x0  }
0xb1: {  	s7 =	sadd.s32 @!p0 s3, s22;
	s30 =	simm.s32 @!p0 $0x180;
	[sflag:s16] =	ssyncadd.s32 $0xFFFFD800  }
0xb2: {  	[tilespmem:s30], [sflag:$0x4] =	stream.linear.gather @!p0 [hbm4b:s7+s0], $0x50, $0x38;
	[tilespmem:$0x1E280] =	vst v63  }
0xb3: {  	s30 =	sadd.s32 $0xF0, s6  }
0xb4: {  	[spmem:s2] =	stream.indirect.scatter.add.f32 [tilespmem:s31], [sflag:$0xB], $0x80, s30, s12, $0xb8;
	[tilespmem:$0x1E280] =	vst v63  }
0xb5: {  	_ =	swait.ge [sflag:s17], $0x2800  }
0xb6: {  	[sflag:s17] =	ssyncset.done $0x0  }
0xb7: {  	[sflag:s17] =	ssyncadd.s32 $0xFFFFD800  }
0xb8: {  	_ =	swait.ge [sflag:s11], $0x50  }
0xb9: {  	[sflag:s11] =	ssyncset.done $0x0  }
0xba: {  	s8 =	simm.s32 $0x280;
	[sflag:s11] =	ssyncadd.s32 $0xFFFFFFB0  }
0xbb: {  	[tilespmem:s19], [sflag:$0xA] =	stream.indirect.gather [hbm4b:s4+s12], $0x80, s8, s12, $0xb8;
	[tilespmem:$0x1E280] =	vst v63  }
0xbc: {  	_ =	swait.ge [sflag:s26], $0x2800  }
0xbd: {  	s7 =	sadd.s32 @p0 $0x140, s6;
	[sflag:s26] =	ssyncset.done $0x0  }
0xbe: {  	s30 =	simm.s32 @p0 $0x50;
	s8 =	simm.s32 @p0 $0x5280;
	[sflag:s26] =	ssyncadd.s32 $0xFFFFD800  }
0xbf: {  	[spmem:s2] =	stream.indirect.scatter.add.f32 @p0 [tilespmem:s8], [sflag:$0xC], $0x80, s7, s30, $0xb8;
	[tilespmem:$0x1E280] =	vst v63  }
0xc0: {  	s7 =	simm.s32 @p0 $0xB  }
0xc1: {  	_ =	swait.ge @p0 [sflag:s7], $0x2800  }
0xc2: {  	[sflag:s7] =	ssyncset.done @p0 $0x0  }
0xc3: {  	[sflag:s7] =	ssyncadd.s32 @p0 $0xFFFFD800;
	s7 =	simm.s32 @p0 $0xA  }
0xc4: {  	_ =	swait.ge @p0 [sflag:s7], $0x2800  }
0xc5: {  	[sflag:s7] =	ssyncset.done @p0 $0x0  }
0xc6: {  	s8 =	simm.s32 @!p0 $0x200;
	[sflag:s7] =	ssyncadd.s32 @p0 $0xFFFFD800;
	s7 =	sadd.s32 @!p0 s3, s21  }
0xc7: {  	[tilespmem:s8], [sflag:$0x5] =	stream.linear.gather @!p0 [hbm4b:s7+s0], $0x50, $0x38;
	[tilespmem:$0x1E280] =	vst v63  }
0xc8: {  	s30 =	simm.s32 @!p0 $0x5280;
	s7 =	sadd.s32 @!p0 $0x140, s6;
	s8 =	simm.s32 @!p0 $0x50  }
0xc9: {  	[spmem:s2] =	stream.indirect.scatter.add.f32 @!p0 [tilespmem:s30], [sflag:$0xC], $0x80, s7, s8, $0xb8;
	[tilespmem:$0x1E280] =	vst v63  }
0xca: {  	s7 =	simm.s32 @!p0 $0xB  }
0xcb: {  	_ =	swait.ge @!p0 [sflag:s7], $0x2800  }
0xcc: {  	[sflag:s7] =	ssyncset.done @!p0 $0x0  }
0xcd: {  	[sflag:s7] =	ssyncadd.s32 @!p0 $0xFFFFD800;
	s7 =	simm.s32 @!p0 $0x1  }
0xce: {  	_ =	swait.ge @!p0 [sflag:s7], $0x50  }
0xcf: {  	[sflag:s7] =	ssyncset.done @!p0 $0x0  }
0xd0: {  	[sflag:s7] =	ssyncadd.s32 @!p0 $0xFFFFFFB0;
	s7 =	simm.s32 @!p0 $0x2A80  }
0xd1: {  	[tilespmem:s7], [sflag:$0x8] =	stream.indirect.gather @!p0 [hbm4b:s4+s8], $0x80, s0, s8, $0xb8;
	[tilespmem:$0x1E280] =	vst v63  }
0xd2: {  	s7 =	simm.s32 @!p0 $0xA  }
0xd3: {  	_ =	swait.ge @!p0 [sflag:s7], $0x2800  }
0xd4: {  	[sflag:s7] =	ssyncset.done @!p0 $0x0  }
0xd5: {  	s8 =	simm.s32 @!p0 $0x280;
	[sflag:s7] =	ssyncadd.s32 @!p0 $0xFFFFD800;
	s7 =	sadd.s32 @!p0 s3, s20  }
0xd6: {  	[tilespmem:s8], [sflag:$0x6] =	stream.linear.gather @!p0 [hbm4b:s7+s0], $0x50, $0x38;
	[tilespmem:$0x1E280] =	vst v63  }
.Ltmp6:
0xd7: {  	s30 =	sadd.s32 $0x190, s6;
	(pc) =	sbr.rel @p0 .LBB2_10-.Ltmp6, $4  }
0xd8: {  	[spmem:s2] =	stream.indirect.scatter.add.f32 [tilespmem:s19], [sflag:$0xD], $0x80, s30, s12, $0xb8;
	[tilespmem:$0x1E280] =	vst v63  }
0xd9: {  	_ =	swait.ge [sflag:s15], $0x2800  }
0xda: {  	[sflag:s15] =	ssyncset.done $0x0  }
0xdb: {  	[sflag:s15] =	ssyncadd.s32 $0xFFFFD800  }
.Ltmp7:
0xdc: {  	(pc) =	sbr.rel .LBB2_4-.Ltmp7, $4  }
0xdd: {  	_ =	swait.ge [sflag:s13], $0x50  }
0xde: {  	s3 =	sadd.s32 $0x3C, s3;
	[sflag:s13] =	ssyncset.done $0x0  }
0xdf: {  	s1 =	sadd.s32 $0x1E0, s1;
	s5 =	sadd.s32 $0x1E0, s5;
	[sflag:s13] =	ssyncadd.s32 $0xFFFFFFB0  }
0xe0: {  	[tilespmem:s14], [sflag:$0x9] =	stream.indirect.gather [hbm4b:s4+s12], $0x80, s9, s12, $0xb8;
	[tilespmem:$0x1E280] =	vst v63  }
.LBB2_11:
0xe1: {  	_ =	sfence.sel $0x180000  }
0xe2: {  	[bflag:$0x0] =	sbarrier.arrive $0xFFFF  }
0xe3: {  	_ =	strace $0x90000050  }
0xe4: {  	s0 =	stileid.u32;
	[bflag:$0x2] =	sbarrier.arrive $0xFFFF  }
0xe5: {  	p0 =	sne.s32 s0, $0x0;
	s0 =	rddreg [dreg:$0x2]  }
0xe6: {  	s0 =	sadd.s32 @!p0 $0x100000, s0  }
0xe7: {  	[sflag:s0] =	ssyncadd.tile.s32 @!p0 $0x1;
	_ =	shalt  }
.Lfunc_end2:
_tile_overlayer_lowered:
.L_overlay_start_2:
0xe8: {  	(tag) =	ssettag $0x2  }
0xe9: {  	s0 =	rddreg [dreg:$0x0];
	s2 =	stileid.u32  }
0xea: {  	s1 =	rddreg [dreg:$0x1];
	p0 =	sne.s32 s2, $0x0  }
0xeb: {  	s3 =	rddreg [dreg:$0x2];
	[bflag:$0x3] =	sbarrier.arrive $0xFFFF;
	s2 =	simm.s32 @!p0 $0x1C0E  }
0xec: {  	[timem:s3], [sflag:s2] =	dma.local @!p0 [hbm:s0], s1  }
0xed: {  	s0 =	simm.s32 @!p0 $0xE  }
0xee: {  	_ =	swait.ge @!p0 [sflag:s0], s1  }
0xef: {  	s1 =	ssub.s32 @!p0 $0x0, s1;
	[sflag:s0] =	ssyncset.done @!p0 $0x0  }
0xf0: {  	[sflag:s0] =	ssyncadd.s32 @!p0 s1  }
0xf1: {  	[bflag:$0x3] =	sbarrier.arrive $0xFFFF  }
0xf2: {  	_ =	shalt  }

</sc_bundles>
